<compile_context>
chip_gen: v7x
topology: tpu7x:2x2x1
jax: 0.10.2.dev20260603
libtpu: 0.0.44.dev20260713+nightly
codegen_flags: <defaults>
</compile_context>

<pallas_src>
import functools

import jax
import jax.numpy as jnp
from jax import lax
from jax.experimental import pallas as pl
from jax.experimental.pallas import tpu as pltpu
from jax.experimental.pallas import tpu_sc as plsc

N = 10000
E = 320000
F = 128
G = 32
K = 3
BN_EPS = 1e-5

NC, NS = 2, 16
NW = NC * NS
NPAD = 10240
CH = 128
CPW = 80
CPW0 = 128
CPW1 = 32
EPAD = NW * CPW * CH
RPT = NPAD // NS

_mesh = plsc.VectorSubcoreMesh(core_axis_name="c", subcore_axis_name="s")


def _zero_fill(buf, nrows, ncols):
  zero = jnp.zeros((16,), jnp.float32)

  def row(i, _):
    for l in range(ncols // 16):
      buf[i, pl.ds(l * 16, 16)] = zero
    return 0

  lax.fori_loop(0, nrows, row, 0)


def _zero_acc_slice(zbuf, acc, sid):
  full, rem = RPT // CH, RPT % CH
  for t in range(full):
    pltpu.sync_copy(zbuf, acc.at[pl.ds(sid * RPT + t * CH, CH)])
  if rem:
    pltpu.sync_copy(zbuf.at[pl.ds(0, rem)],
                    acc.at[pl.ds(sid * RPT + full * CH, rem)])


@functools.partial(
    pl.kernel,
    out_type=jax.ShapeDtypeStruct((NC, NPAD, F), jnp.float32),
    mesh=_mesh,
    scratch_types=[
        pltpu.VMEM((CH,), jnp.int32),
        pltpu.VMEM((CH, F), jnp.float32),
        pltpu.VMEM_SHARED((NPAD, F), jnp.float32),
    ],
)
def _deg_kernel(dst_hbm, out_hbm, idxb, ones_v, hist):
  cid = lax.axis_index("c")
  sid = lax.axis_index("s")
  wid = sid * NC + cid

  _zero_fill(ones_v, CH, F)
  _zero_acc_slice(ones_v, hist, sid)
  plsc.subcore_barrier()

  one = jnp.ones((16,), jnp.float32)

  def fill_ones(i, _):
    for l in range(F // 16):
      ones_v[i, pl.ds(l * 16, 16)] = one
    return 0

  lax.fori_loop(0, CH, fill_ones, 0)

  def body(j, _):
    pltpu.sync_copy(dst_hbm.at[wid * CPW + j], idxb)
    pltpu.sync_copy(ones_v, hist.at[idxb], add=True)
    return 0

  lax.fori_loop(0, CPW, body, 0)
  plsc.subcore_barrier()
  pltpu.sync_copy(
      hist.at[pl.ds(sid * RPT, RPT)],
      out_hbm.at[cid, pl.ds(sid * RPT, RPT)],
  )


@functools.partial(
    pl.kernel,
    out_type=jax.ShapeDtypeStruct((NC, NPAD, F), jnp.float32),
    mesh=_mesh,
    scratch_types=[
        pltpu.VMEM((CPW // 2, CH), jnp.int32),
        pltpu.VMEM((CPW // 2, CH), jnp.int32),
        pltpu.VMEM((CH, F), jnp.float32),
        pltpu.VMEM((CH, F), jnp.float32),
        pltpu.VMEM_SHARED((NPAD, F), jnp.float32),
        pltpu.SemaphoreType.DMA,
        pltpu.SemaphoreType.DMA,
    ],
)
def _hop_kernel(u_hbm, src_hbm, dst_hbm, out_hbm, srcb, dstb, bufa, bufb,
                acc, sema, semb):
  cid = lax.axis_index("c")
  sid = lax.axis_index("s")
  wid = sid * NC + cid
  cpw_c = jnp.where(cid == 0, CPW0, CPW1)
  wbase = sid * cpw_c + cid * (NS * CPW0)
  hcpw = CPW // 2

  _zero_fill(bufa, CH, F)
  _zero_acc_slice(bufa, acc, sid)
  plsc.subcore_barrier()

  def half(hh, _):
    hbase = wbase + hh * hcpw
    nch = jnp.minimum(cpw_c - hh * hcpw, hcpw)
    pltpu.sync_copy(src_hbm.at[pl.ds(hbase, hcpw)], srcb)
    pltpu.sync_copy(dst_hbm.at[pl.ds(hbase, hcpw)], dstb)
    pltpu.async_copy(u_hbm.at[srcb.at[0]], bufa, sema)

    def body(jj, _):
      j0 = jj * 2
      j1 = j0 + 1
      pltpu.make_async_copy(u_hbm.at[srcb.at[j0]], bufa, sema).wait()
      pltpu.async_copy(u_hbm.at[srcb.at[j1]], bufb, semb)
      pltpu.sync_copy(bufa, acc.at[dstb.at[j0]], add=True)
      pltpu.make_async_copy(u_hbm.at[srcb.at[j1]], bufb, semb).wait()

      @pl.when(j1 + 1 < nch)
      def _():
        pltpu.async_copy(u_hbm.at[srcb.at[j1 + 1]], bufa, sema)

      pltpu.sync_copy(bufb, acc.at[dstb.at[j1]], add=True)
      return 0

    lax.fori_loop(0, nch // 2, body, 0)
    return 0

  nhalves = (cpw_c + hcpw - 1) // hcpw
  lax.fori_loop(0, nhalves, half, 0)
  plsc.subcore_barrier()
  pltpu.sync_copy(
      acc.at[pl.ds(sid * RPT, RPT)],
      out_hbm.at[cid, pl.ds(sid * RPT, RPT)],
  )


_BLK = 512
_NBLK = NPAD // _BLK


def _prep_body(hist_ref, x_ref, u0_ref, dinv_ref, dinv2_ref):
  i = pl.program_id(0)
  deg = hist_ref[0, :, 0:1] + hist_ref[1, :, 0:1] + 1.0
  rows = lax.broadcasted_iota(jnp.int32, (_BLK, 1), 0) + i * _BLK
  dinv = jnp.where(rows < N, lax.rsqrt(deg), 0.0)
  dinv_ref[...] = dinv
  dinv2_ref[...] = dinv * dinv
  u0_ref[...] = x_ref[...] * dinv


def _combine_body(p_ref, u_ref, dinv2_ref, out_ref):
  out_ref[...] = dinv2_ref[...] * (p_ref[0] + p_ref[1] + u_ref[...])


def _pass1_body(p_ref, u_ref, dinv_ref, wt_ref, b_ref, batch_ref, z_ref,
                stats_ref, segz_ref, cnt_ref, ssum, sseg, scnt):
  i = pl.program_id(0)

  @pl.when(i == 0)
  def _():
    ssum[...] = jnp.zeros_like(ssum)
    sseg[...] = jnp.zeros_like(sseg)
    scnt[...] = jnp.zeros_like(scnt)

  hprop = dinv_ref[...] * (p_ref[0] + p_ref[1] + u_ref[...])
  z = jnp.dot(hprop, wt_ref[...], preferred_element_type=jnp.float32)
  z = jnp.maximum(z + b_ref[...], 0.0)
  rows = lax.broadcasted_iota(jnp.int32, (_BLK, 1), 0) + i * _BLK
  zm = jnp.where(rows < N, z, 0.0)
  z_ref[...] = zm
  ssum[0:1, :] += jnp.sum(zm, axis=0, keepdims=True)
  ssum[1:2, :] += jnp.sum(zm * zm, axis=0, keepdims=True)
  gids = lax.broadcasted_iota(jnp.int32, (G, _BLK), 0)
  onehot = (batch_ref[0] == gids).astype(jnp.float32)
  sseg[...] += jnp.dot(onehot, zm, preferred_element_type=jnp.float32)
  scnt[...] += jnp.sum(onehot, axis=1, keepdims=True)

  @pl.when(i == _NBLK - 1)
  def _():
    stats_ref[...] = ssum[...]
    segz_ref[...] = sseg[...]
    cnt_ref[...] = scnt[...]


def _pass2_body(z_ref, stats_ref, segz_ref, cnt_ref, gamma_ref, beta_ref,
                h_ref, grep_ref):
  i = pl.program_id(0)
  mean = stats_ref[0:1, :] * (1.0 / N)
  ex2 = stats_ref[1:2, :] * (1.0 / N)
  var = ex2 - mean * mean
  a = gamma_ref[...] * lax.rsqrt(var + BN_EPS)
  c = beta_ref[...] - mean * a
  h_ref[...] = z_ref[...] * a + c

  @pl.when(i == 0)
  def _():
    grep_ref[...] = segz_ref[...] * a + cnt_ref[...] * c


def _tc_call(body, out_shape, in_specs, out_specs, scratch_shapes=()):
  return pl.pallas_call(
      body,
      grid=(_NBLK,),
      out_shape=out_shape,
      in_specs=in_specs,
      out_specs=out_specs,
      scratch_shapes=list(scratch_shapes),
  )


def kernel(x, edge_index, batch, W, b, gamma, beta):
  f32 = jnp.float32
  src = edge_index[0]
  dst = edge_index[1]
  padi = jnp.full((EPAD + (CPW // 2) * CH - E,), N, jnp.int32)
  src2d = jnp.concatenate([src, padi]).reshape(-1, CH)
  dst2d = jnp.concatenate([dst, padi]).reshape(-1, CH)
  xp = jnp.zeros((NPAD, F), f32).at[:N].set(x)
  batch3d = (jnp.full((NPAD,), G, jnp.int32).at[:N].set(batch)
             .reshape(_NBLK, 1, _BLK))
  wt = W.T
  b2d = b.reshape(1, F)
  gamma2d = gamma.reshape(1, F)
  beta2d = beta.reshape(1, F)

  hist = _deg_kernel(dst2d)

  row_im = lambda i: (i, 0)

  u0, dinv, dinv2 = _tc_call(
      _prep_body,
      out_shape=(
          jax.ShapeDtypeStruct((NPAD, F), f32),
          jax.ShapeDtypeStruct((NPAD, 1), f32),
          jax.ShapeDtypeStruct((NPAD, 1), f32),
      ),
      in_specs=[
          pl.BlockSpec((NC, _BLK, F), lambda i: (0, i, 0)),
          pl.BlockSpec((_BLK, F), row_im),
      ],
      out_specs=(
          pl.BlockSpec((_BLK, F), row_im),
          pl.BlockSpec((_BLK, 1), row_im),
          pl.BlockSpec((_BLK, 1), row_im),
      ),
  )(hist, xp)

  u = u0
  for _ in range(K - 1):
    p = _hop_kernel(u, src2d, dst2d)
    u = _tc_call(
        _combine_body,
        out_shape=jax.ShapeDtypeStruct((NPAD, F), f32),
        in_specs=[
            pl.BlockSpec((NC, _BLK, F), lambda i: (0, i, 0)),
            pl.BlockSpec((_BLK, F), row_im),
            pl.BlockSpec((_BLK, 1), row_im),
        ],
        out_specs=pl.BlockSpec((_BLK, F), row_im),
    )(p, u, dinv2)

  p = _hop_kernel(u, src2d, dst2d)

  z, stats, segz, cnt = _tc_call(
      _pass1_body,
      out_shape=(
          jax.ShapeDtypeStruct((NPAD, F), f32),
          jax.ShapeDtypeStruct((2, F), f32),
          jax.ShapeDtypeStruct((G, F), f32),
          jax.ShapeDtypeStruct((G, 1), f32),
      ),
      in_specs=[
          pl.BlockSpec((NC, _BLK, F), lambda i: (0, i, 0)),
          pl.BlockSpec((_BLK, F), row_im),
          pl.BlockSpec((_BLK, 1), row_im),
          pl.BlockSpec((F, F), lambda i: (0, 0)),
          pl.BlockSpec((1, F), lambda i: (0, 0)),
          pl.BlockSpec((1, 1, _BLK), lambda i: (i, 0, 0)),
      ],
      out_specs=(
          pl.BlockSpec((_BLK, F), row_im),
          pl.BlockSpec((2, F), lambda i: (0, 0)),
          pl.BlockSpec((G, F), lambda i: (0, 0)),
          pl.BlockSpec((G, 1), lambda i: (0, 0)),
      ),
      scratch_shapes=[
          pltpu.VMEM((2, F), f32),
          pltpu.VMEM((G, F), f32),
          pltpu.VMEM((G, 1), f32),
      ],
  )(p, u, dinv, wt, b2d, batch3d)

  h_full, grep = _tc_call(
      _pass2_body,
      out_shape=(
          jax.ShapeDtypeStruct((NPAD, F), f32),
          jax.ShapeDtypeStruct((G, F), f32),
      ),
      in_specs=[
          pl.BlockSpec((_BLK, F), row_im),
          pl.BlockSpec((2, F), lambda i: (0, 0)),
          pl.BlockSpec((G, F), lambda i: (0, 0)),
          pl.BlockSpec((G, 1), lambda i: (0, 0)),
          pl.BlockSpec((1, F), lambda i: (0, 0)),
          pl.BlockSpec((1, F), lambda i: (0, 0)),
      ],
      out_specs=(
          pl.BlockSpec((_BLK, F), row_im),
          pl.BlockSpec((G, F), lambda i: (0, 0)),
      ),
  )(z, stats, segz, cnt, gamma2d, beta2d)

  return (grep, h_full[:N])

# --- scband reference (transcript-rebuilt; emitter-appended) ---
"""Pipeline reference for scband-sgc-71803263255089 (READ-ONLY COPY).

The authoritative reference and input builder live on the scoring server;
editing this copy changes nothing except your own understanding.
"""

import jax, jax.numpy as jnp
import numpy as np

N_NODES = 10000
N_EDGES = 320000
FEAT_DIM = 128
HIDDEN_DIM = 128
K_HOPS = 3
NUM_GRAPHS = 32
BN_EPS = 1e-5


def setup_inputs(seed: int = 0) -> dict:
    key = jax.random.key(seed)
    k1, k2, k3, k4 = jax.random.split(key, 4)
    x = jax.random.normal(k1, (N_NODES, FEAT_DIM), dtype=jnp.float32)
    edge_index = jax.random.randint(k2, (2, N_EDGES), 0, N_NODES).astype(jnp.int32)
    batch = jnp.sort(jax.random.randint(k3, (N_NODES,), 0, NUM_GRAPHS)).astype(jnp.int32)
    # SGConv linear params (xavier_uniform weight, zero bias)
    limit = float(np.sqrt(6.0 / (FEAT_DIM + HIDDEN_DIM)))
    W = jax.random.uniform(k4, (HIDDEN_DIM, FEAT_DIM), minval=-limit, maxval=limit, dtype=jnp.float32)
    b = jnp.zeros((HIDDEN_DIM,), dtype=jnp.float32)
    # BatchNorm1d affine params
    gamma = jnp.ones((HIDDEN_DIM,), dtype=jnp.float32)
    beta = jnp.zeros((HIDDEN_DIM,), dtype=jnp.float32)
    return {"x": x, "edge_index": edge_index, "batch": batch, "W": W, "b": b, "gamma": gamma, "beta": beta}


def reference(x, edge_index, batch, W, b, gamma, beta):
    # ---- SGConv: K-hop GCN-normalized propagation, then linear ----
    src = edge_index[0]
    dst = edge_index[1]
    loop = jnp.arange(N_NODES, dtype=src.dtype)
    src = jnp.concatenate([src, loop])
    dst = jnp.concatenate([dst, loop])
    ones = jnp.ones(src.shape[0], dtype=jnp.float32)
    deg = jax.ops.segment_sum(ones, dst, num_segments=N_NODES)
    d_inv_sqrt = jnp.where(deg > 0, jax.lax.rsqrt(deg), 0.0)
    norm = d_inv_sqrt[src] * d_inv_sqrt[dst]
    h = x
    for _ in range(K_HOPS):
        msg = h[src] * norm[:, None]
        h = jax.ops.segment_sum(msg, dst, num_segments=N_NODES)
    h = h @ W.T + b
    # ---- ReLU ----
    h = jax.nn.relu(h)
    # ---- BatchNorm1d (training-mode batch statistics, biased variance) ----
    mean = jnp.mean(h, axis=0)
    var = jnp.mean((h - mean) ** 2, axis=0)
    h = gamma * (h - mean) / jnp.sqrt(var + BN_EPS) + beta
    # ---- global_add_pool ----
    global_rep = jax.ops.segment_sum(h, batch, num_segments=NUM_GRAPHS)
    return (global_rep, h)

if __name__ == "__main__":
    import jax
    _d = setup_inputs()
    print(jax.jit(kernel)(*tuple(_d.values())))

</pallas_src>

<mosaic_0001>
#map = affine_map<(d0, d1) -> (0, 0)>
#map1 = affine_map<(d0, d1) -> (0, 0, 0)>
module attributes {stable_mosaic.version = 14 : i64} {
  func.func @_deg_kernel(%arg0: i32, %arg1: i32, %arg2: memref<2600x128xi32, #tpu.memory_space<hbm>>, %arg3: memref<2x10240x128xf32, #tpu.memory_space<hbm>>, %arg4: memref<128xi32, #tpu.memory_space<vmem>>, %arg5: memref<128x128xf32, #tpu.memory_space<vmem>>, %arg6: memref<10240x128xf32, #tpu.memory_space<vmem_shared>>) attributes {dimension_semantics = [#tpu.dimension_semantics<core_parallel>, #tpu.dimension_semantics<subcore_parallel>], iteration_bounds = array<i64: 2, 16>, scalar_prefetch = 0 : i64, scratch_operands = 3 : i64, tpu.core_type = #tpu.core_type<sc_vector_subcore>, window_params = [{transform_indices = #map}, {transform_indices = #map1}]} {
    %mul3A = arith.constant 2 : i32
    %mul3A_0 = arith.muli %arg1, %mul3A : i32
    %add3A = arith.addi %mul3A_0, %arg0 : i32
    %broadcast_in_dim3A = arith.constant 0.000000e+00 : f32
    %broadcast_in_dim3A_1 = vector.broadcast %broadcast_in_dim3A : f32 to vector<16xf32>
    %scan3A = arith.constant 0 : i32
    %scan3A_2 = arith.constant 0 : i32
    %scan3A_3 = arith.constant 128 : i32
    %scan3A_4 = arith.addi %scan3A_2, %scan3A_3 : i32
    %scan3A_5 = arith.constant 1 : i32
    %scan3A_6 = scf.for %scan3A_49 = %scan3A_2 to %scan3A_4 step %scan3A_5 iter_args(%scan3A_50 = %scan3A) -> (i32)  : i32 {
      %swap3A = arith.index_cast %scan3A_49 : i32 to index
      %swap3A_51 = arith.constant 0 : index
      %swap3A_52 = tpu.vector_load %arg5[%swap3A, %swap3A_51] {strides = array<i32>} : memref<128x128xf32, #tpu.memory_space<vmem>>, vector<1x16xf32>,
      %swap3A_53 = vector.shape_cast %swap3A_52 : vector<1x16xf32> to vector<16xf32>
      %swap3A_54 = vector.shape_cast %broadcast_in_dim3A_1 : vector<16xf32> to vector<1x16xf32>
      tpu.vector_store %arg5[%swap3A, %swap3A_51], %swap3A_54 {strides = array<i32>} : memref<128x128xf32, #tpu.memory_space<vmem>>, vector<1x16xf32>,
      %swap3A_55 = arith.index_cast %scan3A_49 : i32 to index
      %swap3A_56 = arith.constant 16 : index
      %swap3A_57 = tpu.vector_load %arg5[%swap3A_55, %swap3A_56] {strides = array<i32>} : memref<128x128xf32, #tpu.memory_space<vmem>>, vector<1x16xf32>,
      %swap3A_58 = vector.shape_cast %swap3A_57 : vector<1x16xf32> to vector<16xf32>
      %swap3A_59 = vector.shape_cast %broadcast_in_dim3A_1 : vector<16xf32> to vector<1x16xf32>
      tpu.vector_store %arg5[%swap3A_55, %swap3A_56], %swap3A_59 {strides = array<i32>} : memref<128x128xf32, #tpu.memory_space<vmem>>, vector<1x16xf32>,
      %swap3A_60 = arith.index_cast %scan3A_49 : i32 to index
      %swap3A_61 = arith.constant 32 : index
      %swap3A_62 = tpu.vector_load %arg5[%swap3A_60, %swap3A_61] {strides = array<i32>} : memref<128x128xf32, #tpu.memory_space<vmem>>, vector<1x16xf32>,
      %swap3A_63 = vector.shape_cast %swap3A_62 : vector<1x16xf32> to vector<16xf32>
      %swap3A_64 = vector.shape_cast %broadcast_in_dim3A_1 : vector<16xf32> to vector<1x16xf32>
      tpu.vector_store %arg5[%swap3A_60, %swap3A_61], %swap3A_64 {strides = array<i32>} : memref<128x128xf32, #tpu.memory_space<vmem>>, vector<1x16xf32>,
      %swap3A_65 = arith.index_cast %scan3A_49 : i32 to index
      %swap3A_66 = arith.constant 48 : index
      %swap3A_67 = tpu.vector_load %arg5[%swap3A_65, %swap3A_66] {strides = array<i32>} : memref<128x128xf32, #tpu.memory_space<vmem>>, vector<1x16xf32>,
      %swap3A_68 = vector.shape_cast %swap3A_67 : vector<1x16xf32> to vector<16xf32>
      %swap3A_69 = vector.shape_cast %broadcast_in_dim3A_1 : vector<16xf32> to vector<1x16xf32>
      tpu.vector_store %arg5[%swap3A_65, %swap3A_66], %swap3A_69 {strides = array<i32>} : memref<128x128xf32, #tpu.memory_space<vmem>>, vector<1x16xf32>,
      %swap3A_70 = arith.index_cast %scan3A_49 : i32 to index
      %swap3A_71 = arith.constant 64 : index
      %swap3A_72 = tpu.vector_load %arg5[%swap3A_70, %swap3A_71] {strides = array<i32>} : memref<128x128xf32, #tpu.memory_space<vmem>>, vector<1x16xf32>,
      %swap3A_73 = vector.shape_cast %swap3A_72 : vector<1x16xf32> to vector<16xf32>
      %swap3A_74 = vector.shape_cast %broadcast_in_dim3A_1 : vector<16xf32> to vector<1x16xf32>
      tpu.vector_store %arg5[%swap3A_70, %swap3A_71], %swap3A_74 {strides = array<i32>} : memref<128x128xf32, #tpu.memory_space<vmem>>, vector<1x16xf32>,
      %swap3A_75 = arith.index_cast %scan3A_49 : i32 to index
      %swap3A_76 = arith.constant 80 : index
      %swap3A_77 = tpu.vector_load %arg5[%swap3A_75, %swap3A_76] {strides = array<i32>} : memref<128x128xf32, #tpu.memory_space<vmem>>, vector<1x16xf32>,
      %swap3A_78 = vector.shape_cast %swap3A_77 : vector<1x16xf32> to vector<16xf32>
      %swap3A_79 = vector.shape_cast %broadcast_in_dim3A_1 : vector<16xf32> to vector<1x16xf32>
      tpu.vector_store %arg5[%swap3A_75, %swap3A_76], %swap3A_79 {strides = array<i32>} : memref<128x128xf32, #tpu.memory_space<vmem>>, vector<1x16xf32>,
      %swap3A_80 = arith.index_cast %scan3A_49 : i32 to index
      %swap3A_81 = arith.constant 96 : index
      %swap3A_82 = tpu.vector_load %arg5[%swap3A_80, %swap3A_81] {strides = array<i32>} : memref<128x128xf32, #tpu.memory_space<vmem>>, vector<1x16xf32>,
      %swap3A_83 = vector.shape_cast %swap3A_82 : vector<1x16xf32> to vector<16xf32>
      %swap3A_84 = vector.shape_cast %broadcast_in_dim3A_1 : vector<16xf32> to vector<1x16xf32>
      tpu.vector_store %arg5[%swap3A_80, %swap3A_81], %swap3A_84 {strides = array<i32>} : memref<128x128xf32, #tpu.memory_space<vmem>>, vector<1x16xf32>,
      %swap3A_85 = arith.index_cast %scan3A_49 : i32 to index
      %swap3A_86 = arith.constant 112 : index
      %swap3A_87 = tpu.vector_load %arg5[%swap3A_85, %swap3A_86] {strides = array<i32>} : memref<128x128xf32, #tpu.memory_space<vmem>>, vector<1x16xf32>,
      %swap3A_88 = vector.shape_cast %swap3A_87 : vector<1x16xf32> to vector<16xf32>
      %swap3A_89 = vector.shape_cast %broadcast_in_dim3A_1 : vector<16xf32> to vector<1x16xf32>
      tpu.vector_store %arg5[%swap3A_85, %swap3A_86], %swap3A_89 {strides = array<i32>} : memref<128x128xf32, #tpu.memory_space<vmem>>, vector<1x16xf32>,
      %scan3A_90 = arith.constant 0 : i32
      scf.yield %scan3A_90 : i32
    }
    %scan3A_7 = arith.constant 128 : i32
    %mul3A_8 = arith.constant 640 : i32
    %mul3A_9 = arith.muli %arg1, %mul3A_8 : i32
    %add3A_10 = arith.constant 0 : i32
    %add3A_11 = arith.addi %mul3A_9, %add3A_10 : i32
    "tpu.region"() ({
      %run_scoped3A = tpu.sem_alloc : memref<!tpu.dma_semaphore, #tpu.memory_space<semaphore_mem>>
      %dma_start3A = arith.constant 0 : i32
      %dma_start3A_49 = tpu.memref_slice %arg6[%add3A_11, %dma_start3A] : memref<10240x128xf32, #tpu.memory_space<vmem_shared>> -> memref<128x128xf32, #tpu.memory_space<vmem_shared>>
      %dma_start3A_50 = arith.constant 0 : i32
      %dma_start3A_51 = tpu.memref_slice %arg6[%add3A_11, %dma_start3A_50] : memref<10240x128xf32, #tpu.memory_space<vmem_shared>> -> memref<128x128xf32, #tpu.memory_space<vmem_shared>>
      tpu.enqueue_dma source(%arg5 : memref<128x128xf32, #tpu.memory_space<vmem>>) target(%dma_start3A_51 : memref<128x128xf32, #tpu.memory_space<vmem_shared>>) target_semaphore(%run_scoped3A : memref<!tpu.dma_semaphore, #tpu.memory_space<semaphore_mem>>)
      %dma_wait3A = arith.constant 0 : i32
      %dma_wait3A_52 = tpu.memref_slice %arg6[%add3A_11, %dma_wait3A] : memref<10240x128xf32, #tpu.memory_space<vmem_shared>> -> memref<128x128xf32, #tpu.memory_space<vmem_shared>>
      %dma_wait3A_53 = arith.constant 0 : i32
      %dma_wait3A_54 = tpu.memref_slice %arg6[%add3A_11, %dma_wait3A_53] : memref<10240x128xf32, #tpu.memory_space<vmem_shared>> -> memref<128x128xf32, #tpu.memory_space<vmem_shared>>
      tpu.wait_dma2 semaphore(%run_scoped3A : memref<!tpu.dma_semaphore, #tpu.memory_space<semaphore_mem>>) src(%arg5 : memref<128x128xf32, #tpu.memory_space<vmem>>) dst(%dma_wait3A_54 : memref<128x128xf32, #tpu.memory_space<vmem_shared>>)
      tpu.yield
    }) : () -> ()
    %mul3A_12 = arith.constant 640 : i32
    %mul3A_13 = arith.muli %arg1, %mul3A_12 : i32
    %add3A_14 = arith.constant 128 : i32
    %add3A_15 = arith.addi %mul3A_13, %add3A_14 : i32
    "tpu.region"() ({
      %run_scoped3A = tpu.sem_alloc : memref<!tpu.dma_semaphore, #tpu.memory_space<semaphore_mem>>
      %dma_start3A = arith.constant 0 : i32
      %dma_start3A_49 = tpu.memref_slice %arg6[%add3A_15, %dma_start3A] : memref<10240x128xf32, #tpu.memory_space<vmem_shared>> -> memref<128x128xf32, #tpu.memory_space<vmem_shared>>
      %dma_start3A_50 = arith.constant 0 : i32
      %dma_start3A_51 = tpu.memref_slice %arg6[%add3A_15, %dma_start3A_50] : memref<10240x128xf32, #tpu.memory_space<vmem_shared>> -> memref<128x128xf32, #tpu.memory_space<vmem_shared>>
      tpu.enqueue_dma source(%arg5 : memref<128x128xf32, #tpu.memory_space<vmem>>) target(%dma_start3A_51 : memref<128x128xf32, #tpu.memory_space<vmem_shared>>) target_semaphore(%run_scoped3A : memref<!tpu.dma_semaphore, #tpu.memory_space<semaphore_mem>>)
      %dma_wait3A = arith.constant 0 : i32
      %dma_wait3A_52 = tpu.memref_slice %arg6[%add3A_15, %dma_wait3A] : memref<10240x128xf32, #tpu.memory_space<vmem_shared>> -> memref<128x128xf32, #tpu.memory_space<vmem_shared>>
      %dma_wait3A_53 = arith.constant 0 : i32
      %dma_wait3A_54 = tpu.memref_slice %arg6[%add3A_15, %dma_wait3A_53] : memref<10240x128xf32, #tpu.memory_space<vmem_shared>> -> memref<128x128xf32, #tpu.memory_space<vmem_shared>>
      tpu.wait_dma2 semaphore(%run_scoped3A : memref<!tpu.dma_semaphore, #tpu.memory_space<semaphore_mem>>) src(%arg5 : memref<128x128xf32, #tpu.memory_space<vmem>>) dst(%dma_wait3A_54 : memref<128x128xf32, #tpu.memory_space<vmem_shared>>)
      tpu.yield
    }) : () -> ()
    %mul3A_16 = arith.constant 640 : i32
    %mul3A_17 = arith.muli %arg1, %mul3A_16 : i32
    %add3A_18 = arith.constant 256 : i32
    %add3A_19 = arith.addi %mul3A_17, %add3A_18 : i32
    "tpu.region"() ({
      %run_scoped3A = tpu.sem_alloc : memref<!tpu.dma_semaphore, #tpu.memory_space<semaphore_mem>>
      %dma_start3A = arith.constant 0 : i32
      %dma_start3A_49 = tpu.memref_slice %arg6[%add3A_19, %dma_start3A] : memref<10240x128xf32, #tpu.memory_space<vmem_shared>> -> memref<128x128xf32, #tpu.memory_space<vmem_shared>>
      %dma_start3A_50 = arith.constant 0 : i32
      %dma_start3A_51 = tpu.memref_slice %arg6[%add3A_19, %dma_start3A_50] : memref<10240x128xf32, #tpu.memory_space<vmem_shared>> -> memref<128x128xf32, #tpu.memory_space<vmem_shared>>
      tpu.enqueue_dma source(%arg5 : memref<128x128xf32, #tpu.memory_space<vmem>>) target(%dma_start3A_51 : memref<128x128xf32, #tpu.memory_space<vmem_shared>>) target_semaphore(%run_scoped3A : memref<!tpu.dma_semaphore, #tpu.memory_space<semaphore_mem>>)
      %dma_wait3A = arith.constant 0 : i32
      %dma_wait3A_52 = tpu.memref_slice %arg6[%add3A_19, %dma_wait3A] : memref<10240x128xf32, #tpu.memory_space<vmem_shared>> -> memref<128x128xf32, #tpu.memory_space<vmem_shared>>
      %dma_wait3A_53 = arith.constant 0 : i32
      %dma_wait3A_54 = tpu.memref_slice %arg6[%add3A_19, %dma_wait3A_53] : memref<10240x128xf32, #tpu.memory_space<vmem_shared>> -> memref<128x128xf32, #tpu.memory_space<vmem_shared>>
      tpu.wait_dma2 semaphore(%run_scoped3A : memref<!tpu.dma_semaphore, #tpu.memory_space<semaphore_mem>>) src(%arg5 : memref<128x128xf32, #tpu.memory_space<vmem>>) dst(%dma_wait3A_54 : memref<128x128xf32, #tpu.memory_space<vmem_shared>>)
      tpu.yield
    }) : () -> ()
    %mul3A_20 = arith.constant 640 : i32
    %mul3A_21 = arith.muli %arg1, %mul3A_20 : i32
    %add3A_22 = arith.constant 384 : i32
    %add3A_23 = arith.addi %mul3A_21, %add3A_22 : i32
    "tpu.region"() ({
      %run_scoped3A = tpu.sem_alloc : memref<!tpu.dma_semaphore, #tpu.memory_space<semaphore_mem>>
      %dma_start3A = arith.constant 0 : i32
      %dma_start3A_49 = tpu.memref_slice %arg6[%add3A_23, %dma_start3A] : memref<10240x128xf32, #tpu.memory_space<vmem_shared>> -> memref<128x128xf32, #tpu.memory_space<vmem_shared>>
      %dma_start3A_50 = arith.constant 0 : i32
      %dma_start3A_51 = tpu.memref_slice %arg6[%add3A_23, %dma_start3A_50] : memref<10240x128xf32, #tpu.memory_space<vmem_shared>> -> memref<128x128xf32, #tpu.memory_space<vmem_shared>>
      tpu.enqueue_dma source(%arg5 : memref<128x128xf32, #tpu.memory_space<vmem>>) target(%dma_start3A_51 : memref<128x128xf32, #tpu.memory_space<vmem_shared>>) target_semaphore(%run_scoped3A : memref<!tpu.dma_semaphore, #tpu.memory_space<semaphore_mem>>)
      %dma_wait3A = arith.constant 0 : i32
      %dma_wait3A_52 = tpu.memref_slice %arg6[%add3A_23, %dma_wait3A] : memref<10240x128xf32, #tpu.memory_space<vmem_shared>> -> memref<128x128xf32, #tpu.memory_space<vmem_shared>>
      %dma_wait3A_53 = arith.constant 0 : i32
      %dma_wait3A_54 = tpu.memref_slice %arg6[%add3A_23, %dma_wait3A_53] : memref<10240x128xf32, #tpu.memory_space<vmem_shared>> -> memref<128x128xf32, #tpu.memory_space<vmem_shared>>
      tpu.wait_dma2 semaphore(%run_scoped3A : memref<!tpu.dma_semaphore, #tpu.memory_space<semaphore_mem>>) src(%arg5 : memref<128x128xf32, #tpu.memory_space<vmem>>) dst(%dma_wait3A_54 : memref<128x128xf32, #tpu.memory_space<vmem_shared>>)
      tpu.yield
    }) : () -> ()
    %mul3A_24 = arith.constant 640 : i32
    %mul3A_25 = arith.muli %arg1, %mul3A_24 : i32
    %add3A_26 = arith.constant 512 : i32
    %add3A_27 = arith.addi %mul3A_25, %add3A_26 : i32
    "tpu.region"() ({
      %run_scoped3A = tpu.sem_alloc : memref<!tpu.dma_semaphore, #tpu.memory_space<semaphore_mem>>
      %dma_start3A = arith.constant 0 : i32
      %dma_start3A_49 = tpu.memref_slice %arg6[%add3A_27, %dma_start3A] : memref<10240x128xf32, #tpu.memory_space<vmem_shared>> -> memref<128x128xf32, #tpu.memory_space<vmem_shared>>
      %dma_start3A_50 = arith.constant 0 : i32
      %dma_start3A_51 = tpu.memref_slice %arg6[%add3A_27, %dma_start3A_50] : memref<10240x128xf32, #tpu.memory_space<vmem_shared>> -> memref<128x128xf32, #tpu.memory_space<vmem_shared>>
      tpu.enqueue_dma source(%arg5 : memref<128x128xf32, #tpu.memory_space<vmem>>) target(%dma_start3A_51 : memref<128x128xf32, #tpu.memory_space<vmem_shared>>) target_semaphore(%run_scoped3A : memref<!tpu.dma_semaphore, #tpu.memory_space<semaphore_mem>>)
      %dma_wait3A = arith.constant 0 : i32
      %dma_wait3A_52 = tpu.memref_slice %arg6[%add3A_27, %dma_wait3A] : memref<10240x128xf32, #tpu.memory_space<vmem_shared>> -> memref<128x128xf32, #tpu.memory_space<vmem_shared>>
      %dma_wait3A_53 = arith.constant 0 : i32
      %dma_wait3A_54 = tpu.memref_slice %arg6[%add3A_27, %dma_wait3A_53] : memref<10240x128xf32, #tpu.memory_space<vmem_shared>> -> memref<128x128xf32, #tpu.memory_space<vmem_shared>>
      tpu.wait_dma2 semaphore(%run_scoped3A : memref<!tpu.dma_semaphore, #tpu.memory_space<semaphore_mem>>) src(%arg5 : memref<128x128xf32, #tpu.memory_space<vmem>>) dst(%dma_wait3A_54 : memref<128x128xf32, #tpu.memory_space<vmem_shared>>)
      tpu.yield
    }) : () -> ()
    %barrier3A = arith.constant 0 : index
    tpu.barrier barrier_id(%barrier3A)
    %broadcast_in_dim3A_28 = arith.constant 1.000000e+00 : f32
    %broadcast_in_dim3A_29 = vector.broadcast %broadcast_in_dim3A_28 : f32 to vector<16xf32>
    %scan3A_30 = arith.constant 0 : i32
    %scan3A_31 = arith.constant 0 : i32
    %scan3A_32 = arith.constant 128 : i32
    %scan3A_33 = arith.addi %scan3A_31, %scan3A_32 : i32
    %scan3A_34 = arith.constant 1 : i32
    %scan3A_35 = scf.for %scan3A_49 = %scan3A_31 to %scan3A_33 step %scan3A_34 iter_args(%scan3A_50 = %scan3A_30) -> (i32)  : i32 {
      %swap3A = arith.index_cast %scan3A_49 : i32 to index
      %swap3A_51 = arith.constant 0 : index
      %swap3A_52 = tpu.vector_load %arg5[%swap3A, %swap3A_51] {strides = array<i32>} : memref<128x128xf32, #tpu.memory_space<vmem>>, vector<1x16xf32>,
      %swap3A_53 = vector.shape_cast %swap3A_52 : vector<1x16xf32> to vector<16xf32>
      %swap3A_54 = vector.shape_cast %broadcast_in_dim3A_29 : vector<16xf32> to vector<1x16xf32>
      tpu.vector_store %arg5[%swap3A, %swap3A_51], %swap3A_54 {strides = array<i32>} : memref<128x128xf32, #tpu.memory_space<vmem>>, vector<1x16xf32>,
      %swap3A_55 = arith.index_cast %scan3A_49 : i32 to index
      %swap3A_56 = arith.constant 16 : index
      %swap3A_57 = tpu.vector_load %arg5[%swap3A_55, %swap3A_56] {strides = array<i32>} : memref<128x128xf32, #tpu.memory_space<vmem>>, vector<1x16xf32>,
      %swap3A_58 = vector.shape_cast %swap3A_57 : vector<1x16xf32> to vector<16xf32>
      %swap3A_59 = vector.shape_cast %broadcast_in_dim3A_29 : vector<16xf32> to vector<1x16xf32>
      tpu.vector_store %arg5[%swap3A_55, %swap3A_56], %swap3A_59 {strides = array<i32>} : memref<128x128xf32, #tpu.memory_space<vmem>>, vector<1x16xf32>,
      %swap3A_60 = arith.index_cast %scan3A_49 : i32 to index
      %swap3A_61 = arith.constant 32 : index
      %swap3A_62 = tpu.vector_load %arg5[%swap3A_60, %swap3A_61] {strides = array<i32>} : memref<128x128xf32, #tpu.memory_space<vmem>>, vector<1x16xf32>,
      %swap3A_63 = vector.shape_cast %swap3A_62 : vector<1x16xf32> to vector<16xf32>
      %swap3A_64 = vector.shape_cast %broadcast_in_dim3A_29 : vector<16xf32> to vector<1x16xf32>
      tpu.vector_store %arg5[%swap3A_60, %swap3A_61], %swap3A_64 {strides = array<i32>} : memref<128x128xf32, #tpu.memory_space<vmem>>, vector<1x16xf32>,
      %swap3A_65 = arith.index_cast %scan3A_49 : i32 to index
      %swap3A_66 = arith.constant 48 : index
      %swap3A_67 = tpu.vector_load %arg5[%swap3A_65, %swap3A_66] {strides = array<i32>} : memref<128x128xf32, #tpu.memory_space<vmem>>, vector<1x16xf32>,
      %swap3A_68 = vector.shape_cast %swap3A_67 : vector<1x16xf32> to vector<16xf32>
      %swap3A_69 = vector.shape_cast %broadcast_in_dim3A_29 : vector<16xf32> to vector<1x16xf32>
      tpu.vector_store %arg5[%swap3A_65, %swap3A_66], %swap3A_69 {strides = array<i32>} : memref<128x128xf32, #tpu.memory_space<vmem>>, vector<1x16xf32>,
      %swap3A_70 = arith.index_cast %scan3A_49 : i32 to index
      %swap3A_71 = arith.constant 64 : index
      %swap3A_72 = tpu.vector_load %arg5[%swap3A_70, %swap3A_71] {strides = array<i32>} : memref<128x128xf32, #tpu.memory_space<vmem>>, vector<1x16xf32>,
      %swap3A_73 = vector.shape_cast %swap3A_72 : vector<1x16xf32> to vector<16xf32>
      %swap3A_74 = vector.shape_cast %broadcast_in_dim3A_29 : vector<16xf32> to vector<1x16xf32>
      tpu.vector_store %arg5[%swap3A_70, %swap3A_71], %swap3A_74 {strides = array<i32>} : memref<128x128xf32, #tpu.memory_space<vmem>>, vector<1x16xf32>,
      %swap3A_75 = arith.index_cast %scan3A_49 : i32 to index
      %swap3A_76 = arith.constant 80 : index
      %swap3A_77 = tpu.vector_load %arg5[%swap3A_75, %swap3A_76] {strides = array<i32>} : memref<128x128xf32, #tpu.memory_space<vmem>>, vector<1x16xf32>,
      %swap3A_78 = vector.shape_cast %swap3A_77 : vector<1x16xf32> to vector<16xf32>
      %swap3A_79 = vector.shape_cast %broadcast_in_dim3A_29 : vector<16xf32> to vector<1x16xf32>
      tpu.vector_store %arg5[%swap3A_75, %swap3A_76], %swap3A_79 {strides = array<i32>} : memref<128x128xf32, #tpu.memory_space<vmem>>, vector<1x16xf32>,
      %swap3A_80 = arith.index_cast %scan3A_49 : i32 to index
      %swap3A_81 = arith.constant 96 : index
      %swap3A_82 = tpu.vector_load %arg5[%swap3A_80, %swap3A_81] {strides = array<i32>} : memref<128x128xf32, #tpu.memory_space<vmem>>, vector<1x16xf32>,
      %swap3A_83 = vector.shape_cast %swap3A_82 : vector<1x16xf32> to vector<16xf32>
      %swap3A_84 = vector.shape_cast %broadcast_in_dim3A_29 : vector<16xf32> to vector<1x16xf32>
      tpu.vector_store %arg5[%swap3A_80, %swap3A_81], %swap3A_84 {strides = array<i32>} : memref<128x128xf32, #tpu.memory_space<vmem>>, vector<1x16xf32>,
      %swap3A_85 = arith.index_cast %scan3A_49 : i32 to index
      %swap3A_86 = arith.constant 112 : index
      %swap3A_87 = tpu.vector_load %arg5[%swap3A_85, %swap3A_86] {strides = array<i32>} : memref<128x128xf32, #tpu.memory_space<vmem>>, vector<1x16xf32>,
      %swap3A_88 = vector.shape_cast %swap3A_87 : vector<1x16xf32> to vector<16xf32>
      %swap3A_89 = vector.shape_cast %broadcast_in_dim3A_29 : vector<16xf32> to vector<1x16xf32>
      tpu.vector_store %arg5[%swap3A_85, %swap3A_86], %swap3A_89 {strides = array<i32>} : memref<128x128xf32, #tpu.memory_space<vmem>>, vector<1x16xf32>,
      %scan3A_90 = arith.constant 0 : i32
      scf.yield %scan3A_90 : i32
    }
    %scan3A_36 = arith.constant 128 : i32
    %scan3A_37 = arith.constant 0 : i32
    %scan3A_38 = arith.constant 0 : i32
    %scan3A_39 = arith.constant 80 : i32
    %scan3A_40 = arith.addi %scan3A_38, %scan3A_39 : i32
    %scan3A_41 = arith.constant 1 : i32
    %scan3A_42 = scf.for %scan3A_49 = %scan3A_38 to %scan3A_40 step %scan3A_41 iter_args(%scan3A_50 = %scan3A_37) -> (i32)  : i32 {
      %mul3A_51 = arith.constant 80 : i32
      %mul3A_52 = arith.muli %add3A, %mul3A_51 : i32
      %add3A_53 = arith.addi %mul3A_52, %scan3A_49 : i32
      "tpu.region"() ({
        %run_scoped3A = tpu.sem_alloc : memref<!tpu.dma_semaphore, #tpu.memory_space<semaphore_mem>>
        %dma_start3A = arith.constant 0 : i32
        %dma_start3A_55 = tpu.memref_slice %arg2[%add3A_53, %dma_start3A] : memref<2600x128xi32, #tpu.memory_space<hbm>> -> memref<1x128xi32, #tpu.memory_space<hbm>>
        %dma_start3A_56 = tpu.memref_squeeze %dma_start3A_55 : memref<1x128xi32, #tpu.memory_space<hbm>> -> memref<128xi32, #tpu.memory_space<hbm>>
        %dma_start3A_57 = arith.constant 0 : i32
        %dma_start3A_58 = tpu.memref_slice %arg2[%add3A_53, %dma_start3A_57] : memref<2600x128xi32, #tpu.memory_space<hbm>> -> memref<1x128xi32, #tpu.memory_space<hbm>>
        %dma_start3A_59 = tpu.memref_squeeze %dma_start3A_58 : memref<1x128xi32, #tpu.memory_space<hbm>> -> memref<128xi32, #tpu.memory_space<hbm>>
        tpu.enqueue_dma source(%dma_start3A_59 : memref<128xi32, #tpu.memory_space<hbm>>) target(%arg4 : memref<128xi32, #tpu.memory_space<vmem>>) target_semaphore(%run_scoped3A : memref<!tpu.dma_semaphore, #tpu.memory_space<semaphore_mem>>)
        %dma_wait3A = arith.constant 0 : i32
        %dma_wait3A_60 = tpu.memref_slice %arg2[%add3A_53, %dma_wait3A] : memref<2600x128xi32, #tpu.memory_space<hbm>> -> memref<1x128xi32, #tpu.memory_space<hbm>>
        %dma_wait3A_61 = tpu.memref_squeeze %dma_wait3A_60 : memref<1x128xi32, #tpu.memory_space<hbm>> -> memref<128xi32, #tpu.memory_space<hbm>>
        %dma_wait3A_62 = arith.constant 0 : i32
        %dma_wait3A_63 = tpu.memref_slice %arg2[%add3A_53, %dma_wait3A_62] : memref<2600x128xi32, #tpu.memory_space<hbm>> -> memref<1x128xi32, #tpu.memory_space<hbm>>
        %dma_wait3A_64 = tpu.memref_squeeze %dma_wait3A_63 : memref<1x128xi32, #tpu.memory_space<hbm>> -> memref<128xi32, #tpu.memory_space<hbm>>
        tpu.wait_dma2 semaphore(%run_scoped3A : memref<!tpu.dma_semaphore, #tpu.memory_space<semaphore_mem>>) src(%dma_wait3A_64 : memref<128xi32, #tpu.memory_space<hbm>>) dst(%arg4 : memref<128xi32, #tpu.memory_space<vmem>>)
        tpu.yield
      }) : () -> ()
      "tpu.region"() ({
        %run_scoped3A = tpu.sem_alloc : memref<!tpu.dma_semaphore, #tpu.memory_space<semaphore_mem>>
        %dma_start3A = arith.constant 0 : i32
        %dma_start3A_55 = arith.constant 0 : i32
        %dma_start3A_56 = tpu.memref_slice %arg6[%dma_start3A, %dma_start3A_55] : memref<10240x128xf32, #tpu.memory_space<vmem_shared>> -> memref<10240x128xf32, #tpu.memory_space<vmem_shared>>
        tpu.enqueue_indirect_dma source(%arg5 : memref<128x128xf32, #tpu.memory_space<vmem>>) target(%dma_start3A_56 : memref<10240x128xf32, #tpu.memory_space<vmem_shared>>) offsets(%arg4 : memref<128xi32, #tpu.memory_space<vmem>>) semaphore(%run_scoped3A : memref<!tpu.dma_semaphore, #tpu.memory_space<semaphore_mem>>) {add = true}
        %dma_wait3A = arith.constant 0 : i32
        %dma_wait3A_57 = arith.constant 0 : i32
        %dma_wait3A_58 = tpu.memref_slice %arg6[%dma_wait3A, %dma_wait3A_57] : memref<10240x128xf32, #tpu.memory_space<vmem_shared>> -> memref<10240x128xf32, #tpu.memory_space<vmem_shared>>
        tpu.wait_indirect_dma semaphore(%run_scoped3A : memref<!tpu.dma_semaphore, #tpu.memory_space<semaphore_mem>>) src(%arg5 : memref<128x128xf32, #tpu.memory_space<vmem>>) dst(%dma_wait3A_58 : memref<10240x128xf32, #tpu.memory_space<vmem_shared>>)
        tpu.yield
      }) : () -> ()
      %scan3A_54 = arith.constant 0 : i32
      scf.yield %scan3A_54 : i32
    }
    %scan3A_43 = arith.constant 80 : i32
    %barrier3A_44 = arith.constant 0 : index
    tpu.barrier barrier_id(%barrier3A_44)
    %mul3A_45 = arith.constant 640 : i32
    %mul3A_46 = arith.muli %arg1, %mul3A_45 : i32
    %mul3A_47 = arith.constant 640 : i32
    %mul3A_48 = arith.muli %arg1, %mul3A_47 : i32
    "tpu.region"() ({
      %run_scoped3A = tpu.sem_alloc : memref<!tpu.dma_semaphore, #tpu.memory_space<semaphore_mem>>
      %dma_start3A = arith.constant 0 : i32
      %dma_start3A_49 = tpu.memref_slice %arg3[%arg0, %mul3A_48, %dma_start3A] : memref<2x10240x128xf32, #tpu.memory_space<hbm>> -> memref<1x640x128xf32, #tpu.memory_space<hbm>>
      %dma_start3A_50 = tpu.memref_squeeze %dma_start3A_49 : memref<1x640x128xf32, #tpu.memory_space<hbm>> -> memref<640x128xf32, #tpu.memory_space<hbm>>
      %dma_start3A_51 = arith.constant 0 : i32
      %dma_start3A_52 = tpu.memref_slice %arg6[%mul3A_46, %dma_start3A_51] : memref<10240x128xf32, #tpu.memory_space<vmem_shared>> -> memref<640x128xf32, #tpu.memory_space<vmem_shared>>
      tpu.enqueue_dma source(%dma_start3A_52 : memref<640x128xf32, #tpu.memory_space<vmem_shared>>) target(%dma_start3A_50 : memref<640x128xf32, #tpu.memory_space<hbm>>) target_semaphore(%run_scoped3A : memref<!tpu.dma_semaphore, #tpu.memory_space<semaphore_mem>>)
      %dma_wait3A = arith.constant 0 : i32
      %dma_wait3A_53 = tpu.memref_slice %arg3[%arg0, %mul3A_48, %dma_wait3A] : memref<2x10240x128xf32, #tpu.memory_space<hbm>> -> memref<1x640x128xf32, #tpu.memory_space<hbm>>
      %dma_wait3A_54 = tpu.memref_squeeze %dma_wait3A_53 : memref<1x640x128xf32, #tpu.memory_space<hbm>> -> memref<640x128xf32, #tpu.memory_space<hbm>>
      %dma_wait3A_55 = arith.constant 0 : i32
      %dma_wait3A_56 = tpu.memref_slice %arg6[%mul3A_46, %dma_wait3A_55] : memref<10240x128xf32, #tpu.memory_space<vmem_shared>> -> memref<640x128xf32, #tpu.memory_space<vmem_shared>>
      tpu.wait_dma2 semaphore(%run_scoped3A : memref<!tpu.dma_semaphore, #tpu.memory_space<semaphore_mem>>) src(%dma_wait3A_56 : memref<640x128xf32, #tpu.memory_space<vmem_shared>>) dst(%dma_wait3A_54 : memref<640x128xf32, #tpu.memory_space<hbm>>)
      tpu.yield
    }) : () -> ()
    return
  }
}

#map = affine_map<(d0, d1) -> (0, 0)>
#map1 = affine_map<(d0, d1) -> (0, 0, 0)>
module attributes {stable_mosaic.version = 14 : i64} {
  func.func @_hop_kernel(%arg0: i32, %arg1: i32, %arg2: memref<10240x128xf32, #tpu.memory_space<hbm>>, %arg3: memref<2600x128xi32, #tpu.memory_space<hbm>>, %arg4: memref<2600x128xi32, #tpu.memory_space<hbm>>, %arg5: memref<2x10240x128xf32, #tpu.memory_space<hbm>>, %arg6: memref<40x128xi32, #tpu.memory_space<vmem>>, %arg7: memref<40x128xi32, #tpu.memory_space<vmem>>, %arg8: memref<128x128xf32, #tpu.memory_space<vmem>>, %arg9: memref<128x128xf32, #tpu.memory_space<vmem>>, %arg10: memref<10240x128xf32, #tpu.memory_space<vmem_shared>>, %arg11: memref<!tpu.dma_semaphore, #tpu.memory_space<semaphore_mem>>, %arg12: memref<!tpu.dma_semaphore, #tpu.memory_space<semaphore_mem>>) attributes {dimension_semantics = [#tpu.dimension_semantics<core_parallel>, #tpu.dimension_semantics<subcore_parallel>], iteration_bounds = array<i64: 2, 16>, scalar_prefetch = 0 : i64, scratch_operands = 7 : i64, tpu.core_type = #tpu.core_type<sc_vector_subcore>, window_params = [{transform_indices = #map}, {transform_indices = #map}, {transform_indices = #map}, {transform_indices = #map1}]} {
    %mul3A = arith.constant 2 : i32
    %mul3A_0 = arith.muli %arg1, %mul3A : i32
    %add3A = arith.addi %mul3A_0, %arg0 : i32
    %eq3A = arith.constant 0 : i32
    %eq3A_1 = arith.cmpi eq, %arg0, %eq3A : i32
    %jit3A = arith.constant 128 : i32
    %jit3A_2 = arith.constant 32 : i32
    %select_n3A = arith.select %eq3A_1, %jit3A, %jit3A_2 : i32
    %mul3A_3 = arith.muli %arg1, %select_n3A : i32
    %mul3A_4 = arith.constant 2048 : i32
    %mul3A_5 = arith.muli %arg0, %mul3A_4 : i32
    %add3A_6 = arith.addi %mul3A_3, %mul3A_5 : i32
    %broadcast_in_dim3A = arith.constant 0.000000e+00 : f32
    %broadcast_in_dim3A_7 = vector.broadcast %broadcast_in_dim3A : f32 to vector<16xf32>
    %scan3A = arith.constant 0 : i32
    %scan3A_8 = arith.constant 0 : i32
    %scan3A_9 = arith.constant 128 : i32
    %scan3A_10 = arith.addi %scan3A_8, %scan3A_9 : i32
    %scan3A_11 = arith.constant 1 : i32
    %scan3A_12 = scf.for %scan3A_72 = %scan3A_8 to %scan3A_10 step %scan3A_11 iter_args(%scan3A_73 = %scan3A) -> (i32)  : i32 {
      %swap3A = arith.index_cast %scan3A_72 : i32 to index
      %swap3A_74 = arith.constant 0 : index
      %swap3A_75 = tpu.vector_load %arg8[%swap3A, %swap3A_74] {strides = array<i32>} : memref<128x128xf32, #tpu.memory_space<vmem>>, vector<1x16xf32>,
      %swap3A_76 = vector.shape_cast %swap3A_75 : vector<1x16xf32> to vector<16xf32>
      %swap3A_77 = vector.shape_cast %broadcast_in_dim3A_7 : vector<16xf32> to vector<1x16xf32>
      tpu.vector_store %arg8[%swap3A, %swap3A_74], %swap3A_77 {strides = array<i32>} : memref<128x128xf32, #tpu.memory_space<vmem>>, vector<1x16xf32>,
      %swap3A_78 = arith.index_cast %scan3A_72 : i32 to index
      %swap3A_79 = arith.constant 16 : index
      %swap3A_80 = tpu.vector_load %arg8[%swap3A_78, %swap3A_79] {strides = array<i32>} : memref<128x128xf32, #tpu.memory_space<vmem>>, vector<1x16xf32>,
      %swap3A_81 = vector.shape_cast %swap3A_80 : vector<1x16xf32> to vector<16xf32>
      %swap3A_82 = vector.shape_cast %broadcast_in_dim3A_7 : vector<16xf32> to vector<1x16xf32>
      tpu.vector_store %arg8[%swap3A_78, %swap3A_79], %swap3A_82 {strides = array<i32>} : memref<128x128xf32, #tpu.memory_space<vmem>>, vector<1x16xf32>,
      %swap3A_83 = arith.index_cast %scan3A_72 : i32 to index
      %swap3A_84 = arith.constant 32 : index
      %swap3A_85 = tpu.vector_load %arg8[%swap3A_83, %swap3A_84] {strides = array<i32>} : memref<128x128xf32, #tpu.memory_space<vmem>>, vector<1x16xf32>,
      %swap3A_86 = vector.shape_cast %swap3A_85 : vector<1x16xf32> to vector<16xf32>
      %swap3A_87 = vector.shape_cast %broadcast_in_dim3A_7 : vector<16xf32> to vector<1x16xf32>
      tpu.vector_store %arg8[%swap3A_83, %swap3A_84], %swap3A_87 {strides = array<i32>} : memref<128x128xf32, #tpu.memory_space<vmem>>, vector<1x16xf32>,
      %swap3A_88 = arith.index_cast %scan3A_72 : i32 to index
      %swap3A_89 = arith.constant 48 : index
      %swap3A_90 = tpu.vector_load %arg8[%swap3A_88, %swap3A_89] {strides = array<i32>} : memref<128x128xf32, #tpu.memory_space<vmem>>, vector<1x16xf32>,
      %swap3A_91 = vector.shape_cast %swap3A_90 : vector<1x16xf32> to vector<16xf32>
      %swap3A_92 = vector.shape_cast %broadcast_in_dim3A_7 : vector<16xf32> to vector<1x16xf32>
      tpu.vector_store %arg8[%swap3A_88, %swap3A_89], %swap3A_92 {strides = array<i32>} : memref<128x128xf32, #tpu.memory_space<vmem>>, vector<1x16xf32>,
      %swap3A_93 = arith.index_cast %scan3A_72 : i32 to index
      %swap3A_94 = arith.constant 64 : index
      %swap3A_95 = tpu.vector_load %arg8[%swap3A_93, %swap3A_94] {strides = array<i32>} : memref<128x128xf32, #tpu.memory_space<vmem>>, vector<1x16xf32>,
      %swap3A_96 = vector.shape_cast %swap3A_95 : vector<1x16xf32> to vector<16xf32>
      %swap3A_97 = vector.shape_cast %broadcast_in_dim3A_7 : vector<16xf32> to vector<1x16xf32>
      tpu.vector_store %arg8[%swap3A_93, %swap3A_94], %swap3A_97 {strides = array<i32>} : memref<128x128xf32, #tpu.memory_space<vmem>>, vector<1x16xf32>,
      %swap3A_98 = arith.index_cast %scan3A_72 : i32 to index
      %swap3A_99 = arith.constant 80 : index
      %swap3A_100 = tpu.vector_load %arg8[%swap3A_98, %swap3A_99] {strides = array<i32>} : memref<128x128xf32, #tpu.memory_space<vmem>>, vector<1x16xf32>,
      %swap3A_101 = vector.shape_cast %swap3A_100 : vector<1x16xf32> to vector<16xf32>
      %swap3A_102 = vector.shape_cast %broadcast_in_dim3A_7 : vector<16xf32> to vector<1x16xf32>
      tpu.vector_store %arg8[%swap3A_98, %swap3A_99], %swap3A_102 {strides = array<i32>} : memref<128x128xf32, #tpu.memory_space<vmem>>, vector<1x16xf32>,
      %swap3A_103 = arith.index_cast %scan3A_72 : i32 to index
      %swap3A_104 = arith.constant 96 : index
      %swap3A_105 = tpu.vector_load %arg8[%swap3A_103, %swap3A_104] {strides = array<i32>} : memref<128x128xf32, #tpu.memory_space<vmem>>, vector<1x16xf32>,
      %swap3A_106 = vector.shape_cast %swap3A_105 : vector<1x16xf32> to vector<16xf32>
      %swap3A_107 = vector.shape_cast %broadcast_in_dim3A_7 : vector<16xf32> to vector<1x16xf32>
      tpu.vector_store %arg8[%swap3A_103, %swap3A_104], %swap3A_107 {strides = array<i32>} : memref<128x128xf32, #tpu.memory_space<vmem>>, vector<1x16xf32>,
      %swap3A_108 = arith.index_cast %scan3A_72 : i32 to index
      %swap3A_109 = arith.constant 112 : index
      %swap3A_110 = tpu.vector_load %arg8[%swap3A_108, %swap3A_109] {strides = array<i32>} : memref<128x128xf32, #tpu.memory_space<vmem>>, vector<1x16xf32>,
      %swap3A_111 = vector.shape_cast %swap3A_110 : vector<1x16xf32> to vector<16xf32>
      %swap3A_112 = vector.shape_cast %broadcast_in_dim3A_7 : vector<16xf32> to vector<1x16xf32>
      tpu.vector_store %arg8[%swap3A_108, %swap3A_109], %swap3A_112 {strides = array<i32>} : memref<128x128xf32, #tpu.memory_space<vmem>>, vector<1x16xf32>,
      %scan3A_113 = arith.constant 0 : i32
      scf.yield %scan3A_113 : i32
    }
    %scan3A_13 = arith.constant 128 : i32
    %mul3A_14 = arith.constant 640 : i32
    %mul3A_15 = arith.muli %arg1, %mul3A_14 : i32
    %add3A_16 = arith.constant 0 : i32
    %add3A_17 = arith.addi %mul3A_15, %add3A_16 : i32
    "tpu.region"() ({
      %run_scoped3A = tpu.sem_alloc : memref<!tpu.dma_semaphore, #tpu.memory_space<semaphore_mem>>
      %dma_start3A = arith.constant 0 : i32
      %dma_start3A_72 = tpu.memref_slice %arg10[%add3A_17, %dma_start3A] : memref<10240x128xf32, #tpu.memory_space<vmem_shared>> -> memref<128x128xf32, #tpu.memory_space<vmem_shared>>
      %dma_start3A_73 = arith.constant 0 : i32
      %dma_start3A_74 = tpu.memref_slice %arg10[%add3A_17, %dma_start3A_73] : memref<10240x128xf32, #tpu.memory_space<vmem_shared>> -> memref<128x128xf32, #tpu.memory_space<vmem_shared>>
      tpu.enqueue_dma source(%arg8 : memref<128x128xf32, #tpu.memory_space<vmem>>) target(%dma_start3A_74 : memref<128x128xf32, #tpu.memory_space<vmem_shared>>) target_semaphore(%run_scoped3A : memref<!tpu.dma_semaphore, #tpu.memory_space<semaphore_mem>>)
      %dma_wait3A = arith.constant 0 : i32
      %dma_wait3A_75 = tpu.memref_slice %arg10[%add3A_17, %dma_wait3A] : memref<10240x128xf32, #tpu.memory_space<vmem_shared>> -> memref<128x128xf32, #tpu.memory_space<vmem_shared>>
      %dma_wait3A_76 = arith.constant 0 : i32
      %dma_wait3A_77 = tpu.memref_slice %arg10[%add3A_17, %dma_wait3A_76] : memref<10240x128xf32, #tpu.memory_space<vmem_shared>> -> memref<128x128xf32, #tpu.memory_space<vmem_shared>>
      tpu.wait_dma2 semaphore(%run_scoped3A : memref<!tpu.dma_semaphore, #tpu.memory_space<semaphore_mem>>) src(%arg8 : memref<128x128xf32, #tpu.memory_space<vmem>>) dst(%dma_wait3A_77 : memref<128x128xf32, #tpu.memory_space<vmem_shared>>)
      tpu.yield
    }) : () -> ()
    %mul3A_18 = arith.constant 640 : i32
    %mul3A_19 = arith.muli %arg1, %mul3A_18 : i32
    %add3A_20 = arith.constant 128 : i32
    %add3A_21 = arith.addi %mul3A_19, %add3A_20 : i32
    "tpu.region"() ({
      %run_scoped3A = tpu.sem_alloc : memref<!tpu.dma_semaphore, #tpu.memory_space<semaphore_mem>>
      %dma_start3A = arith.constant 0 : i32
      %dma_start3A_72 = tpu.memref_slice %arg10[%add3A_21, %dma_start3A] : memref<10240x128xf32, #tpu.memory_space<vmem_shared>> -> memref<128x128xf32, #tpu.memory_space<vmem_shared>>
      %dma_start3A_73 = arith.constant 0 : i32
      %dma_start3A_74 = tpu.memref_slice %arg10[%add3A_21, %dma_start3A_73] : memref<10240x128xf32, #tpu.memory_space<vmem_shared>> -> memref<128x128xf32, #tpu.memory_space<vmem_shared>>
      tpu.enqueue_dma source(%arg8 : memref<128x128xf32, #tpu.memory_space<vmem>>) target(%dma_start3A_74 : memref<128x128xf32, #tpu.memory_space<vmem_shared>>) target_semaphore(%run_scoped3A : memref<!tpu.dma_semaphore, #tpu.memory_space<semaphore_mem>>)
      %dma_wait3A = arith.constant 0 : i32
      %dma_wait3A_75 = tpu.memref_slice %arg10[%add3A_21, %dma_wait3A] : memref<10240x128xf32, #tpu.memory_space<vmem_shared>> -> memref<128x128xf32, #tpu.memory_space<vmem_shared>>
      %dma_wait3A_76 = arith.constant 0 : i32
      %dma_wait3A_77 = tpu.memref_slice %arg10[%add3A_21, %dma_wait3A_76] : memref<10240x128xf32, #tpu.memory_space<vmem_shared>> -> memref<128x128xf32, #tpu.memory_space<vmem_shared>>
      tpu.wait_dma2 semaphore(%run_scoped3A : memref<!tpu.dma_semaphore, #tpu.memory_space<semaphore_mem>>) src(%arg8 : memref<128x128xf32, #tpu.memory_space<vmem>>) dst(%dma_wait3A_77 : memref<128x128xf32, #tpu.memory_space<vmem_shared>>)
      tpu.yield
    }) : () -> ()
    %mul3A_22 = arith.constant 640 : i32
    %mul3A_23 = arith.muli %arg1, %mul3A_22 : i32
    %add3A_24 = arith.constant 256 : i32
    %add3A_25 = arith.addi %mul3A_23, %add3A_24 : i32
    "tpu.region"() ({
      %run_scoped3A = tpu.sem_alloc : memref<!tpu.dma_semaphore, #tpu.memory_space<semaphore_mem>>
      %dma_start3A = arith.constant 0 : i32
      %dma_start3A_72 = tpu.memref_slice %arg10[%add3A_25, %dma_start3A] : memref<10240x128xf32, #tpu.memory_space<vmem_shared>> -> memref<128x128xf32, #tpu.memory_space<vmem_shared>>
      %dma_start3A_73 = arith.constant 0 : i32
      %dma_start3A_74 = tpu.memref_slice %arg10[%add3A_25, %dma_start3A_73] : memref<10240x128xf32, #tpu.memory_space<vmem_shared>> -> memref<128x128xf32, #tpu.memory_space<vmem_shared>>
      tpu.enqueue_dma source(%arg8 : memref<128x128xf32, #tpu.memory_space<vmem>>) target(%dma_start3A_74 : memref<128x128xf32, #tpu.memory_space<vmem_shared>>) target_semaphore(%run_scoped3A : memref<!tpu.dma_semaphore, #tpu.memory_space<semaphore_mem>>)
      %dma_wait3A = arith.constant 0 : i32
      %dma_wait3A_75 = tpu.memref_slice %arg10[%add3A_25, %dma_wait3A] : memref<10240x128xf32, #tpu.memory_space<vmem_shared>> -> memref<128x128xf32, #tpu.memory_space<vmem_shared>>
      %dma_wait3A_76 = arith.constant 0 : i32
      %dma_wait3A_77 = tpu.memref_slice %arg10[%add3A_25, %dma_wait3A_76] : memref<10240x128xf32, #tpu.memory_space<vmem_shared>> -> memref<128x128xf32, #tpu.memory_space<vmem_shared>>
      tpu.wait_dma2 semaphore(%run_scoped3A : memref<!tpu.dma_semaphore, #tpu.memory_space<semaphore_mem>>) src(%arg8 : memref<128x128xf32, #tpu.memory_space<vmem>>) dst(%dma_wait3A_77 : memref<128x128xf32, #tpu.memory_space<vmem_shared>>)
      tpu.yield
    }) : () -> ()
    %mul3A_26 = arith.constant 640 : i32
    %mul3A_27 = arith.muli %arg1, %mul3A_26 : i32
    %add3A_28 = arith.constant 384 : i32
    %add3A_29 = arith.addi %mul3A_27, %add3A_28 : i32
    "tpu.region"() ({
      %run_scoped3A = tpu.sem_alloc : memref<!tpu.dma_semaphore, #tpu.memory_space<semaphore_mem>>
      %dma_start3A = arith.constant 0 : i32
      %dma_start3A_72 = tpu.memref_slice %arg10[%add3A_29, %dma_start3A] : memref<10240x128xf32, #tpu.memory_space<vmem_shared>> -> memref<128x128xf32, #tpu.memory_space<vmem_shared>>
      %dma_start3A_73 = arith.constant 0 : i32
      %dma_start3A_74 = tpu.memref_slice %arg10[%add3A_29, %dma_start3A_73] : memref<10240x128xf32, #tpu.memory_space<vmem_shared>> -> memref<128x128xf32, #tpu.memory_space<vmem_shared>>
      tpu.enqueue_dma source(%arg8 : memref<128x128xf32, #tpu.memory_space<vmem>>) target(%dma_start3A_74 : memref<128x128xf32, #tpu.memory_space<vmem_shared>>) target_semaphore(%run_scoped3A : memref<!tpu.dma_semaphore, #tpu.memory_space<semaphore_mem>>)
      %dma_wait3A = arith.constant 0 : i32
      %dma_wait3A_75 = tpu.memref_slice %arg10[%add3A_29, %dma_wait3A] : memref<10240x128xf32, #tpu.memory_space<vmem_shared>> -> memref<128x128xf32, #tpu.memory_space<vmem_shared>>
      %dma_wait3A_76 = arith.constant 0 : i32
      %dma_wait3A_77 = tpu.memref_slice %arg10[%add3A_29, %dma_wait3A_76] : memref<10240x128xf32, #tpu.memory_space<vmem_shared>> -> memref<128x128xf32, #tpu.memory_space<vmem_shared>>
      tpu.wait_dma2 semaphore(%run_scoped3A : memref<!tpu.dma_semaphore, #tpu.memory_space<semaphore_mem>>) src(%arg8 : memref<128x128xf32, #tpu.memory_space<vmem>>) dst(%dma_wait3A_77 : memref<128x128xf32, #tpu.memory_space<vmem_shared>>)
      tpu.yield
    }) : () -> ()
    %mul3A_30 = arith.constant 640 : i32
    %mul3A_31 = arith.muli %arg1, %mul3A_30 : i32
    %add3A_32 = arith.constant 512 : i32
    %add3A_33 = arith.addi %mul3A_31, %add3A_32 : i32
    "tpu.region"() ({
      %run_scoped3A = tpu.sem_alloc : memref<!tpu.dma_semaphore, #tpu.memory_space<semaphore_mem>>
      %dma_start3A = arith.constant 0 : i32
      %dma_start3A_72 = tpu.memref_slice %arg10[%add3A_33, %dma_start3A] : memref<10240x128xf32, #tpu.memory_space<vmem_shared>> -> memref<128x128xf32, #tpu.memory_space<vmem_shared>>
      %dma_start3A_73 = arith.constant 0 : i32
      %dma_start3A_74 = tpu.memref_slice %arg10[%add3A_33, %dma_start3A_73] : memref<10240x128xf32, #tpu.memory_space<vmem_shared>> -> memref<128x128xf32, #tpu.memory_space<vmem_shared>>
      tpu.enqueue_dma source(%arg8 : memref<128x128xf32, #tpu.memory_space<vmem>>) target(%dma_start3A_74 : memref<128x128xf32, #tpu.memory_space<vmem_shared>>) target_semaphore(%run_scoped3A : memref<!tpu.dma_semaphore, #tpu.memory_space<semaphore_mem>>)
      %dma_wait3A = arith.constant 0 : i32
      %dma_wait3A_75 = tpu.memref_slice %arg10[%add3A_33, %dma_wait3A] : memref<10240x128xf32, #tpu.memory_space<vmem_shared>> -> memref<128x128xf32, #tpu.memory_space<vmem_shared>>
      %dma_wait3A_76 = arith.constant 0 : i32
      %dma_wait3A_77 = tpu.memref_slice %arg10[%add3A_33, %dma_wait3A_76] : memref<10240x128xf32, #tpu.memory_space<vmem_shared>> -> memref<128x128xf32, #tpu.memory_space<vmem_shared>>
      tpu.wait_dma2 semaphore(%run_scoped3A : memref<!tpu.dma_semaphore, #tpu.memory_space<semaphore_mem>>) src(%arg8 : memref<128x128xf32, #tpu.memory_space<vmem>>) dst(%dma_wait3A_77 : memref<128x128xf32, #tpu.memory_space<vmem_shared>>)
      tpu.yield
    }) : () -> ()
    %barrier3A = arith.constant 0 : index
    tpu.barrier barrier_id(%barrier3A)
    %add3A_34 = arith.constant 40 : i32
    %add3A_35 = arith.addi %select_n3A, %add3A_34 : i32
    %sub3A = arith.constant 1 : i32
    %sub3A_36 = arith.subi %add3A_35, %sub3A : i32
    %jit3A_37 = arith.constant 40 : i32
    %div3A = arith.divsi %sub3A_36, %jit3A_37 : i32
    %sign3A = arith.constant 0 : i32
    %sign3A_38 = arith.cmpi sgt, %sub3A_36, %sign3A : i32
    %sign3A_39 = arith.extui %sign3A_38 : i1 to i32
    %sign3A_40 = arith.constant 0 : i32
    %sign3A_41 = arith.cmpi slt, %sub3A_36, %sign3A_40 : i32
    %sign3A_42 = arith.extui %sign3A_41 : i1 to i32
    %sign3A_43 = arith.subi %sign3A_39, %sign3A_42 : i32
    %sign3A_44 = arith.constant 0 : i32
    %sign3A_45 = arith.cmpi sgt, %jit3A_37, %sign3A_44 : i32
    %sign3A_46 = arith.extui %sign3A_45 : i1 to i32
    %sign3A_47 = arith.constant 0 : i32
    %sign3A_48 = arith.cmpi slt, %jit3A_37, %sign3A_47 : i32
    %sign3A_49 = arith.extui %sign3A_48 : i1 to i32
    %sign3A_50 = arith.subi %sign3A_46, %sign3A_49 : i32
    %ne3A = arith.cmpi ne, %sign3A_43, %sign3A_50 : i32
    %rem3A = arith.remsi %sub3A_36, %jit3A_37 : i32
    %ne3A_51 = arith.constant 0 : i32
    %ne3A_52 = arith.cmpi ne, %rem3A, %ne3A_51 : i32
    %and3A = arith.andi %ne3A, %ne3A_52 : i1
    %sub3A_53 = arith.constant 1 : i32
    %sub3A_54 = arith.subi %div3A, %sub3A_53 : i32
    %select_n3A_55 = arith.select %and3A, %sub3A_54, %div3A : i32
    %while3A = arith.constant 0 : i32
    %while3A_56 = arith.constant 0 : i32
    %while3A_57 = arith.subi %select_n3A_55, %while3A : i32
    %while3A_58 = arith.addi %while3A, %while3A_57 : i32
    %while3A_59 = arith.constant 1 : i32
    %while3A_60 = arith.divsi %while3A_57, %while3A_59 : i32
    %while3A_61 = arith.muli %while3A_60, %while3A_59 : i32
    %while3A_62 = arith.addi %while3A, %while3A_61 : i32
    %while3A_63 = arith.constant 1 : i32
    %while3A_64 = scf.for %while3A_72 = %while3A to %while3A_62 step %while3A_63 iter_args(%while3A_73 = %while3A_56) -> (i32)  : i32 {
      %mul3A_74 = arith.constant 40 : i32
      %mul3A_75 = arith.muli %while3A_72, %mul3A_74 : i32
      %add3A_76 = arith.addi %add3A_6, %mul3A_75 : i32
      %mul3A_77 = arith.constant 40 : i32
      %mul3A_78 = arith.muli %while3A_72, %mul3A_77 : i32
      %sub3A_79 = arith.subi %select_n3A, %mul3A_78 : i32
      %min3A = arith.constant 40 : i32
      %min3A_80 = arith.minsi %sub3A_79, %min3A : i32
      "tpu.region"() ({
        %run_scoped3A = tpu.sem_alloc : memref<!tpu.dma_semaphore, #tpu.memory_space<semaphore_mem>>
        %dma_start3A_124 = arith.constant 0 : i32
        %dma_start3A_125 = tpu.memref_slice %arg3[%add3A_76, %dma_start3A_124] : memref<2600x128xi32, #tpu.memory_space<hbm>> -> memref<40x128xi32, #tpu.memory_space<hbm>>
        %dma_start3A_126 = arith.constant 0 : i32
        %dma_start3A_127 = tpu.memref_slice %arg3[%add3A_76, %dma_start3A_126] : memref<2600x128xi32, #tpu.memory_space<hbm>> -> memref<40x128xi32, #tpu.memory_space<hbm>>
        tpu.enqueue_dma source(%dma_start3A_127 : memref<40x128xi32, #tpu.memory_space<hbm>>) target(%arg6 : memref<40x128xi32, #tpu.memory_space<vmem>>) target_semaphore(%run_scoped3A : memref<!tpu.dma_semaphore, #tpu.memory_space<semaphore_mem>>)
        %dma_wait3A = arith.constant 0 : i32
        %dma_wait3A_128 = tpu.memref_slice %arg3[%add3A_76, %dma_wait3A] : memref<2600x128xi32, #tpu.memory_space<hbm>> -> memref<40x128xi32, #tpu.memory_space<hbm>>
        %dma_wait3A_129 = arith.constant 0 : i32
        %dma_wait3A_130 = tpu.memref_slice %arg3[%add3A_76, %dma_wait3A_129] : memref<2600x128xi32, #tpu.memory_space<hbm>> -> memref<40x128xi32, #tpu.memory_space<hbm>>
        tpu.wait_dma2 semaphore(%run_scoped3A : memref<!tpu.dma_semaphore, #tpu.memory_space<semaphore_mem>>) src(%dma_wait3A_130 : memref<40x128xi32, #tpu.memory_space<hbm>>) dst(%arg6 : memref<40x128xi32, #tpu.memory_space<vmem>>)
        tpu.yield
      }) : () -> ()
      "tpu.region"() ({
        %run_scoped3A = tpu.sem_alloc : memref<!tpu.dma_semaphore, #tpu.memory_space<semaphore_mem>>
        %dma_start3A_124 = arith.constant 0 : i32
        %dma_start3A_125 = tpu.memref_slice %arg4[%add3A_76, %dma_start3A_124] : memref<2600x128xi32, #tpu.memory_space<hbm>> -> memref<40x128xi32, #tpu.memory_space<hbm>>
        %dma_start3A_126 = arith.constant 0 : i32
        %dma_start3A_127 = tpu.memref_slice %arg4[%add3A_76, %dma_start3A_126] : memref<2600x128xi32, #tpu.memory_space<hbm>> -> memref<40x128xi32, #tpu.memory_space<hbm>>
        tpu.enqueue_dma source(%dma_start3A_127 : memref<40x128xi32, #tpu.memory_space<hbm>>) target(%arg7 : memref<40x128xi32, #tpu.memory_space<vmem>>) target_semaphore(%run_scoped3A : memref<!tpu.dma_semaphore, #tpu.memory_space<semaphore_mem>>)
        %dma_wait3A = arith.constant 0 : i32
        %dma_wait3A_128 = tpu.memref_slice %arg4[%add3A_76, %dma_wait3A] : memref<2600x128xi32, #tpu.memory_space<hbm>> -> memref<40x128xi32, #tpu.memory_space<hbm>>
        %dma_wait3A_129 = arith.constant 0 : i32
        %dma_wait3A_130 = tpu.memref_slice %arg4[%add3A_76, %dma_wait3A_129] : memref<2600x128xi32, #tpu.memory_space<hbm>> -> memref<40x128xi32, #tpu.memory_space<hbm>>
        tpu.wait_dma2 semaphore(%run_scoped3A : memref<!tpu.dma_semaphore, #tpu.memory_space<semaphore_mem>>) src(%dma_wait3A_130 : memref<40x128xi32, #tpu.memory_space<hbm>>) dst(%arg7 : memref<40x128xi32, #tpu.memory_space<vmem>>)
        tpu.yield
      }) : () -> ()
      %dma_start3A = arith.constant 0 : i32
      %dma_start3A_81 = arith.constant 0 : i32
      %dma_start3A_82 = tpu.memref_slice %arg6[%dma_start3A, %dma_start3A_81] : memref<40x128xi32, #tpu.memory_space<vmem>> -> memref<1x128xi32, #tpu.memory_space<vmem>>
      %dma_start3A_83 = tpu.memref_squeeze %dma_start3A_82 : memref<1x128xi32, #tpu.memory_space<vmem>> -> memref<128xi32, #tpu.memory_space<vmem>>
      %dma_start3A_84 = arith.constant 0 : i32
      %dma_start3A_85 = arith.constant 0 : i32
      %dma_start3A_86 = tpu.memref_slice %arg2[%dma_start3A_84, %dma_start3A_85] : memref<10240x128xf32, #tpu.memory_space<hbm>> -> memref<10240x128xf32, #tpu.memory_space<hbm>>
      tpu.enqueue_indirect_dma source(%dma_start3A_86 : memref<10240x128xf32, #tpu.memory_space<hbm>>) target(%arg8 : memref<128x128xf32, #tpu.memory_space<vmem>>) offsets(%dma_start3A_83 : memref<128xi32, #tpu.memory_space<vmem>>) semaphore(%arg11 : memref<!tpu.dma_semaphore, #tpu.memory_space<semaphore_mem>>)
      %jit3A_87 = arith.constant 2 : i32
      %div3A_88 = arith.divsi %min3A_80, %jit3A_87 : i32
      %sign3A_89 = arith.constant 0 : i32
      %sign3A_90 = arith.cmpi sgt, %min3A_80, %sign3A_89 : i32
      %sign3A_91 = arith.extui %sign3A_90 : i1 to i32
      %sign3A_92 = arith.constant 0 : i32
      %sign3A_93 = arith.cmpi slt, %min3A_80, %sign3A_92 : i32
      %sign3A_94 = arith.extui %sign3A_93 : i1 to i32
      %sign3A_95 = arith.subi %sign3A_91, %sign3A_94 : i32
      %sign3A_96 = arith.constant 0 : i32
      %sign3A_97 = arith.cmpi sgt, %jit3A_87, %sign3A_96 : i32
      %sign3A_98 = arith.extui %sign3A_97 : i1 to i32
      %sign3A_99 = arith.constant 0 : i32
      %sign3A_100 = arith.cmpi slt, %jit3A_87, %sign3A_99 : i32
      %sign3A_101 = arith.extui %sign3A_100 : i1 to i32
      %sign3A_102 = arith.subi %sign3A_98, %sign3A_101 : i32
      %ne3A_103 = arith.cmpi ne, %sign3A_95, %sign3A_102 : i32
      %rem3A_104 = arith.remsi %min3A_80, %jit3A_87 : i32
      %ne3A_105 = arith.constant 0 : i32
      %ne3A_106 = arith.cmpi ne, %rem3A_104, %ne3A_105 : i32
      %and3A_107 = arith.andi %ne3A_103, %ne3A_106 : i1
      %sub3A_108 = arith.constant 1 : i32
      %sub3A_109 = arith.subi %div3A_88, %sub3A_108 : i32
      %select_n3A_110 = arith.select %and3A_107, %sub3A_109, %div3A_88 : i32
      %while3A_111 = arith.constant 0 : i32
      %while3A_112 = arith.constant 0 : i32
      %while3A_113 = arith.subi %select_n3A_110, %while3A_111 : i32
      %while3A_114 = arith.addi %while3A_111, %while3A_113 : i32
      %while3A_115 = arith.constant 1 : i32
      %while3A_116 = arith.divsi %while3A_113, %while3A_115 : i32
      %while3A_117 = arith.muli %while3A_116, %while3A_115 : i32
      %while3A_118 = arith.addi %while3A_111, %while3A_117 : i32
      %while3A_119 = arith.constant 1 : i32
      %while3A_120 = scf.for %while3A_124 = %while3A_111 to %while3A_118 step %while3A_119 iter_args(%while3A_125 = %while3A_112) -> (i32)  : i32 {
        %mul3A_126 = arith.constant 2 : i32
        %mul3A_127 = arith.muli %while3A_124, %mul3A_126 : i32
        %add3A_128 = arith.constant 1 : i32
        %add3A_129 = arith.addi %mul3A_127, %add3A_128 : i32
        %dma_wait3A = arith.constant 0 : i32
        %dma_wait3A_130 = tpu.memref_slice %arg6[%mul3A_127, %dma_wait3A] : memref<40x128xi32, #tpu.memory_space<vmem>> -> memref<1x128xi32, #tpu.memory_space<vmem>>
        %dma_wait3A_131 = tpu.memref_squeeze %dma_wait3A_130 : memref<1x128xi32, #tpu.memory_space<vmem>> -> memref<128xi32, #tpu.memory_space<vmem>>
        %dma_wait3A_132 = arith.constant 0 : i32
        %dma_wait3A_133 = arith.constant 0 : i32
        %dma_wait3A_134 = tpu.memref_slice %arg2[%dma_wait3A_132, %dma_wait3A_133] : memref<10240x128xf32, #tpu.memory_space<hbm>> -> memref<10240x128xf32, #tpu.memory_space<hbm>>
        tpu.wait_indirect_dma semaphore(%arg11 : memref<!tpu.dma_semaphore, #tpu.memory_space<semaphore_mem>>) src(%dma_wait3A_134 : memref<10240x128xf32, #tpu.memory_space<hbm>>) dst(%arg8 : memref<128x128xf32, #tpu.memory_space<vmem>>)
        %dma_start3A_135 = arith.constant 0 : i32
        %dma_start3A_136 = tpu.memref_slice %arg6[%add3A_129, %dma_start3A_135] : memref<40x128xi32, #tpu.memory_space<vmem>> -> memref<1x128xi32, #tpu.memory_space<vmem>>
        %dma_start3A_137 = tpu.memref_squeeze %dma_start3A_136 : memref<1x128xi32, #tpu.memory_space<vmem>> -> memref<128xi32, #tpu.memory_space<vmem>>
        %dma_start3A_138 = arith.constant 0 : i32
        %dma_start3A_139 = arith.constant 0 : i32
        %dma_start3A_140 = tpu.memref_slice %arg2[%dma_start3A_138, %dma_start3A_139] : memref<10240x128xf32, #tpu.memory_space<hbm>> -> memref<10240x128xf32, #tpu.memory_space<hbm>>
        tpu.enqueue_indirect_dma source(%dma_start3A_140 : memref<10240x128xf32, #tpu.memory_space<hbm>>) target(%arg9 : memref<128x128xf32, #tpu.memory_space<vmem>>) offsets(%dma_start3A_137 : memref<128xi32, #tpu.memory_space<vmem>>) semaphore(%arg12 : memref<!tpu.dma_semaphore, #tpu.memory_space<semaphore_mem>>)
        "tpu.region"() ({
          %run_scoped3A = tpu.sem_alloc : memref<!tpu.dma_semaphore, #tpu.memory_space<semaphore_mem>>
          %dma_start3A_151 = arith.constant 0 : i32
          %dma_start3A_152 = tpu.memref_slice %arg7[%mul3A_127, %dma_start3A_151] : memref<40x128xi32, #tpu.memory_space<vmem>> -> memref<1x128xi32, #tpu.memory_space<vmem>>
          %dma_start3A_153 = tpu.memref_squeeze %dma_start3A_152 : memref<1x128xi32, #tpu.memory_space<vmem>> -> memref<128xi32, #tpu.memory_space<vmem>>
          %dma_start3A_154 = arith.constant 0 : i32
          %dma_start3A_155 = arith.constant 0 : i32
          %dma_start3A_156 = tpu.memref_slice %arg10[%dma_start3A_154, %dma_start3A_155] : memref<10240x128xf32, #tpu.memory_space<vmem_shared>> -> memref<10240x128xf32, #tpu.memory_space<vmem_shared>>
          tpu.enqueue_indirect_dma source(%arg8 : memref<128x128xf32, #tpu.memory_space<vmem>>) target(%dma_start3A_156 : memref<10240x128xf32, #tpu.memory_space<vmem_shared>>) offsets(%dma_start3A_153 : memref<128xi32, #tpu.memory_space<vmem>>) semaphore(%run_scoped3A : memref<!tpu.dma_semaphore, #tpu.memory_space<semaphore_mem>>) {add = true}
          %dma_wait3A_157 = arith.constant 0 : i32
          %dma_wait3A_158 = tpu.memref_slice %arg7[%mul3A_127, %dma_wait3A_157] : memref<40x128xi32, #tpu.memory_space<vmem>> -> memref<1x128xi32, #tpu.memory_space<vmem>>
          %dma_wait3A_159 = tpu.memref_squeeze %dma_wait3A_158 : memref<1x128xi32, #tpu.memory_space<vmem>> -> memref<128xi32, #tpu.memory_space<vmem>>
          %dma_wait3A_160 = arith.constant 0 : i32
          %dma_wait3A_161 = arith.constant 0 : i32
          %dma_wait3A_162 = tpu.memref_slice %arg10[%dma_wait3A_160, %dma_wait3A_161] : memref<10240x128xf32, #tpu.memory_space<vmem_shared>> -> memref<10240x128xf32, #tpu.memory_space<vmem_shared>>
          tpu.wait_indirect_dma semaphore(%run_scoped3A : memref<!tpu.dma_semaphore, #tpu.memory_space<semaphore_mem>>) src(%arg8 : memref<128x128xf32, #tpu.memory_space<vmem>>) dst(%dma_wait3A_162 : memref<10240x128xf32, #tpu.memory_space<vmem_shared>>)
          tpu.yield
        }) : () -> ()
        %dma_wait3A_141 = arith.constant 0 : i32
        %dma_wait3A_142 = tpu.memref_slice %arg6[%add3A_129, %dma_wait3A_141] : memref<40x128xi32, #tpu.memory_space<vmem>> -> memref<1x128xi32, #tpu.memory_space<vmem>>
        %dma_wait3A_143 = tpu.memref_squeeze %dma_wait3A_142 : memref<1x128xi32, #tpu.memory_space<vmem>> -> memref<128xi32, #tpu.memory_space<vmem>>
        %dma_wait3A_144 = arith.constant 0 : i32
        %dma_wait3A_145 = arith.constant 0 : i32
        %dma_wait3A_146 = tpu.memref_slice %arg2[%dma_wait3A_144, %dma_wait3A_145] : memref<10240x128xf32, #tpu.memory_space<hbm>> -> memref<10240x128xf32, #tpu.memory_space<hbm>>
        tpu.wait_indirect_dma semaphore(%arg12 : memref<!tpu.dma_semaphore, #tpu.memory_space<semaphore_mem>>) src(%dma_wait3A_146 : memref<10240x128xf32, #tpu.memory_space<hbm>>) dst(%arg9 : memref<128x128xf32, #tpu.memory_space<vmem>>)
        %add3A_147 = arith.constant 1 : i32
        %add3A_148 = arith.addi %add3A_129, %add3A_147 : i32
        %lt3A = arith.cmpi slt, %add3A_148, %min3A_80 : i32
        %convert_element_type3A = arith.extui %lt3A : i1 to i32
        %cond3A = arith.constant 0 : i32
        %cond3A_149 = arith.cmpi ne, %convert_element_type3A, %cond3A : i32
        scf.if %cond3A_149 {
          %add3A_151 = arith.constant 1 : i32
          %add3A_152 = arith.addi %add3A_129, %add3A_151 : i32
          %dma_start3A_153 = arith.constant 0 : i32
          %dma_start3A_154 = tpu.memref_slice %arg6[%add3A_152, %dma_start3A_153] : memref<40x128xi32, #tpu.memory_space<vmem>> -> memref<1x128xi32, #tpu.memory_space<vmem>>
          %dma_start3A_155 = tpu.memref_squeeze %dma_start3A_154 : memref<1x128xi32, #tpu.memory_space<vmem>> -> memref<128xi32, #tpu.memory_space<vmem>>
          %dma_start3A_156 = arith.constant 0 : i32
          %dma_start3A_157 = arith.constant 0 : i32
          %dma_start3A_158 = tpu.memref_slice %arg2[%dma_start3A_156, %dma_start3A_157] : memref<10240x128xf32, #tpu.memory_space<hbm>> -> memref<10240x128xf32, #tpu.memory_space<hbm>>
          tpu.enqueue_indirect_dma source(%dma_start3A_158 : memref<10240x128xf32, #tpu.memory_space<hbm>>) target(%arg8 : memref<128x128xf32, #tpu.memory_space<vmem>>) offsets(%dma_start3A_155 : memref<128xi32, #tpu.memory_space<vmem>>) semaphore(%arg11 : memref<!tpu.dma_semaphore, #tpu.memory_space<semaphore_mem>>)
        } else {
        }
        "tpu.region"() ({
          %run_scoped3A = tpu.sem_alloc : memref<!tpu.dma_semaphore, #tpu.memory_space<semaphore_mem>>
          %dma_start3A_151 = arith.constant 0 : i32
          %dma_start3A_152 = tpu.memref_slice %arg7[%add3A_129, %dma_start3A_151] : memref<40x128xi32, #tpu.memory_space<vmem>> -> memref<1x128xi32, #tpu.memory_space<vmem>>
          %dma_start3A_153 = tpu.memref_squeeze %dma_start3A_152 : memref<1x128xi32, #tpu.memory_space<vmem>> -> memref<128xi32, #tpu.memory_space<vmem>>
          %dma_start3A_154 = arith.constant 0 : i32
          %dma_start3A_155 = arith.constant 0 : i32
          %dma_start3A_156 = tpu.memref_slice %arg10[%dma_start3A_154, %dma_start3A_155] : memref<10240x128xf32, #tpu.memory_space<vmem_shared>> -> memref<10240x128xf32, #tpu.memory_space<vmem_shared>>
          tpu.enqueue_indirect_dma source(%arg9 : memref<128x128xf32, #tpu.memory_space<vmem>>) target(%dma_start3A_156 : memref<10240x128xf32, #tpu.memory_space<vmem_shared>>) offsets(%dma_start3A_153 : memref<128xi32, #tpu.memory_space<vmem>>) semaphore(%run_scoped3A : memref<!tpu.dma_semaphore, #tpu.memory_space<semaphore_mem>>) {add = true}
          %dma_wait3A_157 = arith.constant 0 : i32
          %dma_wait3A_158 = tpu.memref_slice %arg7[%add3A_129, %dma_wait3A_157] : memref<40x128xi32, #tpu.memory_space<vmem>> -> memref<1x128xi32, #tpu.memory_space<vmem>>
          %dma_wait3A_159 = tpu.memref_squeeze %dma_wait3A_158 : memref<1x128xi32, #tpu.memory_space<vmem>> -> memref<128xi32, #tpu.memory_space<vmem>>
          %dma_wait3A_160 = arith.constant 0 : i32
          %dma_wait3A_161 = arith.constant 0 : i32
          %dma_wait3A_162 = tpu.memref_slice %arg10[%dma_wait3A_160, %dma_wait3A_161] : memref<10240x128xf32, #tpu.memory_space<vmem_shared>> -> memref<10240x128xf32, #tpu.memory_space<vmem_shared>>
          tpu.wait_indirect_dma semaphore(%run_scoped3A : memref<!tpu.dma_semaphore, #tpu.memory_space<semaphore_mem>>) src(%arg9 : memref<128x128xf32, #tpu.memory_space<vmem>>) dst(%dma_wait3A_162 : memref<10240x128xf32, #tpu.memory_space<vmem_shared>>)
          tpu.yield
        }) : () -> ()
        %while3A_150 = arith.constant 0 : i32
        scf.yield %while3A_150 : i32
      }
      %while3A_121 = arith.constant 1 : i32
      %while3A_122 = scf.for %while3A_124 = %while3A_118 to %while3A_114 step %while3A_121 iter_args(%while3A_125 = %while3A_120) -> (i32)  : i32 {
        %mul3A_126 = arith.constant 2 : i32
        %mul3A_127 = arith.muli %while3A_124, %mul3A_126 : i32
        %add3A_128 = arith.constant 1 : i32
        %add3A_129 = arith.addi %mul3A_127, %add3A_128 : i32
        %dma_wait3A = arith.constant 0 : i32
        %dma_wait3A_130 = tpu.memref_slice %arg6[%mul3A_127, %dma_wait3A] : memref<40x128xi32, #tpu.memory_space<vmem>> -> memref<1x128xi32, #tpu.memory_space<vmem>>
        %dma_wait3A_131 = tpu.memref_squeeze %dma_wait3A_130 : memref<1x128xi32, #tpu.memory_space<vmem>> -> memref<128xi32, #tpu.memory_space<vmem>>
        %dma_wait3A_132 = arith.constant 0 : i32
        %dma_wait3A_133 = arith.constant 0 : i32
        %dma_wait3A_134 = tpu.memref_slice %arg2[%dma_wait3A_132, %dma_wait3A_133] : memref<10240x128xf32, #tpu.memory_space<hbm>> -> memref<10240x128xf32, #tpu.memory_space<hbm>>
        tpu.wait_indirect_dma semaphore(%arg11 : memref<!tpu.dma_semaphore, #tpu.memory_space<semaphore_mem>>) src(%dma_wait3A_134 : memref<10240x128xf32, #tpu.memory_space<hbm>>) dst(%arg8 : memref<128x128xf32, #tpu.memory_space<vmem>>)
        %dma_start3A_135 = arith.constant 0 : i32
        %dma_start3A_136 = tpu.memref_slice %arg6[%add3A_129, %dma_start3A_135] : memref<40x128xi32, #tpu.memory_space<vmem>> -> memref<1x128xi32, #tpu.memory_space<vmem>>
        %dma_start3A_137 = tpu.memref_squeeze %dma_start3A_136 : memref<1x128xi32, #tpu.memory_space<vmem>> -> memref<128xi32, #tpu.memory_space<vmem>>
        %dma_start3A_138 = arith.constant 0 : i32
        %dma_start3A_139 = arith.constant 0 : i32
        %dma_start3A_140 = tpu.memref_slice %arg2[%dma_start3A_138, %dma_start3A_139] : memref<10240x128xf32, #tpu.memory_space<hbm>> -> memref<10240x128xf32, #tpu.memory_space<hbm>>
        tpu.enqueue_indirect_dma source(%dma_start3A_140 : memref<10240x128xf32, #tpu.memory_space<hbm>>) target(%arg9 : memref<128x128xf32, #tpu.memory_space<vmem>>) offsets(%dma_start3A_137 : memref<128xi32, #tpu.memory_space<vmem>>) semaphore(%arg12 : memref<!tpu.dma_semaphore, #tpu.memory_space<semaphore_mem>>)
        "tpu.region"() ({
          %run_scoped3A = tpu.sem_alloc : memref<!tpu.dma_semaphore, #tpu.memory_space<semaphore_mem>>
          %dma_start3A_151 = arith.constant 0 : i32
          %dma_start3A_152 = tpu.memref_slice %arg7[%mul3A_127, %dma_start3A_151] : memref<40x128xi32, #tpu.memory_space<vmem>> -> memref<1x128xi32, #tpu.memory_space<vmem>>
          %dma_start3A_153 = tpu.memref_squeeze %dma_start3A_152 : memref<1x128xi32, #tpu.memory_space<vmem>> -> memref<128xi32, #tpu.memory_space<vmem>>
          %dma_start3A_154 = arith.constant 0 : i32
          %dma_start3A_155 = arith.constant 0 : i32
          %dma_start3A_156 = tpu.memref_slice %arg10[%dma_start3A_154, %dma_start3A_155] : memref<10240x128xf32, #tpu.memory_space<vmem_shared>> -> memref<10240x128xf32, #tpu.memory_space<vmem_shared>>
          tpu.enqueue_indirect_dma source(%arg8 : memref<128x128xf32, #tpu.memory_space<vmem>>) target(%dma_start3A_156 : memref<10240x128xf32, #tpu.memory_space<vmem_shared>>) offsets(%dma_start3A_153 : memref<128xi32, #tpu.memory_space<vmem>>) semaphore(%run_scoped3A : memref<!tpu.dma_semaphore, #tpu.memory_space<semaphore_mem>>) {add = true}
          %dma_wait3A_157 = arith.constant 0 : i32
          %dma_wait3A_158 = tpu.memref_slice %arg7[%mul3A_127, %dma_wait3A_157] : memref<40x128xi32, #tpu.memory_space<vmem>> -> memref<1x128xi32, #tpu.memory_space<vmem>>
          %dma_wait3A_159 = tpu.memref_squeeze %dma_wait3A_158 : memref<1x128xi32, #tpu.memory_space<vmem>> -> memref<128xi32, #tpu.memory_space<vmem>>
          %dma_wait3A_160 = arith.constant 0 : i32
          %dma_wait3A_161 = arith.constant 0 : i32
          %dma_wait3A_162 = tpu.memref_slice %arg10[%dma_wait3A_160, %dma_wait3A_161] : memref<10240x128xf32, #tpu.memory_space<vmem_shared>> -> memref<10240x128xf32, #tpu.memory_space<vmem_shared>>
          tpu.wait_indirect_dma semaphore(%run_scoped3A : memref<!tpu.dma_semaphore, #tpu.memory_space<semaphore_mem>>) src(%arg8 : memref<128x128xf32, #tpu.memory_space<vmem>>) dst(%dma_wait3A_162 : memref<10240x128xf32, #tpu.memory_space<vmem_shared>>)
          tpu.yield
        }) : () -> ()
        %dma_wait3A_141 = arith.constant 0 : i32
        %dma_wait3A_142 = tpu.memref_slice %arg6[%add3A_129, %dma_wait3A_141] : memref<40x128xi32, #tpu.memory_space<vmem>> -> memref<1x128xi32, #tpu.memory_space<vmem>>
        %dma_wait3A_143 = tpu.memref_squeeze %dma_wait3A_142 : memref<1x128xi32, #tpu.memory_space<vmem>> -> memref<128xi32, #tpu.memory_space<vmem>>
        %dma_wait3A_144 = arith.constant 0 : i32
        %dma_wait3A_145 = arith.constant 0 : i32
        %dma_wait3A_146 = tpu.memref_slice %arg2[%dma_wait3A_144, %dma_wait3A_145] : memref<10240x128xf32, #tpu.memory_space<hbm>> -> memref<10240x128xf32, #tpu.memory_space<hbm>>
        tpu.wait_indirect_dma semaphore(%arg12 : memref<!tpu.dma_semaphore, #tpu.memory_space<semaphore_mem>>) src(%dma_wait3A_146 : memref<10240x128xf32, #tpu.memory_space<hbm>>) dst(%arg9 : memref<128x128xf32, #tpu.memory_space<vmem>>)
        %add3A_147 = arith.constant 1 : i32
        %add3A_148 = arith.addi %add3A_129, %add3A_147 : i32
        %lt3A = arith.cmpi slt, %add3A_148, %min3A_80 : i32
        %convert_element_type3A = arith.extui %lt3A : i1 to i32
        %cond3A = arith.constant 0 : i32
        %cond3A_149 = arith.cmpi ne, %convert_element_type3A, %cond3A : i32
        scf.if %cond3A_149 {
          %add3A_151 = arith.constant 1 : i32
          %add3A_152 = arith.addi %add3A_129, %add3A_151 : i32
          %dma_start3A_153 = arith.constant 0 : i32
          %dma_start3A_154 = tpu.memref_slice %arg6[%add3A_152, %dma_start3A_153] : memref<40x128xi32, #tpu.memory_space<vmem>> -> memref<1x128xi32, #tpu.memory_space<vmem>>
          %dma_start3A_155 = tpu.memref_squeeze %dma_start3A_154 : memref<1x128xi32, #tpu.memory_space<vmem>> -> memref<128xi32, #tpu.memory_space<vmem>>
          %dma_start3A_156 = arith.constant 0 : i32
          %dma_start3A_157 = arith.constant 0 : i32
          %dma_start3A_158 = tpu.memref_slice %arg2[%dma_start3A_156, %dma_start3A_157] : memref<10240x128xf32, #tpu.memory_space<hbm>> -> memref<10240x128xf32, #tpu.memory_space<hbm>>
          tpu.enqueue_indirect_dma source(%dma_start3A_158 : memref<10240x128xf32, #tpu.memory_space<hbm>>) target(%arg8 : memref<128x128xf32, #tpu.memory_space<vmem>>) offsets(%dma_start3A_155 : memref<128xi32, #tpu.memory_space<vmem>>) semaphore(%arg11 : memref<!tpu.dma_semaphore, #tpu.memory_space<semaphore_mem>>)
        } else {
        }
        "tpu.region"() ({
          %run_scoped3A = tpu.sem_alloc : memref<!tpu.dma_semaphore, #tpu.memory_space<semaphore_mem>>
          %dma_start3A_151 = arith.constant 0 : i32
          %dma_start3A_152 = tpu.memref_slice %arg7[%add3A_129, %dma_start3A_151] : memref<40x128xi32, #tpu.memory_space<vmem>> -> memref<1x128xi32, #tpu.memory_space<vmem>>
          %dma_start3A_153 = tpu.memref_squeeze %dma_start3A_152 : memref<1x128xi32, #tpu.memory_space<vmem>> -> memref<128xi32, #tpu.memory_space<vmem>>
          %dma_start3A_154 = arith.constant 0 : i32
          %dma_start3A_155 = arith.constant 0 : i32
          %dma_start3A_156 = tpu.memref_slice %arg10[%dma_start3A_154, %dma_start3A_155] : memref<10240x128xf32, #tpu.memory_space<vmem_shared>> -> memref<10240x128xf32, #tpu.memory_space<vmem_shared>>
          tpu.enqueue_indirect_dma source(%arg9 : memref<128x128xf32, #tpu.memory_space<vmem>>) target(%dma_start3A_156 : memref<10240x128xf32, #tpu.memory_space<vmem_shared>>) offsets(%dma_start3A_153 : memref<128xi32, #tpu.memory_space<vmem>>) semaphore(%run_scoped3A : memref<!tpu.dma_semaphore, #tpu.memory_space<semaphore_mem>>) {add = true}
          %dma_wait3A_157 = arith.constant 0 : i32
          %dma_wait3A_158 = tpu.memref_slice %arg7[%add3A_129, %dma_wait3A_157] : memref<40x128xi32, #tpu.memory_space<vmem>> -> memref<1x128xi32, #tpu.memory_space<vmem>>
          %dma_wait3A_159 = tpu.memref_squeeze %dma_wait3A_158 : memref<1x128xi32, #tpu.memory_space<vmem>> -> memref<128xi32, #tpu.memory_space<vmem>>
          %dma_wait3A_160 = arith.constant 0 : i32
          %dma_wait3A_161 = arith.constant 0 : i32
          %dma_wait3A_162 = tpu.memref_slice %arg10[%dma_wait3A_160, %dma_wait3A_161] : memref<10240x128xf32, #tpu.memory_space<vmem_shared>> -> memref<10240x128xf32, #tpu.memory_space<vmem_shared>>
          tpu.wait_indirect_dma semaphore(%run_scoped3A : memref<!tpu.dma_semaphore, #tpu.memory_space<semaphore_mem>>) src(%arg9 : memref<128x128xf32, #tpu.memory_space<vmem>>) dst(%dma_wait3A_162 : memref<10240x128xf32, #tpu.memory_space<vmem_shared>>)
          tpu.yield
        }) : () -> ()
        %while3A_150 = arith.constant 0 : i32
        scf.yield %while3A_150 : i32
      }
      %while3A_123 = arith.constant 0 : i32
      scf.yield %while3A_123 : i32
    }
    %while3A_65 = arith.constant 1 : i32
    %while3A_66 = scf.for %while3A_72 = %while3A_62 to %while3A_58 step %while3A_65 iter_args(%while3A_73 = %while3A_64) -> (i32)  : i32 {
      %mul3A_74 = arith.constant 40 : i32
      %mul3A_75 = arith.muli %while3A_72, %mul3A_74 : i32
      %add3A_76 = arith.addi %add3A_6, %mul3A_75 : i32
      %mul3A_77 = arith.constant 40 : i32
      %mul3A_78 = arith.muli %while3A_72, %mul3A_77 : i32
      %sub3A_79 = arith.subi %select_n3A, %mul3A_78 : i32
      %min3A = arith.constant 40 : i32
      %min3A_80 = arith.minsi %sub3A_79, %min3A : i32
      "tpu.region"() ({
        %run_scoped3A = tpu.sem_alloc : memref<!tpu.dma_semaphore, #tpu.memory_space<semaphore_mem>>
        %dma_start3A_124 = arith.constant 0 : i32
        %dma_start3A_125 = tpu.memref_slice %arg3[%add3A_76, %dma_start3A_124] : memref<2600x128xi32, #tpu.memory_space<hbm>> -> memref<40x128xi32, #tpu.memory_space<hbm>>
        %dma_start3A_126 = arith.constant 0 : i32
        %dma_start3A_127 = tpu.memref_slice %arg3[%add3A_76, %dma_start3A_126] : memref<2600x128xi32, #tpu.memory_space<hbm>> -> memref<40x128xi32, #tpu.memory_space<hbm>>
        tpu.enqueue_dma source(%dma_start3A_127 : memref<40x128xi32, #tpu.memory_space<hbm>>) target(%arg6 : memref<40x128xi32, #tpu.memory_space<vmem>>) target_semaphore(%run_scoped3A : memref<!tpu.dma_semaphore, #tpu.memory_space<semaphore_mem>>)
        %dma_wait3A = arith.constant 0 : i32
        %dma_wait3A_128 = tpu.memref_slice %arg3[%add3A_76, %dma_wait3A] : memref<2600x128xi32, #tpu.memory_space<hbm>> -> memref<40x128xi32, #tpu.memory_space<hbm>>
        %dma_wait3A_129 = arith.constant 0 : i32
        %dma_wait3A_130 = tpu.memref_slice %arg3[%add3A_76, %dma_wait3A_129] : memref<2600x128xi32, #tpu.memory_space<hbm>> -> memref<40x128xi32, #tpu.memory_space<hbm>>
        tpu.wait_dma2 semaphore(%run_scoped3A : memref<!tpu.dma_semaphore, #tpu.memory_space<semaphore_mem>>) src(%dma_wait3A_130 : memref<40x128xi32, #tpu.memory_space<hbm>>) dst(%arg6 : memref<40x128xi32, #tpu.memory_space<vmem>>)
        tpu.yield
      }) : () -> ()
      "tpu.region"() ({
        %run_scoped3A = tpu.sem_alloc : memref<!tpu.dma_semaphore, #tpu.memory_space<semaphore_mem>>
        %dma_start3A_124 = arith.constant 0 : i32
        %dma_start3A_125 = tpu.memref_slice %arg4[%add3A_76, %dma_start3A_124] : memref<2600x128xi32, #tpu.memory_space<hbm>> -> memref<40x128xi32, #tpu.memory_space<hbm>>
        %dma_start3A_126 = arith.constant 0 : i32
        %dma_start3A_127 = tpu.memref_slice %arg4[%add3A_76, %dma_start3A_126] : memref<2600x128xi32, #tpu.memory_space<hbm>> -> memref<40x128xi32, #tpu.memory_space<hbm>>
        tpu.enqueue_dma source(%dma_start3A_127 : memref<40x128xi32, #tpu.memory_space<hbm>>) target(%arg7 : memref<40x128xi32, #tpu.memory_space<vmem>>) target_semaphore(%run_scoped3A : memref<!tpu.dma_semaphore, #tpu.memory_space<semaphore_mem>>)
        %dma_wait3A = arith.constant 0 : i32
        %dma_wait3A_128 = tpu.memref_slice %arg4[%add3A_76, %dma_wait3A] : memref<2600x128xi32, #tpu.memory_space<hbm>> -> memref<40x128xi32, #tpu.memory_space<hbm>>
        %dma_wait3A_129 = arith.constant 0 : i32
        %dma_wait3A_130 = tpu.memref_slice %arg4[%add3A_76, %dma_wait3A_129] : memref<2600x128xi32, #tpu.memory_space<hbm>> -> memref<40x128xi32, #tpu.memory_space<hbm>>
        tpu.wait_dma2 semaphore(%run_scoped3A : memref<!tpu.dma_semaphore, #tpu.memory_space<semaphore_mem>>) src(%dma_wait3A_130 : memref<40x128xi32, #tpu.memory_space<hbm>>) dst(%arg7 : memref<40x128xi32, #tpu.memory_space<vmem>>)
        tpu.yield
      }) : () -> ()
      %dma_start3A = arith.constant 0 : i32
      %dma_start3A_81 = arith.constant 0 : i32
      %dma_start3A_82 = tpu.memref_slice %arg6[%dma_start3A, %dma_start3A_81] : memref<40x128xi32, #tpu.memory_space<vmem>> -> memref<1x128xi32, #tpu.memory_space<vmem>>
      %dma_start3A_83 = tpu.memref_squeeze %dma_start3A_82 : memref<1x128xi32, #tpu.memory_space<vmem>> -> memref<128xi32, #tpu.memory_space<vmem>>
      %dma_start3A_84 = arith.constant 0 : i32
      %dma_start3A_85 = arith.constant 0 : i32
      %dma_start3A_86 = tpu.memref_slice %arg2[%dma_start3A_84, %dma_start3A_85] : memref<10240x128xf32, #tpu.memory_space<hbm>> -> memref<10240x128xf32, #tpu.memory_space<hbm>>
      tpu.enqueue_indirect_dma source(%dma_start3A_86 : memref<10240x128xf32, #tpu.memory_space<hbm>>) target(%arg8 : memref<128x128xf32, #tpu.memory_space<vmem>>) offsets(%dma_start3A_83 : memref<128xi32, #tpu.memory_space<vmem>>) semaphore(%arg11 : memref<!tpu.dma_semaphore, #tpu.memory_space<semaphore_mem>>)
      %jit3A_87 = arith.constant 2 : i32
      %div3A_88 = arith.divsi %min3A_80, %jit3A_87 : i32
      %sign3A_89 = arith.constant 0 : i32
      %sign3A_90 = arith.cmpi sgt, %min3A_80, %sign3A_89 : i32
      %sign3A_91 = arith.extui %sign3A_90 : i1 to i32
      %sign3A_92 = arith.constant 0 : i32
      %sign3A_93 = arith.cmpi slt, %min3A_80, %sign3A_92 : i32
      %sign3A_94 = arith.extui %sign3A_93 : i1 to i32
      %sign3A_95 = arith.subi %sign3A_91, %sign3A_94 : i32
      %sign3A_96 = arith.constant 0 : i32
      %sign3A_97 = arith.cmpi sgt, %jit3A_87, %sign3A_96 : i32
      %sign3A_98 = arith.extui %sign3A_97 : i1 to i32
      %sign3A_99 = arith.constant 0 : i32
      %sign3A_100 = arith.cmpi slt, %jit3A_87, %sign3A_99 : i32
      %sign3A_101 = arith.extui %sign3A_100 : i1 to i32
      %sign3A_102 = arith.subi %sign3A_98, %sign3A_101 : i32
      %ne3A_103 = arith.cmpi ne, %sign3A_95, %sign3A_102 : i32
      %rem3A_104 = arith.remsi %min3A_80, %jit3A_87 : i32
      %ne3A_105 = arith.constant 0 : i32
      %ne3A_106 = arith.cmpi ne, %rem3A_104, %ne3A_105 : i32
      %and3A_107 = arith.andi %ne3A_103, %ne3A_106 : i1
      %sub3A_108 = arith.constant 1 : i32
      %sub3A_109 = arith.subi %div3A_88, %sub3A_108 : i32
      %select_n3A_110 = arith.select %and3A_107, %sub3A_109, %div3A_88 : i32
      %while3A_111 = arith.constant 0 : i32
      %while3A_112 = arith.constant 0 : i32
      %while3A_113 = arith.subi %select_n3A_110, %while3A_111 : i32
      %while3A_114 = arith.addi %while3A_111, %while3A_113 : i32
      %while3A_115 = arith.constant 1 : i32
      %while3A_116 = arith.divsi %while3A_113, %while3A_115 : i32
      %while3A_117 = arith.muli %while3A_116, %while3A_115 : i32
      %while3A_118 = arith.addi %while3A_111, %while3A_117 : i32
      %while3A_119 = arith.constant 1 : i32
      %while3A_120 = scf.for %while3A_124 = %while3A_111 to %while3A_118 step %while3A_119 iter_args(%while3A_125 = %while3A_112) -> (i32)  : i32 {
        %mul3A_126 = arith.constant 2 : i32
        %mul3A_127 = arith.muli %while3A_124, %mul3A_126 : i32
        %add3A_128 = arith.constant 1 : i32
        %add3A_129 = arith.addi %mul3A_127, %add3A_128 : i32
        %dma_wait3A = arith.constant 0 : i32
        %dma_wait3A_130 = tpu.memref_slice %arg6[%mul3A_127, %dma_wait3A] : memref<40x128xi32, #tpu.memory_space<vmem>> -> memref<1x128xi32, #tpu.memory_space<vmem>>
        %dma_wait3A_131 = tpu.memref_squeeze %dma_wait3A_130 : memref<1x128xi32, #tpu.memory_space<vmem>> -> memref<128xi32, #tpu.memory_space<vmem>>
        %dma_wait3A_132 = arith.constant 0 : i32
        %dma_wait3A_133 = arith.constant 0 : i32
        %dma_wait3A_134 = tpu.memref_slice %arg2[%dma_wait3A_132, %dma_wait3A_133] : memref<10240x128xf32, #tpu.memory_space<hbm>> -> memref<10240x128xf32, #tpu.memory_space<hbm>>
        tpu.wait_indirect_dma semaphore(%arg11 : memref<!tpu.dma_semaphore, #tpu.memory_space<semaphore_mem>>) src(%dma_wait3A_134 : memref<10240x128xf32, #tpu.memory_space<hbm>>) dst(%arg8 : memref<128x128xf32, #tpu.memory_space<vmem>>)
        %dma_start3A_135 = arith.constant 0 : i32
        %dma_start3A_136 = tpu.memref_slice %arg6[%add3A_129, %dma_start3A_135] : memref<40x128xi32, #tpu.memory_space<vmem>> -> memref<1x128xi32, #tpu.memory_space<vmem>>
        %dma_start3A_137 = tpu.memref_squeeze %dma_start3A_136 : memref<1x128xi32, #tpu.memory_space<vmem>> -> memref<128xi32, #tpu.memory_space<vmem>>
        %dma_start3A_138 = arith.constant 0 : i32
        %dma_start3A_139 = arith.constant 0 : i32
        %dma_start3A_140 = tpu.memref_slice %arg2[%dma_start3A_138, %dma_start3A_139] : memref<10240x128xf32, #tpu.memory_space<hbm>> -> memref<10240x128xf32, #tpu.memory_space<hbm>>
        tpu.enqueue_indirect_dma source(%dma_start3A_140 : memref<10240x128xf32, #tpu.memory_space<hbm>>) target(%arg9 : memref<128x128xf32, #tpu.memory_space<vmem>>) offsets(%dma_start3A_137 : memref<128xi32, #tpu.memory_space<vmem>>) semaphore(%arg12 : memref<!tpu.dma_semaphore, #tpu.memory_space<semaphore_mem>>)
        "tpu.region"() ({
          %run_scoped3A = tpu.sem_alloc : memref<!tpu.dma_semaphore, #tpu.memory_space<semaphore_mem>>
          %dma_start3A_151 = arith.constant 0 : i32
          %dma_start3A_152 = tpu.memref_slice %arg7[%mul3A_127, %dma_start3A_151] : memref<40x128xi32, #tpu.memory_space<vmem>> -> memref<1x128xi32, #tpu.memory_space<vmem>>
          %dma_start3A_153 = tpu.memref_squeeze %dma_start3A_152 : memref<1x128xi32, #tpu.memory_space<vmem>> -> memref<128xi32, #tpu.memory_space<vmem>>
          %dma_start3A_154 = arith.constant 0 : i32
          %dma_start3A_155 = arith.constant 0 : i32
          %dma_start3A_156 = tpu.memref_slice %arg10[%dma_start3A_154, %dma_start3A_155] : memref<10240x128xf32, #tpu.memory_space<vmem_shared>> -> memref<10240x128xf32, #tpu.memory_space<vmem_shared>>
          tpu.enqueue_indirect_dma source(%arg8 : memref<128x128xf32, #tpu.memory_space<vmem>>) target(%dma_start3A_156 : memref<10240x128xf32, #tpu.memory_space<vmem_shared>>) offsets(%dma_start3A_153 : memref<128xi32, #tpu.memory_space<vmem>>) semaphore(%run_scoped3A : memref<!tpu.dma_semaphore, #tpu.memory_space<semaphore_mem>>) {add = true}
          %dma_wait3A_157 = arith.constant 0 : i32
          %dma_wait3A_158 = tpu.memref_slice %arg7[%mul3A_127, %dma_wait3A_157] : memref<40x128xi32, #tpu.memory_space<vmem>> -> memref<1x128xi32, #tpu.memory_space<vmem>>
          %dma_wait3A_159 = tpu.memref_squeeze %dma_wait3A_158 : memref<1x128xi32, #tpu.memory_space<vmem>> -> memref<128xi32, #tpu.memory_space<vmem>>
          %dma_wait3A_160 = arith.constant 0 : i32
          %dma_wait3A_161 = arith.constant 0 : i32
          %dma_wait3A_162 = tpu.memref_slice %arg10[%dma_wait3A_160, %dma_wait3A_161] : memref<10240x128xf32, #tpu.memory_space<vmem_shared>> -> memref<10240x128xf32, #tpu.memory_space<vmem_shared>>
          tpu.wait_indirect_dma semaphore(%run_scoped3A : memref<!tpu.dma_semaphore, #tpu.memory_space<semaphore_mem>>) src(%arg8 : memref<128x128xf32, #tpu.memory_space<vmem>>) dst(%dma_wait3A_162 : memref<10240x128xf32, #tpu.memory_space<vmem_shared>>)
          tpu.yield
        }) : () -> ()
        %dma_wait3A_141 = arith.constant 0 : i32
        %dma_wait3A_142 = tpu.memref_slice %arg6[%add3A_129, %dma_wait3A_141] : memref<40x128xi32, #tpu.memory_space<vmem>> -> memref<1x128xi32, #tpu.memory_space<vmem>>
        %dma_wait3A_143 = tpu.memref_squeeze %dma_wait3A_142 : memref<1x128xi32, #tpu.memory_space<vmem>> -> memref<128xi32, #tpu.memory_space<vmem>>
        %dma_wait3A_144 = arith.constant 0 : i32
        %dma_wait3A_145 = arith.constant 0 : i32
        %dma_wait3A_146 = tpu.memref_slice %arg2[%dma_wait3A_144, %dma_wait3A_145] : memref<10240x128xf32, #tpu.memory_space<hbm>> -> memref<10240x128xf32, #tpu.memory_space<hbm>>
        tpu.wait_indirect_dma semaphore(%arg12 : memref<!tpu.dma_semaphore, #tpu.memory_space<semaphore_mem>>) src(%dma_wait3A_146 : memref<10240x128xf32, #tpu.memory_space<hbm>>) dst(%arg9 : memref<128x128xf32, #tpu.memory_space<vmem>>)
        %add3A_147 = arith.constant 1 : i32
        %add3A_148 = arith.addi %add3A_129, %add3A_147 : i32
        %lt3A = arith.cmpi slt, %add3A_148, %min3A_80 : i32
        %convert_element_type3A = arith.extui %lt3A : i1 to i32
        %cond3A = arith.constant 0 : i32
        %cond3A_149 = arith.cmpi ne, %convert_element_type3A, %cond3A : i32
        scf.if %cond3A_149 {
          %add3A_151 = arith.constant 1 : i32
          %add3A_152 = arith.addi %add3A_129, %add3A_151 : i32
          %dma_start3A_153 = arith.constant 0 : i32
          %dma_start3A_154 = tpu.memref_slice %arg6[%add3A_152, %dma_start3A_153] : memref<40x128xi32, #tpu.memory_space<vmem>> -> memref<1x128xi32, #tpu.memory_space<vmem>>
          %dma_start3A_155 = tpu.memref_squeeze %dma_start3A_154 : memref<1x128xi32, #tpu.memory_space<vmem>> -> memref<128xi32, #tpu.memory_space<vmem>>
          %dma_start3A_156 = arith.constant 0 : i32
          %dma_start3A_157 = arith.constant 0 : i32
          %dma_start3A_158 = tpu.memref_slice %arg2[%dma_start3A_156, %dma_start3A_157] : memref<10240x128xf32, #tpu.memory_space<hbm>> -> memref<10240x128xf32, #tpu.memory_space<hbm>>
          tpu.enqueue_indirect_dma source(%dma_start3A_158 : memref<10240x128xf32, #tpu.memory_space<hbm>>) target(%arg8 : memref<128x128xf32, #tpu.memory_space<vmem>>) offsets(%dma_start3A_155 : memref<128xi32, #tpu.memory_space<vmem>>) semaphore(%arg11 : memref<!tpu.dma_semaphore, #tpu.memory_space<semaphore_mem>>)
        } else {
        }
        "tpu.region"() ({
          %run_scoped3A = tpu.sem_alloc : memref<!tpu.dma_semaphore, #tpu.memory_space<semaphore_mem>>
          %dma_start3A_151 = arith.constant 0 : i32
          %dma_start3A_152 = tpu.memref_slice %arg7[%add3A_129, %dma_start3A_151] : memref<40x128xi32, #tpu.memory_space<vmem>> -> memref<1x128xi32, #tpu.memory_space<vmem>>
          %dma_start3A_153 = tpu.memref_squeeze %dma_start3A_152 : memref<1x128xi32, #tpu.memory_space<vmem>> -> memref<128xi32, #tpu.memory_space<vmem>>
          %dma_start3A_154 = arith.constant 0 : i32
          %dma_start3A_155 = arith.constant 0 : i32
          %dma_start3A_156 = tpu.memref_slice %arg10[%dma_start3A_154, %dma_start3A_155] : memref<10240x128xf32, #tpu.memory_space<vmem_shared>> -> memref<10240x128xf32, #tpu.memory_space<vmem_shared>>
          tpu.enqueue_indirect_dma source(%arg9 : memref<128x128xf32, #tpu.memory_space<vmem>>) target(%dma_start3A_156 : memref<10240x128xf32, #tpu.memory_space<vmem_shared>>) offsets(%dma_start3A_153 : memref<128xi32, #tpu.memory_space<vmem>>) semaphore(%run_scoped3A : memref<!tpu.dma_semaphore, #tpu.memory_space<semaphore_mem>>) {add = true}
          %dma_wait3A_157 = arith.constant 0 : i32
          %dma_wait3A_158 = tpu.memref_slice %arg7[%add3A_129, %dma_wait3A_157] : memref<40x128xi32, #tpu.memory_space<vmem>> -> memref<1x128xi32, #tpu.memory_space<vmem>>
          %dma_wait3A_159 = tpu.memref_squeeze %dma_wait3A_158 : memref<1x128xi32, #tpu.memory_space<vmem>> -> memref<128xi32, #tpu.memory_space<vmem>>
          %dma_wait3A_160 = arith.constant 0 : i32
          %dma_wait3A_161 = arith.constant 0 : i32
          %dma_wait3A_162 = tpu.memref_slice %arg10[%dma_wait3A_160, %dma_wait3A_161] : memref<10240x128xf32, #tpu.memory_space<vmem_shared>> -> memref<10240x128xf32, #tpu.memory_space<vmem_shared>>
          tpu.wait_indirect_dma semaphore(%run_scoped3A : memref<!tpu.dma_semaphore, #tpu.memory_space<semaphore_mem>>) src(%arg9 : memref<128x128xf32, #tpu.memory_space<vmem>>) dst(%dma_wait3A_162 : memref<10240x128xf32, #tpu.memory_space<vmem_shared>>)
          tpu.yield
        }) : () -> ()
        %while3A_150 = arith.constant 0 : i32
        scf.yield %while3A_150 : i32
      }
      %while3A_121 = arith.constant 1 : i32
      %while3A_122 = scf.for %while3A_124 = %while3A_118 to %while3A_114 step %while3A_121 iter_args(%while3A_125 = %while3A_120) -> (i32)  : i32 {
        %mul3A_126 = arith.constant 2 : i32
        %mul3A_127 = arith.muli %while3A_124, %mul3A_126 : i32
        %add3A_128 = arith.constant 1 : i32
        %add3A_129 = arith.addi %mul3A_127, %add3A_128 : i32
        %dma_wait3A = arith.constant 0 : i32
        %dma_wait3A_130 = tpu.memref_slice %arg6[%mul3A_127, %dma_wait3A] : memref<40x128xi32, #tpu.memory_space<vmem>> -> memref<1x128xi32, #tpu.memory_space<vmem>>
        %dma_wait3A_131 = tpu.memref_squeeze %dma_wait3A_130 : memref<1x128xi32, #tpu.memory_space<vmem>> -> memref<128xi32, #tpu.memory_space<vmem>>
        %dma_wait3A_132 = arith.constant 0 : i32
        %dma_wait3A_133 = arith.constant 0 : i32
        %dma_wait3A_134 = tpu.memref_slice %arg2[%dma_wait3A_132, %dma_wait3A_133] : memref<10240x128xf32, #tpu.memory_space<hbm>> -> memref<10240x128xf32, #tpu.memory_space<hbm>>
        tpu.wait_indirect_dma semaphore(%arg11 : memref<!tpu.dma_semaphore, #tpu.memory_space<semaphore_mem>>) src(%dma_wait3A_134 : memref<10240x128xf32, #tpu.memory_space<hbm>>) dst(%arg8 : memref<128x128xf32, #tpu.memory_space<vmem>>)
        %dma_start3A_135 = arith.constant 0 : i32
        %dma_start3A_136 = tpu.memref_slice %arg6[%add3A_129, %dma_start3A_135] : memref<40x128xi32, #tpu.memory_space<vmem>> -> memref<1x128xi32, #tpu.memory_space<vmem>>
        %dma_start3A_137 = tpu.memref_squeeze %dma_start3A_136 : memref<1x128xi32, #tpu.memory_space<vmem>> -> memref<128xi32, #tpu.memory_space<vmem>>
        %dma_start3A_138 = arith.constant 0 : i32
        %dma_start3A_139 = arith.constant 0 : i32
        %dma_start3A_140 = tpu.memref_slice %arg2[%dma_start3A_138, %dma_start3A_139] : memref<10240x128xf32, #tpu.memory_space<hbm>> -> memref<10240x128xf32, #tpu.memory_space<hbm>>
        tpu.enqueue_indirect_dma source(%dma_start3A_140 : memref<10240x128xf32, #tpu.memory_space<hbm>>) target(%arg9 : memref<128x128xf32, #tpu.memory_space<vmem>>) offsets(%dma_start3A_137 : memref<128xi32, #tpu.memory_space<vmem>>) semaphore(%arg12 : memref<!tpu.dma_semaphore, #tpu.memory_space<semaphore_mem>>)
        "tpu.region"() ({
          %run_scoped3A = tpu.sem_alloc : memref<!tpu.dma_semaphore, #tpu.memory_space<semaphore_mem>>
          %dma_start3A_151 = arith.constant 0 : i32
          %dma_start3A_152 = tpu.memref_slice %arg7[%mul3A_127, %dma_start3A_151] : memref<40x128xi32, #tpu.memory_space<vmem>> -> memref<1x128xi32, #tpu.memory_space<vmem>>
          %dma_start3A_153 = tpu.memref_squeeze %dma_start3A_152 : memref<1x128xi32, #tpu.memory_space<vmem>> -> memref<128xi32, #tpu.memory_space<vmem>>
          %dma_start3A_154 = arith.constant 0 : i32
          %dma_start3A_155 = arith.constant 0 : i32
          %dma_start3A_156 = tpu.memref_slice %arg10[%dma_start3A_154, %dma_start3A_155] : memref<10240x128xf32, #tpu.memory_space<vmem_shared>> -> memref<10240x128xf32, #tpu.memory_space<vmem_shared>>
          tpu.enqueue_indirect_dma source(%arg8 : memref<128x128xf32, #tpu.memory_space<vmem>>) target(%dma_start3A_156 : memref<10240x128xf32, #tpu.memory_space<vmem_shared>>) offsets(%dma_start3A_153 : memref<128xi32, #tpu.memory_space<vmem>>) semaphore(%run_scoped3A : memref<!tpu.dma_semaphore, #tpu.memory_space<semaphore_mem>>) {add = true}
          %dma_wait3A_157 = arith.constant 0 : i32
          %dma_wait3A_158 = tpu.memref_slice %arg7[%mul3A_127, %dma_wait3A_157] : memref<40x128xi32, #tpu.memory_space<vmem>> -> memref<1x128xi32, #tpu.memory_space<vmem>>
          %dma_wait3A_159 = tpu.memref_squeeze %dma_wait3A_158 : memref<1x128xi32, #tpu.memory_space<vmem>> -> memref<128xi32, #tpu.memory_space<vmem>>
          %dma_wait3A_160 = arith.constant 0 : i32
          %dma_wait3A_161 = arith.constant 0 : i32
          %dma_wait3A_162 = tpu.memref_slice %arg10[%dma_wait3A_160, %dma_wait3A_161] : memref<10240x128xf32, #tpu.memory_space<vmem_shared>> -> memref<10240x128xf32, #tpu.memory_space<vmem_shared>>
          tpu.wait_indirect_dma semaphore(%run_scoped3A : memref<!tpu.dma_semaphore, #tpu.memory_space<semaphore_mem>>) src(%arg8 : memref<128x128xf32, #tpu.memory_space<vmem>>) dst(%dma_wait3A_162 : memref<10240x128xf32, #tpu.memory_space<vmem_shared>>)
          tpu.yield
        }) : () -> ()
        %dma_wait3A_141 = arith.constant 0 : i32
        %dma_wait3A_142 = tpu.memref_slice %arg6[%add3A_129, %dma_wait3A_141] : memref<40x128xi32, #tpu.memory_space<vmem>> -> memref<1x128xi32, #tpu.memory_space<vmem>>
        %dma_wait3A_143 = tpu.memref_squeeze %dma_wait3A_142 : memref<1x128xi32, #tpu.memory_space<vmem>> -> memref<128xi32, #tpu.memory_space<vmem>>
        %dma_wait3A_144 = arith.constant 0 : i32
        %dma_wait3A_145 = arith.constant 0 : i32
        %dma_wait3A_146 = tpu.memref_slice %arg2[%dma_wait3A_144, %dma_wait3A_145] : memref<10240x128xf32, #tpu.memory_space<hbm>> -> memref<10240x128xf32, #tpu.memory_space<hbm>>
        tpu.wait_indirect_dma semaphore(%arg12 : memref<!tpu.dma_semaphore, #tpu.memory_space<semaphore_mem>>) src(%dma_wait3A_146 : memref<10240x128xf32, #tpu.memory_space<hbm>>) dst(%arg9 : memref<128x128xf32, #tpu.memory_space<vmem>>)
        %add3A_147 = arith.constant 1 : i32
        %add3A_148 = arith.addi %add3A_129, %add3A_147 : i32
        %lt3A = arith.cmpi slt, %add3A_148, %min3A_80 : i32
        %convert_element_type3A = arith.extui %lt3A : i1 to i32
        %cond3A = arith.constant 0 : i32
        %cond3A_149 = arith.cmpi ne, %convert_element_type3A, %cond3A : i32
        scf.if %cond3A_149 {
          %add3A_151 = arith.constant 1 : i32
          %add3A_152 = arith.addi %add3A_129, %add3A_151 : i32
          %dma_start3A_153 = arith.constant 0 : i32
          %dma_start3A_154 = tpu.memref_slice %arg6[%add3A_152, %dma_start3A_153] : memref<40x128xi32, #tpu.memory_space<vmem>> -> memref<1x128xi32, #tpu.memory_space<vmem>>
          %dma_start3A_155 = tpu.memref_squeeze %dma_start3A_154 : memref<1x128xi32, #tpu.memory_space<vmem>> -> memref<128xi32, #tpu.memory_space<vmem>>
          %dma_start3A_156 = arith.constant 0 : i32
          %dma_start3A_157 = arith.constant 0 : i32
          %dma_start3A_158 = tpu.memref_slice %arg2[%dma_start3A_156, %dma_start3A_157] : memref<10240x128xf32, #tpu.memory_space<hbm>> -> memref<10240x128xf32, #tpu.memory_space<hbm>>
          tpu.enqueue_indirect_dma source(%dma_start3A_158 : memref<10240x128xf32, #tpu.memory_space<hbm>>) target(%arg8 : memref<128x128xf32, #tpu.memory_space<vmem>>) offsets(%dma_start3A_155 : memref<128xi32, #tpu.memory_space<vmem>>) semaphore(%arg11 : memref<!tpu.dma_semaphore, #tpu.memory_space<semaphore_mem>>)
        } else {
        }
        "tpu.region"() ({
          %run_scoped3A = tpu.sem_alloc : memref<!tpu.dma_semaphore, #tpu.memory_space<semaphore_mem>>
          %dma_start3A_151 = arith.constant 0 : i32
          %dma_start3A_152 = tpu.memref_slice %arg7[%add3A_129, %dma_start3A_151] : memref<40x128xi32, #tpu.memory_space<vmem>> -> memref<1x128xi32, #tpu.memory_space<vmem>>
          %dma_start3A_153 = tpu.memref_squeeze %dma_start3A_152 : memref<1x128xi32, #tpu.memory_space<vmem>> -> memref<128xi32, #tpu.memory_space<vmem>>
          %dma_start3A_154 = arith.constant 0 : i32
          %dma_start3A_155 = arith.constant 0 : i32
          %dma_start3A_156 = tpu.memref_slice %arg10[%dma_start3A_154, %dma_start3A_155] : memref<10240x128xf32, #tpu.memory_space<vmem_shared>> -> memref<10240x128xf32, #tpu.memory_space<vmem_shared>>
          tpu.enqueue_indirect_dma source(%arg9 : memref<128x128xf32, #tpu.memory_space<vmem>>) target(%dma_start3A_156 : memref<10240x128xf32, #tpu.memory_space<vmem_shared>>) offsets(%dma_start3A_153 : memref<128xi32, #tpu.memory_space<vmem>>) semaphore(%run_scoped3A : memref<!tpu.dma_semaphore, #tpu.memory_space<semaphore_mem>>) {add = true}
          %dma_wait3A_157 = arith.constant 0 : i32
          %dma_wait3A_158 = tpu.memref_slice %arg7[%add3A_129, %dma_wait3A_157] : memref<40x128xi32, #tpu.memory_space<vmem>> -> memref<1x128xi32, #tpu.memory_space<vmem>>
          %dma_wait3A_159 = tpu.memref_squeeze %dma_wait3A_158 : memref<1x128xi32, #tpu.memory_space<vmem>> -> memref<128xi32, #tpu.memory_space<vmem>>
          %dma_wait3A_160 = arith.constant 0 : i32
          %dma_wait3A_161 = arith.constant 0 : i32
          %dma_wait3A_162 = tpu.memref_slice %arg10[%dma_wait3A_160, %dma_wait3A_161] : memref<10240x128xf32, #tpu.memory_space<vmem_shared>> -> memref<10240x128xf32, #tpu.memory_space<vmem_shared>>
          tpu.wait_indirect_dma semaphore(%run_scoped3A : memref<!tpu.dma_semaphore, #tpu.memory_space<semaphore_mem>>) src(%arg9 : memref<128x128xf32, #tpu.memory_space<vmem>>) dst(%dma_wait3A_162 : memref<10240x128xf32, #tpu.memory_space<vmem_shared>>)
          tpu.yield
        }) : () -> ()
        %while3A_150 = arith.constant 0 : i32
        scf.yield %while3A_150 : i32
      }
      %while3A_123 = arith.constant 0 : i32
      scf.yield %while3A_123 : i32
    }
    %barrier3A_67 = arith.constant 0 : index
    tpu.barrier barrier_id(%barrier3A_67)
    %mul3A_68 = arith.constant 640 : i32
    %mul3A_69 = arith.muli %arg1, %mul3A_68 : i32
    %mul3A_70 = arith.constant 640 : i32
    %mul3A_71 = arith.muli %arg1, %mul3A_70 : i32
    "tpu.region"() ({
      %run_scoped3A = tpu.sem_alloc : memref<!tpu.dma_semaphore, #tpu.memory_space<semaphore_mem>>
      %dma_start3A = arith.constant 0 : i32
      %dma_start3A_72 = tpu.memref_slice %arg5[%arg0, %mul3A_71, %dma_start3A] : memref<2x10240x128xf32, #tpu.memory_space<hbm>> -> memref<1x640x128xf32, #tpu.memory_space<hbm>>
      %dma_start3A_73 = tpu.memref_squeeze %dma_start3A_72 : memref<1x640x128xf32, #tpu.memory_space<hbm>> -> memref<640x128xf32, #tpu.memory_space<hbm>>
      %dma_start3A_74 = arith.constant 0 : i32
      %dma_start3A_75 = tpu.memref_slice %arg10[%mul3A_69, %dma_start3A_74] : memref<10240x128xf32, #tpu.memory_space<vmem_shared>> -> memref<640x128xf32, #tpu.memory_space<vmem_shared>>
      tpu.enqueue_dma source(%dma_start3A_75 : memref<640x128xf32, #tpu.memory_space<vmem_shared>>) target(%dma_start3A_73 : memref<640x128xf32, #tpu.memory_space<hbm>>) target_semaphore(%run_scoped3A : memref<!tpu.dma_semaphore, #tpu.memory_space<semaphore_mem>>)
      %dma_wait3A = arith.constant 0 : i32
      %dma_wait3A_76 = tpu.memref_slice %arg5[%arg0, %mul3A_71, %dma_wait3A] : memref<2x10240x128xf32, #tpu.memory_space<hbm>> -> memref<1x640x128xf32, #tpu.memory_space<hbm>>
      %dma_wait3A_77 = tpu.memref_squeeze %dma_wait3A_76 : memref<1x640x128xf32, #tpu.memory_space<hbm>> -> memref<640x128xf32, #tpu.memory_space<hbm>>
      %dma_wait3A_78 = arith.constant 0 : i32
      %dma_wait3A_79 = tpu.memref_slice %arg10[%mul3A_69, %dma_wait3A_78] : memref<10240x128xf32, #tpu.memory_space<vmem_shared>> -> memref<640x128xf32, #tpu.memory_space<vmem_shared>>
      tpu.wait_dma2 semaphore(%run_scoped3A : memref<!tpu.dma_semaphore, #tpu.memory_space<semaphore_mem>>) src(%dma_wait3A_79 : memref<640x128xf32, #tpu.memory_space<vmem_shared>>) dst(%dma_wait3A_77 : memref<640x128xf32, #tpu.memory_space<hbm>>)
      tpu.yield
    }) : () -> ()
    return
  }
}

#map = affine_map<(d0, d1) -> (0, 0)>
#map1 = affine_map<(d0, d1) -> (0, 0, 0)>
module attributes {stable_mosaic.version = 14 : i64} {
  func.func @_hop_kernel(%arg0: i32, %arg1: i32, %arg2: memref<10240x128xf32, #tpu.memory_space<hbm>>, %arg3: memref<2600x128xi32, #tpu.memory_space<hbm>>, %arg4: memref<2600x128xi32, #tpu.memory_space<hbm>>, %arg5: memref<2x10240x128xf32, #tpu.memory_space<hbm>>, %arg6: memref<40x128xi32, #tpu.memory_space<vmem>>, %arg7: memref<40x128xi32, #tpu.memory_space<vmem>>, %arg8: memref<128x128xf32, #tpu.memory_space<vmem>>, %arg9: memref<128x128xf32, #tpu.memory_space<vmem>>, %arg10: memref<10240x128xf32, #tpu.memory_space<vmem_shared>>, %arg11: memref<!tpu.dma_semaphore, #tpu.memory_space<semaphore_mem>>, %arg12: memref<!tpu.dma_semaphore, #tpu.memory_space<semaphore_mem>>) attributes {dimension_semantics = [#tpu.dimension_semantics<core_parallel>, #tpu.dimension_semantics<subcore_parallel>], iteration_bounds = array<i64: 2, 16>, scalar_prefetch = 0 : i64, scratch_operands = 7 : i64, tpu.core_type = #tpu.core_type<sc_vector_subcore>, window_params = [{transform_indices = #map}, {transform_indices = #map}, {transform_indices = #map}, {transform_indices = #map1}]} {
    %mul3A = arith.constant 2 : i32
    %mul3A_0 = arith.muli %arg1, %mul3A : i32
    %add3A = arith.addi %mul3A_0, %arg0 : i32
    %eq3A = arith.constant 0 : i32
    %eq3A_1 = arith.cmpi eq, %arg0, %eq3A : i32
    %jit3A = arith.constant 128 : i32
    %jit3A_2 = arith.constant 32 : i32
    %select_n3A = arith.select %eq3A_1, %jit3A, %jit3A_2 : i32
    %mul3A_3 = arith.muli %arg1, %select_n3A : i32
    %mul3A_4 = arith.constant 2048 : i32
    %mul3A_5 = arith.muli %arg0, %mul3A_4 : i32
    %add3A_6 = arith.addi %mul3A_3, %mul3A_5 : i32
    %broadcast_in_dim3A = arith.constant 0.000000e+00 : f32
    %broadcast_in_dim3A_7 = vector.broadcast %broadcast_in_dim3A : f32 to vector<16xf32>
    %scan3A = arith.constant 0 : i32
    %scan3A_8 = arith.constant 0 : i32
    %scan3A_9 = arith.constant 128 : i32
    %scan3A_10 = arith.addi %scan3A_8, %scan3A_9 : i32
    %scan3A_11 = arith.constant 1 : i32
    %scan3A_12 = scf.for %scan3A_72 = %scan3A_8 to %scan3A_10 step %scan3A_11 iter_args(%scan3A_73 = %scan3A) -> (i32)  : i32 {
      %swap3A = arith.index_cast %scan3A_72 : i32 to index
      %swap3A_74 = arith.constant 0 : index
      %swap3A_75 = tpu.vector_load %arg8[%swap3A, %swap3A_74] {strides = array<i32>} : memref<128x128xf32, #tpu.memory_space<vmem>>, vector<1x16xf32>,
      %swap3A_76 = vector.shape_cast %swap3A_75 : vector<1x16xf32> to vector<16xf32>
      %swap3A_77 = vector.shape_cast %broadcast_in_dim3A_7 : vector<16xf32> to vector<1x16xf32>
      tpu.vector_store %arg8[%swap3A, %swap3A_74], %swap3A_77 {strides = array<i32>} : memref<128x128xf32, #tpu.memory_space<vmem>>, vector<1x16xf32>,
      %swap3A_78 = arith.index_cast %scan3A_72 : i32 to index
      %swap3A_79 = arith.constant 16 : index
      %swap3A_80 = tpu.vector_load %arg8[%swap3A_78, %swap3A_79] {strides = array<i32>} : memref<128x128xf32, #tpu.memory_space<vmem>>, vector<1x16xf32>,
      %swap3A_81 = vector.shape_cast %swap3A_80 : vector<1x16xf32> to vector<16xf32>
      %swap3A_82 = vector.shape_cast %broadcast_in_dim3A_7 : vector<16xf32> to vector<1x16xf32>
      tpu.vector_store %arg8[%swap3A_78, %swap3A_79], %swap3A_82 {strides = array<i32>} : memref<128x128xf32, #tpu.memory_space<vmem>>, vector<1x16xf32>,
      %swap3A_83 = arith.index_cast %scan3A_72 : i32 to index
      %swap3A_84 = arith.constant 32 : index
      %swap3A_85 = tpu.vector_load %arg8[%swap3A_83, %swap3A_84] {strides = array<i32>} : memref<128x128xf32, #tpu.memory_space<vmem>>, vector<1x16xf32>,
      %swap3A_86 = vector.shape_cast %swap3A_85 : vector<1x16xf32> to vector<16xf32>
      %swap3A_87 = vector.shape_cast %broadcast_in_dim3A_7 : vector<16xf32> to vector<1x16xf32>
      tpu.vector_store %arg8[%swap3A_83, %swap3A_84], %swap3A_87 {strides = array<i32>} : memref<128x128xf32, #tpu.memory_space<vmem>>, vector<1x16xf32>,
      %swap3A_88 = arith.index_cast %scan3A_72 : i32 to index
      %swap3A_89 = arith.constant 48 : index
      %swap3A_90 = tpu.vector_load %arg8[%swap3A_88, %swap3A_89] {strides = array<i32>} : memref<128x128xf32, #tpu.memory_space<vmem>>, vector<1x16xf32>,
      %swap3A_91 = vector.shape_cast %swap3A_90 : vector<1x16xf32> to vector<16xf32>
      %swap3A_92 = vector.shape_cast %broadcast_in_dim3A_7 : vector<16xf32> to vector<1x16xf32>
      tpu.vector_store %arg8[%swap3A_88, %swap3A_89], %swap3A_92 {strides = array<i32>} : memref<128x128xf32, #tpu.memory_space<vmem>>, vector<1x16xf32>,
      %swap3A_93 = arith.index_cast %scan3A_72 : i32 to index
      %swap3A_94 = arith.constant 64 : index
      %swap3A_95 = tpu.vector_load %arg8[%swap3A_93, %swap3A_94] {strides = array<i32>} : memref<128x128xf32, #tpu.memory_space<vmem>>, vector<1x16xf32>,
      %swap3A_96 = vector.shape_cast %swap3A_95 : vector<1x16xf32> to vector<16xf32>
      %swap3A_97 = vector.shape_cast %broadcast_in_dim3A_7 : vector<16xf32> to vector<1x16xf32>
      tpu.vector_store %arg8[%swap3A_93, %swap3A_94], %swap3A_97 {strides = array<i32>} : memref<128x128xf32, #tpu.memory_space<vmem>>, vector<1x16xf32>,
      %swap3A_98 = arith.index_cast %scan3A_72 : i32 to index
      %swap3A_99 = arith.constant 80 : index
      %swap3A_100 = tpu.vector_load %arg8[%swap3A_98, %swap3A_99] {strides = array<i32>} : memref<128x128xf32, #tpu.memory_space<vmem>>, vector<1x16xf32>,
      %swap3A_101 = vector.shape_cast %swap3A_100 : vector<1x16xf32> to vector<16xf32>
      %swap3A_102 = vector.shape_cast %broadcast_in_dim3A_7 : vector<16xf32> to vector<1x16xf32>
      tpu.vector_store %arg8[%swap3A_98, %swap3A_99], %swap3A_102 {strides = array<i32>} : memref<128x128xf32, #tpu.memory_space<vmem>>, vector<1x16xf32>,
      %swap3A_103 = arith.index_cast %scan3A_72 : i32 to index
      %swap3A_104 = arith.constant 96 : index
      %swap3A_105 = tpu.vector_load %arg8[%swap3A_103, %swap3A_104] {strides = array<i32>} : memref<128x128xf32, #tpu.memory_space<vmem>>, vector<1x16xf32>,
      %swap3A_106 = vector.shape_cast %swap3A_105 : vector<1x16xf32> to vector<16xf32>
      %swap3A_107 = vector.shape_cast %broadcast_in_dim3A_7 : vector<16xf32> to vector<1x16xf32>
      tpu.vector_store %arg8[%swap3A_103, %swap3A_104], %swap3A_107 {strides = array<i32>} : memref<128x128xf32, #tpu.memory_space<vmem>>, vector<1x16xf32>,
      %swap3A_108 = arith.index_cast %scan3A_72 : i32 to index
      %swap3A_109 = arith.constant 112 : index
      %swap3A_110 = tpu.vector_load %arg8[%swap3A_108, %swap3A_109] {strides = array<i32>} : memref<128x128xf32, #tpu.memory_space<vmem>>, vector<1x16xf32>,
      %swap3A_111 = vector.shape_cast %swap3A_110 : vector<1x16xf32> to vector<16xf32>
      %swap3A_112 = vector.shape_cast %broadcast_in_dim3A_7 : vector<16xf32> to vector<1x16xf32>
      tpu.vector_store %arg8[%swap3A_108, %swap3A_109], %swap3A_112 {strides = array<i32>} : memref<128x128xf32, #tpu.memory_space<vmem>>, vector<1x16xf32>,
      %scan3A_113 = arith.constant 0 : i32
      scf.yield %scan3A_113 : i32
    }
    %scan3A_13 = arith.constant 128 : i32
    %mul3A_14 = arith.constant 640 : i32
    %mul3A_15 = arith.muli %arg1, %mul3A_14 : i32
    %add3A_16 = arith.constant 0 : i32
    %add3A_17 = arith.addi %mul3A_15, %add3A_16 : i32
    "tpu.region"() ({
      %run_scoped3A = tpu.sem_alloc : memref<!tpu.dma_semaphore, #tpu.memory_space<semaphore_mem>>
      %dma_start3A = arith.constant 0 : i32
      %dma_start3A_72 = tpu.memref_slice %arg10[%add3A_17, %dma_start3A] : memref<10240x128xf32, #tpu.memory_space<vmem_shared>> -> memref<128x128xf32, #tpu.memory_space<vmem_shared>>
      %dma_start3A_73 = arith.constant 0 : i32
      %dma_start3A_74 = tpu.memref_slice %arg10[%add3A_17, %dma_start3A_73] : memref<10240x128xf32, #tpu.memory_space<vmem_shared>> -> memref<128x128xf32, #tpu.memory_space<vmem_shared>>
      tpu.enqueue_dma source(%arg8 : memref<128x128xf32, #tpu.memory_space<vmem>>) target(%dma_start3A_74 : memref<128x128xf32, #tpu.memory_space<vmem_shared>>) target_semaphore(%run_scoped3A : memref<!tpu.dma_semaphore, #tpu.memory_space<semaphore_mem>>)
      %dma_wait3A = arith.constant 0 : i32
      %dma_wait3A_75 = tpu.memref_slice %arg10[%add3A_17, %dma_wait3A] : memref<10240x128xf32, #tpu.memory_space<vmem_shared>> -> memref<128x128xf32, #tpu.memory_space<vmem_shared>>
      %dma_wait3A_76 = arith.constant 0 : i32
      %dma_wait3A_77 = tpu.memref_slice %arg10[%add3A_17, %dma_wait3A_76] : memref<10240x128xf32, #tpu.memory_space<vmem_shared>> -> memref<128x128xf32, #tpu.memory_space<vmem_shared>>
      tpu.wait_dma2 semaphore(%run_scoped3A : memref<!tpu.dma_semaphore, #tpu.memory_space<semaphore_mem>>) src(%arg8 : memref<128x128xf32, #tpu.memory_space<vmem>>) dst(%dma_wait3A_77 : memref<128x128xf32, #tpu.memory_space<vmem_shared>>)
      tpu.yield
    }) : () -> ()
    %mul3A_18 = arith.constant 640 : i32
    %mul3A_19 = arith.muli %arg1, %mul3A_18 : i32
    %add3A_20 = arith.constant 128 : i32
    %add3A_21 = arith.addi %mul3A_19, %add3A_20 : i32
    "tpu.region"() ({
      %run_scoped3A = tpu.sem_alloc : memref<!tpu.dma_semaphore, #tpu.memory_space<semaphore_mem>>
      %dma_start3A = arith.constant 0 : i32
      %dma_start3A_72 = tpu.memref_slice %arg10[%add3A_21, %dma_start3A] : memref<10240x128xf32, #tpu.memory_space<vmem_shared>> -> memref<128x128xf32, #tpu.memory_space<vmem_shared>>
      %dma_start3A_73 = arith.constant 0 : i32
      %dma_start3A_74 = tpu.memref_slice %arg10[%add3A_21, %dma_start3A_73] : memref<10240x128xf32, #tpu.memory_space<vmem_shared>> -> memref<128x128xf32, #tpu.memory_space<vmem_shared>>
      tpu.enqueue_dma source(%arg8 : memref<128x128xf32, #tpu.memory_space<vmem>>) target(%dma_start3A_74 : memref<128x128xf32, #tpu.memory_space<vmem_shared>>) target_semaphore(%run_scoped3A : memref<!tpu.dma_semaphore, #tpu.memory_space<semaphore_mem>>)
      %dma_wait3A = arith.constant 0 : i32
      %dma_wait3A_75 = tpu.memref_slice %arg10[%add3A_21, %dma_wait3A] : memref<10240x128xf32, #tpu.memory_space<vmem_shared>> -> memref<128x128xf32, #tpu.memory_space<vmem_shared>>
      %dma_wait3A_76 = arith.constant 0 : i32
      %dma_wait3A_77 = tpu.memref_slice %arg10[%add3A_21, %dma_wait3A_76] : memref<10240x128xf32, #tpu.memory_space<vmem_shared>> -> memref<128x128xf32, #tpu.memory_space<vmem_shared>>
      tpu.wait_dma2 semaphore(%run_scoped3A : memref<!tpu.dma_semaphore, #tpu.memory_space<semaphore_mem>>) src(%arg8 : memref<128x128xf32, #tpu.memory_space<vmem>>) dst(%dma_wait3A_77 : memref<128x128xf32, #tpu.memory_space<vmem_shared>>)
      tpu.yield
    }) : () -> ()
    %mul3A_22 = arith.constant 640 : i32
    %mul3A_23 = arith.muli %arg1, %mul3A_22 : i32
    %add3A_24 = arith.constant 256 : i32
    %add3A_25 = arith.addi %mul3A_23, %add3A_24 : i32
    "tpu.region"() ({
      %run_scoped3A = tpu.sem_alloc : memref<!tpu.dma_semaphore, #tpu.memory_space<semaphore_mem>>
      %dma_start3A = arith.constant 0 : i32
      %dma_start3A_72 = tpu.memref_slice %arg10[%add3A_25, %dma_start3A] : memref<10240x128xf32, #tpu.memory_space<vmem_shared>> -> memref<128x128xf32, #tpu.memory_space<vmem_shared>>
      %dma_start3A_73 = arith.constant 0 : i32
      %dma_start3A_74 = tpu.memref_slice %arg10[%add3A_25, %dma_start3A_73] : memref<10240x128xf32, #tpu.memory_space<vmem_shared>> -> memref<128x128xf32, #tpu.memory_space<vmem_shared>>
      tpu.enqueue_dma source(%arg8 : memref<128x128xf32, #tpu.memory_space<vmem>>) target(%dma_start3A_74 : memref<128x128xf32, #tpu.memory_space<vmem_shared>>) target_semaphore(%run_scoped3A : memref<!tpu.dma_semaphore, #tpu.memory_space<semaphore_mem>>)
      %dma_wait3A = arith.constant 0 : i32
      %dma_wait3A_75 = tpu.memref_slice %arg10[%add3A_25, %dma_wait3A] : memref<10240x128xf32, #tpu.memory_space<vmem_shared>> -> memref<128x128xf32, #tpu.memory_space<vmem_shared>>
      %dma_wait3A_76 = arith.constant 0 : i32
      %dma_wait3A_77 = tpu.memref_slice %arg10[%add3A_25, %dma_wait3A_76] : memref<10240x128xf32, #tpu.memory_space<vmem_shared>> -> memref<128x128xf32, #tpu.memory_space<vmem_shared>>
      tpu.wait_dma2 semaphore(%run_scoped3A : memref<!tpu.dma_semaphore, #tpu.memory_space<semaphore_mem>>) src(%arg8 : memref<128x128xf32, #tpu.memory_space<vmem>>) dst(%dma_wait3A_77 : memref<128x128xf32, #tpu.memory_space<vmem_shared>>)
      tpu.yield
    }) : () -> ()
    %mul3A_26 = arith.constant 640 : i32
    %mul3A_27 = arith.muli %arg1, %mul3A_26 : i32
    %add3A_28 = arith.constant 384 : i32
    %add3A_29 = arith.addi %mul3A_27, %add3A_28 : i32
    "tpu.region"() ({
      %run_scoped3A = tpu.sem_alloc : memref<!tpu.dma_semaphore, #tpu.memory_space<semaphore_mem>>
      %dma_start3A = arith.constant 0 : i32
      %dma_start3A_72 = tpu.memref_slice %arg10[%add3A_29, %dma_start3A] : memref<10240x128xf32, #tpu.memory_space<vmem_shared>> -> memref<128x128xf32, #tpu.memory_space<vmem_shared>>
      %dma_start3A_73 = arith.constant 0 : i32
      %dma_start3A_74 = tpu.memref_slice %arg10[%add3A_29, %dma_start3A_73] : memref<10240x128xf32, #tpu.memory_space<vmem_shared>> -> memref<128x128xf32, #tpu.memory_space<vmem_shared>>
      tpu.enqueue_dma source(%arg8 : memref<128x128xf32, #tpu.memory_space<vmem>>) target(%dma_start3A_74 : memref<128x128xf32, #tpu.memory_space<vmem_shared>>) target_semaphore(%run_scoped3A : memref<!tpu.dma_semaphore, #tpu.memory_space<semaphore_mem>>)
      %dma_wait3A = arith.constant 0 : i32
      %dma_wait3A_75 = tpu.memref_slice %arg10[%add3A_29, %dma_wait3A] : memref<10240x128xf32, #tpu.memory_space<vmem_shared>> -> memref<128x128xf32, #tpu.memory_space<vmem_shared>>
      %dma_wait3A_76 = arith.constant 0 : i32
      %dma_wait3A_77 = tpu.memref_slice %arg10[%add3A_29, %dma_wait3A_76] : memref<10240x128xf32, #tpu.memory_space<vmem_shared>> -> memref<128x128xf32, #tpu.memory_space<vmem_shared>>
      tpu.wait_dma2 semaphore(%run_scoped3A : memref<!tpu.dma_semaphore, #tpu.memory_space<semaphore_mem>>) src(%arg8 : memref<128x128xf32, #tpu.memory_space<vmem>>) dst(%dma_wait3A_77 : memref<128x128xf32, #tpu.memory_space<vmem_shared>>)
      tpu.yield
    }) : () -> ()
    %mul3A_30 = arith.constant 640 : i32
    %mul3A_31 = arith.muli %arg1, %mul3A_30 : i32
    %add3A_32 = arith.constant 512 : i32
    %add3A_33 = arith.addi %mul3A_31, %add3A_32 : i32
    "tpu.region"() ({
      %run_scoped3A = tpu.sem_alloc : memref<!tpu.dma_semaphore, #tpu.memory_space<semaphore_mem>>
      %dma_start3A = arith.constant 0 : i32
      %dma_start3A_72 = tpu.memref_slice %arg10[%add3A_33, %dma_start3A] : memref<10240x128xf32, #tpu.memory_space<vmem_shared>> -> memref<128x128xf32, #tpu.memory_space<vmem_shared>>
      %dma_start3A_73 = arith.constant 0 : i32
      %dma_start3A_74 = tpu.memref_slice %arg10[%add3A_33, %dma_start3A_73] : memref<10240x128xf32, #tpu.memory_space<vmem_shared>> -> memref<128x128xf32, #tpu.memory_space<vmem_shared>>
      tpu.enqueue_dma source(%arg8 : memref<128x128xf32, #tpu.memory_space<vmem>>) target(%dma_start3A_74 : memref<128x128xf32, #tpu.memory_space<vmem_shared>>) target_semaphore(%run_scoped3A : memref<!tpu.dma_semaphore, #tpu.memory_space<semaphore_mem>>)
      %dma_wait3A = arith.constant 0 : i32
      %dma_wait3A_75 = tpu.memref_slice %arg10[%add3A_33, %dma_wait3A] : memref<10240x128xf32, #tpu.memory_space<vmem_shared>> -> memref<128x128xf32, #tpu.memory_space<vmem_shared>>
      %dma_wait3A_76 = arith.constant 0 : i32
      %dma_wait3A_77 = tpu.memref_slice %arg10[%add3A_33, %dma_wait3A_76] : memref<10240x128xf32, #tpu.memory_space<vmem_shared>> -> memref<128x128xf32, #tpu.memory_space<vmem_shared>>
      tpu.wait_dma2 semaphore(%run_scoped3A : memref<!tpu.dma_semaphore, #tpu.memory_space<semaphore_mem>>) src(%arg8 : memref<128x128xf32, #tpu.memory_space<vmem>>) dst(%dma_wait3A_77 : memref<128x128xf32, #tpu.memory_space<vmem_shared>>)
      tpu.yield
    }) : () -> ()
    %barrier3A = arith.constant 0 : index
    tpu.barrier barrier_id(%barrier3A)
    %add3A_34 = arith.constant 40 : i32
    %add3A_35 = arith.addi %select_n3A, %add3A_34 : i32
    %sub3A = arith.constant 1 : i32
    %sub3A_36 = arith.subi %add3A_35, %sub3A : i32
    %jit3A_37 = arith.constant 40 : i32
    %div3A = arith.divsi %sub3A_36, %jit3A_37 : i32
    %sign3A = arith.constant 0 : i32
    %sign3A_38 = arith.cmpi sgt, %sub3A_36, %sign3A : i32
    %sign3A_39 = arith.extui %sign3A_38 : i1 to i32
    %sign3A_40 = arith.constant 0 : i32
    %sign3A_41 = arith.cmpi slt, %sub3A_36, %sign3A_40 : i32
    %sign3A_42 = arith.extui %sign3A_41 : i1 to i32
    %sign3A_43 = arith.subi %sign3A_39, %sign3A_42 : i32
    %sign3A_44 = arith.constant 0 : i32
    %sign3A_45 = arith.cmpi sgt, %jit3A_37, %sign3A_44 : i32
    %sign3A_46 = arith.extui %sign3A_45 : i1 to i32
    %sign3A_47 = arith.constant 0 : i32
    %sign3A_48 = arith.cmpi slt, %jit3A_37, %sign3A_47 : i32
    %sign3A_49 = arith.extui %sign3A_48 : i1 to i32
    %sign3A_50 = arith.subi %sign3A_46, %sign3A_49 : i32
    %ne3A = arith.cmpi ne, %sign3A_43, %sign3A_50 : i32
    %rem3A = arith.remsi %sub3A_36, %jit3A_37 : i32
    %ne3A_51 = arith.constant 0 : i32
    %ne3A_52 = arith.cmpi ne, %rem3A, %ne3A_51 : i32
    %and3A = arith.andi %ne3A, %ne3A_52 : i1
    %sub3A_53 = arith.constant 1 : i32
    %sub3A_54 = arith.subi %div3A, %sub3A_53 : i32
    %select_n3A_55 = arith.select %and3A, %sub3A_54, %div3A : i32
    %while3A = arith.constant 0 : i32
    %while3A_56 = arith.constant 0 : i32
    %while3A_57 = arith.subi %select_n3A_55, %while3A : i32
    %while3A_58 = arith.addi %while3A, %while3A_57 : i32
    %while3A_59 = arith.constant 1 : i32
    %while3A_60 = arith.divsi %while3A_57, %while3A_59 : i32
    %while3A_61 = arith.muli %while3A_60, %while3A_59 : i32
    %while3A_62 = arith.addi %while3A, %while3A_61 : i32
    %while3A_63 = arith.constant 1 : i32
    %while3A_64 = scf.for %while3A_72 = %while3A to %while3A_62 step %while3A_63 iter_args(%while3A_73 = %while3A_56) -> (i32)  : i32 {
      %mul3A_74 = arith.constant 40 : i32
      %mul3A_75 = arith.muli %while3A_72, %mul3A_74 : i32
      %add3A_76 = arith.addi %add3A_6, %mul3A_75 : i32
      %mul3A_77 = arith.constant 40 : i32
      %mul3A_78 = arith.muli %while3A_72, %mul3A_77 : i32
      %sub3A_79 = arith.subi %select_n3A, %mul3A_78 : i32
      %min3A = arith.constant 40 : i32
      %min3A_80 = arith.minsi %sub3A_79, %min3A : i32
      "tpu.region"() ({
        %run_scoped3A = tpu.sem_alloc : memref<!tpu.dma_semaphore, #tpu.memory_space<semaphore_mem>>
        %dma_start3A_124 = arith.constant 0 : i32
        %dma_start3A_125 = tpu.memref_slice %arg3[%add3A_76, %dma_start3A_124] : memref<2600x128xi32, #tpu.memory_space<hbm>> -> memref<40x128xi32, #tpu.memory_space<hbm>>
        %dma_start3A_126 = arith.constant 0 : i32
        %dma_start3A_127 = tpu.memref_slice %arg3[%add3A_76, %dma_start3A_126] : memref<2600x128xi32, #tpu.memory_space<hbm>> -> memref<40x128xi32, #tpu.memory_space<hbm>>
        tpu.enqueue_dma source(%dma_start3A_127 : memref<40x128xi32, #tpu.memory_space<hbm>>) target(%arg6 : memref<40x128xi32, #tpu.memory_space<vmem>>) target_semaphore(%run_scoped3A : memref<!tpu.dma_semaphore, #tpu.memory_space<semaphore_mem>>)
        %dma_wait3A = arith.constant 0 : i32
        %dma_wait3A_128 = tpu.memref_slice %arg3[%add3A_76, %dma_wait3A] : memref<2600x128xi32, #tpu.memory_space<hbm>> -> memref<40x128xi32, #tpu.memory_space<hbm>>
        %dma_wait3A_129 = arith.constant 0 : i32
        %dma_wait3A_130 = tpu.memref_slice %arg3[%add3A_76, %dma_wait3A_129] : memref<2600x128xi32, #tpu.memory_space<hbm>> -> memref<40x128xi32, #tpu.memory_space<hbm>>
        tpu.wait_dma2 semaphore(%run_scoped3A : memref<!tpu.dma_semaphore, #tpu.memory_space<semaphore_mem>>) src(%dma_wait3A_130 : memref<40x128xi32, #tpu.memory_space<hbm>>) dst(%arg6 : memref<40x128xi32, #tpu.memory_space<vmem>>)
        tpu.yield
      }) : () -> ()
      "tpu.region"() ({
        %run_scoped3A = tpu.sem_alloc : memref<!tpu.dma_semaphore, #tpu.memory_space<semaphore_mem>>
        %dma_start3A_124 = arith.constant 0 : i32
        %dma_start3A_125 = tpu.memref_slice %arg4[%add3A_76, %dma_start3A_124] : memref<2600x128xi32, #tpu.memory_space<hbm>> -> memref<40x128xi32, #tpu.memory_space<hbm>>
        %dma_start3A_126 = arith.constant 0 : i32
        %dma_start3A_127 = tpu.memref_slice %arg4[%add3A_76, %dma_start3A_126] : memref<2600x128xi32, #tpu.memory_space<hbm>> -> memref<40x128xi32, #tpu.memory_space<hbm>>
        tpu.enqueue_dma source(%dma_start3A_127 : memref<40x128xi32, #tpu.memory_space<hbm>>) target(%arg7 : memref<40x128xi32, #tpu.memory_space<vmem>>) target_semaphore(%run_scoped3A : memref<!tpu.dma_semaphore, #tpu.memory_space<semaphore_mem>>)
        %dma_wait3A = arith.constant 0 : i32
        %dma_wait3A_128 = tpu.memref_slice %arg4[%add3A_76, %dma_wait3A] : memref<2600x128xi32, #tpu.memory_space<hbm>> -> memref<40x128xi32, #tpu.memory_space<hbm>>
        %dma_wait3A_129 = arith.constant 0 : i32
        %dma_wait3A_130 = tpu.memref_slice %arg4[%add3A_76, %dma_wait3A_129] : memref<2600x128xi32, #tpu.memory_space<hbm>> -> memref<40x128xi32, #tpu.memory_space<hbm>>
        tpu.wait_dma2 semaphore(%run_scoped3A : memref<!tpu.dma_semaphore, #tpu.memory_space<semaphore_mem>>) src(%dma_wait3A_130 : memref<40x128xi32, #tpu.memory_space<hbm>>) dst(%arg7 : memref<40x128xi32, #tpu.memory_space<vmem>>)
        tpu.yield
      }) : () -> ()
      %dma_start3A = arith.constant 0 : i32
      %dma_start3A_81 = arith.constant 0 : i32
      %dma_start3A_82 = tpu.memref_slice %arg6[%dma_start3A, %dma_start3A_81] : memref<40x128xi32, #tpu.memory_space<vmem>> -> memref<1x128xi32, #tpu.memory_space<vmem>>
      %dma_start3A_83 = tpu.memref_squeeze %dma_start3A_82 : memref<1x128xi32, #tpu.memory_space<vmem>> -> memref<128xi32, #tpu.memory_space<vmem>>
      %dma_start3A_84 = arith.constant 0 : i32
      %dma_start3A_85 = arith.constant 0 : i32
      %dma_start3A_86 = tpu.memref_slice %arg2[%dma_start3A_84, %dma_start3A_85] : memref<10240x128xf32, #tpu.memory_space<hbm>> -> memref<10240x128xf32, #tpu.memory_space<hbm>>
      tpu.enqueue_indirect_dma source(%dma_start3A_86 : memref<10240x128xf32, #tpu.memory_space<hbm>>) target(%arg8 : memref<128x128xf32, #tpu.memory_space<vmem>>) offsets(%dma_start3A_83 : memref<128xi32, #tpu.memory_space<vmem>>) semaphore(%arg11 : memref<!tpu.dma_semaphore, #tpu.memory_space<semaphore_mem>>)
      %jit3A_87 = arith.constant 2 : i32
      %div3A_88 = arith.divsi %min3A_80, %jit3A_87 : i32
      %sign3A_89 = arith.constant 0 : i32
      %sign3A_90 = arith.cmpi sgt, %min3A_80, %sign3A_89 : i32
      %sign3A_91 = arith.extui %sign3A_90 : i1 to i32
      %sign3A_92 = arith.constant 0 : i32
      %sign3A_93 = arith.cmpi slt, %min3A_80, %sign3A_92 : i32
      %sign3A_94 = arith.extui %sign3A_93 : i1 to i32
      %sign3A_95 = arith.subi %sign3A_91, %sign3A_94 : i32
      %sign3A_96 = arith.constant 0 : i32
      %sign3A_97 = arith.cmpi sgt, %jit3A_87, %sign3A_96 : i32
      %sign3A_98 = arith.extui %sign3A_97 : i1 to i32
      %sign3A_99 = arith.constant 0 : i32
      %sign3A_100 = arith.cmpi slt, %jit3A_87, %sign3A_99 : i32
      %sign3A_101 = arith.extui %sign3A_100 : i1 to i32
      %sign3A_102 = arith.subi %sign3A_98, %sign3A_101 : i32
      %ne3A_103 = arith.cmpi ne, %sign3A_95, %sign3A_102 : i32
      %rem3A_104 = arith.remsi %min3A_80, %jit3A_87 : i32
      %ne3A_105 = arith.constant 0 : i32
      %ne3A_106 = arith.cmpi ne, %rem3A_104, %ne3A_105 : i32
      %and3A_107 = arith.andi %ne3A_103, %ne3A_106 : i1
      %sub3A_108 = arith.constant 1 : i32
      %sub3A_109 = arith.subi %div3A_88, %sub3A_108 : i32
      %select_n3A_110 = arith.select %and3A_107, %sub3A_109, %div3A_88 : i32
      %while3A_111 = arith.constant 0 : i32
      %while3A_112 = arith.constant 0 : i32
      %while3A_113 = arith.subi %select_n3A_110, %while3A_111 : i32
      %while3A_114 = arith.addi %while3A_111, %while3A_113 : i32
      %while3A_115 = arith.constant 1 : i32
      %while3A_116 = arith.divsi %while3A_113, %while3A_115 : i32
      %while3A_117 = arith.muli %while3A_116, %while3A_115 : i32
      %while3A_118 = arith.addi %while3A_111, %while3A_117 : i32
      %while3A_119 = arith.constant 1 : i32
      %while3A_120 = scf.for %while3A_124 = %while3A_111 to %while3A_118 step %while3A_119 iter_args(%while3A_125 = %while3A_112) -> (i32)  : i32 {
        %mul3A_126 = arith.constant 2 : i32
        %mul3A_127 = arith.muli %while3A_124, %mul3A_126 : i32
        %add3A_128 = arith.constant 1 : i32
        %add3A_129 = arith.addi %mul3A_127, %add3A_128 : i32
        %dma_wait3A = arith.constant 0 : i32
        %dma_wait3A_130 = tpu.memref_slice %arg6[%mul3A_127, %dma_wait3A] : memref<40x128xi32, #tpu.memory_space<vmem>> -> memref<1x128xi32, #tpu.memory_space<vmem>>
        %dma_wait3A_131 = tpu.memref_squeeze %dma_wait3A_130 : memref<1x128xi32, #tpu.memory_space<vmem>> -> memref<128xi32, #tpu.memory_space<vmem>>
        %dma_wait3A_132 = arith.constant 0 : i32
        %dma_wait3A_133 = arith.constant 0 : i32
        %dma_wait3A_134 = tpu.memref_slice %arg2[%dma_wait3A_132, %dma_wait3A_133] : memref<10240x128xf32, #tpu.memory_space<hbm>> -> memref<10240x128xf32, #tpu.memory_space<hbm>>
        tpu.wait_indirect_dma semaphore(%arg11 : memref<!tpu.dma_semaphore, #tpu.memory_space<semaphore_mem>>) src(%dma_wait3A_134 : memref<10240x128xf32, #tpu.memory_space<hbm>>) dst(%arg8 : memref<128x128xf32, #tpu.memory_space<vmem>>)
        %dma_start3A_135 = arith.constant 0 : i32
        %dma_start3A_136 = tpu.memref_slice %arg6[%add3A_129, %dma_start3A_135] : memref<40x128xi32, #tpu.memory_space<vmem>> -> memref<1x128xi32, #tpu.memory_space<vmem>>
        %dma_start3A_137 = tpu.memref_squeeze %dma_start3A_136 : memref<1x128xi32, #tpu.memory_space<vmem>> -> memref<128xi32, #tpu.memory_space<vmem>>
        %dma_start3A_138 = arith.constant 0 : i32
        %dma_start3A_139 = arith.constant 0 : i32
        %dma_start3A_140 = tpu.memref_slice %arg2[%dma_start3A_138, %dma_start3A_139] : memref<10240x128xf32, #tpu.memory_space<hbm>> -> memref<10240x128xf32, #tpu.memory_space<hbm>>
        tpu.enqueue_indirect_dma source(%dma_start3A_140 : memref<10240x128xf32, #tpu.memory_space<hbm>>) target(%arg9 : memref<128x128xf32, #tpu.memory_space<vmem>>) offsets(%dma_start3A_137 : memref<128xi32, #tpu.memory_space<vmem>>) semaphore(%arg12 : memref<!tpu.dma_semaphore, #tpu.memory_space<semaphore_mem>>)
        "tpu.region"() ({
          %run_scoped3A = tpu.sem_alloc : memref<!tpu.dma_semaphore, #tpu.memory_space<semaphore_mem>>
          %dma_start3A_151 = arith.constant 0 : i32
          %dma_start3A_152 = tpu.memref_slice %arg7[%mul3A_127, %dma_start3A_151] : memref<40x128xi32, #tpu.memory_space<vmem>> -> memref<1x128xi32, #tpu.memory_space<vmem>>
          %dma_start3A_153 = tpu.memref_squeeze %dma_start3A_152 : memref<1x128xi32, #tpu.memory_space<vmem>> -> memref<128xi32, #tpu.memory_space<vmem>>
          %dma_start3A_154 = arith.constant 0 : i32
          %dma_start3A_155 = arith.constant 0 : i32
          %dma_start3A_156 = tpu.memref_slice %arg10[%dma_start3A_154, %dma_start3A_155] : memref<10240x128xf32, #tpu.memory_space<vmem_shared>> -> memref<10240x128xf32, #tpu.memory_space<vmem_shared>>
          tpu.enqueue_indirect_dma source(%arg8 : memref<128x128xf32, #tpu.memory_space<vmem>>) target(%dma_start3A_156 : memref<10240x128xf32, #tpu.memory_space<vmem_shared>>) offsets(%dma_start3A_153 : memref<128xi32, #tpu.memory_space<vmem>>) semaphore(%run_scoped3A : memref<!tpu.dma_semaphore, #tpu.memory_space<semaphore_mem>>) {add = true}
          %dma_wait3A_157 = arith.constant 0 : i32
          %dma_wait3A_158 = tpu.memref_slice %arg7[%mul3A_127, %dma_wait3A_157] : memref<40x128xi32, #tpu.memory_space<vmem>> -> memref<1x128xi32, #tpu.memory_space<vmem>>
          %dma_wait3A_159 = tpu.memref_squeeze %dma_wait3A_158 : memref<1x128xi32, #tpu.memory_space<vmem>> -> memref<128xi32, #tpu.memory_space<vmem>>
          %dma_wait3A_160 = arith.constant 0 : i32
          %dma_wait3A_161 = arith.constant 0 : i32
          %dma_wait3A_162 = tpu.memref_slice %arg10[%dma_wait3A_160, %dma_wait3A_161] : memref<10240x128xf32, #tpu.memory_space<vmem_shared>> -> memref<10240x128xf32, #tpu.memory_space<vmem_shared>>
          tpu.wait_indirect_dma semaphore(%run_scoped3A : memref<!tpu.dma_semaphore, #tpu.memory_space<semaphore_mem>>) src(%arg8 : memref<128x128xf32, #tpu.memory_space<vmem>>) dst(%dma_wait3A_162 : memref<10240x128xf32, #tpu.memory_space<vmem_shared>>)
          tpu.yield
        }) : () -> ()
        %dma_wait3A_141 = arith.constant 0 : i32
        %dma_wait3A_142 = tpu.memref_slice %arg6[%add3A_129, %dma_wait3A_141] : memref<40x128xi32, #tpu.memory_space<vmem>> -> memref<1x128xi32, #tpu.memory_space<vmem>>
        %dma_wait3A_143 = tpu.memref_squeeze %dma_wait3A_142 : memref<1x128xi32, #tpu.memory_space<vmem>> -> memref<128xi32, #tpu.memory_space<vmem>>
        %dma_wait3A_144 = arith.constant 0 : i32
        %dma_wait3A_145 = arith.constant 0 : i32
        %dma_wait3A_146 = tpu.memref_slice %arg2[%dma_wait3A_144, %dma_wait3A_145] : memref<10240x128xf32, #tpu.memory_space<hbm>> -> memref<10240x128xf32, #tpu.memory_space<hbm>>
        tpu.wait_indirect_dma semaphore(%arg12 : memref<!tpu.dma_semaphore, #tpu.memory_space<semaphore_mem>>) src(%dma_wait3A_146 : memref<10240x128xf32, #tpu.memory_space<hbm>>) dst(%arg9 : memref<128x128xf32, #tpu.memory_space<vmem>>)
        %add3A_147 = arith.constant 1 : i32
        %add3A_148 = arith.addi %add3A_129, %add3A_147 : i32
        %lt3A = arith.cmpi slt, %add3A_148, %min3A_80 : i32
        %convert_element_type3A = arith.extui %lt3A : i1 to i32
        %cond3A = arith.constant 0 : i32
        %cond3A_149 = arith.cmpi ne, %convert_element_type3A, %cond3A : i32
        scf.if %cond3A_149 {
          %add3A_151 = arith.constant 1 : i32
          %add3A_152 = arith.addi %add3A_129, %add3A_151 : i32
          %dma_start3A_153 = arith.constant 0 : i32
          %dma_start3A_154 = tpu.memref_slice %arg6[%add3A_152, %dma_start3A_153] : memref<40x128xi32, #tpu.memory_space<vmem>> -> memref<1x128xi32, #tpu.memory_space<vmem>>
          %dma_start3A_155 = tpu.memref_squeeze %dma_start3A_154 : memref<1x128xi32, #tpu.memory_space<vmem>> -> memref<128xi32, #tpu.memory_space<vmem>>
          %dma_start3A_156 = arith.constant 0 : i32
          %dma_start3A_157 = arith.constant 0 : i32
          %dma_start3A_158 = tpu.memref_slice %arg2[%dma_start3A_156, %dma_start3A_157] : memref<10240x128xf32, #tpu.memory_space<hbm>> -> memref<10240x128xf32, #tpu.memory_space<hbm>>
          tpu.enqueue_indirect_dma source(%dma_start3A_158 : memref<10240x128xf32, #tpu.memory_space<hbm>>) target(%arg8 : memref<128x128xf32, #tpu.memory_space<vmem>>) offsets(%dma_start3A_155 : memref<128xi32, #tpu.memory_space<vmem>>) semaphore(%arg11 : memref<!tpu.dma_semaphore, #tpu.memory_space<semaphore_mem>>)
        } else {
        }
        "tpu.region"() ({
          %run_scoped3A = tpu.sem_alloc : memref<!tpu.dma_semaphore, #tpu.memory_space<semaphore_mem>>
          %dma_start3A_151 = arith.constant 0 : i32
          %dma_start3A_152 = tpu.memref_slice %arg7[%add3A_129, %dma_start3A_151] : memref<40x128xi32, #tpu.memory_space<vmem>> -> memref<1x128xi32, #tpu.memory_space<vmem>>
          %dma_start3A_153 = tpu.memref_squeeze %dma_start3A_152 : memref<1x128xi32, #tpu.memory_space<vmem>> -> memref<128xi32, #tpu.memory_space<vmem>>
          %dma_start3A_154 = arith.constant 0 : i32
          %dma_start3A_155 = arith.constant 0 : i32
          %dma_start3A_156 = tpu.memref_slice %arg10[%dma_start3A_154, %dma_start3A_155] : memref<10240x128xf32, #tpu.memory_space<vmem_shared>> -> memref<10240x128xf32, #tpu.memory_space<vmem_shared>>
          tpu.enqueue_indirect_dma source(%arg9 : memref<128x128xf32, #tpu.memory_space<vmem>>) target(%dma_start3A_156 : memref<10240x128xf32, #tpu.memory_space<vmem_shared>>) offsets(%dma_start3A_153 : memref<128xi32, #tpu.memory_space<vmem>>) semaphore(%run_scoped3A : memref<!tpu.dma_semaphore, #tpu.memory_space<semaphore_mem>>) {add = true}
          %dma_wait3A_157 = arith.constant 0 : i32
          %dma_wait3A_158 = tpu.memref_slice %arg7[%add3A_129, %dma_wait3A_157] : memref<40x128xi32, #tpu.memory_space<vmem>> -> memref<1x128xi32, #tpu.memory_space<vmem>>
          %dma_wait3A_159 = tpu.memref_squeeze %dma_wait3A_158 : memref<1x128xi32, #tpu.memory_space<vmem>> -> memref<128xi32, #tpu.memory_space<vmem>>
          %dma_wait3A_160 = arith.constant 0 : i32
          %dma_wait3A_161 = arith.constant 0 : i32
          %dma_wait3A_162 = tpu.memref_slice %arg10[%dma_wait3A_160, %dma_wait3A_161] : memref<10240x128xf32, #tpu.memory_space<vmem_shared>> -> memref<10240x128xf32, #tpu.memory_space<vmem_shared>>
          tpu.wait_indirect_dma semaphore(%run_scoped3A : memref<!tpu.dma_semaphore, #tpu.memory_space<semaphore_mem>>) src(%arg9 : memref<128x128xf32, #tpu.memory_space<vmem>>) dst(%dma_wait3A_162 : memref<10240x128xf32, #tpu.memory_space<vmem_shared>>)
          tpu.yield
        }) : () -> ()
        %while3A_150 = arith.constant 0 : i32
        scf.yield %while3A_150 : i32
      }
      %while3A_121 = arith.constant 1 : i32
      %while3A_122 = scf.for %while3A_124 = %while3A_118 to %while3A_114 step %while3A_121 iter_args(%while3A_125 = %while3A_120) -> (i32)  : i32 {
        %mul3A_126 = arith.constant 2 : i32
        %mul3A_127 = arith.muli %while3A_124, %mul3A_126 : i32
        %add3A_128 = arith.constant 1 : i32
        %add3A_129 = arith.addi %mul3A_127, %add3A_128 : i32
        %dma_wait3A = arith.constant 0 : i32
        %dma_wait3A_130 = tpu.memref_slice %arg6[%mul3A_127, %dma_wait3A] : memref<40x128xi32, #tpu.memory_space<vmem>> -> memref<1x128xi32, #tpu.memory_space<vmem>>
        %dma_wait3A_131 = tpu.memref_squeeze %dma_wait3A_130 : memref<1x128xi32, #tpu.memory_space<vmem>> -> memref<128xi32, #tpu.memory_space<vmem>>
        %dma_wait3A_132 = arith.constant 0 : i32
        %dma_wait3A_133 = arith.constant 0 : i32
        %dma_wait3A_134 = tpu.memref_slice %arg2[%dma_wait3A_132, %dma_wait3A_133] : memref<10240x128xf32, #tpu.memory_space<hbm>> -> memref<10240x128xf32, #tpu.memory_space<hbm>>
        tpu.wait_indirect_dma semaphore(%arg11 : memref<!tpu.dma_semaphore, #tpu.memory_space<semaphore_mem>>) src(%dma_wait3A_134 : memref<10240x128xf32, #tpu.memory_space<hbm>>) dst(%arg8 : memref<128x128xf32, #tpu.memory_space<vmem>>)
        %dma_start3A_135 = arith.constant 0 : i32
        %dma_start3A_136 = tpu.memref_slice %arg6[%add3A_129, %dma_start3A_135] : memref<40x128xi32, #tpu.memory_space<vmem>> -> memref<1x128xi32, #tpu.memory_space<vmem>>
        %dma_start3A_137 = tpu.memref_squeeze %dma_start3A_136 : memref<1x128xi32, #tpu.memory_space<vmem>> -> memref<128xi32, #tpu.memory_space<vmem>>
        %dma_start3A_138 = arith.constant 0 : i32
        %dma_start3A_139 = arith.constant 0 : i32
        %dma_start3A_140 = tpu.memref_slice %arg2[%dma_start3A_138, %dma_start3A_139] : memref<10240x128xf32, #tpu.memory_space<hbm>> -> memref<10240x128xf32, #tpu.memory_space<hbm>>
        tpu.enqueue_indirect_dma source(%dma_start3A_140 : memref<10240x128xf32, #tpu.memory_space<hbm>>) target(%arg9 : memref<128x128xf32, #tpu.memory_space<vmem>>) offsets(%dma_start3A_137 : memref<128xi32, #tpu.memory_space<vmem>>) semaphore(%arg12 : memref<!tpu.dma_semaphore, #tpu.memory_space<semaphore_mem>>)
        "tpu.region"() ({
          %run_scoped3A = tpu.sem_alloc : memref<!tpu.dma_semaphore, #tpu.memory_space<semaphore_mem>>
          %dma_start3A_151 = arith.constant 0 : i32
          %dma_start3A_152 = tpu.memref_slice %arg7[%mul3A_127, %dma_start3A_151] : memref<40x128xi32, #tpu.memory_space<vmem>> -> memref<1x128xi32, #tpu.memory_space<vmem>>
          %dma_start3A_153 = tpu.memref_squeeze %dma_start3A_152 : memref<1x128xi32, #tpu.memory_space<vmem>> -> memref<128xi32, #tpu.memory_space<vmem>>
          %dma_start3A_154 = arith.constant 0 : i32
          %dma_start3A_155 = arith.constant 0 : i32
          %dma_start3A_156 = tpu.memref_slice %arg10[%dma_start3A_154, %dma_start3A_155] : memref<10240x128xf32, #tpu.memory_space<vmem_shared>> -> memref<10240x128xf32, #tpu.memory_space<vmem_shared>>
          tpu.enqueue_indirect_dma source(%arg8 : memref<128x128xf32, #tpu.memory_space<vmem>>) target(%dma_start3A_156 : memref<10240x128xf32, #tpu.memory_space<vmem_shared>>) offsets(%dma_start3A_153 : memref<128xi32, #tpu.memory_space<vmem>>) semaphore(%run_scoped3A : memref<!tpu.dma_semaphore, #tpu.memory_space<semaphore_mem>>) {add = true}
          %dma_wait3A_157 = arith.constant 0 : i32
          %dma_wait3A_158 = tpu.memref_slice %arg7[%mul3A_127, %dma_wait3A_157] : memref<40x128xi32, #tpu.memory_space<vmem>> -> memref<1x128xi32, #tpu.memory_space<vmem>>
          %dma_wait3A_159 = tpu.memref_squeeze %dma_wait3A_158 : memref<1x128xi32, #tpu.memory_space<vmem>> -> memref<128xi32, #tpu.memory_space<vmem>>
          %dma_wait3A_160 = arith.constant 0 : i32
          %dma_wait3A_161 = arith.constant 0 : i32
          %dma_wait3A_162 = tpu.memref_slice %arg10[%dma_wait3A_160, %dma_wait3A_161] : memref<10240x128xf32, #tpu.memory_space<vmem_shared>> -> memref<10240x128xf32, #tpu.memory_space<vmem_shared>>
          tpu.wait_indirect_dma semaphore(%run_scoped3A : memref<!tpu.dma_semaphore, #tpu.memory_space<semaphore_mem>>) src(%arg8 : memref<128x128xf32, #tpu.memory_space<vmem>>) dst(%dma_wait3A_162 : memref<10240x128xf32, #tpu.memory_space<vmem_shared>>)
          tpu.yield
        }) : () -> ()
        %dma_wait3A_141 = arith.constant 0 : i32
        %dma_wait3A_142 = tpu.memref_slice %arg6[%add3A_129, %dma_wait3A_141] : memref<40x128xi32, #tpu.memory_space<vmem>> -> memref<1x128xi32, #tpu.memory_space<vmem>>
        %dma_wait3A_143 = tpu.memref_squeeze %dma_wait3A_142 : memref<1x128xi32, #tpu.memory_space<vmem>> -> memref<128xi32, #tpu.memory_space<vmem>>
        %dma_wait3A_144 = arith.constant 0 : i32
        %dma_wait3A_145 = arith.constant 0 : i32
        %dma_wait3A_146 = tpu.memref_slice %arg2[%dma_wait3A_144, %dma_wait3A_145] : memref<10240x128xf32, #tpu.memory_space<hbm>> -> memref<10240x128xf32, #tpu.memory_space<hbm>>
        tpu.wait_indirect_dma semaphore(%arg12 : memref<!tpu.dma_semaphore, #tpu.memory_space<semaphore_mem>>) src(%dma_wait3A_146 : memref<10240x128xf32, #tpu.memory_space<hbm>>) dst(%arg9 : memref<128x128xf32, #tpu.memory_space<vmem>>)
        %add3A_147 = arith.constant 1 : i32
        %add3A_148 = arith.addi %add3A_129, %add3A_147 : i32
        %lt3A = arith.cmpi slt, %add3A_148, %min3A_80 : i32
        %convert_element_type3A = arith.extui %lt3A : i1 to i32
        %cond3A = arith.constant 0 : i32
        %cond3A_149 = arith.cmpi ne, %convert_element_type3A, %cond3A : i32
        scf.if %cond3A_149 {
          %add3A_151 = arith.constant 1 : i32
          %add3A_152 = arith.addi %add3A_129, %add3A_151 : i32
          %dma_start3A_153 = arith.constant 0 : i32
          %dma_start3A_154 = tpu.memref_slice %arg6[%add3A_152, %dma_start3A_153] : memref<40x128xi32, #tpu.memory_space<vmem>> -> memref<1x128xi32, #tpu.memory_space<vmem>>
          %dma_start3A_155 = tpu.memref_squeeze %dma_start3A_154 : memref<1x128xi32, #tpu.memory_space<vmem>> -> memref<128xi32, #tpu.memory_space<vmem>>
          %dma_start3A_156 = arith.constant 0 : i32
          %dma_start3A_157 = arith.constant 0 : i32
          %dma_start3A_158 = tpu.memref_slice %arg2[%dma_start3A_156, %dma_start3A_157] : memref<10240x128xf32, #tpu.memory_space<hbm>> -> memref<10240x128xf32, #tpu.memory_space<hbm>>
          tpu.enqueue_indirect_dma source(%dma_start3A_158 : memref<10240x128xf32, #tpu.memory_space<hbm>>) target(%arg8 : memref<128x128xf32, #tpu.memory_space<vmem>>) offsets(%dma_start3A_155 : memref<128xi32, #tpu.memory_space<vmem>>) semaphore(%arg11 : memref<!tpu.dma_semaphore, #tpu.memory_space<semaphore_mem>>)
        } else {
        }
        "tpu.region"() ({
          %run_scoped3A = tpu.sem_alloc : memref<!tpu.dma_semaphore, #tpu.memory_space<semaphore_mem>>
          %dma_start3A_151 = arith.constant 0 : i32
          %dma_start3A_152 = tpu.memref_slice %arg7[%add3A_129, %dma_start3A_151] : memref<40x128xi32, #tpu.memory_space<vmem>> -> memref<1x128xi32, #tpu.memory_space<vmem>>
          %dma_start3A_153 = tpu.memref_squeeze %dma_start3A_152 : memref<1x128xi32, #tpu.memory_space<vmem>> -> memref<128xi32, #tpu.memory_space<vmem>>
          %dma_start3A_154 = arith.constant 0 : i32
          %dma_start3A_155 = arith.constant 0 : i32
          %dma_start3A_156 = tpu.memref_slice %arg10[%dma_start3A_154, %dma_start3A_155] : memref<10240x128xf32, #tpu.memory_space<vmem_shared>> -> memref<10240x128xf32, #tpu.memory_space<vmem_shared>>
          tpu.enqueue_indirect_dma source(%arg9 : memref<128x128xf32, #tpu.memory_space<vmem>>) target(%dma_start3A_156 : memref<10240x128xf32, #tpu.memory_space<vmem_shared>>) offsets(%dma_start3A_153 : memref<128xi32, #tpu.memory_space<vmem>>) semaphore(%run_scoped3A : memref<!tpu.dma_semaphore, #tpu.memory_space<semaphore_mem>>) {add = true}
          %dma_wait3A_157 = arith.constant 0 : i32
          %dma_wait3A_158 = tpu.memref_slice %arg7[%add3A_129, %dma_wait3A_157] : memref<40x128xi32, #tpu.memory_space<vmem>> -> memref<1x128xi32, #tpu.memory_space<vmem>>
          %dma_wait3A_159 = tpu.memref_squeeze %dma_wait3A_158 : memref<1x128xi32, #tpu.memory_space<vmem>> -> memref<128xi32, #tpu.memory_space<vmem>>
          %dma_wait3A_160 = arith.constant 0 : i32
          %dma_wait3A_161 = arith.constant 0 : i32
          %dma_wait3A_162 = tpu.memref_slice %arg10[%dma_wait3A_160, %dma_wait3A_161] : memref<10240x128xf32, #tpu.memory_space<vmem_shared>> -> memref<10240x128xf32, #tpu.memory_space<vmem_shared>>
          tpu.wait_indirect_dma semaphore(%run_scoped3A : memref<!tpu.dma_semaphore, #tpu.memory_space<semaphore_mem>>) src(%arg9 : memref<128x128xf32, #tpu.memory_space<vmem>>) dst(%dma_wait3A_162 : memref<10240x128xf32, #tpu.memory_space<vmem_shared>>)
          tpu.yield
        }) : () -> ()
        %while3A_150 = arith.constant 0 : i32
        scf.yield %while3A_150 : i32
      }
      %while3A_123 = arith.constant 0 : i32
      scf.yield %while3A_123 : i32
    }
    %while3A_65 = arith.constant 1 : i32
    %while3A_66 = scf.for %while3A_72 = %while3A_62 to %while3A_58 step %while3A_65 iter_args(%while3A_73 = %while3A_64) -> (i32)  : i32 {
      %mul3A_74 = arith.constant 40 : i32
      %mul3A_75 = arith.muli %while3A_72, %mul3A_74 : i32
      %add3A_76 = arith.addi %add3A_6, %mul3A_75 : i32
      %mul3A_77 = arith.constant 40 : i32
      %mul3A_78 = arith.muli %while3A_72, %mul3A_77 : i32
      %sub3A_79 = arith.subi %select_n3A, %mul3A_78 : i32
      %min3A = arith.constant 40 : i32
      %min3A_80 = arith.minsi %sub3A_79, %min3A : i32
      "tpu.region"() ({
        %run_scoped3A = tpu.sem_alloc : memref<!tpu.dma_semaphore, #tpu.memory_space<semaphore_mem>>
        %dma_start3A_124 = arith.constant 0 : i32
        %dma_start3A_125 = tpu.memref_slice %arg3[%add3A_76, %dma_start3A_124] : memref<2600x128xi32, #tpu.memory_space<hbm>> -> memref<40x128xi32, #tpu.memory_space<hbm>>
        %dma_start3A_126 = arith.constant 0 : i32
        %dma_start3A_127 = tpu.memref_slice %arg3[%add3A_76, %dma_start3A_126] : memref<2600x128xi32, #tpu.memory_space<hbm>> -> memref<40x128xi32, #tpu.memory_space<hbm>>
        tpu.enqueue_dma source(%dma_start3A_127 : memref<40x128xi32, #tpu.memory_space<hbm>>) target(%arg6 : memref<40x128xi32, #tpu.memory_space<vmem>>) target_semaphore(%run_scoped3A : memref<!tpu.dma_semaphore, #tpu.memory_space<semaphore_mem>>)
        %dma_wait3A = arith.constant 0 : i32
        %dma_wait3A_128 = tpu.memref_slice %arg3[%add3A_76, %dma_wait3A] : memref<2600x128xi32, #tpu.memory_space<hbm>> -> memref<40x128xi32, #tpu.memory_space<hbm>>
        %dma_wait3A_129 = arith.constant 0 : i32
        %dma_wait3A_130 = tpu.memref_slice %arg3[%add3A_76, %dma_wait3A_129] : memref<2600x128xi32, #tpu.memory_space<hbm>> -> memref<40x128xi32, #tpu.memory_space<hbm>>
        tpu.wait_dma2 semaphore(%run_scoped3A : memref<!tpu.dma_semaphore, #tpu.memory_space<semaphore_mem>>) src(%dma_wait3A_130 : memref<40x128xi32, #tpu.memory_space<hbm>>) dst(%arg6 : memref<40x128xi32, #tpu.memory_space<vmem>>)
        tpu.yield
      }) : () -> ()
      "tpu.region"() ({
        %run_scoped3A = tpu.sem_alloc : memref<!tpu.dma_semaphore, #tpu.memory_space<semaphore_mem>>
        %dma_start3A_124 = arith.constant 0 : i32
        %dma_start3A_125 = tpu.memref_slice %arg4[%add3A_76, %dma_start3A_124] : memref<2600x128xi32, #tpu.memory_space<hbm>> -> memref<40x128xi32, #tpu.memory_space<hbm>>
        %dma_start3A_126 = arith.constant 0 : i32
        %dma_start3A_127 = tpu.memref_slice %arg4[%add3A_76, %dma_start3A_126] : memref<2600x128xi32, #tpu.memory_space<hbm>> -> memref<40x128xi32, #tpu.memory_space<hbm>>
        tpu.enqueue_dma source(%dma_start3A_127 : memref<40x128xi32, #tpu.memory_space<hbm>>) target(%arg7 : memref<40x128xi32, #tpu.memory_space<vmem>>) target_semaphore(%run_scoped3A : memref<!tpu.dma_semaphore, #tpu.memory_space<semaphore_mem>>)
        %dma_wait3A = arith.constant 0 : i32
        %dma_wait3A_128 = tpu.memref_slice %arg4[%add3A_76, %dma_wait3A] : memref<2600x128xi32, #tpu.memory_space<hbm>> -> memref<40x128xi32, #tpu.memory_space<hbm>>
        %dma_wait3A_129 = arith.constant 0 : i32
        %dma_wait3A_130 = tpu.memref_slice %arg4[%add3A_76, %dma_wait3A_129] : memref<2600x128xi32, #tpu.memory_space<hbm>> -> memref<40x128xi32, #tpu.memory_space<hbm>>
        tpu.wait_dma2 semaphore(%run_scoped3A : memref<!tpu.dma_semaphore, #tpu.memory_space<semaphore_mem>>) src(%dma_wait3A_130 : memref<40x128xi32, #tpu.memory_space<hbm>>) dst(%arg7 : memref<40x128xi32, #tpu.memory_space<vmem>>)
        tpu.yield
      }) : () -> ()
      %dma_start3A = arith.constant 0 : i32
      %dma_start3A_81 = arith.constant 0 : i32
      %dma_start3A_82 = tpu.memref_slice %arg6[%dma_start3A, %dma_start3A_81] : memref<40x128xi32, #tpu.memory_space<vmem>> -> memref<1x128xi32, #tpu.memory_space<vmem>>
      %dma_start3A_83 = tpu.memref_squeeze %dma_start3A_82 : memref<1x128xi32, #tpu.memory_space<vmem>> -> memref<128xi32, #tpu.memory_space<vmem>>
      %dma_start3A_84 = arith.constant 0 : i32
      %dma_start3A_85 = arith.constant 0 : i32
      %dma_start3A_86 = tpu.memref_slice %arg2[%dma_start3A_84, %dma_start3A_85] : memref<10240x128xf32, #tpu.memory_space<hbm>> -> memref<10240x128xf32, #tpu.memory_space<hbm>>
      tpu.enqueue_indirect_dma source(%dma_start3A_86 : memref<10240x128xf32, #tpu.memory_space<hbm>>) target(%arg8 : memref<128x128xf32, #tpu.memory_space<vmem>>) offsets(%dma_start3A_83 : memref<128xi32, #tpu.memory_space<vmem>>) semaphore(%arg11 : memref<!tpu.dma_semaphore, #tpu.memory_space<semaphore_mem>>)
      %jit3A_87 = arith.constant 2 : i32
      %div3A_88 = arith.divsi %min3A_80, %jit3A_87 : i32
      %sign3A_89 = arith.constant 0 : i32
      %sign3A_90 = arith.cmpi sgt, %min3A_80, %sign3A_89 : i32
      %sign3A_91 = arith.extui %sign3A_90 : i1 to i32
      %sign3A_92 = arith.constant 0 : i32
      %sign3A_93 = arith.cmpi slt, %min3A_80, %sign3A_92 : i32
      %sign3A_94 = arith.extui %sign3A_93 : i1 to i32
      %sign3A_95 = arith.subi %sign3A_91, %sign3A_94 : i32
      %sign3A_96 = arith.constant 0 : i32
      %sign3A_97 = arith.cmpi sgt, %jit3A_87, %sign3A_96 : i32
      %sign3A_98 = arith.extui %sign3A_97 : i1 to i32
      %sign3A_99 = arith.constant 0 : i32
      %sign3A_100 = arith.cmpi slt, %jit3A_87, %sign3A_99 : i32
      %sign3A_101 = arith.extui %sign3A_100 : i1 to i32
      %sign3A_102 = arith.subi %sign3A_98, %sign3A_101 : i32
      %ne3A_103 = arith.cmpi ne, %sign3A_95, %sign3A_102 : i32
      %rem3A_104 = arith.remsi %min3A_80, %jit3A_87 : i32
      %ne3A_105 = arith.constant 0 : i32
      %ne3A_106 = arith.cmpi ne, %rem3A_104, %ne3A_105 : i32
      %and3A_107 = arith.andi %ne3A_103, %ne3A_106 : i1
      %sub3A_108 = arith.constant 1 : i32
      %sub3A_109 = arith.subi %div3A_88, %sub3A_108 : i32
      %select_n3A_110 = arith.select %and3A_107, %sub3A_109, %div3A_88 : i32
      %while3A_111 = arith.constant 0 : i32
      %while3A_112 = arith.constant 0 : i32
      %while3A_113 = arith.subi %select_n3A_110, %while3A_111 : i32
      %while3A_114 = arith.addi %while3A_111, %while3A_113 : i32
      %while3A_115 = arith.constant 1 : i32
      %while3A_116 = arith.divsi %while3A_113, %while3A_115 : i32
      %while3A_117 = arith.muli %while3A_116, %while3A_115 : i32
      %while3A_118 = arith.addi %while3A_111, %while3A_117 : i32
      %while3A_119 = arith.constant 1 : i32
      %while3A_120 = scf.for %while3A_124 = %while3A_111 to %while3A_118 step %while3A_119 iter_args(%while3A_125 = %while3A_112) -> (i32)  : i32 {
        %mul3A_126 = arith.constant 2 : i32
        %mul3A_127 = arith.muli %while3A_124, %mul3A_126 : i32
        %add3A_128 = arith.constant 1 : i32
        %add3A_129 = arith.addi %mul3A_127, %add3A_128 : i32
        %dma_wait3A = arith.constant 0 : i32
        %dma_wait3A_130 = tpu.memref_slice %arg6[%mul3A_127, %dma_wait3A] : memref<40x128xi32, #tpu.memory_space<vmem>> -> memref<1x128xi32, #tpu.memory_space<vmem>>
        %dma_wait3A_131 = tpu.memref_squeeze %dma_wait3A_130 : memref<1x128xi32, #tpu.memory_space<vmem>> -> memref<128xi32, #tpu.memory_space<vmem>>
        %dma_wait3A_132 = arith.constant 0 : i32
        %dma_wait3A_133 = arith.constant 0 : i32
        %dma_wait3A_134 = tpu.memref_slice %arg2[%dma_wait3A_132, %dma_wait3A_133] : memref<10240x128xf32, #tpu.memory_space<hbm>> -> memref<10240x128xf32, #tpu.memory_space<hbm>>
        tpu.wait_indirect_dma semaphore(%arg11 : memref<!tpu.dma_semaphore, #tpu.memory_space<semaphore_mem>>) src(%dma_wait3A_134 : memref<10240x128xf32, #tpu.memory_space<hbm>>) dst(%arg8 : memref<128x128xf32, #tpu.memory_space<vmem>>)
        %dma_start3A_135 = arith.constant 0 : i32
        %dma_start3A_136 = tpu.memref_slice %arg6[%add3A_129, %dma_start3A_135] : memref<40x128xi32, #tpu.memory_space<vmem>> -> memref<1x128xi32, #tpu.memory_space<vmem>>
        %dma_start3A_137 = tpu.memref_squeeze %dma_start3A_136 : memref<1x128xi32, #tpu.memory_space<vmem>> -> memref<128xi32, #tpu.memory_space<vmem>>
        %dma_start3A_138 = arith.constant 0 : i32
        %dma_start3A_139 = arith.constant 0 : i32
        %dma_start3A_140 = tpu.memref_slice %arg2[%dma_start3A_138, %dma_start3A_139] : memref<10240x128xf32, #tpu.memory_space<hbm>> -> memref<10240x128xf32, #tpu.memory_space<hbm>>
        tpu.enqueue_indirect_dma source(%dma_start3A_140 : memref<10240x128xf32, #tpu.memory_space<hbm>>) target(%arg9 : memref<128x128xf32, #tpu.memory_space<vmem>>) offsets(%dma_start3A_137 : memref<128xi32, #tpu.memory_space<vmem>>) semaphore(%arg12 : memref<!tpu.dma_semaphore, #tpu.memory_space<semaphore_mem>>)
        "tpu.region"() ({
          %run_scoped3A = tpu.sem_alloc : memref<!tpu.dma_semaphore, #tpu.memory_space<semaphore_mem>>
          %dma_start3A_151 = arith.constant 0 : i32
          %dma_start3A_152 = tpu.memref_slice %arg7[%mul3A_127, %dma_start3A_151] : memref<40x128xi32, #tpu.memory_space<vmem>> -> memref<1x128xi32, #tpu.memory_space<vmem>>
          %dma_start3A_153 = tpu.memref_squeeze %dma_start3A_152 : memref<1x128xi32, #tpu.memory_space<vmem>> -> memref<128xi32, #tpu.memory_space<vmem>>
          %dma_start3A_154 = arith.constant 0 : i32
          %dma_start3A_155 = arith.constant 0 : i32
          %dma_start3A_156 = tpu.memref_slice %arg10[%dma_start3A_154, %dma_start3A_155] : memref<10240x128xf32, #tpu.memory_space<vmem_shared>> -> memref<10240x128xf32, #tpu.memory_space<vmem_shared>>
          tpu.enqueue_indirect_dma source(%arg8 : memref<128x128xf32, #tpu.memory_space<vmem>>) target(%dma_start3A_156 : memref<10240x128xf32, #tpu.memory_space<vmem_shared>>) offsets(%dma_start3A_153 : memref<128xi32, #tpu.memory_space<vmem>>) semaphore(%run_scoped3A : memref<!tpu.dma_semaphore, #tpu.memory_space<semaphore_mem>>) {add = true}
          %dma_wait3A_157 = arith.constant 0 : i32
          %dma_wait3A_158 = tpu.memref_slice %arg7[%mul3A_127, %dma_wait3A_157] : memref<40x128xi32, #tpu.memory_space<vmem>> -> memref<1x128xi32, #tpu.memory_space<vmem>>
          %dma_wait3A_159 = tpu.memref_squeeze %dma_wait3A_158 : memref<1x128xi32, #tpu.memory_space<vmem>> -> memref<128xi32, #tpu.memory_space<vmem>>
          %dma_wait3A_160 = arith.constant 0 : i32
          %dma_wait3A_161 = arith.constant 0 : i32
          %dma_wait3A_162 = tpu.memref_slice %arg10[%dma_wait3A_160, %dma_wait3A_161] : memref<10240x128xf32, #tpu.memory_space<vmem_shared>> -> memref<10240x128xf32, #tpu.memory_space<vmem_shared>>
          tpu.wait_indirect_dma semaphore(%run_scoped3A : memref<!tpu.dma_semaphore, #tpu.memory_space<semaphore_mem>>) src(%arg8 : memref<128x128xf32, #tpu.memory_space<vmem>>) dst(%dma_wait3A_162 : memref<10240x128xf32, #tpu.memory_space<vmem_shared>>)
          tpu.yield
        }) : () -> ()
        %dma_wait3A_141 = arith.constant 0 : i32
        %dma_wait3A_142 = tpu.memref_slice %arg6[%add3A_129, %dma_wait3A_141] : memref<40x128xi32, #tpu.memory_space<vmem>> -> memref<1x128xi32, #tpu.memory_space<vmem>>
        %dma_wait3A_143 = tpu.memref_squeeze %dma_wait3A_142 : memref<1x128xi32, #tpu.memory_space<vmem>> -> memref<128xi32, #tpu.memory_space<vmem>>
        %dma_wait3A_144 = arith.constant 0 : i32
        %dma_wait3A_145 = arith.constant 0 : i32
        %dma_wait3A_146 = tpu.memref_slice %arg2[%dma_wait3A_144, %dma_wait3A_145] : memref<10240x128xf32, #tpu.memory_space<hbm>> -> memref<10240x128xf32, #tpu.memory_space<hbm>>
        tpu.wait_indirect_dma semaphore(%arg12 : memref<!tpu.dma_semaphore, #tpu.memory_space<semaphore_mem>>) src(%dma_wait3A_146 : memref<10240x128xf32, #tpu.memory_space<hbm>>) dst(%arg9 : memref<128x128xf32, #tpu.memory_space<vmem>>)
        %add3A_147 = arith.constant 1 : i32
        %add3A_148 = arith.addi %add3A_129, %add3A_147 : i32
        %lt3A = arith.cmpi slt, %add3A_148, %min3A_80 : i32
        %convert_element_type3A = arith.extui %lt3A : i1 to i32
        %cond3A = arith.constant 0 : i32
        %cond3A_149 = arith.cmpi ne, %convert_element_type3A, %cond3A : i32
        scf.if %cond3A_149 {
          %add3A_151 = arith.constant 1 : i32
          %add3A_152 = arith.addi %add3A_129, %add3A_151 : i32
          %dma_start3A_153 = arith.constant 0 : i32
          %dma_start3A_154 = tpu.memref_slice %arg6[%add3A_152, %dma_start3A_153] : memref<40x128xi32, #tpu.memory_space<vmem>> -> memref<1x128xi32, #tpu.memory_space<vmem>>
          %dma_start3A_155 = tpu.memref_squeeze %dma_start3A_154 : memref<1x128xi32, #tpu.memory_space<vmem>> -> memref<128xi32, #tpu.memory_space<vmem>>
          %dma_start3A_156 = arith.constant 0 : i32
          %dma_start3A_157 = arith.constant 0 : i32
          %dma_start3A_158 = tpu.memref_slice %arg2[%dma_start3A_156, %dma_start3A_157] : memref<10240x128xf32, #tpu.memory_space<hbm>> -> memref<10240x128xf32, #tpu.memory_space<hbm>>
          tpu.enqueue_indirect_dma source(%dma_start3A_158 : memref<10240x128xf32, #tpu.memory_space<hbm>>) target(%arg8 : memref<128x128xf32, #tpu.memory_space<vmem>>) offsets(%dma_start3A_155 : memref<128xi32, #tpu.memory_space<vmem>>) semaphore(%arg11 : memref<!tpu.dma_semaphore, #tpu.memory_space<semaphore_mem>>)
        } else {
        }
        "tpu.region"() ({
          %run_scoped3A = tpu.sem_alloc : memref<!tpu.dma_semaphore, #tpu.memory_space<semaphore_mem>>
          %dma_start3A_151 = arith.constant 0 : i32
          %dma_start3A_152 = tpu.memref_slice %arg7[%add3A_129, %dma_start3A_151] : memref<40x128xi32, #tpu.memory_space<vmem>> -> memref<1x128xi32, #tpu.memory_space<vmem>>
          %dma_start3A_153 = tpu.memref_squeeze %dma_start3A_152 : memref<1x128xi32, #tpu.memory_space<vmem>> -> memref<128xi32, #tpu.memory_space<vmem>>
          %dma_start3A_154 = arith.constant 0 : i32
          %dma_start3A_155 = arith.constant 0 : i32
          %dma_start3A_156 = tpu.memref_slice %arg10[%dma_start3A_154, %dma_start3A_155] : memref<10240x128xf32, #tpu.memory_space<vmem_shared>> -> memref<10240x128xf32, #tpu.memory_space<vmem_shared>>
          tpu.enqueue_indirect_dma source(%arg9 : memref<128x128xf32, #tpu.memory_space<vmem>>) target(%dma_start3A_156 : memref<10240x128xf32, #tpu.memory_space<vmem_shared>>) offsets(%dma_start3A_153 : memref<128xi32, #tpu.memory_space<vmem>>) semaphore(%run_scoped3A : memref<!tpu.dma_semaphore, #tpu.memory_space<semaphore_mem>>) {add = true}
          %dma_wait3A_157 = arith.constant 0 : i32
          %dma_wait3A_158 = tpu.memref_slice %arg7[%add3A_129, %dma_wait3A_157] : memref<40x128xi32, #tpu.memory_space<vmem>> -> memref<1x128xi32, #tpu.memory_space<vmem>>
          %dma_wait3A_159 = tpu.memref_squeeze %dma_wait3A_158 : memref<1x128xi32, #tpu.memory_space<vmem>> -> memref<128xi32, #tpu.memory_space<vmem>>
          %dma_wait3A_160 = arith.constant 0 : i32
          %dma_wait3A_161 = arith.constant 0 : i32
          %dma_wait3A_162 = tpu.memref_slice %arg10[%dma_wait3A_160, %dma_wait3A_161] : memref<10240x128xf32, #tpu.memory_space<vmem_shared>> -> memref<10240x128xf32, #tpu.memory_space<vmem_shared>>
          tpu.wait_indirect_dma semaphore(%run_scoped3A : memref<!tpu.dma_semaphore, #tpu.memory_space<semaphore_mem>>) src(%arg9 : memref<128x128xf32, #tpu.memory_space<vmem>>) dst(%dma_wait3A_162 : memref<10240x128xf32, #tpu.memory_space<vmem_shared>>)
          tpu.yield
        }) : () -> ()
        %while3A_150 = arith.constant 0 : i32
        scf.yield %while3A_150 : i32
      }
      %while3A_121 = arith.constant 1 : i32
      %while3A_122 = scf.for %while3A_124 = %while3A_118 to %while3A_114 step %while3A_121 iter_args(%while3A_125 = %while3A_120) -> (i32)  : i32 {
        %mul3A_126 = arith.constant 2 : i32
        %mul3A_127 = arith.muli %while3A_124, %mul3A_126 : i32
        %add3A_128 = arith.constant 1 : i32
        %add3A_129 = arith.addi %mul3A_127, %add3A_128 : i32
        %dma_wait3A = arith.constant 0 : i32
        %dma_wait3A_130 = tpu.memref_slice %arg6[%mul3A_127, %dma_wait3A] : memref<40x128xi32, #tpu.memory_space<vmem>> -> memref<1x128xi32, #tpu.memory_space<vmem>>
        %dma_wait3A_131 = tpu.memref_squeeze %dma_wait3A_130 : memref<1x128xi32, #tpu.memory_space<vmem>> -> memref<128xi32, #tpu.memory_space<vmem>>
        %dma_wait3A_132 = arith.constant 0 : i32
        %dma_wait3A_133 = arith.constant 0 : i32
        %dma_wait3A_134 = tpu.memref_slice %arg2[%dma_wait3A_132, %dma_wait3A_133] : memref<10240x128xf32, #tpu.memory_space<hbm>> -> memref<10240x128xf32, #tpu.memory_space<hbm>>
        tpu.wait_indirect_dma semaphore(%arg11 : memref<!tpu.dma_semaphore, #tpu.memory_space<semaphore_mem>>) src(%dma_wait3A_134 : memref<10240x128xf32, #tpu.memory_space<hbm>>) dst(%arg8 : memref<128x128xf32, #tpu.memory_space<vmem>>)
        %dma_start3A_135 = arith.constant 0 : i32
        %dma_start3A_136 = tpu.memref_slice %arg6[%add3A_129, %dma_start3A_135] : memref<40x128xi32, #tpu.memory_space<vmem>> -> memref<1x128xi32, #tpu.memory_space<vmem>>
        %dma_start3A_137 = tpu.memref_squeeze %dma_start3A_136 : memref<1x128xi32, #tpu.memory_space<vmem>> -> memref<128xi32, #tpu.memory_space<vmem>>
        %dma_start3A_138 = arith.constant 0 : i32
        %dma_start3A_139 = arith.constant 0 : i32
        %dma_start3A_140 = tpu.memref_slice %arg2[%dma_start3A_138, %dma_start3A_139] : memref<10240x128xf32, #tpu.memory_space<hbm>> -> memref<10240x128xf32, #tpu.memory_space<hbm>>
        tpu.enqueue_indirect_dma source(%dma_start3A_140 : memref<10240x128xf32, #tpu.memory_space<hbm>>) target(%arg9 : memref<128x128xf32, #tpu.memory_space<vmem>>) offsets(%dma_start3A_137 : memref<128xi32, #tpu.memory_space<vmem>>) semaphore(%arg12 : memref<!tpu.dma_semaphore, #tpu.memory_space<semaphore_mem>>)
        "tpu.region"() ({
          %run_scoped3A = tpu.sem_alloc : memref<!tpu.dma_semaphore, #tpu.memory_space<semaphore_mem>>
          %dma_start3A_151 = arith.constant 0 : i32
          %dma_start3A_152 = tpu.memref_slice %arg7[%mul3A_127, %dma_start3A_151] : memref<40x128xi32, #tpu.memory_space<vmem>> -> memref<1x128xi32, #tpu.memory_space<vmem>>
          %dma_start3A_153 = tpu.memref_squeeze %dma_start3A_152 : memref<1x128xi32, #tpu.memory_space<vmem>> -> memref<128xi32, #tpu.memory_space<vmem>>
          %dma_start3A_154 = arith.constant 0 : i32
          %dma_start3A_155 = arith.constant 0 : i32
          %dma_start3A_156 = tpu.memref_slice %arg10[%dma_start3A_154, %dma_start3A_155] : memref<10240x128xf32, #tpu.memory_space<vmem_shared>> -> memref<10240x128xf32, #tpu.memory_space<vmem_shared>>
          tpu.enqueue_indirect_dma source(%arg8 : memref<128x128xf32, #tpu.memory_space<vmem>>) target(%dma_start3A_156 : memref<10240x128xf32, #tpu.memory_space<vmem_shared>>) offsets(%dma_start3A_153 : memref<128xi32, #tpu.memory_space<vmem>>) semaphore(%run_scoped3A : memref<!tpu.dma_semaphore, #tpu.memory_space<semaphore_mem>>) {add = true}
          %dma_wait3A_157 = arith.constant 0 : i32
          %dma_wait3A_158 = tpu.memref_slice %arg7[%mul3A_127, %dma_wait3A_157] : memref<40x128xi32, #tpu.memory_space<vmem>> -> memref<1x128xi32, #tpu.memory_space<vmem>>
          %dma_wait3A_159 = tpu.memref_squeeze %dma_wait3A_158 : memref<1x128xi32, #tpu.memory_space<vmem>> -> memref<128xi32, #tpu.memory_space<vmem>>
          %dma_wait3A_160 = arith.constant 0 : i32
          %dma_wait3A_161 = arith.constant 0 : i32
          %dma_wait3A_162 = tpu.memref_slice %arg10[%dma_wait3A_160, %dma_wait3A_161] : memref<10240x128xf32, #tpu.memory_space<vmem_shared>> -> memref<10240x128xf32, #tpu.memory_space<vmem_shared>>
          tpu.wait_indirect_dma semaphore(%run_scoped3A : memref<!tpu.dma_semaphore, #tpu.memory_space<semaphore_mem>>) src(%arg8 : memref<128x128xf32, #tpu.memory_space<vmem>>) dst(%dma_wait3A_162 : memref<10240x128xf32, #tpu.memory_space<vmem_shared>>)
          tpu.yield
        }) : () -> ()
        %dma_wait3A_141 = arith.constant 0 : i32
        %dma_wait3A_142 = tpu.memref_slice %arg6[%add3A_129, %dma_wait3A_141] : memref<40x128xi32, #tpu.memory_space<vmem>> -> memref<1x128xi32, #tpu.memory_space<vmem>>
        %dma_wait3A_143 = tpu.memref_squeeze %dma_wait3A_142 : memref<1x128xi32, #tpu.memory_space<vmem>> -> memref<128xi32, #tpu.memory_space<vmem>>
        %dma_wait3A_144 = arith.constant 0 : i32
        %dma_wait3A_145 = arith.constant 0 : i32
        %dma_wait3A_146 = tpu.memref_slice %arg2[%dma_wait3A_144, %dma_wait3A_145] : memref<10240x128xf32, #tpu.memory_space<hbm>> -> memref<10240x128xf32, #tpu.memory_space<hbm>>
        tpu.wait_indirect_dma semaphore(%arg12 : memref<!tpu.dma_semaphore, #tpu.memory_space<semaphore_mem>>) src(%dma_wait3A_146 : memref<10240x128xf32, #tpu.memory_space<hbm>>) dst(%arg9 : memref<128x128xf32, #tpu.memory_space<vmem>>)
        %add3A_147 = arith.constant 1 : i32
        %add3A_148 = arith.addi %add3A_129, %add3A_147 : i32
        %lt3A = arith.cmpi slt, %add3A_148, %min3A_80 : i32
        %convert_element_type3A = arith.extui %lt3A : i1 to i32
        %cond3A = arith.constant 0 : i32
        %cond3A_149 = arith.cmpi ne, %convert_element_type3A, %cond3A : i32
        scf.if %cond3A_149 {
          %add3A_151 = arith.constant 1 : i32
          %add3A_152 = arith.addi %add3A_129, %add3A_151 : i32
          %dma_start3A_153 = arith.constant 0 : i32
          %dma_start3A_154 = tpu.memref_slice %arg6[%add3A_152, %dma_start3A_153] : memref<40x128xi32, #tpu.memory_space<vmem>> -> memref<1x128xi32, #tpu.memory_space<vmem>>
          %dma_start3A_155 = tpu.memref_squeeze %dma_start3A_154 : memref<1x128xi32, #tpu.memory_space<vmem>> -> memref<128xi32, #tpu.memory_space<vmem>>
          %dma_start3A_156 = arith.constant 0 : i32
          %dma_start3A_157 = arith.constant 0 : i32
          %dma_start3A_158 = tpu.memref_slice %arg2[%dma_start3A_156, %dma_start3A_157] : memref<10240x128xf32, #tpu.memory_space<hbm>> -> memref<10240x128xf32, #tpu.memory_space<hbm>>
          tpu.enqueue_indirect_dma source(%dma_start3A_158 : memref<10240x128xf32, #tpu.memory_space<hbm>>) target(%arg8 : memref<128x128xf32, #tpu.memory_space<vmem>>) offsets(%dma_start3A_155 : memref<128xi32, #tpu.memory_space<vmem>>) semaphore(%arg11 : memref<!tpu.dma_semaphore, #tpu.memory_space<semaphore_mem>>)
        } else {
        }
        "tpu.region"() ({
          %run_scoped3A = tpu.sem_alloc : memref<!tpu.dma_semaphore, #tpu.memory_space<semaphore_mem>>
          %dma_start3A_151 = arith.constant 0 : i32
          %dma_start3A_152 = tpu.memref_slice %arg7[%add3A_129, %dma_start3A_151] : memref<40x128xi32, #tpu.memory_space<vmem>> -> memref<1x128xi32, #tpu.memory_space<vmem>>
          %dma_start3A_153 = tpu.memref_squeeze %dma_start3A_152 : memref<1x128xi32, #tpu.memory_space<vmem>> -> memref<128xi32, #tpu.memory_space<vmem>>
          %dma_start3A_154 = arith.constant 0 : i32
          %dma_start3A_155 = arith.constant 0 : i32
          %dma_start3A_156 = tpu.memref_slice %arg10[%dma_start3A_154, %dma_start3A_155] : memref<10240x128xf32, #tpu.memory_space<vmem_shared>> -> memref<10240x128xf32, #tpu.memory_space<vmem_shared>>
          tpu.enqueue_indirect_dma source(%arg9 : memref<128x128xf32, #tpu.memory_space<vmem>>) target(%dma_start3A_156 : memref<10240x128xf32, #tpu.memory_space<vmem_shared>>) offsets(%dma_start3A_153 : memref<128xi32, #tpu.memory_space<vmem>>) semaphore(%run_scoped3A : memref<!tpu.dma_semaphore, #tpu.memory_space<semaphore_mem>>) {add = true}
          %dma_wait3A_157 = arith.constant 0 : i32
          %dma_wait3A_158 = tpu.memref_slice %arg7[%add3A_129, %dma_wait3A_157] : memref<40x128xi32, #tpu.memory_space<vmem>> -> memref<1x128xi32, #tpu.memory_space<vmem>>
          %dma_wait3A_159 = tpu.memref_squeeze %dma_wait3A_158 : memref<1x128xi32, #tpu.memory_space<vmem>> -> memref<128xi32, #tpu.memory_space<vmem>>
          %dma_wait3A_160 = arith.constant 0 : i32
          %dma_wait3A_161 = arith.constant 0 : i32
          %dma_wait3A_162 = tpu.memref_slice %arg10[%dma_wait3A_160, %dma_wait3A_161] : memref<10240x128xf32, #tpu.memory_space<vmem_shared>> -> memref<10240x128xf32, #tpu.memory_space<vmem_shared>>
          tpu.wait_indirect_dma semaphore(%run_scoped3A : memref<!tpu.dma_semaphore, #tpu.memory_space<semaphore_mem>>) src(%arg9 : memref<128x128xf32, #tpu.memory_space<vmem>>) dst(%dma_wait3A_162 : memref<10240x128xf32, #tpu.memory_space<vmem_shared>>)
          tpu.yield
        }) : () -> ()
        %while3A_150 = arith.constant 0 : i32
        scf.yield %while3A_150 : i32
      }
      %while3A_123 = arith.constant 0 : i32
      scf.yield %while3A_123 : i32
    }
    %barrier3A_67 = arith.constant 0 : index
    tpu.barrier barrier_id(%barrier3A_67)
    %mul3A_68 = arith.constant 640 : i32
    %mul3A_69 = arith.muli %arg1, %mul3A_68 : i32
    %mul3A_70 = arith.constant 640 : i32
    %mul3A_71 = arith.muli %arg1, %mul3A_70 : i32
    "tpu.region"() ({
      %run_scoped3A = tpu.sem_alloc : memref<!tpu.dma_semaphore, #tpu.memory_space<semaphore_mem>>
      %dma_start3A = arith.constant 0 : i32
      %dma_start3A_72 = tpu.memref_slice %arg5[%arg0, %mul3A_71, %dma_start3A] : memref<2x10240x128xf32, #tpu.memory_space<hbm>> -> memref<1x640x128xf32, #tpu.memory_space<hbm>>
      %dma_start3A_73 = tpu.memref_squeeze %dma_start3A_72 : memref<1x640x128xf32, #tpu.memory_space<hbm>> -> memref<640x128xf32, #tpu.memory_space<hbm>>
      %dma_start3A_74 = arith.constant 0 : i32
      %dma_start3A_75 = tpu.memref_slice %arg10[%mul3A_69, %dma_start3A_74] : memref<10240x128xf32, #tpu.memory_space<vmem_shared>> -> memref<640x128xf32, #tpu.memory_space<vmem_shared>>
      tpu.enqueue_dma source(%dma_start3A_75 : memref<640x128xf32, #tpu.memory_space<vmem_shared>>) target(%dma_start3A_73 : memref<640x128xf32, #tpu.memory_space<hbm>>) target_semaphore(%run_scoped3A : memref<!tpu.dma_semaphore, #tpu.memory_space<semaphore_mem>>)
      %dma_wait3A = arith.constant 0 : i32
      %dma_wait3A_76 = tpu.memref_slice %arg5[%arg0, %mul3A_71, %dma_wait3A] : memref<2x10240x128xf32, #tpu.memory_space<hbm>> -> memref<1x640x128xf32, #tpu.memory_space<hbm>>
      %dma_wait3A_77 = tpu.memref_squeeze %dma_wait3A_76 : memref<1x640x128xf32, #tpu.memory_space<hbm>> -> memref<640x128xf32, #tpu.memory_space<hbm>>
      %dma_wait3A_78 = arith.constant 0 : i32
      %dma_wait3A_79 = tpu.memref_slice %arg10[%mul3A_69, %dma_wait3A_78] : memref<10240x128xf32, #tpu.memory_space<vmem_shared>> -> memref<640x128xf32, #tpu.memory_space<vmem_shared>>
      tpu.wait_dma2 semaphore(%run_scoped3A : memref<!tpu.dma_semaphore, #tpu.memory_space<semaphore_mem>>) src(%dma_wait3A_79 : memref<640x128xf32, #tpu.memory_space<vmem_shared>>) dst(%dma_wait3A_77 : memref<640x128xf32, #tpu.memory_space<hbm>>)
      tpu.yield
    }) : () -> ()
    return
  }
}

#map = affine_map<(d0, d1) -> (0, 0)>
#map1 = affine_map<(d0, d1) -> (0, 0, 0)>
module attributes {stable_mosaic.version = 14 : i64} {
  func.func @_hop_kernel(%arg0: i32, %arg1: i32, %arg2: memref<10240x128xf32, #tpu.memory_space<hbm>>, %arg3: memref<2600x128xi32, #tpu.memory_space<hbm>>, %arg4: memref<2600x128xi32, #tpu.memory_space<hbm>>, %arg5: memref<2x10240x128xf32, #tpu.memory_space<hbm>>, %arg6: memref<40x128xi32, #tpu.memory_space<vmem>>, %arg7: memref<40x128xi32, #tpu.memory_space<vmem>>, %arg8: memref<128x128xf32, #tpu.memory_space<vmem>>, %arg9: memref<128x128xf32, #tpu.memory_space<vmem>>, %arg10: memref<10240x128xf32, #tpu.memory_space<vmem_shared>>, %arg11: memref<!tpu.dma_semaphore, #tpu.memory_space<semaphore_mem>>, %arg12: memref<!tpu.dma_semaphore, #tpu.memory_space<semaphore_mem>>) attributes {dimension_semantics = [#tpu.dimension_semantics<core_parallel>, #tpu.dimension_semantics<subcore_parallel>], iteration_bounds = array<i64: 2, 16>, scalar_prefetch = 0 : i64, scratch_operands = 7 : i64, tpu.core_type = #tpu.core_type<sc_vector_subcore>, window_params = [{transform_indices = #map}, {transform_indices = #map}, {transform_indices = #map}, {transform_indices = #map1}]} {
    %mul3A = arith.constant 2 : i32
    %mul3A_0 = arith.muli %arg1, %mul3A : i32
    %add3A = arith.addi %mul3A_0, %arg0 : i32
    %eq3A = arith.constant 0 : i32
    %eq3A_1 = arith.cmpi eq, %arg0, %eq3A : i32
    %jit3A = arith.constant 128 : i32
    %jit3A_2 = arith.constant 32 : i32
    %select_n3A = arith.select %eq3A_1, %jit3A, %jit3A_2 : i32
    %mul3A_3 = arith.muli %arg1, %select_n3A : i32
    %mul3A_4 = arith.constant 2048 : i32
    %mul3A_5 = arith.muli %arg0, %mul3A_4 : i32
    %add3A_6 = arith.addi %mul3A_3, %mul3A_5 : i32
    %broadcast_in_dim3A = arith.constant 0.000000e+00 : f32
    %broadcast_in_dim3A_7 = vector.broadcast %broadcast_in_dim3A : f32 to vector<16xf32>
    %scan3A = arith.constant 0 : i32
    %scan3A_8 = arith.constant 0 : i32
    %scan3A_9 = arith.constant 128 : i32
    %scan3A_10 = arith.addi %scan3A_8, %scan3A_9 : i32
    %scan3A_11 = arith.constant 1 : i32
    %scan3A_12 = scf.for %scan3A_72 = %scan3A_8 to %scan3A_10 step %scan3A_11 iter_args(%scan3A_73 = %scan3A) -> (i32)  : i32 {
      %swap3A = arith.index_cast %scan3A_72 : i32 to index
      %swap3A_74 = arith.constant 0 : index
      %swap3A_75 = tpu.vector_load %arg8[%swap3A, %swap3A_74] {strides = array<i32>} : memref<128x128xf32, #tpu.memory_space<vmem>>, vector<1x16xf32>,
      %swap3A_76 = vector.shape_cast %swap3A_75 : vector<1x16xf32> to vector<16xf32>
      %swap3A_77 = vector.shape_cast %broadcast_in_dim3A_7 : vector<16xf32> to vector<1x16xf32>
      tpu.vector_store %arg8[%swap3A, %swap3A_74], %swap3A_77 {strides = array<i32>} : memref<128x128xf32, #tpu.memory_space<vmem>>, vector<1x16xf32>,
      %swap3A_78 = arith.index_cast %scan3A_72 : i32 to index
      %swap3A_79 = arith.constant 16 : index
      %swap3A_80 = tpu.vector_load %arg8[%swap3A_78, %swap3A_79] {strides = array<i32>} : memref<128x128xf32, #tpu.memory_space<vmem>>, vector<1x16xf32>,
      %swap3A_81 = vector.shape_cast %swap3A_80 : vector<1x16xf32> to vector<16xf32>
      %swap3A_82 = vector.shape_cast %broadcast_in_dim3A_7 : vector<16xf32> to vector<1x16xf32>
      tpu.vector_store %arg8[%swap3A_78, %swap3A_79], %swap3A_82 {strides = array<i32>} : memref<128x128xf32, #tpu.memory_space<vmem>>, vector<1x16xf32>,
      %swap3A_83 = arith.index_cast %scan3A_72 : i32 to index
      %swap3A_84 = arith.constant 32 : index
      %swap3A_85 = tpu.vector_load %arg8[%swap3A_83, %swap3A_84] {strides = array<i32>} : memref<128x128xf32, #tpu.memory_space<vmem>>, vector<1x16xf32>,
      %swap3A_86 = vector.shape_cast %swap3A_85 : vector<1x16xf32> to vector<16xf32>
      %swap3A_87 = vector.shape_cast %broadcast_in_dim3A_7 : vector<16xf32> to vector<1x16xf32>
      tpu.vector_store %arg8[%swap3A_83, %swap3A_84], %swap3A_87 {strides = array<i32>} : memref<128x128xf32, #tpu.memory_space<vmem>>, vector<1x16xf32>,
      %swap3A_88 = arith.index_cast %scan3A_72 : i32 to index
      %swap3A_89 = arith.constant 48 : index
      %swap3A_90 = tpu.vector_load %arg8[%swap3A_88, %swap3A_89] {strides = array<i32>} : memref<128x128xf32, #tpu.memory_space<vmem>>, vector<1x16xf32>,
      %swap3A_91 = vector.shape_cast %swap3A_90 : vector<1x16xf32> to vector<16xf32>
      %swap3A_92 = vector.shape_cast %broadcast_in_dim3A_7 : vector<16xf32> to vector<1x16xf32>
      tpu.vector_store %arg8[%swap3A_88, %swap3A_89], %swap3A_92 {strides = array<i32>} : memref<128x128xf32, #tpu.memory_space<vmem>>, vector<1x16xf32>,
      %swap3A_93 = arith.index_cast %scan3A_72 : i32 to index
      %swap3A_94 = arith.constant 64 : index
      %swap3A_95 = tpu.vector_load %arg8[%swap3A_93, %swap3A_94] {strides = array<i32>} : memref<128x128xf32, #tpu.memory_space<vmem>>, vector<1x16xf32>,
      %swap3A_96 = vector.shape_cast %swap3A_95 : vector<1x16xf32> to vector<16xf32>
      %swap3A_97 = vector.shape_cast %broadcast_in_dim3A_7 : vector<16xf32> to vector<1x16xf32>
      tpu.vector_store %arg8[%swap3A_93, %swap3A_94], %swap3A_97 {strides = array<i32>} : memref<128x128xf32, #tpu.memory_space<vmem>>, vector<1x16xf32>,
      %swap3A_98 = arith.index_cast %scan3A_72 : i32 to index
      %swap3A_99 = arith.constant 80 : index
      %swap3A_100 = tpu.vector_load %arg8[%swap3A_98, %swap3A_99] {strides = array<i32>} : memref<128x128xf32, #tpu.memory_space<vmem>>, vector<1x16xf32>,
      %swap3A_101 = vector.shape_cast %swap3A_100 : vector<1x16xf32> to vector<16xf32>
      %swap3A_102 = vector.shape_cast %broadcast_in_dim3A_7 : vector<16xf32> to vector<1x16xf32>
      tpu.vector_store %arg8[%swap3A_98, %swap3A_99], %swap3A_102 {strides = array<i32>} : memref<128x128xf32, #tpu.memory_space<vmem>>, vector<1x16xf32>,
      %swap3A_103 = arith.index_cast %scan3A_72 : i32 to index
      %swap3A_104 = arith.constant 96 : index
      %swap3A_105 = tpu.vector_load %arg8[%swap3A_103, %swap3A_104] {strides = array<i32>} : memref<128x128xf32, #tpu.memory_space<vmem>>, vector<1x16xf32>,
      %swap3A_106 = vector.shape_cast %swap3A_105 : vector<1x16xf32> to vector<16xf32>
      %swap3A_107 = vector.shape_cast %broadcast_in_dim3A_7 : vector<16xf32> to vector<1x16xf32>
      tpu.vector_store %arg8[%swap3A_103, %swap3A_104], %swap3A_107 {strides = array<i32>} : memref<128x128xf32, #tpu.memory_space<vmem>>, vector<1x16xf32>,
      %swap3A_108 = arith.index_cast %scan3A_72 : i32 to index
      %swap3A_109 = arith.constant 112 : index
      %swap3A_110 = tpu.vector_load %arg8[%swap3A_108, %swap3A_109] {strides = array<i32>} : memref<128x128xf32, #tpu.memory_space<vmem>>, vector<1x16xf32>,
      %swap3A_111 = vector.shape_cast %swap3A_110 : vector<1x16xf32> to vector<16xf32>
      %swap3A_112 = vector.shape_cast %broadcast_in_dim3A_7 : vector<16xf32> to vector<1x16xf32>
      tpu.vector_store %arg8[%swap3A_108, %swap3A_109], %swap3A_112 {strides = array<i32>} : memref<128x128xf32, #tpu.memory_space<vmem>>, vector<1x16xf32>,
      %scan3A_113 = arith.constant 0 : i32
      scf.yield %scan3A_113 : i32
    }
    %scan3A_13 = arith.constant 128 : i32
    %mul3A_14 = arith.constant 640 : i32
    %mul3A_15 = arith.muli %arg1, %mul3A_14 : i32
    %add3A_16 = arith.constant 0 : i32
    %add3A_17 = arith.addi %mul3A_15, %add3A_16 : i32
    "tpu.region"() ({
      %run_scoped3A = tpu.sem_alloc : memref<!tpu.dma_semaphore, #tpu.memory_space<semaphore_mem>>
      %dma_start3A = arith.constant 0 : i32
      %dma_start3A_72 = tpu.memref_slice %arg10[%add3A_17, %dma_start3A] : memref<10240x128xf32, #tpu.memory_space<vmem_shared>> -> memref<128x128xf32, #tpu.memory_space<vmem_shared>>
      %dma_start3A_73 = arith.constant 0 : i32
      %dma_start3A_74 = tpu.memref_slice %arg10[%add3A_17, %dma_start3A_73] : memref<10240x128xf32, #tpu.memory_space<vmem_shared>> -> memref<128x128xf32, #tpu.memory_space<vmem_shared>>
      tpu.enqueue_dma source(%arg8 : memref<128x128xf32, #tpu.memory_space<vmem>>) target(%dma_start3A_74 : memref<128x128xf32, #tpu.memory_space<vmem_shared>>) target_semaphore(%run_scoped3A : memref<!tpu.dma_semaphore, #tpu.memory_space<semaphore_mem>>)
      %dma_wait3A = arith.constant 0 : i32
      %dma_wait3A_75 = tpu.memref_slice %arg10[%add3A_17, %dma_wait3A] : memref<10240x128xf32, #tpu.memory_space<vmem_shared>> -> memref<128x128xf32, #tpu.memory_space<vmem_shared>>
      %dma_wait3A_76 = arith.constant 0 : i32
      %dma_wait3A_77 = tpu.memref_slice %arg10[%add3A_17, %dma_wait3A_76] : memref<10240x128xf32, #tpu.memory_space<vmem_shared>> -> memref<128x128xf32, #tpu.memory_space<vmem_shared>>
      tpu.wait_dma2 semaphore(%run_scoped3A : memref<!tpu.dma_semaphore, #tpu.memory_space<semaphore_mem>>) src(%arg8 : memref<128x128xf32, #tpu.memory_space<vmem>>) dst(%dma_wait3A_77 : memref<128x128xf32, #tpu.memory_space<vmem_shared>>)
      tpu.yield
    }) : () -> ()
    %mul3A_18 = arith.constant 640 : i32
    %mul3A_19 = arith.muli %arg1, %mul3A_18 : i32
    %add3A_20 = arith.constant 128 : i32
    %add3A_21 = arith.addi %mul3A_19, %add3A_20 : i32
    "tpu.region"() ({
      %run_scoped3A = tpu.sem_alloc : memref<!tpu.dma_semaphore, #tpu.memory_space<semaphore_mem>>
      %dma_start3A = arith.constant 0 : i32
      %dma_start3A_72 = tpu.memref_slice %arg10[%add3A_21, %dma_start3A] : memref<10240x128xf32, #tpu.memory_space<vmem_shared>> -> memref<128x128xf32, #tpu.memory_space<vmem_shared>>
      %dma_start3A_73 = arith.constant 0 : i32
      %dma_start3A_74 = tpu.memref_slice %arg10[%add3A_21, %dma_start3A_73] : memref<10240x128xf32, #tpu.memory_space<vmem_shared>> -> memref<128x128xf32, #tpu.memory_space<vmem_shared>>
      tpu.enqueue_dma source(%arg8 : memref<128x128xf32, #tpu.memory_space<vmem>>) target(%dma_start3A_74 : memref<128x128xf32, #tpu.memory_space<vmem_shared>>) target_semaphore(%run_scoped3A : memref<!tpu.dma_semaphore, #tpu.memory_space<semaphore_mem>>)
      %dma_wait3A = arith.constant 0 : i32
      %dma_wait3A_75 = tpu.memref_slice %arg10[%add3A_21, %dma_wait3A] : memref<10240x128xf32, #tpu.memory_space<vmem_shared>> -> memref<128x128xf32, #tpu.memory_space<vmem_shared>>
      %dma_wait3A_76 = arith.constant 0 : i32
      %dma_wait3A_77 = tpu.memref_slice %arg10[%add3A_21, %dma_wait3A_76] : memref<10240x128xf32, #tpu.memory_space<vmem_shared>> -> memref<128x128xf32, #tpu.memory_space<vmem_shared>>
      tpu.wait_dma2 semaphore(%run_scoped3A : memref<!tpu.dma_semaphore, #tpu.memory_space<semaphore_mem>>) src(%arg8 : memref<128x128xf32, #tpu.memory_space<vmem>>) dst(%dma_wait3A_77 : memref<128x128xf32, #tpu.memory_space<vmem_shared>>)
      tpu.yield
    }) : () -> ()
    %mul3A_22 = arith.constant 640 : i32
    %mul3A_23 = arith.muli %arg1, %mul3A_22 : i32
    %add3A_24 = arith.constant 256 : i32
    %add3A_25 = arith.addi %mul3A_23, %add3A_24 : i32
    "tpu.region"() ({
      %run_scoped3A = tpu.sem_alloc : memref<!tpu.dma_semaphore, #tpu.memory_space<semaphore_mem>>
      %dma_start3A = arith.constant 0 : i32
      %dma_start3A_72 = tpu.memref_slice %arg10[%add3A_25, %dma_start3A] : memref<10240x128xf32, #tpu.memory_space<vmem_shared>> -> memref<128x128xf32, #tpu.memory_space<vmem_shared>>
      %dma_start3A_73 = arith.constant 0 : i32
      %dma_start3A_74 = tpu.memref_slice %arg10[%add3A_25, %dma_start3A_73] : memref<10240x128xf32, #tpu.memory_space<vmem_shared>> -> memref<128x128xf32, #tpu.memory_space<vmem_shared>>
      tpu.enqueue_dma source(%arg8 : memref<128x128xf32, #tpu.memory_space<vmem>>) target(%dma_start3A_74 : memref<128x128xf32, #tpu.memory_space<vmem_shared>>) target_semaphore(%run_scoped3A : memref<!tpu.dma_semaphore, #tpu.memory_space<semaphore_mem>>)
      %dma_wait3A = arith.constant 0 : i32
      %dma_wait3A_75 = tpu.memref_slice %arg10[%add3A_25, %dma_wait3A] : memref<10240x128xf32, #tpu.memory_space<vmem_shared>> -> memref<128x128xf32, #tpu.memory_space<vmem_shared>>
      %dma_wait3A_76 = arith.constant 0 : i32
      %dma_wait3A_77 = tpu.memref_slice %arg10[%add3A_25, %dma_wait3A_76] : memref<10240x128xf32, #tpu.memory_space<vmem_shared>> -> memref<128x128xf32, #tpu.memory_space<vmem_shared>>
      tpu.wait_dma2 semaphore(%run_scoped3A : memref<!tpu.dma_semaphore, #tpu.memory_space<semaphore_mem>>) src(%arg8 : memref<128x128xf32, #tpu.memory_space<vmem>>) dst(%dma_wait3A_77 : memref<128x128xf32, #tpu.memory_space<vmem_shared>>)
      tpu.yield
    }) : () -> ()
    %mul3A_26 = arith.constant 640 : i32
    %mul3A_27 = arith.muli %arg1, %mul3A_26 : i32
    %add3A_28 = arith.constant 384 : i32
    %add3A_29 = arith.addi %mul3A_27, %add3A_28 : i32
    "tpu.region"() ({
      %run_scoped3A = tpu.sem_alloc : memref<!tpu.dma_semaphore, #tpu.memory_space<semaphore_mem>>
      %dma_start3A = arith.constant 0 : i32
      %dma_start3A_72 = tpu.memref_slice %arg10[%add3A_29, %dma_start3A] : memref<10240x128xf32, #tpu.memory_space<vmem_shared>> -> memref<128x128xf32, #tpu.memory_space<vmem_shared>>
      %dma_start3A_73 = arith.constant 0 : i32
      %dma_start3A_74 = tpu.memref_slice %arg10[%add3A_29, %dma_start3A_73] : memref<10240x128xf32, #tpu.memory_space<vmem_shared>> -> memref<128x128xf32, #tpu.memory_space<vmem_shared>>
      tpu.enqueue_dma source(%arg8 : memref<128x128xf32, #tpu.memory_space<vmem>>) target(%dma_start3A_74 : memref<128x128xf32, #tpu.memory_space<vmem_shared>>) target_semaphore(%run_scoped3A : memref<!tpu.dma_semaphore, #tpu.memory_space<semaphore_mem>>)
      %dma_wait3A = arith.constant 0 : i32
      %dma_wait3A_75 = tpu.memref_slice %arg10[%add3A_29, %dma_wait3A] : memref<10240x128xf32, #tpu.memory_space<vmem_shared>> -> memref<128x128xf32, #tpu.memory_space<vmem_shared>>
      %dma_wait3A_76 = arith.constant 0 : i32
      %dma_wait3A_77 = tpu.memref_slice %arg10[%add3A_29, %dma_wait3A_76] : memref<10240x128xf32, #tpu.memory_space<vmem_shared>> -> memref<128x128xf32, #tpu.memory_space<vmem_shared>>
      tpu.wait_dma2 semaphore(%run_scoped3A : memref<!tpu.dma_semaphore, #tpu.memory_space<semaphore_mem>>) src(%arg8 : memref<128x128xf32, #tpu.memory_space<vmem>>) dst(%dma_wait3A_77 : memref<128x128xf32, #tpu.memory_space<vmem_shared>>)
      tpu.yield
    }) : () -> ()
    %mul3A_30 = arith.constant 640 : i32
    %mul3A_31 = arith.muli %arg1, %mul3A_30 : i32
    %add3A_32 = arith.constant 512 : i32
    %add3A_33 = arith.addi %mul3A_31, %add3A_32 : i32
    "tpu.region"() ({
      %run_scoped3A = tpu.sem_alloc : memref<!tpu.dma_semaphore, #tpu.memory_space<semaphore_mem>>
      %dma_start3A = arith.constant 0 : i32
      %dma_start3A_72 = tpu.memref_slice %arg10[%add3A_33, %dma_start3A] : memref<10240x128xf32, #tpu.memory_space<vmem_shared>> -> memref<128x128xf32, #tpu.memory_space<vmem_shared>>
      %dma_start3A_73 = arith.constant 0 : i32
      %dma_start3A_74 = tpu.memref_slice %arg10[%add3A_33, %dma_start3A_73] : memref<10240x128xf32, #tpu.memory_space<vmem_shared>> -> memref<128x128xf32, #tpu.memory_space<vmem_shared>>
      tpu.enqueue_dma source(%arg8 : memref<128x128xf32, #tpu.memory_space<vmem>>) target(%dma_start3A_74 : memref<128x128xf32, #tpu.memory_space<vmem_shared>>) target_semaphore(%run_scoped3A : memref<!tpu.dma_semaphore, #tpu.memory_space<semaphore_mem>>)
      %dma_wait3A = arith.constant 0 : i32
      %dma_wait3A_75 = tpu.memref_slice %arg10[%add3A_33, %dma_wait3A] : memref<10240x128xf32, #tpu.memory_space<vmem_shared>> -> memref<128x128xf32, #tpu.memory_space<vmem_shared>>
      %dma_wait3A_76 = arith.constant 0 : i32
      %dma_wait3A_77 = tpu.memref_slice %arg10[%add3A_33, %dma_wait3A_76] : memref<10240x128xf32, #tpu.memory_space<vmem_shared>> -> memref<128x128xf32, #tpu.memory_space<vmem_shared>>
      tpu.wait_dma2 semaphore(%run_scoped3A : memref<!tpu.dma_semaphore, #tpu.memory_space<semaphore_mem>>) src(%arg8 : memref<128x128xf32, #tpu.memory_space<vmem>>) dst(%dma_wait3A_77 : memref<128x128xf32, #tpu.memory_space<vmem_shared>>)
      tpu.yield
    }) : () -> ()
    %barrier3A = arith.constant 0 : index
    tpu.barrier barrier_id(%barrier3A)
    %add3A_34 = arith.constant 40 : i32
    %add3A_35 = arith.addi %select_n3A, %add3A_34 : i32
    %sub3A = arith.constant 1 : i32
    %sub3A_36 = arith.subi %add3A_35, %sub3A : i32
    %jit3A_37 = arith.constant 40 : i32
    %div3A = arith.divsi %sub3A_36, %jit3A_37 : i32
    %sign3A = arith.constant 0 : i32
    %sign3A_38 = arith.cmpi sgt, %sub3A_36, %sign3A : i32
    %sign3A_39 = arith.extui %sign3A_38 : i1 to i32
    %sign3A_40 = arith.constant 0 : i32
    %sign3A_41 = arith.cmpi slt, %sub3A_36, %sign3A_40 : i32
    %sign3A_42 = arith.extui %sign3A_41 : i1 to i32
    %sign3A_43 = arith.subi %sign3A_39, %sign3A_42 : i32
    %sign3A_44 = arith.constant 0 : i32
    %sign3A_45 = arith.cmpi sgt, %jit3A_37, %sign3A_44 : i32
    %sign3A_46 = arith.extui %sign3A_45 : i1 to i32
    %sign3A_47 = arith.constant 0 : i32
    %sign3A_48 = arith.cmpi slt, %jit3A_37, %sign3A_47 : i32
    %sign3A_49 = arith.extui %sign3A_48 : i1 to i32
    %sign3A_50 = arith.subi %sign3A_46, %sign3A_49 : i32
    %ne3A = arith.cmpi ne, %sign3A_43, %sign3A_50 : i32
    %rem3A = arith.remsi %sub3A_36, %jit3A_37 : i32
    %ne3A_51 = arith.constant 0 : i32
    %ne3A_52 = arith.cmpi ne, %rem3A, %ne3A_51 : i32
    %and3A = arith.andi %ne3A, %ne3A_52 : i1
    %sub3A_53 = arith.constant 1 : i32
    %sub3A_54 = arith.subi %div3A, %sub3A_53 : i32
    %select_n3A_55 = arith.select %and3A, %sub3A_54, %div3A : i32
    %while3A = arith.constant 0 : i32
    %while3A_56 = arith.constant 0 : i32
    %while3A_57 = arith.subi %select_n3A_55, %while3A : i32
    %while3A_58 = arith.addi %while3A, %while3A_57 : i32
    %while3A_59 = arith.constant 1 : i32
    %while3A_60 = arith.divsi %while3A_57, %while3A_59 : i32
    %while3A_61 = arith.muli %while3A_60, %while3A_59 : i32
    %while3A_62 = arith.addi %while3A, %while3A_61 : i32
    %while3A_63 = arith.constant 1 : i32
    %while3A_64 = scf.for %while3A_72 = %while3A to %while3A_62 step %while3A_63 iter_args(%while3A_73 = %while3A_56) -> (i32)  : i32 {
      %mul3A_74 = arith.constant 40 : i32
      %mul3A_75 = arith.muli %while3A_72, %mul3A_74 : i32
      %add3A_76 = arith.addi %add3A_6, %mul3A_75 : i32
      %mul3A_77 = arith.constant 40 : i32
      %mul3A_78 = arith.muli %while3A_72, %mul3A_77 : i32
      %sub3A_79 = arith.subi %select_n3A, %mul3A_78 : i32
      %min3A = arith.constant 40 : i32
      %min3A_80 = arith.minsi %sub3A_79, %min3A : i32
      "tpu.region"() ({
        %run_scoped3A = tpu.sem_alloc : memref<!tpu.dma_semaphore, #tpu.memory_space<semaphore_mem>>
        %dma_start3A_124 = arith.constant 0 : i32
        %dma_start3A_125 = tpu.memref_slice %arg3[%add3A_76, %dma_start3A_124] : memref<2600x128xi32, #tpu.memory_space<hbm>> -> memref<40x128xi32, #tpu.memory_space<hbm>>
        %dma_start3A_126 = arith.constant 0 : i32
        %dma_start3A_127 = tpu.memref_slice %arg3[%add3A_76, %dma_start3A_126] : memref<2600x128xi32, #tpu.memory_space<hbm>> -> memref<40x128xi32, #tpu.memory_space<hbm>>
        tpu.enqueue_dma source(%dma_start3A_127 : memref<40x128xi32, #tpu.memory_space<hbm>>) target(%arg6 : memref<40x128xi32, #tpu.memory_space<vmem>>) target_semaphore(%run_scoped3A : memref<!tpu.dma_semaphore, #tpu.memory_space<semaphore_mem>>)
        %dma_wait3A = arith.constant 0 : i32
        %dma_wait3A_128 = tpu.memref_slice %arg3[%add3A_76, %dma_wait3A] : memref<2600x128xi32, #tpu.memory_space<hbm>> -> memref<40x128xi32, #tpu.memory_space<hbm>>
        %dma_wait3A_129 = arith.constant 0 : i32
        %dma_wait3A_130 = tpu.memref_slice %arg3[%add3A_76, %dma_wait3A_129] : memref<2600x128xi32, #tpu.memory_space<hbm>> -> memref<40x128xi32, #tpu.memory_space<hbm>>
        tpu.wait_dma2 semaphore(%run_scoped3A : memref<!tpu.dma_semaphore, #tpu.memory_space<semaphore_mem>>) src(%dma_wait3A_130 : memref<40x128xi32, #tpu.memory_space<hbm>>) dst(%arg6 : memref<40x128xi32, #tpu.memory_space<vmem>>)
        tpu.yield
      }) : () -> ()
      "tpu.region"() ({
        %run_scoped3A = tpu.sem_alloc : memref<!tpu.dma_semaphore, #tpu.memory_space<semaphore_mem>>
        %dma_start3A_124 = arith.constant 0 : i32
        %dma_start3A_125 = tpu.memref_slice %arg4[%add3A_76, %dma_start3A_124] : memref<2600x128xi32, #tpu.memory_space<hbm>> -> memref<40x128xi32, #tpu.memory_space<hbm>>
        %dma_start3A_126 = arith.constant 0 : i32
        %dma_start3A_127 = tpu.memref_slice %arg4[%add3A_76, %dma_start3A_126] : memref<2600x128xi32, #tpu.memory_space<hbm>> -> memref<40x128xi32, #tpu.memory_space<hbm>>
        tpu.enqueue_dma source(%dma_start3A_127 : memref<40x128xi32, #tpu.memory_space<hbm>>) target(%arg7 : memref<40x128xi32, #tpu.memory_space<vmem>>) target_semaphore(%run_scoped3A : memref<!tpu.dma_semaphore, #tpu.memory_space<semaphore_mem>>)
        %dma_wait3A = arith.constant 0 : i32
        %dma_wait3A_128 = tpu.memref_slice %arg4[%add3A_76, %dma_wait3A] : memref<2600x128xi32, #tpu.memory_space<hbm>> -> memref<40x128xi32, #tpu.memory_space<hbm>>
        %dma_wait3A_129 = arith.constant 0 : i32
        %dma_wait3A_130 = tpu.memref_slice %arg4[%add3A_76, %dma_wait3A_129] : memref<2600x128xi32, #tpu.memory_space<hbm>> -> memref<40x128xi32, #tpu.memory_space<hbm>>
        tpu.wait_dma2 semaphore(%run_scoped3A : memref<!tpu.dma_semaphore, #tpu.memory_space<semaphore_mem>>) src(%dma_wait3A_130 : memref<40x128xi32, #tpu.memory_space<hbm>>) dst(%arg7 : memref<40x128xi32, #tpu.memory_space<vmem>>)
        tpu.yield
      }) : () -> ()
      %dma_start3A = arith.constant 0 : i32
      %dma_start3A_81 = arith.constant 0 : i32
      %dma_start3A_82 = tpu.memref_slice %arg6[%dma_start3A, %dma_start3A_81] : memref<40x128xi32, #tpu.memory_space<vmem>> -> memref<1x128xi32, #tpu.memory_space<vmem>>
      %dma_start3A_83 = tpu.memref_squeeze %dma_start3A_82 : memref<1x128xi32, #tpu.memory_space<vmem>> -> memref<128xi32, #tpu.memory_space<vmem>>
      %dma_start3A_84 = arith.constant 0 : i32
      %dma_start3A_85 = arith.constant 0 : i32
      %dma_start3A_86 = tpu.memref_slice %arg2[%dma_start3A_84, %dma_start3A_85] : memref<10240x128xf32, #tpu.memory_space<hbm>> -> memref<10240x128xf32, #tpu.memory_space<hbm>>
      tpu.enqueue_indirect_dma source(%dma_start3A_86 : memref<10240x128xf32, #tpu.memory_space<hbm>>) target(%arg8 : memref<128x128xf32, #tpu.memory_space<vmem>>) offsets(%dma_start3A_83 : memref<128xi32, #tpu.memory_space<vmem>>) semaphore(%arg11 : memref<!tpu.dma_semaphore, #tpu.memory_space<semaphore_mem>>)
      %jit3A_87 = arith.constant 2 : i32
      %div3A_88 = arith.divsi %min3A_80, %jit3A_87 : i32
      %sign3A_89 = arith.constant 0 : i32
      %sign3A_90 = arith.cmpi sgt, %min3A_80, %sign3A_89 : i32
      %sign3A_91 = arith.extui %sign3A_90 : i1 to i32
      %sign3A_92 = arith.constant 0 : i32
      %sign3A_93 = arith.cmpi slt, %min3A_80, %sign3A_92 : i32
      %sign3A_94 = arith.extui %sign3A_93 : i1 to i32
      %sign3A_95 = arith.subi %sign3A_91, %sign3A_94 : i32
      %sign3A_96 = arith.constant 0 : i32
      %sign3A_97 = arith.cmpi sgt, %jit3A_87, %sign3A_96 : i32
      %sign3A_98 = arith.extui %sign3A_97 : i1 to i32
      %sign3A_99 = arith.constant 0 : i32
      %sign3A_100 = arith.cmpi slt, %jit3A_87, %sign3A_99 : i32
      %sign3A_101 = arith.extui %sign3A_100 : i1 to i32
      %sign3A_102 = arith.subi %sign3A_98, %sign3A_101 : i32
      %ne3A_103 = arith.cmpi ne, %sign3A_95, %sign3A_102 : i32
      %rem3A_104 = arith.remsi %min3A_80, %jit3A_87 : i32
      %ne3A_105 = arith.constant 0 : i32
      %ne3A_106 = arith.cmpi ne, %rem3A_104, %ne3A_105 : i32
      %and3A_107 = arith.andi %ne3A_103, %ne3A_106 : i1
      %sub3A_108 = arith.constant 1 : i32
      %sub3A_109 = arith.subi %div3A_88, %sub3A_108 : i32
      %select_n3A_110 = arith.select %and3A_107, %sub3A_109, %div3A_88 : i32
      %while3A_111 = arith.constant 0 : i32
      %while3A_112 = arith.constant 0 : i32
      %while3A_113 = arith.subi %select_n3A_110, %while3A_111 : i32
      %while3A_114 = arith.addi %while3A_111, %while3A_113 : i32
      %while3A_115 = arith.constant 1 : i32
      %while3A_116 = arith.divsi %while3A_113, %while3A_115 : i32
      %while3A_117 = arith.muli %while3A_116, %while3A_115 : i32
      %while3A_118 = arith.addi %while3A_111, %while3A_117 : i32
      %while3A_119 = arith.constant 1 : i32
      %while3A_120 = scf.for %while3A_124 = %while3A_111 to %while3A_118 step %while3A_119 iter_args(%while3A_125 = %while3A_112) -> (i32)  : i32 {
        %mul3A_126 = arith.constant 2 : i32
        %mul3A_127 = arith.muli %while3A_124, %mul3A_126 : i32
        %add3A_128 = arith.constant 1 : i32
        %add3A_129 = arith.addi %mul3A_127, %add3A_128 : i32
        %dma_wait3A = arith.constant 0 : i32
        %dma_wait3A_130 = tpu.memref_slice %arg6[%mul3A_127, %dma_wait3A] : memref<40x128xi32, #tpu.memory_space<vmem>> -> memref<1x128xi32, #tpu.memory_space<vmem>>
        %dma_wait3A_131 = tpu.memref_squeeze %dma_wait3A_130 : memref<1x128xi32, #tpu.memory_space<vmem>> -> memref<128xi32, #tpu.memory_space<vmem>>
        %dma_wait3A_132 = arith.constant 0 : i32
        %dma_wait3A_133 = arith.constant 0 : i32
        %dma_wait3A_134 = tpu.memref_slice %arg2[%dma_wait3A_132, %dma_wait3A_133] : memref<10240x128xf32, #tpu.memory_space<hbm>> -> memref<10240x128xf32, #tpu.memory_space<hbm>>
        tpu.wait_indirect_dma semaphore(%arg11 : memref<!tpu.dma_semaphore, #tpu.memory_space<semaphore_mem>>) src(%dma_wait3A_134 : memref<10240x128xf32, #tpu.memory_space<hbm>>) dst(%arg8 : memref<128x128xf32, #tpu.memory_space<vmem>>)
        %dma_start3A_135 = arith.constant 0 : i32
        %dma_start3A_136 = tpu.memref_slice %arg6[%add3A_129, %dma_start3A_135] : memref<40x128xi32, #tpu.memory_space<vmem>> -> memref<1x128xi32, #tpu.memory_space<vmem>>
        %dma_start3A_137 = tpu.memref_squeeze %dma_start3A_136 : memref<1x128xi32, #tpu.memory_space<vmem>> -> memref<128xi32, #tpu.memory_space<vmem>>
        %dma_start3A_138 = arith.constant 0 : i32
        %dma_start3A_139 = arith.constant 0 : i32
        %dma_start3A_140 = tpu.memref_slice %arg2[%dma_start3A_138, %dma_start3A_139] : memref<10240x128xf32, #tpu.memory_space<hbm>> -> memref<10240x128xf32, #tpu.memory_space<hbm>>
        tpu.enqueue_indirect_dma source(%dma_start3A_140 : memref<10240x128xf32, #tpu.memory_space<hbm>>) target(%arg9 : memref<128x128xf32, #tpu.memory_space<vmem>>) offsets(%dma_start3A_137 : memref<128xi32, #tpu.memory_space<vmem>>) semaphore(%arg12 : memref<!tpu.dma_semaphore, #tpu.memory_space<semaphore_mem>>)
        "tpu.region"() ({
          %run_scoped3A = tpu.sem_alloc : memref<!tpu.dma_semaphore, #tpu.memory_space<semaphore_mem>>
          %dma_start3A_151 = arith.constant 0 : i32
          %dma_start3A_152 = tpu.memref_slice %arg7[%mul3A_127, %dma_start3A_151] : memref<40x128xi32, #tpu.memory_space<vmem>> -> memref<1x128xi32, #tpu.memory_space<vmem>>
          %dma_start3A_153 = tpu.memref_squeeze %dma_start3A_152 : memref<1x128xi32, #tpu.memory_space<vmem>> -> memref<128xi32, #tpu.memory_space<vmem>>
          %dma_start3A_154 = arith.constant 0 : i32
          %dma_start3A_155 = arith.constant 0 : i32
          %dma_start3A_156 = tpu.memref_slice %arg10[%dma_start3A_154, %dma_start3A_155] : memref<10240x128xf32, #tpu.memory_space<vmem_shared>> -> memref<10240x128xf32, #tpu.memory_space<vmem_shared>>
          tpu.enqueue_indirect_dma source(%arg8 : memref<128x128xf32, #tpu.memory_space<vmem>>) target(%dma_start3A_156 : memref<10240x128xf32, #tpu.memory_space<vmem_shared>>) offsets(%dma_start3A_153 : memref<128xi32, #tpu.memory_space<vmem>>) semaphore(%run_scoped3A : memref<!tpu.dma_semaphore, #tpu.memory_space<semaphore_mem>>) {add = true}
          %dma_wait3A_157 = arith.constant 0 : i32
          %dma_wait3A_158 = tpu.memref_slice %arg7[%mul3A_127, %dma_wait3A_157] : memref<40x128xi32, #tpu.memory_space<vmem>> -> memref<1x128xi32, #tpu.memory_space<vmem>>
          %dma_wait3A_159 = tpu.memref_squeeze %dma_wait3A_158 : memref<1x128xi32, #tpu.memory_space<vmem>> -> memref<128xi32, #tpu.memory_space<vmem>>
          %dma_wait3A_160 = arith.constant 0 : i32
          %dma_wait3A_161 = arith.constant 0 : i32
          %dma_wait3A_162 = tpu.memref_slice %arg10[%dma_wait3A_160, %dma_wait3A_161] : memref<10240x128xf32, #tpu.memory_space<vmem_shared>> -> memref<10240x128xf32, #tpu.memory_space<vmem_shared>>
          tpu.wait_indirect_dma semaphore(%run_scoped3A : memref<!tpu.dma_semaphore, #tpu.memory_space<semaphore_mem>>) src(%arg8 : memref<128x128xf32, #tpu.memory_space<vmem>>) dst(%dma_wait3A_162 : memref<10240x128xf32, #tpu.memory_space<vmem_shared>>)
          tpu.yield
        }) : () -> ()
        %dma_wait3A_141 = arith.constant 0 : i32
        %dma_wait3A_142 = tpu.memref_slice %arg6[%add3A_129, %dma_wait3A_141] : memref<40x128xi32, #tpu.memory_space<vmem>> -> memref<1x128xi32, #tpu.memory_space<vmem>>
        %dma_wait3A_143 = tpu.memref_squeeze %dma_wait3A_142 : memref<1x128xi32, #tpu.memory_space<vmem>> -> memref<128xi32, #tpu.memory_space<vmem>>
        %dma_wait3A_144 = arith.constant 0 : i32
        %dma_wait3A_145 = arith.constant 0 : i32
        %dma_wait3A_146 = tpu.memref_slice %arg2[%dma_wait3A_144, %dma_wait3A_145] : memref<10240x128xf32, #tpu.memory_space<hbm>> -> memref<10240x128xf32, #tpu.memory_space<hbm>>
        tpu.wait_indirect_dma semaphore(%arg12 : memref<!tpu.dma_semaphore, #tpu.memory_space<semaphore_mem>>) src(%dma_wait3A_146 : memref<10240x128xf32, #tpu.memory_space<hbm>>) dst(%arg9 : memref<128x128xf32, #tpu.memory_space<vmem>>)
        %add3A_147 = arith.constant 1 : i32
        %add3A_148 = arith.addi %add3A_129, %add3A_147 : i32
        %lt3A = arith.cmpi slt, %add3A_148, %min3A_80 : i32
        %convert_element_type3A = arith.extui %lt3A : i1 to i32
        %cond3A = arith.constant 0 : i32
        %cond3A_149 = arith.cmpi ne, %convert_element_type3A, %cond3A : i32
        scf.if %cond3A_149 {
          %add3A_151 = arith.constant 1 : i32
          %add3A_152 = arith.addi %add3A_129, %add3A_151 : i32
          %dma_start3A_153 = arith.constant 0 : i32
          %dma_start3A_154 = tpu.memref_slice %arg6[%add3A_152, %dma_start3A_153] : memref<40x128xi32, #tpu.memory_space<vmem>> -> memref<1x128xi32, #tpu.memory_space<vmem>>
          %dma_start3A_155 = tpu.memref_squeeze %dma_start3A_154 : memref<1x128xi32, #tpu.memory_space<vmem>> -> memref<128xi32, #tpu.memory_space<vmem>>
          %dma_start3A_156 = arith.constant 0 : i32
          %dma_start3A_157 = arith.constant 0 : i32
          %dma_start3A_158 = tpu.memref_slice %arg2[%dma_start3A_156, %dma_start3A_157] : memref<10240x128xf32, #tpu.memory_space<hbm>> -> memref<10240x128xf32, #tpu.memory_space<hbm>>
          tpu.enqueue_indirect_dma source(%dma_start3A_158 : memref<10240x128xf32, #tpu.memory_space<hbm>>) target(%arg8 : memref<128x128xf32, #tpu.memory_space<vmem>>) offsets(%dma_start3A_155 : memref<128xi32, #tpu.memory_space<vmem>>) semaphore(%arg11 : memref<!tpu.dma_semaphore, #tpu.memory_space<semaphore_mem>>)
        } else {
        }
        "tpu.region"() ({
          %run_scoped3A = tpu.sem_alloc : memref<!tpu.dma_semaphore, #tpu.memory_space<semaphore_mem>>
          %dma_start3A_151 = arith.constant 0 : i32
          %dma_start3A_152 = tpu.memref_slice %arg7[%add3A_129, %dma_start3A_151] : memref<40x128xi32, #tpu.memory_space<vmem>> -> memref<1x128xi32, #tpu.memory_space<vmem>>
          %dma_start3A_153 = tpu.memref_squeeze %dma_start3A_152 : memref<1x128xi32, #tpu.memory_space<vmem>> -> memref<128xi32, #tpu.memory_space<vmem>>
          %dma_start3A_154 = arith.constant 0 : i32
          %dma_start3A_155 = arith.constant 0 : i32
          %dma_start3A_156 = tpu.memref_slice %arg10[%dma_start3A_154, %dma_start3A_155] : memref<10240x128xf32, #tpu.memory_space<vmem_shared>> -> memref<10240x128xf32, #tpu.memory_space<vmem_shared>>
          tpu.enqueue_indirect_dma source(%arg9 : memref<128x128xf32, #tpu.memory_space<vmem>>) target(%dma_start3A_156 : memref<10240x128xf32, #tpu.memory_space<vmem_shared>>) offsets(%dma_start3A_153 : memref<128xi32, #tpu.memory_space<vmem>>) semaphore(%run_scoped3A : memref<!tpu.dma_semaphore, #tpu.memory_space<semaphore_mem>>) {add = true}
          %dma_wait3A_157 = arith.constant 0 : i32
          %dma_wait3A_158 = tpu.memref_slice %arg7[%add3A_129, %dma_wait3A_157] : memref<40x128xi32, #tpu.memory_space<vmem>> -> memref<1x128xi32, #tpu.memory_space<vmem>>
          %dma_wait3A_159 = tpu.memref_squeeze %dma_wait3A_158 : memref<1x128xi32, #tpu.memory_space<vmem>> -> memref<128xi32, #tpu.memory_space<vmem>>
          %dma_wait3A_160 = arith.constant 0 : i32
          %dma_wait3A_161 = arith.constant 0 : i32
          %dma_wait3A_162 = tpu.memref_slice %arg10[%dma_wait3A_160, %dma_wait3A_161] : memref<10240x128xf32, #tpu.memory_space<vmem_shared>> -> memref<10240x128xf32, #tpu.memory_space<vmem_shared>>
          tpu.wait_indirect_dma semaphore(%run_scoped3A : memref<!tpu.dma_semaphore, #tpu.memory_space<semaphore_mem>>) src(%arg9 : memref<128x128xf32, #tpu.memory_space<vmem>>) dst(%dma_wait3A_162 : memref<10240x128xf32, #tpu.memory_space<vmem_shared>>)
          tpu.yield
        }) : () -> ()
        %while3A_150 = arith.constant 0 : i32
        scf.yield %while3A_150 : i32
      }
      %while3A_121 = arith.constant 1 : i32
      %while3A_122 = scf.for %while3A_124 = %while3A_118 to %while3A_114 step %while3A_121 iter_args(%while3A_125 = %while3A_120) -> (i32)  : i32 {
        %mul3A_126 = arith.constant 2 : i32
        %mul3A_127 = arith.muli %while3A_124, %mul3A_126 : i32
        %add3A_128 = arith.constant 1 : i32
        %add3A_129 = arith.addi %mul3A_127, %add3A_128 : i32
        %dma_wait3A = arith.constant 0 : i32
        %dma_wait3A_130 = tpu.memref_slice %arg6[%mul3A_127, %dma_wait3A] : memref<40x128xi32, #tpu.memory_space<vmem>> -> memref<1x128xi32, #tpu.memory_space<vmem>>
        %dma_wait3A_131 = tpu.memref_squeeze %dma_wait3A_130 : memref<1x128xi32, #tpu.memory_space<vmem>> -> memref<128xi32, #tpu.memory_space<vmem>>
        %dma_wait3A_132 = arith.constant 0 : i32
        %dma_wait3A_133 = arith.constant 0 : i32
        %dma_wait3A_134 = tpu.memref_slice %arg2[%dma_wait3A_132, %dma_wait3A_133] : memref<10240x128xf32, #tpu.memory_space<hbm>> -> memref<10240x128xf32, #tpu.memory_space<hbm>>
        tpu.wait_indirect_dma semaphore(%arg11 : memref<!tpu.dma_semaphore, #tpu.memory_space<semaphore_mem>>) src(%dma_wait3A_134 : memref<10240x128xf32, #tpu.memory_space<hbm>>) dst(%arg8 : memref<128x128xf32, #tpu.memory_space<vmem>>)
        %dma_start3A_135 = arith.constant 0 : i32
        %dma_start3A_136 = tpu.memref_slice %arg6[%add3A_129, %dma_start3A_135] : memref<40x128xi32, #tpu.memory_space<vmem>> -> memref<1x128xi32, #tpu.memory_space<vmem>>
        %dma_start3A_137 = tpu.memref_squeeze %dma_start3A_136 : memref<1x128xi32, #tpu.memory_space<vmem>> -> memref<128xi32, #tpu.memory_space<vmem>>
        %dma_start3A_138 = arith.constant 0 : i32
        %dma_start3A_139 = arith.constant 0 : i32
        %dma_start3A_140 = tpu.memref_slice %arg2[%dma_start3A_138, %dma_start3A_139] : memref<10240x128xf32, #tpu.memory_space<hbm>> -> memref<10240x128xf32, #tpu.memory_space<hbm>>
        tpu.enqueue_indirect_dma source(%dma_start3A_140 : memref<10240x128xf32, #tpu.memory_space<hbm>>) target(%arg9 : memref<128x128xf32, #tpu.memory_space<vmem>>) offsets(%dma_start3A_137 : memref<128xi32, #tpu.memory_space<vmem>>) semaphore(%arg12 : memref<!tpu.dma_semaphore, #tpu.memory_space<semaphore_mem>>)
        "tpu.region"() ({
          %run_scoped3A = tpu.sem_alloc : memref<!tpu.dma_semaphore, #tpu.memory_space<semaphore_mem>>
          %dma_start3A_151 = arith.constant 0 : i32
          %dma_start3A_152 = tpu.memref_slice %arg7[%mul3A_127, %dma_start3A_151] : memref<40x128xi32, #tpu.memory_space<vmem>> -> memref<1x128xi32, #tpu.memory_space<vmem>>
          %dma_start3A_153 = tpu.memref_squeeze %dma_start3A_152 : memref<1x128xi32, #tpu.memory_space<vmem>> -> memref<128xi32, #tpu.memory_space<vmem>>
          %dma_start3A_154 = arith.constant 0 : i32
          %dma_start3A_155 = arith.constant 0 : i32
          %dma_start3A_156 = tpu.memref_slice %arg10[%dma_start3A_154, %dma_start3A_155] : memref<10240x128xf32, #tpu.memory_space<vmem_shared>> -> memref<10240x128xf32, #tpu.memory_space<vmem_shared>>
          tpu.enqueue_indirect_dma source(%arg8 : memref<128x128xf32, #tpu.memory_space<vmem>>) target(%dma_start3A_156 : memref<10240x128xf32, #tpu.memory_space<vmem_shared>>) offsets(%dma_start3A_153 : memref<128xi32, #tpu.memory_space<vmem>>) semaphore(%run_scoped3A : memref<!tpu.dma_semaphore, #tpu.memory_space<semaphore_mem>>) {add = true}
          %dma_wait3A_157 = arith.constant 0 : i32
          %dma_wait3A_158 = tpu.memref_slice %arg7[%mul3A_127, %dma_wait3A_157] : memref<40x128xi32, #tpu.memory_space<vmem>> -> memref<1x128xi32, #tpu.memory_space<vmem>>
          %dma_wait3A_159 = tpu.memref_squeeze %dma_wait3A_158 : memref<1x128xi32, #tpu.memory_space<vmem>> -> memref<128xi32, #tpu.memory_space<vmem>>
          %dma_wait3A_160 = arith.constant 0 : i32
          %dma_wait3A_161 = arith.constant 0 : i32
          %dma_wait3A_162 = tpu.memref_slice %arg10[%dma_wait3A_160, %dma_wait3A_161] : memref<10240x128xf32, #tpu.memory_space<vmem_shared>> -> memref<10240x128xf32, #tpu.memory_space<vmem_shared>>
          tpu.wait_indirect_dma semaphore(%run_scoped3A : memref<!tpu.dma_semaphore, #tpu.memory_space<semaphore_mem>>) src(%arg8 : memref<128x128xf32, #tpu.memory_space<vmem>>) dst(%dma_wait3A_162 : memref<10240x128xf32, #tpu.memory_space<vmem_shared>>)
          tpu.yield
        }) : () -> ()
        %dma_wait3A_141 = arith.constant 0 : i32
        %dma_wait3A_142 = tpu.memref_slice %arg6[%add3A_129, %dma_wait3A_141] : memref<40x128xi32, #tpu.memory_space<vmem>> -> memref<1x128xi32, #tpu.memory_space<vmem>>
        %dma_wait3A_143 = tpu.memref_squeeze %dma_wait3A_142 : memref<1x128xi32, #tpu.memory_space<vmem>> -> memref<128xi32, #tpu.memory_space<vmem>>
        %dma_wait3A_144 = arith.constant 0 : i32
        %dma_wait3A_145 = arith.constant 0 : i32
        %dma_wait3A_146 = tpu.memref_slice %arg2[%dma_wait3A_144, %dma_wait3A_145] : memref<10240x128xf32, #tpu.memory_space<hbm>> -> memref<10240x128xf32, #tpu.memory_space<hbm>>
        tpu.wait_indirect_dma semaphore(%arg12 : memref<!tpu.dma_semaphore, #tpu.memory_space<semaphore_mem>>) src(%dma_wait3A_146 : memref<10240x128xf32, #tpu.memory_space<hbm>>) dst(%arg9 : memref<128x128xf32, #tpu.memory_space<vmem>>)
        %add3A_147 = arith.constant 1 : i32
        %add3A_148 = arith.addi %add3A_129, %add3A_147 : i32
        %lt3A = arith.cmpi slt, %add3A_148, %min3A_80 : i32
        %convert_element_type3A = arith.extui %lt3A : i1 to i32
        %cond3A = arith.constant 0 : i32
        %cond3A_149 = arith.cmpi ne, %convert_element_type3A, %cond3A : i32
        scf.if %cond3A_149 {
          %add3A_151 = arith.constant 1 : i32
          %add3A_152 = arith.addi %add3A_129, %add3A_151 : i32
          %dma_start3A_153 = arith.constant 0 : i32
          %dma_start3A_154 = tpu.memref_slice %arg6[%add3A_152, %dma_start3A_153] : memref<40x128xi32, #tpu.memory_space<vmem>> -> memref<1x128xi32, #tpu.memory_space<vmem>>
          %dma_start3A_155 = tpu.memref_squeeze %dma_start3A_154 : memref<1x128xi32, #tpu.memory_space<vmem>> -> memref<128xi32, #tpu.memory_space<vmem>>
          %dma_start3A_156 = arith.constant 0 : i32
          %dma_start3A_157 = arith.constant 0 : i32
          %dma_start3A_158 = tpu.memref_slice %arg2[%dma_start3A_156, %dma_start3A_157] : memref<10240x128xf32, #tpu.memory_space<hbm>> -> memref<10240x128xf32, #tpu.memory_space<hbm>>
          tpu.enqueue_indirect_dma source(%dma_start3A_158 : memref<10240x128xf32, #tpu.memory_space<hbm>>) target(%arg8 : memref<128x128xf32, #tpu.memory_space<vmem>>) offsets(%dma_start3A_155 : memref<128xi32, #tpu.memory_space<vmem>>) semaphore(%arg11 : memref<!tpu.dma_semaphore, #tpu.memory_space<semaphore_mem>>)
        } else {
        }
        "tpu.region"() ({
          %run_scoped3A = tpu.sem_alloc : memref<!tpu.dma_semaphore, #tpu.memory_space<semaphore_mem>>
          %dma_start3A_151 = arith.constant 0 : i32
          %dma_start3A_152 = tpu.memref_slice %arg7[%add3A_129, %dma_start3A_151] : memref<40x128xi32, #tpu.memory_space<vmem>> -> memref<1x128xi32, #tpu.memory_space<vmem>>
          %dma_start3A_153 = tpu.memref_squeeze %dma_start3A_152 : memref<1x128xi32, #tpu.memory_space<vmem>> -> memref<128xi32, #tpu.memory_space<vmem>>
          %dma_start3A_154 = arith.constant 0 : i32
          %dma_start3A_155 = arith.constant 0 : i32
          %dma_start3A_156 = tpu.memref_slice %arg10[%dma_start3A_154, %dma_start3A_155] : memref<10240x128xf32, #tpu.memory_space<vmem_shared>> -> memref<10240x128xf32, #tpu.memory_space<vmem_shared>>
          tpu.enqueue_indirect_dma source(%arg9 : memref<128x128xf32, #tpu.memory_space<vmem>>) target(%dma_start3A_156 : memref<10240x128xf32, #tpu.memory_space<vmem_shared>>) offsets(%dma_start3A_153 : memref<128xi32, #tpu.memory_space<vmem>>) semaphore(%run_scoped3A : memref<!tpu.dma_semaphore, #tpu.memory_space<semaphore_mem>>) {add = true}
          %dma_wait3A_157 = arith.constant 0 : i32
          %dma_wait3A_158 = tpu.memref_slice %arg7[%add3A_129, %dma_wait3A_157] : memref<40x128xi32, #tpu.memory_space<vmem>> -> memref<1x128xi32, #tpu.memory_space<vmem>>
          %dma_wait3A_159 = tpu.memref_squeeze %dma_wait3A_158 : memref<1x128xi32, #tpu.memory_space<vmem>> -> memref<128xi32, #tpu.memory_space<vmem>>
          %dma_wait3A_160 = arith.constant 0 : i32
          %dma_wait3A_161 = arith.constant 0 : i32
          %dma_wait3A_162 = tpu.memref_slice %arg10[%dma_wait3A_160, %dma_wait3A_161] : memref<10240x128xf32, #tpu.memory_space<vmem_shared>> -> memref<10240x128xf32, #tpu.memory_space<vmem_shared>>
          tpu.wait_indirect_dma semaphore(%run_scoped3A : memref<!tpu.dma_semaphore, #tpu.memory_space<semaphore_mem>>) src(%arg9 : memref<128x128xf32, #tpu.memory_space<vmem>>) dst(%dma_wait3A_162 : memref<10240x128xf32, #tpu.memory_space<vmem_shared>>)
          tpu.yield
        }) : () -> ()
        %while3A_150 = arith.constant 0 : i32
        scf.yield %while3A_150 : i32
      }
      %while3A_123 = arith.constant 0 : i32
      scf.yield %while3A_123 : i32
    }
    %while3A_65 = arith.constant 1 : i32
    %while3A_66 = scf.for %while3A_72 = %while3A_62 to %while3A_58 step %while3A_65 iter_args(%while3A_73 = %while3A_64) -> (i32)  : i32 {
      %mul3A_74 = arith.constant 40 : i32
      %mul3A_75 = arith.muli %while3A_72, %mul3A_74 : i32
      %add3A_76 = arith.addi %add3A_6, %mul3A_75 : i32
      %mul3A_77 = arith.constant 40 : i32
      %mul3A_78 = arith.muli %while3A_72, %mul3A_77 : i32
      %sub3A_79 = arith.subi %select_n3A, %mul3A_78 : i32
      %min3A = arith.constant 40 : i32
      %min3A_80 = arith.minsi %sub3A_79, %min3A : i32
      "tpu.region"() ({
        %run_scoped3A = tpu.sem_alloc : memref<!tpu.dma_semaphore, #tpu.memory_space<semaphore_mem>>
        %dma_start3A_124 = arith.constant 0 : i32
        %dma_start3A_125 = tpu.memref_slice %arg3[%add3A_76, %dma_start3A_124] : memref<2600x128xi32, #tpu.memory_space<hbm>> -> memref<40x128xi32, #tpu.memory_space<hbm>>
        %dma_start3A_126 = arith.constant 0 : i32
        %dma_start3A_127 = tpu.memref_slice %arg3[%add3A_76, %dma_start3A_126] : memref<2600x128xi32, #tpu.memory_space<hbm>> -> memref<40x128xi32, #tpu.memory_space<hbm>>
        tpu.enqueue_dma source(%dma_start3A_127 : memref<40x128xi32, #tpu.memory_space<hbm>>) target(%arg6 : memref<40x128xi32, #tpu.memory_space<vmem>>) target_semaphore(%run_scoped3A : memref<!tpu.dma_semaphore, #tpu.memory_space<semaphore_mem>>)
        %dma_wait3A = arith.constant 0 : i32
        %dma_wait3A_128 = tpu.memref_slice %arg3[%add3A_76, %dma_wait3A] : memref<2600x128xi32, #tpu.memory_space<hbm>> -> memref<40x128xi32, #tpu.memory_space<hbm>>
        %dma_wait3A_129 = arith.constant 0 : i32
        %dma_wait3A_130 = tpu.memref_slice %arg3[%add3A_76, %dma_wait3A_129] : memref<2600x128xi32, #tpu.memory_space<hbm>> -> memref<40x128xi32, #tpu.memory_space<hbm>>
        tpu.wait_dma2 semaphore(%run_scoped3A : memref<!tpu.dma_semaphore, #tpu.memory_space<semaphore_mem>>) src(%dma_wait3A_130 : memref<40x128xi32, #tpu.memory_space<hbm>>) dst(%arg6 : memref<40x128xi32, #tpu.memory_space<vmem>>)
        tpu.yield
      }) : () -> ()
      "tpu.region"() ({
        %run_scoped3A = tpu.sem_alloc : memref<!tpu.dma_semaphore, #tpu.memory_space<semaphore_mem>>
        %dma_start3A_124 = arith.constant 0 : i32
        %dma_start3A_125 = tpu.memref_slice %arg4[%add3A_76, %dma_start3A_124] : memref<2600x128xi32, #tpu.memory_space<hbm>> -> memref<40x128xi32, #tpu.memory_space<hbm>>
        %dma_start3A_126 = arith.constant 0 : i32
        %dma_start3A_127 = tpu.memref_slice %arg4[%add3A_76, %dma_start3A_126] : memref<2600x128xi32, #tpu.memory_space<hbm>> -> memref<40x128xi32, #tpu.memory_space<hbm>>
        tpu.enqueue_dma source(%dma_start3A_127 : memref<40x128xi32, #tpu.memory_space<hbm>>) target(%arg7 : memref<40x128xi32, #tpu.memory_space<vmem>>) target_semaphore(%run_scoped3A : memref<!tpu.dma_semaphore, #tpu.memory_space<semaphore_mem>>)
        %dma_wait3A = arith.constant 0 : i32
        %dma_wait3A_128 = tpu.memref_slice %arg4[%add3A_76, %dma_wait3A] : memref<2600x128xi32, #tpu.memory_space<hbm>> -> memref<40x128xi32, #tpu.memory_space<hbm>>
        %dma_wait3A_129 = arith.constant 0 : i32
        %dma_wait3A_130 = tpu.memref_slice %arg4[%add3A_76, %dma_wait3A_129] : memref<2600x128xi32, #tpu.memory_space<hbm>> -> memref<40x128xi32, #tpu.memory_space<hbm>>
        tpu.wait_dma2 semaphore(%run_scoped3A : memref<!tpu.dma_semaphore, #tpu.memory_space<semaphore_mem>>) src(%dma_wait3A_130 : memref<40x128xi32, #tpu.memory_space<hbm>>) dst(%arg7 : memref<40x128xi32, #tpu.memory_space<vmem>>)
        tpu.yield
      }) : () -> ()
      %dma_start3A = arith.constant 0 : i32
      %dma_start3A_81 = arith.constant 0 : i32
      %dma_start3A_82 = tpu.memref_slice %arg6[%dma_start3A, %dma_start3A_81] : memref<40x128xi32, #tpu.memory_space<vmem>> -> memref<1x128xi32, #tpu.memory_space<vmem>>
      %dma_start3A_83 = tpu.memref_squeeze %dma_start3A_82 : memref<1x128xi32, #tpu.memory_space<vmem>> -> memref<128xi32, #tpu.memory_space<vmem>>
      %dma_start3A_84 = arith.constant 0 : i32
      %dma_start3A_85 = arith.constant 0 : i32
      %dma_start3A_86 = tpu.memref_slice %arg2[%dma_start3A_84, %dma_start3A_85] : memref<10240x128xf32, #tpu.memory_space<hbm>> -> memref<10240x128xf32, #tpu.memory_space<hbm>>
      tpu.enqueue_indirect_dma source(%dma_start3A_86 : memref<10240x128xf32, #tpu.memory_space<hbm>>) target(%arg8 : memref<128x128xf32, #tpu.memory_space<vmem>>) offsets(%dma_start3A_83 : memref<128xi32, #tpu.memory_space<vmem>>) semaphore(%arg11 : memref<!tpu.dma_semaphore, #tpu.memory_space<semaphore_mem>>)
      %jit3A_87 = arith.constant 2 : i32
      %div3A_88 = arith.divsi %min3A_80, %jit3A_87 : i32
      %sign3A_89 = arith.constant 0 : i32
      %sign3A_90 = arith.cmpi sgt, %min3A_80, %sign3A_89 : i32
      %sign3A_91 = arith.extui %sign3A_90 : i1 to i32
      %sign3A_92 = arith.constant 0 : i32
      %sign3A_93 = arith.cmpi slt, %min3A_80, %sign3A_92 : i32
      %sign3A_94 = arith.extui %sign3A_93 : i1 to i32
      %sign3A_95 = arith.subi %sign3A_91, %sign3A_94 : i32
      %sign3A_96 = arith.constant 0 : i32
      %sign3A_97 = arith.cmpi sgt, %jit3A_87, %sign3A_96 : i32
      %sign3A_98 = arith.extui %sign3A_97 : i1 to i32
      %sign3A_99 = arith.constant 0 : i32
      %sign3A_100 = arith.cmpi slt, %jit3A_87, %sign3A_99 : i32
      %sign3A_101 = arith.extui %sign3A_100 : i1 to i32
      %sign3A_102 = arith.subi %sign3A_98, %sign3A_101 : i32
      %ne3A_103 = arith.cmpi ne, %sign3A_95, %sign3A_102 : i32
      %rem3A_104 = arith.remsi %min3A_80, %jit3A_87 : i32
      %ne3A_105 = arith.constant 0 : i32
      %ne3A_106 = arith.cmpi ne, %rem3A_104, %ne3A_105 : i32
      %and3A_107 = arith.andi %ne3A_103, %ne3A_106 : i1
      %sub3A_108 = arith.constant 1 : i32
      %sub3A_109 = arith.subi %div3A_88, %sub3A_108 : i32
      %select_n3A_110 = arith.select %and3A_107, %sub3A_109, %div3A_88 : i32
      %while3A_111 = arith.constant 0 : i32
      %while3A_112 = arith.constant 0 : i32
      %while3A_113 = arith.subi %select_n3A_110, %while3A_111 : i32
      %while3A_114 = arith.addi %while3A_111, %while3A_113 : i32
      %while3A_115 = arith.constant 1 : i32
      %while3A_116 = arith.divsi %while3A_113, %while3A_115 : i32
      %while3A_117 = arith.muli %while3A_116, %while3A_115 : i32
      %while3A_118 = arith.addi %while3A_111, %while3A_117 : i32
      %while3A_119 = arith.constant 1 : i32
      %while3A_120 = scf.for %while3A_124 = %while3A_111 to %while3A_118 step %while3A_119 iter_args(%while3A_125 = %while3A_112) -> (i32)  : i32 {
        %mul3A_126 = arith.constant 2 : i32
        %mul3A_127 = arith.muli %while3A_124, %mul3A_126 : i32
        %add3A_128 = arith.constant 1 : i32
        %add3A_129 = arith.addi %mul3A_127, %add3A_128 : i32
        %dma_wait3A = arith.constant 0 : i32
        %dma_wait3A_130 = tpu.memref_slice %arg6[%mul3A_127, %dma_wait3A] : memref<40x128xi32, #tpu.memory_space<vmem>> -> memref<1x128xi32, #tpu.memory_space<vmem>>
        %dma_wait3A_131 = tpu.memref_squeeze %dma_wait3A_130 : memref<1x128xi32, #tpu.memory_space<vmem>> -> memref<128xi32, #tpu.memory_space<vmem>>
        %dma_wait3A_132 = arith.constant 0 : i32
        %dma_wait3A_133 = arith.constant 0 : i32
        %dma_wait3A_134 = tpu.memref_slice %arg2[%dma_wait3A_132, %dma_wait3A_133] : memref<10240x128xf32, #tpu.memory_space<hbm>> -> memref<10240x128xf32, #tpu.memory_space<hbm>>
        tpu.wait_indirect_dma semaphore(%arg11 : memref<!tpu.dma_semaphore, #tpu.memory_space<semaphore_mem>>) src(%dma_wait3A_134 : memref<10240x128xf32, #tpu.memory_space<hbm>>) dst(%arg8 : memref<128x128xf32, #tpu.memory_space<vmem>>)
        %dma_start3A_135 = arith.constant 0 : i32
        %dma_start3A_136 = tpu.memref_slice %arg6[%add3A_129, %dma_start3A_135] : memref<40x128xi32, #tpu.memory_space<vmem>> -> memref<1x128xi32, #tpu.memory_space<vmem>>
        %dma_start3A_137 = tpu.memref_squeeze %dma_start3A_136 : memref<1x128xi32, #tpu.memory_space<vmem>> -> memref<128xi32, #tpu.memory_space<vmem>>
        %dma_start3A_138 = arith.constant 0 : i32
        %dma_start3A_139 = arith.constant 0 : i32
        %dma_start3A_140 = tpu.memref_slice %arg2[%dma_start3A_138, %dma_start3A_139] : memref<10240x128xf32, #tpu.memory_space<hbm>> -> memref<10240x128xf32, #tpu.memory_space<hbm>>
        tpu.enqueue_indirect_dma source(%dma_start3A_140 : memref<10240x128xf32, #tpu.memory_space<hbm>>) target(%arg9 : memref<128x128xf32, #tpu.memory_space<vmem>>) offsets(%dma_start3A_137 : memref<128xi32, #tpu.memory_space<vmem>>) semaphore(%arg12 : memref<!tpu.dma_semaphore, #tpu.memory_space<semaphore_mem>>)
        "tpu.region"() ({
          %run_scoped3A = tpu.sem_alloc : memref<!tpu.dma_semaphore, #tpu.memory_space<semaphore_mem>>
          %dma_start3A_151 = arith.constant 0 : i32
          %dma_start3A_152 = tpu.memref_slice %arg7[%mul3A_127, %dma_start3A_151] : memref<40x128xi32, #tpu.memory_space<vmem>> -> memref<1x128xi32, #tpu.memory_space<vmem>>
          %dma_start3A_153 = tpu.memref_squeeze %dma_start3A_152 : memref<1x128xi32, #tpu.memory_space<vmem>> -> memref<128xi32, #tpu.memory_space<vmem>>
          %dma_start3A_154 = arith.constant 0 : i32
          %dma_start3A_155 = arith.constant 0 : i32
          %dma_start3A_156 = tpu.memref_slice %arg10[%dma_start3A_154, %dma_start3A_155] : memref<10240x128xf32, #tpu.memory_space<vmem_shared>> -> memref<10240x128xf32, #tpu.memory_space<vmem_shared>>
          tpu.enqueue_indirect_dma source(%arg8 : memref<128x128xf32, #tpu.memory_space<vmem>>) target(%dma_start3A_156 : memref<10240x128xf32, #tpu.memory_space<vmem_shared>>) offsets(%dma_start3A_153 : memref<128xi32, #tpu.memory_space<vmem>>) semaphore(%run_scoped3A : memref<!tpu.dma_semaphore, #tpu.memory_space<semaphore_mem>>) {add = true}
          %dma_wait3A_157 = arith.constant 0 : i32
          %dma_wait3A_158 = tpu.memref_slice %arg7[%mul3A_127, %dma_wait3A_157] : memref<40x128xi32, #tpu.memory_space<vmem>> -> memref<1x128xi32, #tpu.memory_space<vmem>>
          %dma_wait3A_159 = tpu.memref_squeeze %dma_wait3A_158 : memref<1x128xi32, #tpu.memory_space<vmem>> -> memref<128xi32, #tpu.memory_space<vmem>>
          %dma_wait3A_160 = arith.constant 0 : i32
          %dma_wait3A_161 = arith.constant 0 : i32
          %dma_wait3A_162 = tpu.memref_slice %arg10[%dma_wait3A_160, %dma_wait3A_161] : memref<10240x128xf32, #tpu.memory_space<vmem_shared>> -> memref<10240x128xf32, #tpu.memory_space<vmem_shared>>
          tpu.wait_indirect_dma semaphore(%run_scoped3A : memref<!tpu.dma_semaphore, #tpu.memory_space<semaphore_mem>>) src(%arg8 : memref<128x128xf32, #tpu.memory_space<vmem>>) dst(%dma_wait3A_162 : memref<10240x128xf32, #tpu.memory_space<vmem_shared>>)
          tpu.yield
        }) : () -> ()
        %dma_wait3A_141 = arith.constant 0 : i32
        %dma_wait3A_142 = tpu.memref_slice %arg6[%add3A_129, %dma_wait3A_141] : memref<40x128xi32, #tpu.memory_space<vmem>> -> memref<1x128xi32, #tpu.memory_space<vmem>>
        %dma_wait3A_143 = tpu.memref_squeeze %dma_wait3A_142 : memref<1x128xi32, #tpu.memory_space<vmem>> -> memref<128xi32, #tpu.memory_space<vmem>>
        %dma_wait3A_144 = arith.constant 0 : i32
        %dma_wait3A_145 = arith.constant 0 : i32
        %dma_wait3A_146 = tpu.memref_slice %arg2[%dma_wait3A_144, %dma_wait3A_145] : memref<10240x128xf32, #tpu.memory_space<hbm>> -> memref<10240x128xf32, #tpu.memory_space<hbm>>
        tpu.wait_indirect_dma semaphore(%arg12 : memref<!tpu.dma_semaphore, #tpu.memory_space<semaphore_mem>>) src(%dma_wait3A_146 : memref<10240x128xf32, #tpu.memory_space<hbm>>) dst(%arg9 : memref<128x128xf32, #tpu.memory_space<vmem>>)
        %add3A_147 = arith.constant 1 : i32
        %add3A_148 = arith.addi %add3A_129, %add3A_147 : i32
        %lt3A = arith.cmpi slt, %add3A_148, %min3A_80 : i32
        %convert_element_type3A = arith.extui %lt3A : i1 to i32
        %cond3A = arith.constant 0 : i32
        %cond3A_149 = arith.cmpi ne, %convert_element_type3A, %cond3A : i32
        scf.if %cond3A_149 {
          %add3A_151 = arith.constant 1 : i32
          %add3A_152 = arith.addi %add3A_129, %add3A_151 : i32
          %dma_start3A_153 = arith.constant 0 : i32
          %dma_start3A_154 = tpu.memref_slice %arg6[%add3A_152, %dma_start3A_153] : memref<40x128xi32, #tpu.memory_space<vmem>> -> memref<1x128xi32, #tpu.memory_space<vmem>>
          %dma_start3A_155 = tpu.memref_squeeze %dma_start3A_154 : memref<1x128xi32, #tpu.memory_space<vmem>> -> memref<128xi32, #tpu.memory_space<vmem>>
          %dma_start3A_156 = arith.constant 0 : i32
          %dma_start3A_157 = arith.constant 0 : i32
          %dma_start3A_158 = tpu.memref_slice %arg2[%dma_start3A_156, %dma_start3A_157] : memref<10240x128xf32, #tpu.memory_space<hbm>> -> memref<10240x128xf32, #tpu.memory_space<hbm>>
          tpu.enqueue_indirect_dma source(%dma_start3A_158 : memref<10240x128xf32, #tpu.memory_space<hbm>>) target(%arg8 : memref<128x128xf32, #tpu.memory_space<vmem>>) offsets(%dma_start3A_155 : memref<128xi32, #tpu.memory_space<vmem>>) semaphore(%arg11 : memref<!tpu.dma_semaphore, #tpu.memory_space<semaphore_mem>>)
        } else {
        }
        "tpu.region"() ({
          %run_scoped3A = tpu.sem_alloc : memref<!tpu.dma_semaphore, #tpu.memory_space<semaphore_mem>>
          %dma_start3A_151 = arith.constant 0 : i32
          %dma_start3A_152 = tpu.memref_slice %arg7[%add3A_129, %dma_start3A_151] : memref<40x128xi32, #tpu.memory_space<vmem>> -> memref<1x128xi32, #tpu.memory_space<vmem>>
          %dma_start3A_153 = tpu.memref_squeeze %dma_start3A_152 : memref<1x128xi32, #tpu.memory_space<vmem>> -> memref<128xi32, #tpu.memory_space<vmem>>
          %dma_start3A_154 = arith.constant 0 : i32
          %dma_start3A_155 = arith.constant 0 : i32
          %dma_start3A_156 = tpu.memref_slice %arg10[%dma_start3A_154, %dma_start3A_155] : memref<10240x128xf32, #tpu.memory_space<vmem_shared>> -> memref<10240x128xf32, #tpu.memory_space<vmem_shared>>
          tpu.enqueue_indirect_dma source(%arg9 : memref<128x128xf32, #tpu.memory_space<vmem>>) target(%dma_start3A_156 : memref<10240x128xf32, #tpu.memory_space<vmem_shared>>) offsets(%dma_start3A_153 : memref<128xi32, #tpu.memory_space<vmem>>) semaphore(%run_scoped3A : memref<!tpu.dma_semaphore, #tpu.memory_space<semaphore_mem>>) {add = true}
          %dma_wait3A_157 = arith.constant 0 : i32
          %dma_wait3A_158 = tpu.memref_slice %arg7[%add3A_129, %dma_wait3A_157] : memref<40x128xi32, #tpu.memory_space<vmem>> -> memref<1x128xi32, #tpu.memory_space<vmem>>
          %dma_wait3A_159 = tpu.memref_squeeze %dma_wait3A_158 : memref<1x128xi32, #tpu.memory_space<vmem>> -> memref<128xi32, #tpu.memory_space<vmem>>
          %dma_wait3A_160 = arith.constant 0 : i32
          %dma_wait3A_161 = arith.constant 0 : i32
          %dma_wait3A_162 = tpu.memref_slice %arg10[%dma_wait3A_160, %dma_wait3A_161] : memref<10240x128xf32, #tpu.memory_space<vmem_shared>> -> memref<10240x128xf32, #tpu.memory_space<vmem_shared>>
          tpu.wait_indirect_dma semaphore(%run_scoped3A : memref<!tpu.dma_semaphore, #tpu.memory_space<semaphore_mem>>) src(%arg9 : memref<128x128xf32, #tpu.memory_space<vmem>>) dst(%dma_wait3A_162 : memref<10240x128xf32, #tpu.memory_space<vmem_shared>>)
          tpu.yield
        }) : () -> ()
        %while3A_150 = arith.constant 0 : i32
        scf.yield %while3A_150 : i32
      }
      %while3A_121 = arith.constant 1 : i32
      %while3A_122 = scf.for %while3A_124 = %while3A_118 to %while3A_114 step %while3A_121 iter_args(%while3A_125 = %while3A_120) -> (i32)  : i32 {
        %mul3A_126 = arith.constant 2 : i32
        %mul3A_127 = arith.muli %while3A_124, %mul3A_126 : i32
        %add3A_128 = arith.constant 1 : i32
        %add3A_129 = arith.addi %mul3A_127, %add3A_128 : i32
        %dma_wait3A = arith.constant 0 : i32
        %dma_wait3A_130 = tpu.memref_slice %arg6[%mul3A_127, %dma_wait3A] : memref<40x128xi32, #tpu.memory_space<vmem>> -> memref<1x128xi32, #tpu.memory_space<vmem>>
        %dma_wait3A_131 = tpu.memref_squeeze %dma_wait3A_130 : memref<1x128xi32, #tpu.memory_space<vmem>> -> memref<128xi32, #tpu.memory_space<vmem>>
        %dma_wait3A_132 = arith.constant 0 : i32
        %dma_wait3A_133 = arith.constant 0 : i32
        %dma_wait3A_134 = tpu.memref_slice %arg2[%dma_wait3A_132, %dma_wait3A_133] : memref<10240x128xf32, #tpu.memory_space<hbm>> -> memref<10240x128xf32, #tpu.memory_space<hbm>>
        tpu.wait_indirect_dma semaphore(%arg11 : memref<!tpu.dma_semaphore, #tpu.memory_space<semaphore_mem>>) src(%dma_wait3A_134 : memref<10240x128xf32, #tpu.memory_space<hbm>>) dst(%arg8 : memref<128x128xf32, #tpu.memory_space<vmem>>)
        %dma_start3A_135 = arith.constant 0 : i32
        %dma_start3A_136 = tpu.memref_slice %arg6[%add3A_129, %dma_start3A_135] : memref<40x128xi32, #tpu.memory_space<vmem>> -> memref<1x128xi32, #tpu.memory_space<vmem>>
        %dma_start3A_137 = tpu.memref_squeeze %dma_start3A_136 : memref<1x128xi32, #tpu.memory_space<vmem>> -> memref<128xi32, #tpu.memory_space<vmem>>
        %dma_start3A_138 = arith.constant 0 : i32
        %dma_start3A_139 = arith.constant 0 : i32
        %dma_start3A_140 = tpu.memref_slice %arg2[%dma_start3A_138, %dma_start3A_139] : memref<10240x128xf32, #tpu.memory_space<hbm>> -> memref<10240x128xf32, #tpu.memory_space<hbm>>
        tpu.enqueue_indirect_dma source(%dma_start3A_140 : memref<10240x128xf32, #tpu.memory_space<hbm>>) target(%arg9 : memref<128x128xf32, #tpu.memory_space<vmem>>) offsets(%dma_start3A_137 : memref<128xi32, #tpu.memory_space<vmem>>) semaphore(%arg12 : memref<!tpu.dma_semaphore, #tpu.memory_space<semaphore_mem>>)
        "tpu.region"() ({
          %run_scoped3A = tpu.sem_alloc : memref<!tpu.dma_semaphore, #tpu.memory_space<semaphore_mem>>
          %dma_start3A_151 = arith.constant 0 : i32
          %dma_start3A_152 = tpu.memref_slice %arg7[%mul3A_127, %dma_start3A_151] : memref<40x128xi32, #tpu.memory_space<vmem>> -> memref<1x128xi32, #tpu.memory_space<vmem>>
          %dma_start3A_153 = tpu.memref_squeeze %dma_start3A_152 : memref<1x128xi32, #tpu.memory_space<vmem>> -> memref<128xi32, #tpu.memory_space<vmem>>
          %dma_start3A_154 = arith.constant 0 : i32
          %dma_start3A_155 = arith.constant 0 : i32
          %dma_start3A_156 = tpu.memref_slice %arg10[%dma_start3A_154, %dma_start3A_155] : memref<10240x128xf32, #tpu.memory_space<vmem_shared>> -> memref<10240x128xf32, #tpu.memory_space<vmem_shared>>
          tpu.enqueue_indirect_dma source(%arg8 : memref<128x128xf32, #tpu.memory_space<vmem>>) target(%dma_start3A_156 : memref<10240x128xf32, #tpu.memory_space<vmem_shared>>) offsets(%dma_start3A_153 : memref<128xi32, #tpu.memory_space<vmem>>) semaphore(%run_scoped3A : memref<!tpu.dma_semaphore, #tpu.memory_space<semaphore_mem>>) {add = true}
          %dma_wait3A_157 = arith.constant 0 : i32
          %dma_wait3A_158 = tpu.memref_slice %arg7[%mul3A_127, %dma_wait3A_157] : memref<40x128xi32, #tpu.memory_space<vmem>> -> memref<1x128xi32, #tpu.memory_space<vmem>>
          %dma_wait3A_159 = tpu.memref_squeeze %dma_wait3A_158 : memref<1x128xi32, #tpu.memory_space<vmem>> -> memref<128xi32, #tpu.memory_space<vmem>>
          %dma_wait3A_160 = arith.constant 0 : i32
          %dma_wait3A_161 = arith.constant 0 : i32
          %dma_wait3A_162 = tpu.memref_slice %arg10[%dma_wait3A_160, %dma_wait3A_161] : memref<10240x128xf32, #tpu.memory_space<vmem_shared>> -> memref<10240x128xf32, #tpu.memory_space<vmem_shared>>
          tpu.wait_indirect_dma semaphore(%run_scoped3A : memref<!tpu.dma_semaphore, #tpu.memory_space<semaphore_mem>>) src(%arg8 : memref<128x128xf32, #tpu.memory_space<vmem>>) dst(%dma_wait3A_162 : memref<10240x128xf32, #tpu.memory_space<vmem_shared>>)
          tpu.yield
        }) : () -> ()
        %dma_wait3A_141 = arith.constant 0 : i32
        %dma_wait3A_142 = tpu.memref_slice %arg6[%add3A_129, %dma_wait3A_141] : memref<40x128xi32, #tpu.memory_space<vmem>> -> memref<1x128xi32, #tpu.memory_space<vmem>>
        %dma_wait3A_143 = tpu.memref_squeeze %dma_wait3A_142 : memref<1x128xi32, #tpu.memory_space<vmem>> -> memref<128xi32, #tpu.memory_space<vmem>>
        %dma_wait3A_144 = arith.constant 0 : i32
        %dma_wait3A_145 = arith.constant 0 : i32
        %dma_wait3A_146 = tpu.memref_slice %arg2[%dma_wait3A_144, %dma_wait3A_145] : memref<10240x128xf32, #tpu.memory_space<hbm>> -> memref<10240x128xf32, #tpu.memory_space<hbm>>
        tpu.wait_indirect_dma semaphore(%arg12 : memref<!tpu.dma_semaphore, #tpu.memory_space<semaphore_mem>>) src(%dma_wait3A_146 : memref<10240x128xf32, #tpu.memory_space<hbm>>) dst(%arg9 : memref<128x128xf32, #tpu.memory_space<vmem>>)
        %add3A_147 = arith.constant 1 : i32
        %add3A_148 = arith.addi %add3A_129, %add3A_147 : i32
        %lt3A = arith.cmpi slt, %add3A_148, %min3A_80 : i32
        %convert_element_type3A = arith.extui %lt3A : i1 to i32
        %cond3A = arith.constant 0 : i32
        %cond3A_149 = arith.cmpi ne, %convert_element_type3A, %cond3A : i32
        scf.if %cond3A_149 {
          %add3A_151 = arith.constant 1 : i32
          %add3A_152 = arith.addi %add3A_129, %add3A_151 : i32
          %dma_start3A_153 = arith.constant 0 : i32
          %dma_start3A_154 = tpu.memref_slice %arg6[%add3A_152, %dma_start3A_153] : memref<40x128xi32, #tpu.memory_space<vmem>> -> memref<1x128xi32, #tpu.memory_space<vmem>>
          %dma_start3A_155 = tpu.memref_squeeze %dma_start3A_154 : memref<1x128xi32, #tpu.memory_space<vmem>> -> memref<128xi32, #tpu.memory_space<vmem>>
          %dma_start3A_156 = arith.constant 0 : i32
          %dma_start3A_157 = arith.constant 0 : i32
          %dma_start3A_158 = tpu.memref_slice %arg2[%dma_start3A_156, %dma_start3A_157] : memref<10240x128xf32, #tpu.memory_space<hbm>> -> memref<10240x128xf32, #tpu.memory_space<hbm>>
          tpu.enqueue_indirect_dma source(%dma_start3A_158 : memref<10240x128xf32, #tpu.memory_space<hbm>>) target(%arg8 : memref<128x128xf32, #tpu.memory_space<vmem>>) offsets(%dma_start3A_155 : memref<128xi32, #tpu.memory_space<vmem>>) semaphore(%arg11 : memref<!tpu.dma_semaphore, #tpu.memory_space<semaphore_mem>>)
        } else {
        }
        "tpu.region"() ({
          %run_scoped3A = tpu.sem_alloc : memref<!tpu.dma_semaphore, #tpu.memory_space<semaphore_mem>>
          %dma_start3A_151 = arith.constant 0 : i32
          %dma_start3A_152 = tpu.memref_slice %arg7[%add3A_129, %dma_start3A_151] : memref<40x128xi32, #tpu.memory_space<vmem>> -> memref<1x128xi32, #tpu.memory_space<vmem>>
          %dma_start3A_153 = tpu.memref_squeeze %dma_start3A_152 : memref<1x128xi32, #tpu.memory_space<vmem>> -> memref<128xi32, #tpu.memory_space<vmem>>
          %dma_start3A_154 = arith.constant 0 : i32
          %dma_start3A_155 = arith.constant 0 : i32
          %dma_start3A_156 = tpu.memref_slice %arg10[%dma_start3A_154, %dma_start3A_155] : memref<10240x128xf32, #tpu.memory_space<vmem_shared>> -> memref<10240x128xf32, #tpu.memory_space<vmem_shared>>
          tpu.enqueue_indirect_dma source(%arg9 : memref<128x128xf32, #tpu.memory_space<vmem>>) target(%dma_start3A_156 : memref<10240x128xf32, #tpu.memory_space<vmem_shared>>) offsets(%dma_start3A_153 : memref<128xi32, #tpu.memory_space<vmem>>) semaphore(%run_scoped3A : memref<!tpu.dma_semaphore, #tpu.memory_space<semaphore_mem>>) {add = true}
          %dma_wait3A_157 = arith.constant 0 : i32
          %dma_wait3A_158 = tpu.memref_slice %arg7[%add3A_129, %dma_wait3A_157] : memref<40x128xi32, #tpu.memory_space<vmem>> -> memref<1x128xi32, #tpu.memory_space<vmem>>
          %dma_wait3A_159 = tpu.memref_squeeze %dma_wait3A_158 : memref<1x128xi32, #tpu.memory_space<vmem>> -> memref<128xi32, #tpu.memory_space<vmem>>
          %dma_wait3A_160 = arith.constant 0 : i32
          %dma_wait3A_161 = arith.constant 0 : i32
          %dma_wait3A_162 = tpu.memref_slice %arg10[%dma_wait3A_160, %dma_wait3A_161] : memref<10240x128xf32, #tpu.memory_space<vmem_shared>> -> memref<10240x128xf32, #tpu.memory_space<vmem_shared>>
          tpu.wait_indirect_dma semaphore(%run_scoped3A : memref<!tpu.dma_semaphore, #tpu.memory_space<semaphore_mem>>) src(%arg9 : memref<128x128xf32, #tpu.memory_space<vmem>>) dst(%dma_wait3A_162 : memref<10240x128xf32, #tpu.memory_space<vmem_shared>>)
          tpu.yield
        }) : () -> ()
        %while3A_150 = arith.constant 0 : i32
        scf.yield %while3A_150 : i32
      }
      %while3A_123 = arith.constant 0 : i32
      scf.yield %while3A_123 : i32
    }
    %barrier3A_67 = arith.constant 0 : index
    tpu.barrier barrier_id(%barrier3A_67)
    %mul3A_68 = arith.constant 640 : i32
    %mul3A_69 = arith.muli %arg1, %mul3A_68 : i32
    %mul3A_70 = arith.constant 640 : i32
    %mul3A_71 = arith.muli %arg1, %mul3A_70 : i32
    "tpu.region"() ({
      %run_scoped3A = tpu.sem_alloc : memref<!tpu.dma_semaphore, #tpu.memory_space<semaphore_mem>>
      %dma_start3A = arith.constant 0 : i32
      %dma_start3A_72 = tpu.memref_slice %arg5[%arg0, %mul3A_71, %dma_start3A] : memref<2x10240x128xf32, #tpu.memory_space<hbm>> -> memref<1x640x128xf32, #tpu.memory_space<hbm>>
      %dma_start3A_73 = tpu.memref_squeeze %dma_start3A_72 : memref<1x640x128xf32, #tpu.memory_space<hbm>> -> memref<640x128xf32, #tpu.memory_space<hbm>>
      %dma_start3A_74 = arith.constant 0 : i32
      %dma_start3A_75 = tpu.memref_slice %arg10[%mul3A_69, %dma_start3A_74] : memref<10240x128xf32, #tpu.memory_space<vmem_shared>> -> memref<640x128xf32, #tpu.memory_space<vmem_shared>>
      tpu.enqueue_dma source(%dma_start3A_75 : memref<640x128xf32, #tpu.memory_space<vmem_shared>>) target(%dma_start3A_73 : memref<640x128xf32, #tpu.memory_space<hbm>>) target_semaphore(%run_scoped3A : memref<!tpu.dma_semaphore, #tpu.memory_space<semaphore_mem>>)
      %dma_wait3A = arith.constant 0 : i32
      %dma_wait3A_76 = tpu.memref_slice %arg5[%arg0, %mul3A_71, %dma_wait3A] : memref<2x10240x128xf32, #tpu.memory_space<hbm>> -> memref<1x640x128xf32, #tpu.memory_space<hbm>>
      %dma_wait3A_77 = tpu.memref_squeeze %dma_wait3A_76 : memref<1x640x128xf32, #tpu.memory_space<hbm>> -> memref<640x128xf32, #tpu.memory_space<hbm>>
      %dma_wait3A_78 = arith.constant 0 : i32
      %dma_wait3A_79 = tpu.memref_slice %arg10[%mul3A_69, %dma_wait3A_78] : memref<10240x128xf32, #tpu.memory_space<vmem_shared>> -> memref<640x128xf32, #tpu.memory_space<vmem_shared>>
      tpu.wait_dma2 semaphore(%run_scoped3A : memref<!tpu.dma_semaphore, #tpu.memory_space<semaphore_mem>>) src(%dma_wait3A_79 : memref<640x128xf32, #tpu.memory_space<vmem_shared>>) dst(%dma_wait3A_77 : memref<640x128xf32, #tpu.memory_space<hbm>>)
      tpu.yield
    }) : () -> ()
    return
  }
}

module attributes {stable_mosaic.version = 14 : i64} {
  func.func @_prep_body(%arg0: i32, %arg1: memref<2x512x128xf32, #tpu.memory_space<vmem>>, %arg2: memref<512x128xf32, #tpu.memory_space<vmem>>, %arg3: memref<512x128xf32, #tpu.memory_space<vmem>>, %arg4: memref<512x1xf32, #tpu.memory_space<vmem>>, %arg5: memref<512x1xf32, #tpu.memory_space<vmem>>) attributes {dimension_semantics = [#tpu.dimension_semantics<arbitrary>], iteration_bounds = array<i64: 20>, scalar_prefetch = 0 : i64, scratch_operands = 0 : i64, tpu.core_type = #tpu.core_type<tc>, window_params = [{transform_indices = @transform_0, window_bounds = array<i64: 2, 512, 128>}, {transform_indices = @transform_1, window_bounds = array<i64: 512, 128>}, {transform_indices = @transform_2, window_bounds = array<i64: 512, 128>}, {transform_indices = @transform_3, window_bounds = array<i64: 512, 1>}, {transform_indices = @transform_4, window_bounds = array<i64: 512, 1>}]} {
    %get3A = arith.constant 0 : index
    %get3A_0 = arith.constant 0 : index
    %get3A_1 = arith.constant 0 : index
    %get3A_2 = vector.load %arg1[%get3A, %get3A_0, %get3A_1] : memref<2x512x128xf32, #tpu.memory_space<vmem>>, vector<1x512x1xf32>
    %get3A_3 = vector.shape_cast %get3A_2 : vector<1x512x1xf32> to vector<512x1xf32>
    %get3A_4 = arith.constant 1 : index
    %get3A_5 = arith.constant 0 : index
    %get3A_6 = arith.constant 0 : index
    %get3A_7 = vector.load %arg1[%get3A_4, %get3A_5, %get3A_6] : memref<2x512x128xf32, #tpu.memory_space<vmem>>, vector<1x512x1xf32>
    %get3A_8 = vector.shape_cast %get3A_7 : vector<1x512x1xf32> to vector<512x1xf32>
    %add3A = arith.addf %get3A_3, %get3A_8 : vector<512x1xf32>
    %add3A_9 = arith.constant 1.000000e+00 : f32
    %add3A_10 = vector.broadcast %add3A_9 : f32 to vector<512x1xf32>
    %add3A_11 = arith.addf %add3A, %add3A_10 : vector<512x1xf32>
    %iota3A = tpu.iota {dimensions = array<i32: 0>} : vector<512x1xi32>
    %mul3A = arith.constant 512 : i32
    %mul3A_12 = arith.muli %arg0, %mul3A : i32
    %add3A_13 = vector.broadcast %mul3A_12 : i32 to vector<512x1xi32>
    %add3A_14 = arith.addi %iota3A, %add3A_13 : vector<512x1xi32>
    %lt3A = arith.constant 10000 : i32
    %lt3A_15 = vector.broadcast %lt3A : i32 to vector<512x1xi32>
    %lt3A_16 = arith.cmpi slt, %add3A_14, %lt3A_15 : vector<512x1xi32>
    %rsqrt3A = math.rsqrt %add3A_11 : vector<512x1xf32>
    %jit3A = arith.constant 0.000000e+00 : f32
    %broadcast_in_dim3A = vector.broadcast %jit3A : f32 to vector<512x1xf32>
    %select_n3A = arith.select %lt3A_16, %rsqrt3A, %broadcast_in_dim3A : vector<512x1xi1>, vector<512x1xf32>
    %swap3A = arith.constant 0 : index
    %swap3A_17 = arith.constant 0 : index
    %swap3A_18 = vector.load %arg4[%swap3A, %swap3A_17] : memref<512x1xf32, #tpu.memory_space<vmem>>, vector<512x1xf32>
    tpu.vector_store %arg4[%swap3A, %swap3A_17], %select_n3A {strides = array<i32>} : memref<512x1xf32, #tpu.memory_space<vmem>>, vector<512x1xf32>,
    %mul3A_19 = arith.mulf %select_n3A, %select_n3A : vector<512x1xf32>
    %swap3A_20 = arith.constant 0 : index
    %swap3A_21 = arith.constant 0 : index
    %swap3A_22 = vector.load %arg5[%swap3A_20, %swap3A_21] : memref<512x1xf32, #tpu.memory_space<vmem>>, vector<512x1xf32>
    tpu.vector_store %arg5[%swap3A_20, %swap3A_21], %mul3A_19 {strides = array<i32>} : memref<512x1xf32, #tpu.memory_space<vmem>>, vector<512x1xf32>,
    %get3A_23 = arith.constant 0 : index
    %get3A_24 = arith.constant 0 : index
    %get3A_25 = vector.load %arg2[%get3A_23, %get3A_24] : memref<512x128xf32, #tpu.memory_space<vmem>>, vector<512x128xf32>
    %mul3A_26 = vector.broadcast %select_n3A : vector<512x1xf32> to vector<512x128xf32>
    %mul3A_27 = arith.mulf %get3A_25, %mul3A_26 : vector<512x128xf32>
    %swap3A_28 = arith.constant 0 : index
    %swap3A_29 = arith.constant 0 : index
    %swap3A_30 = vector.load %arg3[%swap3A_28, %swap3A_29] : memref<512x128xf32, #tpu.memory_space<vmem>>, vector<512x128xf32>
    tpu.vector_store %arg3[%swap3A_28, %swap3A_29], %mul3A_27 {strides = array<i32>} : memref<512x128xf32, #tpu.memory_space<vmem>>, vector<512x128xf32>,
    return
  }
  func.func @transform_0(%arg0: i32) -> (i32, i32, i32) {
    %c0_i32 = arith.constant 0 : i32
    %c0_i32_0 = arith.constant 0 : i32
    %c0_i32_1 = arith.constant 0 : i32
    return %c0_i32, %arg0, %c0_i32_0 : i32, i32, i32
  }
  func.func @transform_1(%arg0: i32) -> (i32, i32) {
    %c0_i32 = arith.constant 0 : i32
    %c0_i32_0 = arith.constant 0 : i32
    return %arg0, %c0_i32 : i32, i32
  }
  func.func @transform_2(%arg0: i32) -> (i32, i32) {
    %c0_i32 = arith.constant 0 : i32
    %c0_i32_0 = arith.constant 0 : i32
    return %arg0, %c0_i32 : i32, i32
  }
  func.func @transform_3(%arg0: i32) -> (i32, i32) {
    %c0_i32 = arith.constant 0 : i32
    %c0_i32_0 = arith.constant 0 : i32
    return %arg0, %c0_i32 : i32, i32
  }
  func.func @transform_4(%arg0: i32) -> (i32, i32) {
    %c0_i32 = arith.constant 0 : i32
    %c0_i32_0 = arith.constant 0 : i32
    return %arg0, %c0_i32 : i32, i32
  }
}

module attributes {stable_mosaic.version = 14 : i64} {
  func.func @_combine_body(%arg0: i32, %arg1: memref<2x512x128xf32, #tpu.memory_space<vmem>>, %arg2: memref<512x128xf32, #tpu.memory_space<vmem>>, %arg3: memref<512x1xf32, #tpu.memory_space<vmem>>, %arg4: memref<512x128xf32, #tpu.memory_space<vmem>>) attributes {dimension_semantics = [#tpu.dimension_semantics<arbitrary>], iteration_bounds = array<i64: 20>, scalar_prefetch = 0 : i64, scratch_operands = 0 : i64, tpu.core_type = #tpu.core_type<tc>, window_params = [{transform_indices = @transform_0, window_bounds = array<i64: 2, 512, 128>}, {transform_indices = @transform_1, window_bounds = array<i64: 512, 128>}, {transform_indices = @transform_2, window_bounds = array<i64: 512, 1>}, {transform_indices = @transform_3, window_bounds = array<i64: 512, 128>}]} {
    %get3A = arith.constant 0 : index
    %get3A_0 = arith.constant 0 : index
    %get3A_1 = vector.load %arg3[%get3A, %get3A_0] : memref<512x1xf32, #tpu.memory_space<vmem>>, vector<512x1xf32>
    %get3A_2 = arith.constant 0 : index
    %get3A_3 = arith.constant 0 : index
    %get3A_4 = arith.constant 0 : index
    %get3A_5 = vector.load %arg1[%get3A_2, %get3A_3, %get3A_4] : memref<2x512x128xf32, #tpu.memory_space<vmem>>, vector<1x512x128xf32>
    %get3A_6 = vector.shape_cast %get3A_5 : vector<1x512x128xf32> to vector<512x128xf32>
    %get3A_7 = arith.constant 1 : index
    %get3A_8 = arith.constant 0 : index
    %get3A_9 = arith.constant 0 : index
    %get3A_10 = vector.load %arg1[%get3A_7, %get3A_8, %get3A_9] : memref<2x512x128xf32, #tpu.memory_space<vmem>>, vector<1x512x128xf32>
    %get3A_11 = vector.shape_cast %get3A_10 : vector<1x512x128xf32> to vector<512x128xf32>
    %add3A = arith.addf %get3A_6, %get3A_11 : vector<512x128xf32>
    %get3A_12 = arith.constant 0 : index
    %get3A_13 = arith.constant 0 : index
    %get3A_14 = vector.load %arg2[%get3A_12, %get3A_13] : memref<512x128xf32, #tpu.memory_space<vmem>>, vector<512x128xf32>
    %add3A_15 = arith.addf %add3A, %get3A_14 : vector<512x128xf32>
    %mul3A = vector.broadcast %get3A_1 : vector<512x1xf32> to vector<512x128xf32>
    %mul3A_16 = arith.mulf %mul3A, %add3A_15 : vector<512x128xf32>
    %swap3A = arith.constant 0 : index
    %swap3A_17 = arith.constant 0 : index
    %swap3A_18 = vector.load %arg4[%swap3A, %swap3A_17] : memref<512x128xf32, #tpu.memory_space<vmem>>, vector<512x128xf32>
    tpu.vector_store %arg4[%swap3A, %swap3A_17], %mul3A_16 {strides = array<i32>} : memref<512x128xf32, #tpu.memory_space<vmem>>, vector<512x128xf32>,
    return
  }
  func.func @transform_0(%arg0: i32) -> (i32, i32, i32) {
    %c0_i32 = arith.constant 0 : i32
    %c0_i32_0 = arith.constant 0 : i32
    %c0_i32_1 = arith.constant 0 : i32
    return %c0_i32, %arg0, %c0_i32_0 : i32, i32, i32
  }
  func.func @transform_1(%arg0: i32) -> (i32, i32) {
    %c0_i32 = arith.constant 0 : i32
    %c0_i32_0 = arith.constant 0 : i32
    return %arg0, %c0_i32 : i32, i32
  }
  func.func @transform_2(%arg0: i32) -> (i32, i32) {
    %c0_i32 = arith.constant 0 : i32
    %c0_i32_0 = arith.constant 0 : i32
    return %arg0, %c0_i32 : i32, i32
  }
  func.func @transform_3(%arg0: i32) -> (i32, i32) {
    %c0_i32 = arith.constant 0 : i32
    %c0_i32_0 = arith.constant 0 : i32
    return %arg0, %c0_i32 : i32, i32
  }
}

module attributes {stable_mosaic.version = 14 : i64} {
  func.func @_pass1_body(%arg0: i32, %arg1: memref<2x512x128xf32, #tpu.memory_space<vmem>>, %arg2: memref<512x128xf32, #tpu.memory_space<vmem>>, %arg3: memref<512x1xf32, #tpu.memory_space<vmem>>, %arg4: memref<128x128xf32, #tpu.memory_space<vmem>>, %arg5: memref<1x128xf32, #tpu.memory_space<vmem>>, %arg6: memref<1x1x512xi32, #tpu.memory_space<vmem>>, %arg7: memref<512x128xf32, #tpu.memory_space<vmem>>, %arg8: memref<2x128xf32, #tpu.memory_space<vmem>>, %arg9: memref<32x128xf32, #tpu.memory_space<vmem>>, %arg10: memref<32x1xf32, #tpu.memory_space<vmem>>, %arg11: memref<2x128xf32, #tpu.memory_space<vmem>>, %arg12: memref<32x128xf32, #tpu.memory_space<vmem>>, %arg13: memref<32x1xf32, #tpu.memory_space<vmem>>) attributes {dimension_semantics = [#tpu.dimension_semantics<arbitrary>], iteration_bounds = array<i64: 20>, scalar_prefetch = 0 : i64, scratch_operands = 3 : i64, tpu.core_type = #tpu.core_type<tc>, window_params = [{transform_indices = @transform_0, window_bounds = array<i64: 2, 512, 128>}, {transform_indices = @transform_1, window_bounds = array<i64: 512, 128>}, {transform_indices = @transform_2, window_bounds = array<i64: 512, 1>}, {pipeline_mode = #tpu.pipeline_mode<synchronous>, transform_indices = @transform_3, window_bounds = array<i64: 128, 128>}, {pipeline_mode = #tpu.pipeline_mode<synchronous>, transform_indices = @transform_4, window_bounds = array<i64: 1, 128>}, {transform_indices = @transform_5, window_bounds = array<i64: 1, 1, 512>}, {transform_indices = @transform_6, window_bounds = array<i64: 512, 128>}, {pipeline_mode = #tpu.pipeline_mode<synchronous>, transform_indices = @transform_7, window_bounds = array<i64: 2, 128>}, {pipeline_mode = #tpu.pipeline_mode<synchronous>, transform_indices = @transform_8, window_bounds = array<i64: 32, 128>}, {pipeline_mode = #tpu.pipeline_mode<synchronous>, transform_indices = @transform_9, window_bounds = array<i64: 32, 1>}]} {
    %eq3A = arith.constant 0 : i32
    %eq3A_0 = arith.cmpi eq, %arg0, %eq3A : i32
    %convert_element_type3A = arith.extui %eq3A_0 : i1 to i32
    %cond3A = arith.constant 0 : i32
    %cond3A_1 = arith.cmpi ne, %convert_element_type3A, %cond3A : i32
    scf.if %cond3A_1 {
      %broadcast_in_dim3A_94 = arith.constant 0.000000e+00 : f32
      %broadcast_in_dim3A_95 = vector.broadcast %broadcast_in_dim3A_94 : f32 to vector<2x128xf32>
      %swap3A_96 = arith.constant 0 : index
      %swap3A_97 = arith.constant 0 : index
      %swap3A_98 = vector.load %arg11[%swap3A_96, %swap3A_97] : memref<2x128xf32, #tpu.memory_space<vmem>>, vector<2x128xf32>
      tpu.vector_store %arg11[%swap3A_96, %swap3A_97], %broadcast_in_dim3A_95 {strides = array<i32>} : memref<2x128xf32, #tpu.memory_space<vmem>>, vector<2x128xf32>,
      %broadcast_in_dim3A_99 = arith.constant 0.000000e+00 : f32
      %broadcast_in_dim3A_100 = vector.broadcast %broadcast_in_dim3A_99 : f32 to vector<32x128xf32>
      %swap3A_101 = arith.constant 0 : index
      %swap3A_102 = arith.constant 0 : index
      %swap3A_103 = vector.load %arg12[%swap3A_101, %swap3A_102] : memref<32x128xf32, #tpu.memory_space<vmem>>, vector<32x128xf32>
      tpu.vector_store %arg12[%swap3A_101, %swap3A_102], %broadcast_in_dim3A_100 {strides = array<i32>} : memref<32x128xf32, #tpu.memory_space<vmem>>, vector<32x128xf32>,
      %broadcast_in_dim3A_104 = arith.constant 0.000000e+00 : f32
      %broadcast_in_dim3A_105 = vector.broadcast %broadcast_in_dim3A_104 : f32 to vector<32x1xf32>
      %swap3A_106 = arith.constant 0 : index
      %swap3A_107 = arith.constant 0 : index
      %swap3A_108 = vector.load %arg13[%swap3A_106, %swap3A_107] : memref<32x1xf32, #tpu.memory_space<vmem>>, vector<32x1xf32>
      tpu.vector_store %arg13[%swap3A_106, %swap3A_107], %broadcast_in_dim3A_105 {strides = array<i32>} : memref<32x1xf32, #tpu.memory_space<vmem>>, vector<32x1xf32>,
    } else {
    }
    %get3A = arith.constant 0 : index
    %get3A_2 = arith.constant 0 : index
    %get3A_3 = vector.load %arg3[%get3A, %get3A_2] : memref<512x1xf32, #tpu.memory_space<vmem>>, vector<512x1xf32>
    %get3A_4 = arith.constant 0 : index
    %get3A_5 = arith.constant 0 : index
    %get3A_6 = arith.constant 0 : index
    %get3A_7 = vector.load %arg1[%get3A_4, %get3A_5, %get3A_6] : memref<2x512x128xf32, #tpu.memory_space<vmem>>, vector<1x512x128xf32>
    %get3A_8 = vector.shape_cast %get3A_7 : vector<1x512x128xf32> to vector<512x128xf32>
    %get3A_9 = arith.constant 1 : index
    %get3A_10 = arith.constant 0 : index
    %get3A_11 = arith.constant 0 : index
    %get3A_12 = vector.load %arg1[%get3A_9, %get3A_10, %get3A_11] : memref<2x512x128xf32, #tpu.memory_space<vmem>>, vector<1x512x128xf32>
    %get3A_13 = vector.shape_cast %get3A_12 : vector<1x512x128xf32> to vector<512x128xf32>
    %add3A = arith.addf %get3A_8, %get3A_13 : vector<512x128xf32>
    %get3A_14 = arith.constant 0 : index
    %get3A_15 = arith.constant 0 : index
    %get3A_16 = vector.load %arg2[%get3A_14, %get3A_15] : memref<512x128xf32, #tpu.memory_space<vmem>>, vector<512x128xf32>
    %add3A_17 = arith.addf %add3A, %get3A_16 : vector<512x128xf32>
    %mul3A = vector.broadcast %get3A_3 : vector<512x1xf32> to vector<512x128xf32>
    %mul3A_18 = arith.mulf %mul3A, %add3A_17 : vector<512x128xf32>
    %get3A_19 = arith.constant 0 : index
    %get3A_20 = arith.constant 0 : index
    %get3A_21 = vector.load %arg4[%get3A_19, %get3A_20] : memref<128x128xf32, #tpu.memory_space<vmem>>, vector<128x128xf32>
    %dot_general3A = arith.constant dense<0.000000e+00> : vector<512x128xf32>
    %dot_general3A_22 = tpu.matmul %mul3A_18, %get3A_21, %dot_general3A {dimension_numbers = #tpu.dot_dimension_numbers<[1], [0], [0], [1], [0, 0, 1, 1], [], []>, transpose_lhs_hint = false} : vector<512x128xf32>, vector<128x128xf32>, vector<512x128xf32> -> vector<512x128xf32>
    %get3A_23 = arith.constant 0 : index
    %get3A_24 = arith.constant 0 : index
    %get3A_25 = vector.load %arg5[%get3A_23, %get3A_24] : memref<1x128xf32, #tpu.memory_space<vmem>>, vector<1x128xf32>
    %add3A_26 = vector.broadcast %get3A_25 : vector<1x128xf32> to vector<512x128xf32>
    %add3A_27 = arith.addf %dot_general3A_22, %add3A_26 : vector<512x128xf32>
    %max3A = arith.constant 0.000000e+00 : f32
    %max3A_28 = vector.broadcast %max3A : f32 to vector<512x128xf32>
    %max3A_29 = arith.maximumf %add3A_27, %max3A_28 : vector<512x128xf32>
    %iota3A = tpu.iota {dimensions = array<i32: 0>} : vector<512x1xi32>
    %mul3A_30 = arith.constant 512 : i32
    %mul3A_31 = arith.muli %arg0, %mul3A_30 : i32
    %add3A_32 = vector.broadcast %mul3A_31 : i32 to vector<512x1xi32>
    %add3A_33 = arith.addi %iota3A, %add3A_32 : vector<512x1xi32>
    %lt3A = arith.constant 10000 : i32
    %lt3A_34 = vector.broadcast %lt3A : i32 to vector<512x1xi32>
    %lt3A_35 = arith.cmpi slt, %add3A_33, %lt3A_34 : vector<512x1xi32>
    %jit3A = arith.constant 0.000000e+00 : f32
    %broadcast_in_dim3A = vector.shape_cast %lt3A_35 : vector<512x1xi1> to vector<512x1xi1>
    %broadcast_in_dim3A_36 = vector.broadcast %broadcast_in_dim3A : vector<512x1xi1> to vector<512x128xi1>
    %broadcast_in_dim3A_37 = vector.broadcast %jit3A : f32 to vector<512x128xf32>
    %select_n3A = arith.select %broadcast_in_dim3A_36, %max3A_29, %broadcast_in_dim3A_37 : vector<512x128xi1>, vector<512x128xf32>
    %swap3A = arith.constant 0 : index
    %swap3A_38 = arith.constant 0 : index
    %swap3A_39 = vector.load %arg7[%swap3A, %swap3A_38] : memref<512x128xf32, #tpu.memory_space<vmem>>, vector<512x128xf32>
    tpu.vector_store %arg7[%swap3A, %swap3A_38], %select_n3A {strides = array<i32>} : memref<512x128xf32, #tpu.memory_space<vmem>>, vector<512x128xf32>,
    %get3A_40 = arith.constant 0 : index
    %get3A_41 = arith.constant 0 : index
    %get3A_42 = vector.load %arg11[%get3A_40, %get3A_41] : memref<2x128xf32, #tpu.memory_space<vmem>>, vector<1x128xf32>
    %reduce_sum3A = arith.constant dense<0.000000e+00> : vector<128xf32>
    %reduce_sum3A_43 = vector.multi_reduction <add>, %select_n3A, %reduce_sum3A [0] : vector<512x128xf32> to vector<128xf32>
    %broadcast_in_dim3A_44 = vector.shape_cast %reduce_sum3A_43 : vector<128xf32> to vector<1x128xf32>
    %add3A_45 = arith.addf %get3A_42, %broadcast_in_dim3A_44 : vector<1x128xf32>
    %swap3A_46 = arith.constant 0 : index
    %swap3A_47 = arith.constant 0 : index
    %swap3A_48 = vector.load %arg11[%swap3A_46, %swap3A_47] : memref<2x128xf32, #tpu.memory_space<vmem>>, vector<1x128xf32>
    tpu.vector_store %arg11[%swap3A_46, %swap3A_47], %add3A_45 {strides = array<i32>} : memref<2x128xf32, #tpu.memory_space<vmem>>, vector<1x128xf32>,
    %get3A_49 = arith.constant 1 : index
    %get3A_50 = arith.constant 0 : index
    %get3A_51 = vector.load %arg11[%get3A_49, %get3A_50] : memref<2x128xf32, #tpu.memory_space<vmem>>, vector<1x128xf32>
    %mul3A_52 = arith.mulf %select_n3A, %select_n3A : vector<512x128xf32>
    %reduce_sum3A_53 = arith.constant dense<0.000000e+00> : vector<128xf32>
    %reduce_sum3A_54 = vector.multi_reduction <add>, %mul3A_52, %reduce_sum3A_53 [0] : vector<512x128xf32> to vector<128xf32>
    %broadcast_in_dim3A_55 = vector.shape_cast %reduce_sum3A_54 : vector<128xf32> to vector<1x128xf32>
    %add3A_56 = arith.addf %get3A_51, %broadcast_in_dim3A_55 : vector<1x128xf32>
    %swap3A_57 = arith.constant 1 : index
    %swap3A_58 = arith.constant 0 : index
    %swap3A_59 = vector.load %arg11[%swap3A_57, %swap3A_58] : memref<2x128xf32, #tpu.memory_space<vmem>>, vector<1x128xf32>
    tpu.vector_store %arg11[%swap3A_57, %swap3A_58], %add3A_56 {strides = array<i32>} : memref<2x128xf32, #tpu.memory_space<vmem>>, vector<1x128xf32>,
    %iota3A_60 = tpu.iota {dimensions = array<i32: 0>} : vector<32x512xi32>
    %get3A_61 = arith.constant 0 : index
    %get3A_62 = arith.constant 0 : index
    %get3A_63 = arith.constant 0 : index
    %get3A_64 = vector.load %arg6[%get3A_61, %get3A_62, %get3A_63] : memref<1x1x512xi32, #tpu.memory_space<vmem>>, vector<1x1x512xi32>
    %get3A_65 = vector.shape_cast %get3A_64 : vector<1x1x512xi32> to vector<1x512xi32>
    %eq3A_66 = vector.broadcast %get3A_65 : vector<1x512xi32> to vector<32x512xi32>
    %eq3A_67 = arith.cmpi eq, %eq3A_66, %iota3A_60 : vector<32x512xi32>
    %convert_element_type3A_68 = arith.extui %eq3A_67 : vector<32x512xi1> to vector<32x512xi32>
    %convert_element_type3A_69 = arith.sitofp %convert_element_type3A_68 : vector<32x512xi32> to vector<32x512xf32>
    %get3A_70 = arith.constant 0 : index
    %get3A_71 = arith.constant 0 : index
    %get3A_72 = vector.load %arg12[%get3A_70, %get3A_71] : memref<32x128xf32, #tpu.memory_space<vmem>>, vector<32x128xf32>
    %dot_general3A_73 = arith.constant dense<0.000000e+00> : vector<32x128xf32>
    %dot_general3A_74 = tpu.matmul %convert_element_type3A_69, %select_n3A, %dot_general3A_73 {dimension_numbers = #tpu.dot_dimension_numbers<[1], [0], [0], [1], [0, 0, 1, 1], [], []>, transpose_lhs_hint = false} : vector<32x512xf32>, vector<512x128xf32>, vector<32x128xf32> -> vector<32x128xf32>
    %add3A_75 = arith.addf %get3A_72, %dot_general3A_74 : vector<32x128xf32>
    %swap3A_76 = arith.constant 0 : index
    %swap3A_77 = arith.constant 0 : index
    %swap3A_78 = vector.load %arg12[%swap3A_76, %swap3A_77] : memref<32x128xf32, #tpu.memory_space<vmem>>, vector<32x128xf32>
    tpu.vector_store %arg12[%swap3A_76, %swap3A_77], %add3A_75 {strides = array<i32>} : memref<32x128xf32, #tpu.memory_space<vmem>>, vector<32x128xf32>,
    %get3A_79 = arith.constant 0 : index
    %get3A_80 = arith.constant 0 : index
    %get3A_81 = vector.load %arg13[%get3A_79, %get3A_80] : memref<32x1xf32, #tpu.memory_space<vmem>>, vector<32x1xf32>
    %reduce_sum3A_82 = arith.constant dense<0.000000e+00> : vector<32xf32>
    %reduce_sum3A_83 = vector.multi_reduction <add>, %convert_element_type3A_69, %reduce_sum3A_82 [1] : vector<32x512xf32> to vector<32xf32>
    %broadcast_in_dim3A_84 = vector.shape_cast %reduce_sum3A_83 : vector<32xf32> to vector<32x1xf32>
    %add3A_85 = arith.addf %get3A_81, %broadcast_in_dim3A_84 : vector<32x1xf32>
    %swap3A_86 = arith.constant 0 : index
    %swap3A_87 = arith.constant 0 : index
    %swap3A_88 = vector.load %arg13[%swap3A_86, %swap3A_87] : memref<32x1xf32, #tpu.memory_space<vmem>>, vector<32x1xf32>
    tpu.vector_store %arg13[%swap3A_86, %swap3A_87], %add3A_85 {strides = array<i32>} : memref<32x1xf32, #tpu.memory_space<vmem>>, vector<32x1xf32>,
    %eq3A_89 = arith.constant 19 : i32
    %eq3A_90 = arith.cmpi eq, %arg0, %eq3A_89 : i32
    %convert_element_type3A_91 = arith.extui %eq3A_90 : i1 to i32
    %cond3A_92 = arith.constant 0 : i32
    %cond3A_93 = arith.cmpi ne, %convert_element_type3A_91, %cond3A_92 : i32
    scf.if %cond3A_93 {
      %get3A_94 = arith.constant 0 : index
      %get3A_95 = arith.constant 0 : index
      %get3A_96 = vector.load %arg11[%get3A_94, %get3A_95] : memref<2x128xf32, #tpu.memory_space<vmem>>, vector<2x128xf32>
      %swap3A_97 = arith.constant 0 : index
      %swap3A_98 = arith.constant 0 : index
      %swap3A_99 = vector.load %arg8[%swap3A_97, %swap3A_98] : memref<2x128xf32, #tpu.memory_space<vmem>>, vector<2x128xf32>
      tpu.vector_store %arg8[%swap3A_97, %swap3A_98], %get3A_96 {strides = array<i32>} : memref<2x128xf32, #tpu.memory_space<vmem>>, vector<2x128xf32>,
      %get3A_100 = arith.constant 0 : index
      %get3A_101 = arith.constant 0 : index
      %get3A_102 = vector.load %arg12[%get3A_100, %get3A_101] : memref<32x128xf32, #tpu.memory_space<vmem>>, vector<32x128xf32>
      %swap3A_103 = arith.constant 0 : index
      %swap3A_104 = arith.constant 0 : index
      %swap3A_105 = vector.load %arg9[%swap3A_103, %swap3A_104] : memref<32x128xf32, #tpu.memory_space<vmem>>, vector<32x128xf32>
      tpu.vector_store %arg9[%swap3A_103, %swap3A_104], %get3A_102 {strides = array<i32>} : memref<32x128xf32, #tpu.memory_space<vmem>>, vector<32x128xf32>,
      %get3A_106 = arith.constant 0 : index
      %get3A_107 = arith.constant 0 : index
      %get3A_108 = vector.load %arg13[%get3A_106, %get3A_107] : memref<32x1xf32, #tpu.memory_space<vmem>>, vector<32x1xf32>
      %swap3A_109 = arith.constant 0 : index
      %swap3A_110 = arith.constant 0 : index
      %swap3A_111 = vector.load %arg10[%swap3A_109, %swap3A_110] : memref<32x1xf32, #tpu.memory_space<vmem>>, vector<32x1xf32>
      tpu.vector_store %arg10[%swap3A_109, %swap3A_110], %get3A_108 {strides = array<i32>} : memref<32x1xf32, #tpu.memory_space<vmem>>, vector<32x1xf32>,
    } else {
    }
    return
  }
  func.func @transform_0(%arg0: i32) -> (i32, i32, i32) {
    %c0_i32 = arith.constant 0 : i32
    %c0_i32_0 = arith.constant 0 : i32
    %c0_i32_1 = arith.constant 0 : i32
    return %c0_i32, %arg0, %c0_i32_0 : i32, i32, i32
  }
  func.func @transform_1(%arg0: i32) -> (i32, i32) {
    %c0_i32 = arith.constant 0 : i32
    %c0_i32_0 = arith.constant 0 : i32
    return %arg0, %c0_i32 : i32, i32
  }
  func.func @transform_2(%arg0: i32) -> (i32, i32) {
    %c0_i32 = arith.constant 0 : i32
    %c0_i32_0 = arith.constant 0 : i32
    return %arg0, %c0_i32 : i32, i32
  }
  func.func @transform_3(%arg0: i32) -> (i32, i32) {
    %c0_i32 = arith.constant 0 : i32
    %c0_i32_0 = arith.constant 0 : i32
    %c0_i32_1 = arith.constant 0 : i32
    return %c0_i32, %c0_i32_0 : i32, i32
  }
  func.func @transform_4(%arg0: i32) -> (i32, i32) {
    %c0_i32 = arith.constant 0 : i32
    %c0_i32_0 = arith.constant 0 : i32
    %c0_i32_1 = arith.constant 0 : i32
    return %c0_i32, %c0_i32_0 : i32, i32
  }
  func.func @transform_5(%arg0: i32) -> (i32, i32, i32) {
    %c0_i32 = arith.constant 0 : i32
    %c0_i32_0 = arith.constant 0 : i32
    %c0_i32_1 = arith.constant 0 : i32
    return %arg0, %c0_i32, %c0_i32_0 : i32, i32, i32
  }
  func.func @transform_6(%arg0: i32) -> (i32, i32) {
    %c0_i32 = arith.constant 0 : i32
    %c0_i32_0 = arith.constant 0 : i32
    return %arg0, %c0_i32 : i32, i32
  }
  func.func @transform_7(%arg0: i32) -> (i32, i32) {
    %c0_i32 = arith.constant 0 : i32
    %c0_i32_0 = arith.constant 0 : i32
    %c0_i32_1 = arith.constant 0 : i32
    return %c0_i32, %c0_i32_0 : i32, i32
  }
  func.func @transform_8(%arg0: i32) -> (i32, i32) {
    %c0_i32 = arith.constant 0 : i32
    %c0_i32_0 = arith.constant 0 : i32
    %c0_i32_1 = arith.constant 0 : i32
    return %c0_i32, %c0_i32_0 : i32, i32
  }
  func.func @transform_9(%arg0: i32) -> (i32, i32) {
    %c0_i32 = arith.constant 0 : i32
    %c0_i32_0 = arith.constant 0 : i32
    %c0_i32_1 = arith.constant 0 : i32
    return %c0_i32, %c0_i32_0 : i32, i32
  }
}

module attributes {stable_mosaic.version = 14 : i64} {
  func.func @_pass2_body(%arg0: i32, %arg1: memref<512x128xf32, #tpu.memory_space<vmem>>, %arg2: memref<2x128xf32, #tpu.memory_space<vmem>>, %arg3: memref<32x128xf32, #tpu.memory_space<vmem>>, %arg4: memref<32x1xf32, #tpu.memory_space<vmem>>, %arg5: memref<1x128xf32, #tpu.memory_space<vmem>>, %arg6: memref<1x128xf32, #tpu.memory_space<vmem>>, %arg7: memref<512x128xf32, #tpu.memory_space<vmem>>, %arg8: memref<32x128xf32, #tpu.memory_space<vmem>>) attributes {dimension_semantics = [#tpu.dimension_semantics<arbitrary>], iteration_bounds = array<i64: 20>, scalar_prefetch = 0 : i64, scratch_operands = 0 : i64, tpu.core_type = #tpu.core_type<tc>, window_params = [{transform_indices = @transform_0, window_bounds = array<i64: 512, 128>}, {pipeline_mode = #tpu.pipeline_mode<synchronous>, transform_indices = @transform_1, window_bounds = array<i64: 2, 128>}, {pipeline_mode = #tpu.pipeline_mode<synchronous>, transform_indices = @transform_2, window_bounds = array<i64: 32, 128>}, {pipeline_mode = #tpu.pipeline_mode<synchronous>, transform_indices = @transform_3, window_bounds = array<i64: 32, 1>}, {pipeline_mode = #tpu.pipeline_mode<synchronous>, transform_indices = @transform_4, window_bounds = array<i64: 1, 128>}, {pipeline_mode = #tpu.pipeline_mode<synchronous>, transform_indices = @transform_5, window_bounds = array<i64: 1, 128>}, {transform_indices = @transform_6, window_bounds = array<i64: 512, 128>}, {pipeline_mode = #tpu.pipeline_mode<synchronous>, transform_indices = @transform_7, window_bounds = array<i64: 32, 128>}]} {
    %get3A = arith.constant 0 : index
    %get3A_0 = arith.constant 0 : index
    %get3A_1 = vector.load %arg2[%get3A, %get3A_0] : memref<2x128xf32, #tpu.memory_space<vmem>>, vector<1x128xf32>
    %mul3A = arith.constant 9.99999974E-5 : f32
    %mul3A_2 = vector.broadcast %mul3A : f32 to vector<1x128xf32>
    %mul3A_3 = arith.mulf %get3A_1, %mul3A_2 : vector<1x128xf32>
    %get3A_4 = arith.constant 1 : index
    %get3A_5 = arith.constant 0 : index
    %get3A_6 = vector.load %arg2[%get3A_4, %get3A_5] : memref<2x128xf32, #tpu.memory_space<vmem>>, vector<1x128xf32>
    %mul3A_7 = arith.constant 9.99999974E-5 : f32
    %mul3A_8 = vector.broadcast %mul3A_7 : f32 to vector<1x128xf32>
    %mul3A_9 = arith.mulf %get3A_6, %mul3A_8 : vector<1x128xf32>
    %mul3A_10 = arith.mulf %mul3A_3, %mul3A_3 : vector<1x128xf32>
    %sub3A = arith.subf %mul3A_9, %mul3A_10 : vector<1x128xf32>
    %get3A_11 = arith.constant 0 : index
    %get3A_12 = arith.constant 0 : index
    %get3A_13 = vector.load %arg5[%get3A_11, %get3A_12] : memref<1x128xf32, #tpu.memory_space<vmem>>, vector<1x128xf32>
    %add3A = arith.constant 9.99999974E-6 : f32
    %add3A_14 = vector.broadcast %add3A : f32 to vector<1x128xf32>
    %add3A_15 = arith.addf %sub3A, %add3A_14 : vector<1x128xf32>
    %rsqrt3A = math.rsqrt %add3A_15 : vector<1x128xf32>
    %mul3A_16 = arith.mulf %get3A_13, %rsqrt3A : vector<1x128xf32>
    %get3A_17 = arith.constant 0 : index
    %get3A_18 = arith.constant 0 : index
    %get3A_19 = vector.load %arg6[%get3A_17, %get3A_18] : memref<1x128xf32, #tpu.memory_space<vmem>>, vector<1x128xf32>
    %mul3A_20 = arith.mulf %mul3A_3, %mul3A_16 : vector<1x128xf32>
    %sub3A_21 = arith.subf %get3A_19, %mul3A_20 : vector<1x128xf32>
    %get3A_22 = arith.constant 0 : index
    %get3A_23 = arith.constant 0 : index
    %get3A_24 = vector.load %arg1[%get3A_22, %get3A_23] : memref<512x128xf32, #tpu.memory_space<vmem>>, vector<512x128xf32>
    %mul3A_25 = vector.broadcast %mul3A_16 : vector<1x128xf32> to vector<512x128xf32>
    %mul3A_26 = arith.mulf %get3A_24, %mul3A_25 : vector<512x128xf32>
    %add3A_27 = vector.broadcast %sub3A_21 : vector<1x128xf32> to vector<512x128xf32>
    %add3A_28 = arith.addf %mul3A_26, %add3A_27 : vector<512x128xf32>
    %swap3A = arith.constant 0 : index
    %swap3A_29 = arith.constant 0 : index
    %swap3A_30 = vector.load %arg7[%swap3A, %swap3A_29] : memref<512x128xf32, #tpu.memory_space<vmem>>, vector<512x128xf32>
    tpu.vector_store %arg7[%swap3A, %swap3A_29], %add3A_28 {strides = array<i32>} : memref<512x128xf32, #tpu.memory_space<vmem>>, vector<512x128xf32>,
    %eq3A = arith.constant 0 : i32
    %eq3A_31 = arith.cmpi eq, %arg0, %eq3A : i32
    %convert_element_type3A = arith.extui %eq3A_31 : i1 to i32
    %cond3A = arith.constant 0 : i32
    %cond3A_32 = arith.cmpi ne, %convert_element_type3A, %cond3A : i32
    scf.if %cond3A_32 {
      %get3A_33 = arith.constant 0 : index
      %get3A_34 = arith.constant 0 : index
      %get3A_35 = vector.load %arg3[%get3A_33, %get3A_34] : memref<32x128xf32, #tpu.memory_space<vmem>>, vector<32x128xf32>
      %mul3A_36 = vector.broadcast %mul3A_16 : vector<1x128xf32> to vector<32x128xf32>
      %mul3A_37 = arith.mulf %get3A_35, %mul3A_36 : vector<32x128xf32>
      %get3A_38 = arith.constant 0 : index
      %get3A_39 = arith.constant 0 : index
      %get3A_40 = vector.load %arg4[%get3A_38, %get3A_39] : memref<32x1xf32, #tpu.memory_space<vmem>>, vector<32x1xf32>
      %mul3A_41 = vector.broadcast %get3A_40 : vector<32x1xf32> to vector<32x128xf32>
      %mul3A_42 = vector.broadcast %sub3A_21 : vector<1x128xf32> to vector<32x128xf32>
      %mul3A_43 = arith.mulf %mul3A_41, %mul3A_42 : vector<32x128xf32>
      %add3A_44 = arith.addf %mul3A_37, %mul3A_43 : vector<32x128xf32>
      %swap3A_45 = arith.constant 0 : index
      %swap3A_46 = arith.constant 0 : index
      %swap3A_47 = vector.load %arg8[%swap3A_45, %swap3A_46] : memref<32x128xf32, #tpu.memory_space<vmem>>, vector<32x128xf32>
      tpu.vector_store %arg8[%swap3A_45, %swap3A_46], %add3A_44 {strides = array<i32>} : memref<32x128xf32, #tpu.memory_space<vmem>>, vector<32x128xf32>,
    } else {
    }
    return
  }
  func.func @transform_0(%arg0: i32) -> (i32, i32) {
    %c0_i32 = arith.constant 0 : i32
    %c0_i32_0 = arith.constant 0 : i32
    return %arg0, %c0_i32 : i32, i32
  }
  func.func @transform_1(%arg0: i32) -> (i32, i32) {
    %c0_i32 = arith.constant 0 : i32
    %c0_i32_0 = arith.constant 0 : i32
    %c0_i32_1 = arith.constant 0 : i32
    return %c0_i32, %c0_i32_0 : i32, i32
  }
  func.func @transform_2(%arg0: i32) -> (i32, i32) {
    %c0_i32 = arith.constant 0 : i32
    %c0_i32_0 = arith.constant 0 : i32
    %c0_i32_1 = arith.constant 0 : i32
    return %c0_i32, %c0_i32_0 : i32, i32
  }
  func.func @transform_3(%arg0: i32) -> (i32, i32) {
    %c0_i32 = arith.constant 0 : i32
    %c0_i32_0 = arith.constant 0 : i32
    %c0_i32_1 = arith.constant 0 : i32
    return %c0_i32, %c0_i32_0 : i32, i32
  }
  func.func @transform_4(%arg0: i32) -> (i32, i32) {
    %c0_i32 = arith.constant 0 : i32
    %c0_i32_0 = arith.constant 0 : i32
    %c0_i32_1 = arith.constant 0 : i32
    return %c0_i32, %c0_i32_0 : i32, i32
  }
  func.func @transform_5(%arg0: i32) -> (i32, i32) {
    %c0_i32 = arith.constant 0 : i32
    %c0_i32_0 = arith.constant 0 : i32
    %c0_i32_1 = arith.constant 0 : i32
    return %c0_i32, %c0_i32_0 : i32, i32
  }
  func.func @transform_6(%arg0: i32) -> (i32, i32) {
    %c0_i32 = arith.constant 0 : i32
    %c0_i32_0 = arith.constant 0 : i32
    return %arg0, %c0_i32 : i32, i32
  }
  func.func @transform_7(%arg0: i32) -> (i32, i32) {
    %c0_i32 = arith.constant 0 : i32
    %c0_i32_0 = arith.constant 0 : i32
    %c0_i32_1 = arith.constant 0 : i32
    return %c0_i32, %c0_i32_0 : i32, i32
  }
}

</mosaic_0001>

<sc_bundles>
// kernel: kernel.11.cloned.1.call-start
scs
__scs_entry_jumppad:
0x0: {  	(pc) =	sbr.rel $0x88, $3  }
0x1: {  	(tag) =	ssettag $0x0;
	lr =	simm.s32 $0x1  }
0x2: {  	[smem:$0x3F9A] =	sst lr;
	_ =	strace $0xD0000000  }
0x3: {  	_ = 	snop  }
0x4: {  	_ = 	snop  }
0x5: {  	_ = 	snop  }
0x6: {  	_ = 	snop  }
0x7: {  	_ = 	snop  }
__scs_overlays_trampoline_lowered:
0x8: {  	[smem:$0x3FA9] =	sst s0  }
0x9: {  	[smem:$0x3FAA] =	sst s1  }
0xa: {  	[smem:$0x3FAB] =	sst s2  }
0xb: {  	[smem:$0x3FAC] =	sst s3  }
0xc: {  	[smem:$0x3FAD] =	sst s4  }
0xd: {  	[smem:$0x3FAE] =	sst s5  }
0xe: {  	[smem:$0x3FAF] =	sst s6  }
0xf: {  	[smem:$0x3FB0] =	sst s7  }
0x10: {  	[smem:$0x3FB1] =	sst s8  }
0x11: {  	[smem:$0x3FB2] =	sst s9;
	s0 =	simm.s32 @!p0 $0x0  }
0x12: {  	s1 =	sld [smem:$0x3F98];
	s0 =	simm.s32 @p0 $0x1  }
0x13: {  	[smem:$0x3FB3] =	sst s0;
	s0 =	simm.s32 @!p1 $0x0  }
0x14: {  	s2 =	sld [smem:$0x3F97];
	s0 =	simm.s32 @p1 $0x1  }
0x15: {  	[smem:$0x3FB4] =	sst s0;
	s0 =	simm.s32 @!p2 $0x0  }
0x16: {  	s3 =	sld [smem:$0x3FDB];
	s0 =	simm.s32 @p2 $0x1  }
0x17: {  	s4 =	simm.s32 $0x1BF5;
	[smem:$0x3FB6] =	sst s0  }
0x18: {  	s0 =	sld [smem:$0x3F99];
	_ =	swait.ge [sflag:s4], $0x0  }
0x19: {  	s7 =	sld [smem:$0x3F9A]  }
0x1a: {  	s8 =	sadd.s32 $0xFFFFE003, lr  }
0x1b: {  	s9 =	sadd.s32 $0xFFFFFEF7, lr;
	s5 =	simm.s32 $0xFFFFFFFF;
	p2 =	slt.u32 s8, $0xFFFFF086  }
0x1c: {  	p1 =	slt.u32 s9, $0xF7A;
	s5 =	simm.s32 @!p2 $0x0  }
0x1d: {  	s5 =	simm.s32 @p1 $0x1;
	p0 =	seq.s32 s7, s2  }
0x1e: {  	s7 =	smul.u32 @!p0 $0xF7A, s2;
	p2 =	seq.s32 @!p0 s5, $0x0  }
0x1f: {  	s9 =	smul.u32 $0xF7A, s1;
	s8 =	simm.s32 @!p0 $0x1BF5;
	p2 =	por !p2, p0  }
0x20: {  	[sflag:s8] =	ssyncset.s32 @!p0 $0xFFFFF086;
	s6 =	sadd.s32 @!p0 s3, s7;
	s7 =	simm.s32 @!p0 $0x108  }
0x21: {  	s3 =	sadd.s32 s3, s9;
	s6 =	sadd.s32 @!p0 $0x88, s6;
	s7 =	simm.s32 @p2 $0x1082  }
0x22: {  	[simem:s7], [sflag:s8] =	dma.local @!p0 [hbm:s6], $0xF7A  }
0x23: {  	s9 =	sor.u32 $0xD0000000, s2;
	s6 =	simm.s32 $0x108;
	_ =	swait.ge @!p0 [sflag:s8], $0x0  }
0x24: {  	s3 =	sadd.s32 $0x88, s3;
	s6 =	simm.s32 @!p1 $0x1082;
	[sflag:s4] =	ssyncset.s32 $0xFFFFF086  }
0x25: {  	[simem:s6], [sflag:s4] =	dma.local [hbm:s3], $0xF7A  }
0x26: {  	[smem:$0x3F9A] =	sst s1;
	(tag) =	ssettag s2;
	_ =	strace s9  }
0x27: {  	s1 =	sld [smem:$0x3FAA]  }
0x28: {  	s2 =	sld [smem:$0x3FAB]  }
0x29: {  	s4 =	sld [smem:$0x3FAD]  }
0x2a: {  	p0 =	seq.s32 s5, $0x0;
	s5 =	sld [smem:$0x3FAE]  }
0x2b: {  	s6 =	sld [smem:$0x3FAF]  }
0x2c: {  	s7 =	sld [smem:$0x3FB0]  }
0x2d: {  	s3 =	simm.s32 $0x108;
	s8 =	sld [smem:$0x3FB1]  }
0x2e: {  	s3 =	simm.s32 @!p0 $0x1082;
	s9 =	sld [smem:$0x3FB2]  }
0x2f: {  	lr =	sadd.s32 s0, s3;
	s0 =	sld [smem:$0x3FA9]  }
0x30: {  	s3 =	sld [smem:$0x3FAC]  }
0x31: {  	[smem:$0x3FB5] =	sst s10  }
0x32: {  	s10 =	sld [smem:$0x3FB3];
	_ =	sdelay $0x3  }
0x33: {  	p0 =	seq.s32 s10, $0x1;
	s10 =	sld [smem:$0x3FB5];
	_ =	sdelay $0x3  }
0x34: {  	[smem:$0x3FB5] =	sst s10  }
0x35: {  	s10 =	sld [smem:$0x3FB4];
	_ =	sdelay $0x3  }
0x36: {  	p1 =	seq.s32 s10, $0x1;
	s10 =	sld [smem:$0x3FB5];
	_ =	sdelay $0x3  }
0x37: {  	[smem:$0x3FB5] =	sst s10  }
0x38: {  	s10 =	sld [smem:$0x3FB6]  }
0x39: {  	_ = 	snop;
	(pc) =	sbr.ind lr, $3  }
0x3a: {  	_ = 	snop  }
0x3b: {  	_ = 	snop  }
0x3c: {  	p2 =	seq.s32 s10, $0x1;
	s10 =	sld [smem:$0x3FB5]  }
0x3d: {  	_ =	shalt  }
0x3e: {  	_ =	shalt  }
0x3f: {  	_ =	shalt  }
0x40: {  	_ =	shalt  }
0x41: {  	_ =	shalt  }
0x42: {  	_ =	shalt  }
0x43: {  	_ =	shalt  }
0x44: {  	_ =	shalt  }
0x45: {  	_ =	shalt  }
0x46: {  	_ =	shalt  }
0x47: {  	_ =	shalt  }
0x48: {  	_ =	shalt  }
0x49: {  	_ =	shalt  }
0x4a: {  	_ =	shalt  }
0x4b: {  	_ =	shalt  }
0x4c: {  	_ =	shalt  }
0x4d: {  	_ =	shalt  }
0x4e: {  	_ =	shalt  }
0x4f: {  	_ =	shalt  }
0x50: {  	_ =	shalt  }
0x51: {  	_ =	shalt  }
0x52: {  	_ =	shalt  }
0x53: {  	_ =	shalt  }
0x54: {  	_ =	shalt  }
0x55: {  	_ =	shalt  }
0x56: {  	_ =	shalt  }
0x57: {  	_ =	shalt  }
0x58: {  	_ =	shalt  }
0x59: {  	_ =	shalt  }
0x5a: {  	_ =	shalt  }
0x5b: {  	_ =	shalt  }
0x5c: {  	_ =	shalt  }
0x5d: {  	_ =	shalt  }
0x5e: {  	_ =	shalt  }
0x5f: {  	_ =	shalt  }
0x60: {  	_ =	shalt  }
0x61: {  	_ =	shalt  }
0x62: {  	_ =	shalt  }
0x63: {  	_ =	shalt  }
0x64: {  	_ =	shalt  }
0x65: {  	_ =	shalt  }
0x66: {  	_ =	shalt  }
0x67: {  	_ =	shalt  }
0x68: {  	_ =	shalt  }
0x69: {  	_ =	shalt  }
0x6a: {  	_ =	shalt  }
0x6b: {  	_ =	shalt  }
0x6c: {  	_ =	shalt  }
0x6d: {  	_ =	shalt  }
0x6e: {  	_ =	shalt  }
0x6f: {  	_ =	shalt  }
0x70: {  	_ =	shalt  }
0x71: {  	_ =	shalt  }
0x72: {  	_ =	shalt  }
0x73: {  	_ =	shalt  }
0x74: {  	_ =	shalt  }
0x75: {  	_ =	shalt  }
0x76: {  	_ =	shalt  }
0x77: {  	_ =	shalt  }
0x78: {  	_ =	shalt  }
0x79: {  	_ =	shalt  }
0x7a: {  	_ =	shalt  }
0x7b: {  	_ =	shalt  }
0x7c: {  	_ =	shalt  }
0x7d: {  	_ =	shalt  }
0x7e: {  	_ =	shalt  }
0x7f: {  	_ =	shalt  }
0x80: {  	_ =	shalt  }
0x81: {  	_ =	shalt  }
0x82: {  	_ =	shalt  }
0x83: {  	_ =	shalt  }
0x84: {  	_ =	shalt  }
0x85: {  	_ =	shalt  }
0x86: {  	_ =	shalt  }
0x87: {  	_ =	shalt  }
.Lfunc_end0:
.L_simem_size_0:
called_computation_lowered:
.L_overlay_start_0:
0x88: {  	s2 =	sld [smem:$0x3FD9]  }
0x89: {  	s3 =	sld [smem:$0x3FFE];
	_ =	sdelay $0x1  }
0x8a: {  	s1 =	srdreg.scid  }
0x8b: {  	s0 =	sand.u32 $0x1, s1  }
0x8c: {  	s16 =	sshll.u32 s0, $0xA;
	s2 =	sadd.s32 s3, s2  }
0x8d: {  	s2 =	sadd.s32 s2, s16  }
0x8e: {  	[smem:$0x3FC1] =	sst s2  }
0x8f: {  	_ = 	snop  }
0x90: {  	(tm) =	ssettm $0x1  }
0x91: {  	s17 =	sld [smem:$0x3FFB];
	_ =	sdelay $0x3  }
0x92: {  	_ =	strace s17  }
0x93: {  	s2 =	sld [smem:$0x3FFC];
	_ =	sdelay $0x3  }
0x94: {  	_ =	strace s2  }
0x95: {  	s2 =	sld [smem:$0x3FFD];
	_ =	sdelay $0x3  }
0x96: {  	_ =	strace s2  }
0x97: {  	_ =	strace $0x8FFFFFFF  }
0x98: {  	s18 =	sld [smem:$0x3FDB];
	_ =	sdelay $0x1  }
0x99: {  	s19 =	simm.s32 $_scs_section_size  }
0x9a: {  	s4 =	simm.s32 $_size__tile_overlayer_lowered;
	s5 =	simm.s32 $_tile_overlayer_lowered  }
0x9b: {  	s22 =	simm.s32 $0x1BFF;
	s21 =	sshll.u32 s5, $0x1;
	s2 =	sadd.s32 s19, s18  }
0x9c: {  	s6 =	simm.s32 $0x0;
	s20 =	sshll.u32 s4, $0x1;
	s4 =	sadd.s32 s21, s2  }
0x9d: {  	[timem:s6], [sflag:s22] =	dma.local [hbm:s4], s20  }
0x9e: {  	_ =	swait.ge [sflag:s22], s20  }
0x9f: {  	s3 =	ssub.s32 $0x0, s20;
	[sflag:s22] =	ssyncset.done $0x0  }
0xa0: {  	[sflag:s22] =	ssyncadd.s32 s3;
	_ =	sdelay $0x1  }
0xa1: {  	s23 =	simm.s32 $0x1B8B  }
0xa2: {  	_ =	swait.ge [sflag:s23], $0x1  }
0xa3: {  	[sflag:s23] =	ssyncset.done $0x0  }
0xa4: {  	s25 =	simm.s32 $0x1B8E;
	s24 =	sld [smem:$0x3FFE];
	[sflag:s23] =	ssyncadd.s32 $0xFFFFFFFF  }
0xa5: {  	s26 =	simm.s32 $execute0_lowered;
	[smem:$0x3FD2] =	sst s25  }
0xa6: {  	s4 =	sshll.u32 s26, $0x1;
	_ =	strace $0x80000046;
	[dreg:$0x1] =	wrdreg $0xFFFFFFFF  }
0xa7: {  	s28 =	simm.s32 $_size_execute0_lowered;
	s2 =	sadd.s32 s2, s4;
	[dreg:$0x0] =	wrdreg $0x0  }
0xa8: {  	s4 =	sshll.u32 s28, $0x1;
	[dreg:$0x2] =	wrdreg s2  }
0xa9: {  	[dreg:$0x3] =	wrdreg s4  }
0xaa: {  	[dreg:$0x4] =	wrdreg $0xC0  }
0xab: {  	_ =	task [dreg:s6], $0x5FFFF  }
0xac: {  	[dreg:$0x1] =	wrdreg $0xFFFFFFFF  }
0xad: {  	[dreg:$0x0] =	wrdreg $0x60  }
0xae: {  	[dreg:$0x2] =	wrdreg s24  }
0xaf: {  	[dreg:$0x3] =	wrdreg $0x40800  }
0xb0: {  	[dreg:$0x4] =	wrdreg $0x9  }
0xb1: {  	_ =	task.clear_ibuf [dreg:s6], $0x5FFFF;
	_ =	strace $0x90000046  }
0xb2: {  	s29 =	simm.s32 $0x9;
	_ =	strace $0x80000048  }
0xb3: {  	_ =	swait.ge [sflag:s29], $0x1  }
0xb4: {  	[sflag:s29] =	ssyncadd.s32 $0xFFFFFFFF  }
0xb5: {  	_ =	strace $0x90000048  }
0xb6: {  	_ =	sfence  }
0xb7: {  	s30 =	sld [smem:$0x0];
	_ =	sdelay $0x2  }
0xb8: {  	s31 =	sshll.u32 s1, $0xD;
	s1 =	sshrl.u32 s1, $0x2  }
0xb9: {  	s3 =	sand.u32 $0x4000, s31;
	s1 =	sadd.s32 s1, s30  }
0xba: {  	s0 =	sor.u32 s3, s0;
	s1 =	sshll.u32 s1, $0x11  }
0xbb: {  	s0 =	sor.u32 s1, s0  }
0xbc: {  	s0 =	sadd.s32 $0x8F2B, s0  }
0xbd: {  	[sflag:s0] =	ssyncadd.remote.s32 $0x1  }
0xbe: {  	_ =	sfence.sel $0xFFFF  }
0xbf: {  	[dreg:$0x0] =	wrdreg $0xFFFFFFFF;
	(pc) =	sbr.abs _section_cstart, $3  }
0xc0: {  	[dreg:$0x1] =	wrdreg $0xFFFFFFFF  }
0xc1: {  	_ =	task.clear_ibuf [dreg:s6], $0x2FFFF;
	_ =	strace $0x9FFFFFFF  }
0xc2: {  	(tm) =	ssettm $0x7FFFFFFF  }
0xc3: {  	_ =	shalt  }
tec
execute0_lowered:
.L_overlay_start_1:
0x0: {  	(tag) =	ssettag $0x1  }
0x1: {  	s0 =	srdreg.scid;
	s5 =	rddreg [dreg:$0x0]  }
0x2: {  	s2 =	rddreg [dreg:$0x1];
	s7 =	sand.u32 $0x1, s0  }
0x3: {  	s0 =	stileid.u32;
	s4 =	smul.u32 $0x140000, s7  }
0x4: {  	s1 =	rddreg [dreg:$0x2];
	s3 =	simm.s32 $0x0;
	s6 =	smul.u32 $0x14000, s0  }
0x5: {  	s14 =	simm.s32 $0x1;
	[smem:$0x7FF] =	sst s3;
	s8 =	smul.u32 $0x50000, s0  }
0x6: {  	s17 =	simm.s32 $0x0;
	_ =	strace $0x80000047;
	s12 =	smul.u32 $0xA00, s0  }
0x7: {  	s29 =	ssub.s32 $0x2, s7;
	s13 =	smul.u32 $0x500, s7;
	s15 =	sshll.u32 s0, $0x6  }
0x8: {  	s31 =	sshrl.u32 s29, $0x1;
	s15 =	sor.u32 $0x1C01, s15;
	s6 =	sadd.s32 s6, s4  }
0x9: {  	s4 =	sadd.s32 $0x2E00, s5;
	s30 =	sshrl.u32 s8, $0x2;
	s11 =	ssub.s32 s29, s31  }
0xa: {  	s12 =	sadd.s32 s13, s12;
	s13 =	simm.s32 $0x80;
	s6 =	sshrl.u32 s6, $0x3  }
0xb: {  	s11 =	smax.u32 s11, $0x1;
	s10 =	sadd.s32 s6, s5;
	s5 =	sadd.s32 s30, s2  }
0xc: {  	s6 =	sadd.s32 $0x4000, s5;
	s7 =	sadd.s32 $0x8000, s5;
	s8 =	sadd.s32 $0xC000, s5  }
0xd: {  	v0 =	vimm.f32 $0.0e+00;
	v1 =	vimm.f32 $1.000000000e+00;
	s9 =	sadd.s32 $0x10000, s5;
	s10 =	sadd.s32 $0xD200, s10;
	s16 =	sshrl.u32 s5, $0x3  }
.LBB2_1:
0xe: {  	s18 =	simm.s32 $0x0;
	s19 =	simm.s32 $0x200  }
.LBB2_2:
0xf: {  	p0 =	sne.s32 s19, $0xFE00;
	[tilespmem:s18+$0xF0] =	vst v0  }
0x10: {  	[tilespmem:s18+$0x80] =	vst v0  }
0x11: {  	[tilespmem:s18+$0x90] =	vst v0  }
.Ltmp0:
0x12: {  	[tilespmem:s18+$0xA0] =	vst v0;
	(pc) =	sbr.rel @p0 .LBB2_2-.Ltmp0, $4  }
0x13: {  	[tilespmem:s18+$0xB0] =	vst v0  }
0x14: {  	[tilespmem:s18+$0xC0] =	vst v0  }
0x15: {  	[tilespmem:s18+$0xD0] =	vst v0  }
0x16: {  	[tilespmem:s18+$0xE0] =	vst v0;
	s18 =	sshra.s32 s19, $0x2;
	s19 =	sadd.s32 $0x200, s19  }
0x17: {  	[tilespmem:s18+$0xF0] =	vst v0  }
0x18: {  	[tilespmem:s18+$0x80] =	vst v0  }
0x19: {  	[tilespmem:s18+$0x90] =	vst v0  }
0x1a: {  	[tilespmem:s18+$0xA0] =	vst v0  }
0x1b: {  	[tilespmem:s18+$0xB0] =	vst v0  }
0x1c: {  	[tilespmem:s18+$0xC0] =	vst v0  }
0x1d: {  	[tilespmem:s18+$0xD0] =	vst v0  }
0x1e: {  	[tilespmem:s18+$0xE0] =	vst v0  }
0x1f: {  	[spmem:s5] =	stream.linear.scatter [tilespmem:s13], [sflag:$0x1], $0x4000, $0x38;
	[tilespmem:$0x18080] =	vst v63  }
0x20: {  	_ =	swait.ge [sflag:s14], $0x4000  }
0x21: {  	[sflag:s14] =	ssyncset.done $0x0  }
0x22: {  	[sflag:s14] =	ssyncadd.s32 $0xFFFFC000  }
0x23: {  	[spmem:s6] =	stream.linear.scatter [tilespmem:s13], [sflag:$0x1], $0x4000, $0x38;
	[tilespmem:$0x18080] =	vst v63  }
0x24: {  	_ =	swait.ge [sflag:s14], $0x4000  }
0x25: {  	[sflag:s14] =	ssyncset.done $0x0  }
0x26: {  	[sflag:s14] =	ssyncadd.s32 $0xFFFFC000  }
0x27: {  	[spmem:s7] =	stream.linear.scatter [tilespmem:s13], [sflag:$0x1], $0x4000, $0x38;
	[tilespmem:$0x18080] =	vst v63  }
0x28: {  	_ =	swait.ge [sflag:s14], $0x4000  }
0x29: {  	[sflag:s14] =	ssyncset.done $0x0  }
0x2a: {  	[sflag:s14] =	ssyncadd.s32 $0xFFFFC000  }
0x2b: {  	[spmem:s8] =	stream.linear.scatter [tilespmem:s13], [sflag:$0x1], $0x4000, $0x38;
	[tilespmem:$0x18080] =	vst v63  }
0x2c: {  	_ =	swait.ge [sflag:s14], $0x4000  }
0x2d: {  	[sflag:s14] =	ssyncset.done $0x0  }
0x2e: {  	[sflag:s14] =	ssyncadd.s32 $0xFFFFC000  }
0x2f: {  	[spmem:s9] =	stream.linear.scatter [tilespmem:s13], [sflag:$0x1], $0x4000, $0x38;
	[tilespmem:$0x18080] =	vst v63  }
0x30: {  	_ =	swait.ge [sflag:s14], $0x4000  }
0x31: {  	[sflag:s14] =	ssyncset.done $0x0  }
0x32: {  	s19 =	simm.s32 $0x0;
	[sflag:s14] =	ssyncadd.s32 $0xFFFFC000  }
0x33: {  	s18 =	simm.s32 $0x0;
	s20 =	simm.s32 $0x200;
	[bflag:$0x0] =	sbarrier.arrive $0xFFFF  }
.LBB2_4:
0x34: {  	p0 =	sne.s32 s20, $0xFE00;
	[tilespmem:s18+$0xF0] =	vst v1  }
0x35: {  	[tilespmem:s18+$0x80] =	vst v1  }
0x36: {  	[tilespmem:s18+$0x90] =	vst v1  }
.Ltmp1:
0x37: {  	[tilespmem:s18+$0xA0] =	vst v1;
	(pc) =	sbr.rel @p0 .LBB2_4-.Ltmp1, $4  }
0x38: {  	[tilespmem:s18+$0xB0] =	vst v1  }
0x39: {  	[tilespmem:s18+$0xC0] =	vst v1  }
0x3a: {  	[tilespmem:s18+$0xD0] =	vst v1  }
0x3b: {  	[tilespmem:s18+$0xE0] =	vst v1;
	s18 =	sshra.s32 s20, $0x2;
	s20 =	sadd.s32 $0x200, s20  }
0x3c: {  	[tilespmem:s18+$0xF0] =	vst v1  }
0x3d: {  	[tilespmem:s18+$0x80] =	vst v1  }
0x3e: {  	[tilespmem:s18+$0x90] =	vst v1  }
0x3f: {  	[tilespmem:s18+$0xA0] =	vst v1  }
0x40: {  	[tilespmem:s18+$0xB0] =	vst v1  }
0x41: {  	[tilespmem:s18+$0xC0] =	vst v1;
	s20 =	sadd.s32 $0x0, s12;
	s19 =	sand.u32 $0x70, s19  }
0x42: {  	[tilespmem:s18+$0xD0] =	vst v1;
	s20 =	sand.u32 $0xFFFFF80, s20;
	s19 =	sadd.s32 s4, s19  }
0x43: {  	[tilespmem:s18+$0xE0] =	vst v1;
	s29 =	sadd.s32 s20, s19  }
0x44: {  	[tilespmem:s3], [sflag:$0x1] =	stream.linear.gather [hbm4b:s29+s3], $0x80, $0x38;
	[tilespmem:$0x18080] =	vst v63  }
0x45: {  	_ =	swait.ge [sflag:s14], $0x80  }
0x46: {  	[sflag:s14] =	ssyncset.done $0x0  }
0x47: {  	s30 =	simm.s32 $0x10;
	s18 =	simm.s32 $0x20;
	[sflag:s14] =	ssyncadd.s32 $0xFFFFFF80  }
0x48: {  	[spmem:s2] =	stream.indirect.scatter.add.f32 [tilespmem:s13], [sflag:$0x1], $0x80, s3, s13, $0xb8;
	[tilespmem:$0x18080] =	vst v63  }
0x49: {  	s31 =	sadd.s32 $0x10, s12;
	s21 =	sand.u32 $0x70, s30;
	_ =	swait.ge [sflag:s14], $0x4000  }
0x4a: {  	s19 =	sand.u32 $0xFFFFF80, s31;
	s20 =	sadd.s32 s4, s21;
	[sflag:s14] =	ssyncset.done $0x0  }
.LBB2_6:
0x4b: {  	s19 =	sadd.s32 s19, s20  }
0x4c: {  	[sflag:s14] =	ssyncadd.s32 $0xFFFFC000;
	s20 =	smov.u32 s18;
	s21 =	sadd.s32 $0x10, s18  }
0x4d: {  	[tilespmem:s3], [sflag:$0x1] =	stream.linear.gather [hbm4b:s19+s3], $0x80, $0x38;
	[tilespmem:$0x18080] =	vst v63  }
0x4e: {  	p0 =	sne.s32 s18, $0x4F0;
	_ =	swait.ge [sflag:s14], $0x80  }
.Ltmp2:
0x4f: {  	[sflag:s14] =	ssyncset.done $0x0;
	(pc) =	sbr.rel @p0 .LBB2_6-.Ltmp2, $4  }
0x50: {  	s18 =	sadd.s32 s20, s12;
	[sflag:s14] =	ssyncadd.s32 $0xFFFFFF80  }
0x51: {  	[spmem:s2] =	stream.indirect.scatter.add.f32 [tilespmem:s13], [sflag:$0x1], $0x80, s3, s13, $0xb8;
	[tilespmem:$0x18080] =	vst v63  }
0x52: {  	s20 =	sand.u32 $0x70, s20;
	s19 =	sand.u32 $0xFFFFF80, s18;
	_ =	swait.ge [sflag:s14], $0x4000  }
0x53: {  	s20 =	sadd.s32 s4, s20;
	s18 =	smov.u32 s21;
	[sflag:s14] =	ssyncset.done $0x0  }
0x54: {  	s18 =	sadd.s32 s19, s20;
	[sflag:s14] =	ssyncadd.s32 $0xFFFFC000  }
0x55: {  	[tilespmem:s3], [sflag:$0x1] =	stream.linear.gather [hbm4b:s18+s3], $0x80, $0x38;
	[tilespmem:$0x18080] =	vst v63  }
0x56: {  	_ =	swait.ge [sflag:s14], $0x80  }
0x57: {  	[sflag:s14] =	ssyncset.done $0x0  }
0x58: {  	[sflag:s14] =	ssyncadd.s32 $0xFFFFFF80  }
0x59: {  	[spmem:s2] =	stream.indirect.scatter.add.f32 [tilespmem:s13], [sflag:$0x1], $0x80, s3, s13, $0xb8;
	[tilespmem:$0x18080] =	vst v63  }
0x5a: {  	_ =	swait.ge [sflag:s14], $0x4000  }
0x5b: {  	s17 =	sadd.s32 $0x1, s17;
	[sflag:s14] =	ssyncset.done $0x0  }
0x5c: {  	p0 =	sne.s32 s17, s11;
	[sflag:s14] =	ssyncadd.s32 $0xFFFFC000  }
.Ltmp3:
0x5d: {  	[bflag:$0x0] =	sbarrier.arrive $0xFFFF;
	(pc) =	sbr.rel @p0 .LBB2_1-.Ltmp3, $4  }
0x5e: {  	[hbm:s10], [sflag:s15] =	dma.local [spmem:s16], $0x2800  }
0x5f: {  	_ =	swait.ge [sflag:s14], $0x2800  }
0x60: {  	[sflag:s14] =	ssyncset.done $0x0  }
0x61: {  	[sflag:s14] =	ssyncadd.s32 $0xFFFFD800  }
0x62: {  	_ =	sfence.sel $0x180000  }
0x63: {  	[bflag:$0x0] =	sbarrier.arrive $0xFFFF  }
0x64: {  	p0 =	sne.s32 s0, $0x0;
	_ =	strace $0x90000047  }
0x65: {  	s0 =	sadd.s32 @!p0 $0x100000, s1;
	[bflag:$0x2] =	sbarrier.arrive $0xFFFF  }
0x66: {  	[sflag:s0] =	ssyncadd.tile.s32 @!p0 $0x1;
	_ =	shalt  }
.Lfunc_end2:
_tile_overlayer_lowered:
.L_overlay_start_2:
0x67: {  	(tag) =	ssettag $0x2  }
0x68: {  	s0 =	rddreg [dreg:$0x0];
	s2 =	stileid.u32  }
0x69: {  	s1 =	rddreg [dreg:$0x1];
	p0 =	sne.s32 s2, $0x0  }
0x6a: {  	s3 =	rddreg [dreg:$0x2];
	[bflag:$0x3] =	sbarrier.arrive $0xFFFF;
	s2 =	simm.s32 @!p0 $0x1C01  }
0x6b: {  	[timem:s3], [sflag:s2] =	dma.local @!p0 [hbm:s0], s1  }
0x6c: {  	s0 =	simm.s32 @!p0 $0x1  }
0x6d: {  	_ =	swait.ge @!p0 [sflag:s0], s1  }
0x6e: {  	s1 =	ssub.s32 @!p0 $0x0, s1;
	[sflag:s0] =	ssyncset.done @!p0 $0x0  }
0x6f: {  	[sflag:s0] =	ssyncadd.s32 @!p0 s1  }
0x70: {  	[bflag:$0x3] =	sbarrier.arrive $0xFFFF  }
0x71: {  	_ =	shalt  }

// kernel: kernel.14.cloned.1.call-start
scs
__scs_entry_jumppad:
0x0: {  	(pc) =	sbr.rel $0x88, $3  }
0x1: {  	(tag) =	ssettag $0x0;
	lr =	simm.s32 $0x1  }
0x2: {  	[smem:$0x3F9A] =	sst lr;
	_ =	strace $0xD0000000  }
0x3: {  	_ = 	snop  }
0x4: {  	_ = 	snop  }
0x5: {  	_ = 	snop  }
0x6: {  	_ = 	snop  }
0x7: {  	_ = 	snop  }
__scs_overlays_trampoline_lowered:
0x8: {  	[smem:$0x3FA9] =	sst s0  }
0x9: {  	[smem:$0x3FAA] =	sst s1  }
0xa: {  	[smem:$0x3FAB] =	sst s2  }
0xb: {  	[smem:$0x3FAC] =	sst s3  }
0xc: {  	[smem:$0x3FAD] =	sst s4  }
0xd: {  	[smem:$0x3FAE] =	sst s5  }
0xe: {  	[smem:$0x3FAF] =	sst s6  }
0xf: {  	[smem:$0x3FB0] =	sst s7  }
0x10: {  	[smem:$0x3FB1] =	sst s8  }
0x11: {  	[smem:$0x3FB2] =	sst s9;
	s0 =	simm.s32 @!p0 $0x0  }
0x12: {  	s1 =	sld [smem:$0x3F98];
	s0 =	simm.s32 @p0 $0x1  }
0x13: {  	[smem:$0x3FB3] =	sst s0;
	s0 =	simm.s32 @!p1 $0x0  }
0x14: {  	s2 =	sld [smem:$0x3F97];
	s0 =	simm.s32 @p1 $0x1  }
0x15: {  	[smem:$0x3FB4] =	sst s0;
	s0 =	simm.s32 @!p2 $0x0  }
0x16: {  	s3 =	sld [smem:$0x3FDB];
	s0 =	simm.s32 @p2 $0x1  }
0x17: {  	s4 =	simm.s32 $0x1BF5;
	[smem:$0x3FB6] =	sst s0  }
0x18: {  	s0 =	sld [smem:$0x3F99];
	_ =	swait.ge [sflag:s4], $0x0  }
0x19: {  	s7 =	sld [smem:$0x3F9A]  }
0x1a: {  	s8 =	sadd.s32 $0xFFFFE003, lr  }
0x1b: {  	s9 =	sadd.s32 $0xFFFFFEF7, lr;
	s5 =	simm.s32 $0xFFFFFFFF;
	p2 =	slt.u32 s8, $0xFFFFF086  }
0x1c: {  	p1 =	slt.u32 s9, $0xF7A;
	s5 =	simm.s32 @!p2 $0x0  }
0x1d: {  	s5 =	simm.s32 @p1 $0x1;
	p0 =	seq.s32 s7, s2  }
0x1e: {  	s7 =	smul.u32 @!p0 $0xF7A, s2;
	p2 =	seq.s32 @!p0 s5, $0x0  }
0x1f: {  	s9 =	smul.u32 $0xF7A, s1;
	s8 =	simm.s32 @!p0 $0x1BF5;
	p2 =	por !p2, p0  }
0x20: {  	[sflag:s8] =	ssyncset.s32 @!p0 $0xFFFFF086;
	s6 =	sadd.s32 @!p0 s3, s7;
	s7 =	simm.s32 @!p0 $0x108  }
0x21: {  	s3 =	sadd.s32 s3, s9;
	s6 =	sadd.s32 @!p0 $0x88, s6;
	s7 =	simm.s32 @p2 $0x1082  }
0x22: {  	[simem:s7], [sflag:s8] =	dma.local @!p0 [hbm:s6], $0xF7A  }
0x23: {  	s9 =	sor.u32 $0xD0000000, s2;
	s6 =	simm.s32 $0x108;
	_ =	swait.ge @!p0 [sflag:s8], $0x0  }
0x24: {  	s3 =	sadd.s32 $0x88, s3;
	s6 =	simm.s32 @!p1 $0x1082;
	[sflag:s4] =	ssyncset.s32 $0xFFFFF086  }
0x25: {  	[simem:s6], [sflag:s4] =	dma.local [hbm:s3], $0xF7A  }
0x26: {  	[smem:$0x3F9A] =	sst s1;
	(tag) =	ssettag s2;
	_ =	strace s9  }
0x27: {  	s1 =	sld [smem:$0x3FAA]  }
0x28: {  	s2 =	sld [smem:$0x3FAB]  }
0x29: {  	s4 =	sld [smem:$0x3FAD]  }
0x2a: {  	p0 =	seq.s32 s5, $0x0;
	s5 =	sld [smem:$0x3FAE]  }
0x2b: {  	s6 =	sld [smem:$0x3FAF]  }
0x2c: {  	s7 =	sld [smem:$0x3FB0]  }
0x2d: {  	s3 =	simm.s32 $0x108;
	s8 =	sld [smem:$0x3FB1]  }
0x2e: {  	s3 =	simm.s32 @!p0 $0x1082;
	s9 =	sld [smem:$0x3FB2]  }
0x2f: {  	lr =	sadd.s32 s0, s3;
	s0 =	sld [smem:$0x3FA9]  }
0x30: {  	s3 =	sld [smem:$0x3FAC]  }
0x31: {  	[smem:$0x3FB5] =	sst s10  }
0x32: {  	s10 =	sld [smem:$0x3FB3];
	_ =	sdelay $0x3  }
0x33: {  	p0 =	seq.s32 s10, $0x1;
	s10 =	sld [smem:$0x3FB5];
	_ =	sdelay $0x3  }
0x34: {  	[smem:$0x3FB5] =	sst s10  }
0x35: {  	s10 =	sld [smem:$0x3FB4];
	_ =	sdelay $0x3  }
0x36: {  	p1 =	seq.s32 s10, $0x1;
	s10 =	sld [smem:$0x3FB5];
	_ =	sdelay $0x3  }
0x37: {  	[smem:$0x3FB5] =	sst s10  }
0x38: {  	s10 =	sld [smem:$0x3FB6]  }
0x39: {  	_ = 	snop;
	(pc) =	sbr.ind lr, $3  }
0x3a: {  	_ = 	snop  }
0x3b: {  	_ = 	snop  }
0x3c: {  	p2 =	seq.s32 s10, $0x1;
	s10 =	sld [smem:$0x3FB5]  }
0x3d: {  	_ =	shalt  }
0x3e: {  	_ =	shalt  }
0x3f: {  	_ =	shalt  }
0x40: {  	_ =	shalt  }
0x41: {  	_ =	shalt  }
0x42: {  	_ =	shalt  }
0x43: {  	_ =	shalt  }
0x44: {  	_ =	shalt  }
0x45: {  	_ =	shalt  }
0x46: {  	_ =	shalt  }
0x47: {  	_ =	shalt  }
0x48: {  	_ =	shalt  }
0x49: {  	_ =	shalt  }
0x4a: {  	_ =	shalt  }
0x4b: {  	_ =	shalt  }
0x4c: {  	_ =	shalt  }
0x4d: {  	_ =	shalt  }
0x4e: {  	_ =	shalt  }
0x4f: {  	_ =	shalt  }
0x50: {  	_ =	shalt  }
0x51: {  	_ =	shalt  }
0x52: {  	_ =	shalt  }
0x53: {  	_ =	shalt  }
0x54: {  	_ =	shalt  }
0x55: {  	_ =	shalt  }
0x56: {  	_ =	shalt  }
0x57: {  	_ =	shalt  }
0x58: {  	_ =	shalt  }
0x59: {  	_ =	shalt  }
0x5a: {  	_ =	shalt  }
0x5b: {  	_ =	shalt  }
0x5c: {  	_ =	shalt  }
0x5d: {  	_ =	shalt  }
0x5e: {  	_ =	shalt  }
0x5f: {  	_ =	shalt  }
0x60: {  	_ =	shalt  }
0x61: {  	_ =	shalt  }
0x62: {  	_ =	shalt  }
0x63: {  	_ =	shalt  }
0x64: {  	_ =	shalt  }
0x65: {  	_ =	shalt  }
0x66: {  	_ =	shalt  }
0x67: {  	_ =	shalt  }
0x68: {  	_ =	shalt  }
0x69: {  	_ =	shalt  }
0x6a: {  	_ =	shalt  }
0x6b: {  	_ =	shalt  }
0x6c: {  	_ =	shalt  }
0x6d: {  	_ =	shalt  }
0x6e: {  	_ =	shalt  }
0x6f: {  	_ =	shalt  }
0x70: {  	_ =	shalt  }
0x71: {  	_ =	shalt  }
0x72: {  	_ =	shalt  }
0x73: {  	_ =	shalt  }
0x74: {  	_ =	shalt  }
0x75: {  	_ =	shalt  }
0x76: {  	_ =	shalt  }
0x77: {  	_ =	shalt  }
0x78: {  	_ =	shalt  }
0x79: {  	_ =	shalt  }
0x7a: {  	_ =	shalt  }
0x7b: {  	_ =	shalt  }
0x7c: {  	_ =	shalt  }
0x7d: {  	_ =	shalt  }
0x7e: {  	_ =	shalt  }
0x7f: {  	_ =	shalt  }
0x80: {  	_ =	shalt  }
0x81: {  	_ =	shalt  }
0x82: {  	_ =	shalt  }
0x83: {  	_ =	shalt  }
0x84: {  	_ =	shalt  }
0x85: {  	_ =	shalt  }
0x86: {  	_ =	shalt  }
0x87: {  	_ =	shalt  }
.Lfunc_end0:
.L_simem_size_0:
called_computation.1_lowered:
.L_overlay_start_0:
0x88: {  	s2 =	sld [smem:$0x3FD9]  }
0x89: {  	s3 =	sld [smem:$0x3FFE];
	_ =	sdelay $0x1  }
0x8a: {  	s1 =	srdreg.scid  }
0x8b: {  	s0 =	sand.u32 $0x1, s1  }
0x8c: {  	s14 =	sshll.u32 s0, $0xA;
	s2 =	sadd.s32 s3, s2  }
0x8d: {  	s2 =	sadd.s32 s2, s14  }
0x8e: {  	[smem:$0x3FC1] =	sst s2  }
0x8f: {  	_ = 	snop  }
0x90: {  	s2 =	sld [smem:$0x3FD0];
	_ =	sdelay $0x2  }
0x91: {  	s15 =	simm.s32 $0xA;
	s4 =	simm.s32 $0x10  }
0x92: {  	[smem:s4], [sflag:s15] =	dma.local [hbm:s2], $0x1  }
0x93: {  	_ =	swait.eq [sflag:s15], $0x1  }
0x94: {  	[sflag:s15] =	ssyncset.done $0x0  }
0x95: {  	[sflag:s15] =	ssyncadd.s32 $0xFFFFFFFF  }
0x96: {  	s16 =	sld [smem:$0x11];
	(tm) =	ssettm $0x1  }
0x97: {  	s17 =	sld [smem:$0x3FFB];
	_ =	sdelay $0x3  }
0x98: {  	_ =	strace s17  }
0x99: {  	s3 =	sld [smem:$0x3FFC];
	_ =	sdelay $0x3  }
0x9a: {  	_ =	strace s3  }
0x9b: {  	s3 =	sld [smem:$0x3FFD];
	_ =	sdelay $0x3  }
0x9c: {  	_ =	strace s3  }
0x9d: {  	_ =	strace $0x8FFFFFFF  }
0x9e: {  	s18 =	sld [smem:$0x3FDB];
	_ =	sdelay $0x1  }
0x9f: {  	s19 =	simm.s32 $_scs_section_size  }
0xa0: {  	s5 =	simm.s32 $_size__tile_overlayer_lowered;
	s6 =	simm.s32 $_tile_overlayer_lowered  }
0xa1: {  	s22 =	simm.s32 $0x1BFF;
	s21 =	sshll.u32 s6, $0x1;
	s3 =	sadd.s32 s19, s18  }
0xa2: {  	s7 =	simm.s32 $0x0;
	s20 =	sshll.u32 s5, $0x1;
	s5 =	sadd.s32 s21, s3  }
0xa3: {  	[timem:s7], [sflag:s22] =	dma.local [hbm:s5], s20  }
0xa4: {  	_ =	swait.ge [sflag:s22], s20  }
0xa5: {  	s4 =	ssub.s32 $0x0, s20;
	[sflag:s22] =	ssyncset.done $0x0  }
0xa6: {  	[sflag:s22] =	ssyncadd.s32 s4;
	_ =	sdelay $0x1  }
0xa7: {  	s23 =	simm.s32 $0x1B8B  }
0xa8: {  	_ =	swait.ge [sflag:s23], $0x1  }
0xa9: {  	[sflag:s23] =	ssyncset.done $0x0  }
0xaa: {  	s25 =	simm.s32 $0x1B8E;
	s24 =	sld [smem:$0x3FFE];
	[sflag:s23] =	ssyncadd.s32 $0xFFFFFFFF  }
0xab: {  	s26 =	simm.s32 $execute0_lowered;
	[smem:$0x3FD2] =	sst s25  }
0xac: {  	s5 =	sshll.u32 s26, $0x1;
	_ =	strace $0x80000049;
	[dreg:$0x1] =	wrdreg $0xFFFFFFFF  }
0xad: {  	s28 =	simm.s32 $_size_execute0_lowered;
	s3 =	sadd.s32 s3, s5;
	[dreg:$0x0] =	wrdreg $0x0  }
0xae: {  	s5 =	sshll.u32 s28, $0x1;
	[dreg:$0x2] =	wrdreg s3  }
0xaf: {  	[dreg:$0x3] =	wrdreg s5  }
0xb0: {  	[dreg:$0x4] =	wrdreg $0xC0  }
0xb1: {  	_ =	task [dreg:s7], $0x5FFFF  }
0xb2: {  	[dreg:$0x1] =	wrdreg $0xFFFFFFFF  }
0xb3: {  	[dreg:$0x0] =	wrdreg $0x60  }
0xb4: {  	[dreg:$0x2] =	wrdreg s24  }
0xb5: {  	[dreg:$0x3] =	wrdreg s16  }
0xb6: {  	[dreg:$0x4] =	wrdreg $0xA8000  }
0xb7: {  	[dreg:$0x5] =	wrdreg $0x9  }
0xb8: {  	_ =	task.clear_ibuf [dreg:s7], $0x6FFFF;
	_ =	strace $0x90000049  }
0xb9: {  	s29 =	simm.s32 $0x9;
	_ =	strace $0x8000004B  }
0xba: {  	_ =	swait.ge [sflag:s29], $0x1  }
0xbb: {  	[sflag:s29] =	ssyncadd.s32 $0xFFFFFFFF  }
0xbc: {  	_ =	strace $0x9000004B  }
0xbd: {  	_ =	sfence  }
0xbe: {  	s30 =	sld [smem:$0x0];
	_ =	sdelay $0x2  }
0xbf: {  	s31 =	sshll.u32 s1, $0xD;
	s1 =	sshrl.u32 s1, $0x2  }
0xc0: {  	s3 =	sand.u32 $0x4000, s31;
	s1 =	sadd.s32 s1, s30  }
0xc1: {  	s0 =	sor.u32 s3, s0;
	s1 =	sshll.u32 s1, $0x11  }
0xc2: {  	s0 =	sor.u32 s1, s0  }
0xc3: {  	s0 =	sadd.s32 $0x8F2B, s0  }
0xc4: {  	[sflag:s0] =	ssyncadd.remote.s32 $0x1  }
0xc5: {  	_ =	sfence.sel $0xFFFF  }
0xc6: {  	[dreg:$0x0] =	wrdreg $0xFFFFFFFF;
	(pc) =	sbr.abs _section_cstart, $3  }
0xc7: {  	[dreg:$0x1] =	wrdreg $0xFFFFFFFF  }
0xc8: {  	_ =	task.clear_ibuf [dreg:s7], $0x2FFFF;
	_ =	strace $0x9FFFFFFF  }
0xc9: {  	(tm) =	ssettm $0x7FFFFFFF  }
tec
execute0_lowered:
.L_overlay_start_1:
0x0: {  	(tag) =	ssettag $0x1  }
0x1: {  	s7 =	rddreg [dreg:$0x0]  }
0x2: {  	s2 =	rddreg [dreg:$0x1];
	s0 =	srdreg.scid  }
0x3: {  	s3 =	rddreg [dreg:$0x2];
	s29 =	stileid.u32;
	s4 =	simm.s32 $0x0  }
0x4: {  	s18 =	simm.s32 $0x2800;
	s19 =	simm.s32 $0x3;
	s20 =	simm.s32 $0x1  }
0x5: {  	s21 =	simm.s32 $0x6800;
	s22 =	simm.s32 $0x2;
	s6 =	smul.u32 $0x14000, s29  }
0x6: {  	s9 =	sand.u32 $0x1, s0;
	[smem:$0x7FF] =	sst s4;
	s30 =	smul.u32 $0x50000, s29  }
0x7: {  	s23 =	simm.s32 $0x0;
	s5 =	smul.u32 $0x140000, s9;
	_ =	strace $0x8000004A  }
0x8: {  	s8 =	ssub.s32 $0x2, s9;
	p0 =	seq.s32 s9, $0x0;
	s12 =	sshll.u32 s9, $0xB  }
0x9: {  	s11 =	sshrl.u32 s8, $0x1;
	s6 =	sadd.s32 s6, s5;
	s5 =	sadd.s32 $0xD200, s7  }
0xa: {  	s17 =	ssub.s32 s8, s11;
	s8 =	simm.s32 $0x80;
	s11 =	sshrl.u32 s30, $0x2  }
0xb: {  	s10 =	sshrl.u32 s6, $0x3;
	s6 =	sadd.s32 $0x2E00, s7;
	s8 =	simm.s32 @!p0 $0x20  }
0xc: {  	s9 =	sadd.s32 s11, s3;
	s17 =	smax.u32 s17, $0x1;
	s16 =	sadd.s32 s10, s7  }
.Ltmp0:
0xd: {  	s10 =	simm.s32 $0x7;
	s7 =	simm.s32 $0x80;
	(pc) =	sbr.rel .LBB2_1-.Ltmp0, $4  }
0xe: {  	s15 =	smul.u32 $0xCD, s8;
	s31 =	sadd.s32 $0x4000, s9;
	s13 =	sadd.s32 $0xC000, s9  }
0xf: {  	s14 =	sadd.s32 $0x10000, s9;
	s10 =	simm.s32 @!p0 $0x5;
	[dreg:$0x4] =	wrdreg s31  }
0x10: {  	s16 =	sadd.s32 $0x35200, s16;
	s10 =	sshll.u32 s29, s10;
	s15 =	sadd.s32 $0x19A0, s15  }
0x11: {  	v0 =	vimm.f32 $0.0e+00;
	s10 =	sor.u32 s12, s10;
	s12 =	sadd.s32 $0x8000, s9;
	s15 =	sshrl.u32 s15, $0xD  }
.LBB2_9:
0x12: {  	s0 =	stileid.u32;
	s23 =	sadd.s32 $0x1, s23  }
0x13: {  	[bflag:$0x0] =	sbarrier.arrive $0xFFFF;
	s0 =	sshll.u32 s0, $0x6;
	p0 =	sne.s32 s23, s17  }
.Ltmp1:
0x14: {  	s1 =	sshrl.u32 s9, $0x3;
	s0 =	sor.u32 $0x1C03, s0;
	(pc) =	sbr.rel @!p0 .LBB2_10-.Ltmp1, $4  }
0x15: {  	[hbm:s16], [sflag:s0] =	dma.local [spmem:s1], $0x2800  }
0x16: {  	_ =	swait.ge [sflag:s19], $0x2800  }
0x17: {  	[sflag:s19] =	ssyncset.done $0x0  }
0x18: {  	[sflag:s19] =	ssyncadd.s32 $0xFFFFD800  }
.LBB2_1:
0x19: {  	s24 =	simm.s32 $0x0;
	s25 =	simm.s32 $0x200  }
.LBB2_2:
0x1a: {  	p0 =	sne.s32 s25, $0xFE00;
	[tilespmem:s24+$0x2870] =	vst v0  }
0x1b: {  	[tilespmem:s24+$0x2800] =	vst v0  }
0x1c: {  	[tilespmem:s24+$0x2810] =	vst v0  }
.Ltmp2:
0x1d: {  	[tilespmem:s24+$0x2820] =	vst v0;
	(pc) =	sbr.rel @p0 .LBB2_2-.Ltmp2, $4  }
0x1e: {  	[tilespmem:s24+$0x2830] =	vst v0  }
0x1f: {  	[tilespmem:s24+$0x2840] =	vst v0  }
0x20: {  	[tilespmem:s24+$0x2850] =	vst v0  }
0x21: {  	[tilespmem:s24+$0x2860] =	vst v0;
	s24 =	sshra.s32 s25, $0x2;
	s25 =	sadd.s32 $0x200, s25  }
0x22: {  	[tilespmem:s24+$0x2870] =	vst v0  }
0x23: {  	[tilespmem:s24+$0x2800] =	vst v0  }
0x24: {  	[tilespmem:s24+$0x2810] =	vst v0  }
0x25: {  	[tilespmem:s24+$0x2820] =	vst v0  }
0x26: {  	[tilespmem:s24+$0x2830] =	vst v0  }
0x27: {  	[tilespmem:s24+$0x2840] =	vst v0  }
0x28: {  	[tilespmem:s24+$0x2850] =	vst v0  }
0x29: {  	[tilespmem:s24+$0x2860] =	vst v0  }
0x2a: {  	[spmem:s9] =	stream.linear.scatter [tilespmem:s18], [sflag:$0x3], $0x4000, $0x38;
	[tilespmem:$0x1E800] =	vst v63  }
0x2b: {  	_ =	swait.ge [sflag:s19], $0x4000  }
0x2c: {  	[sflag:s19] =	ssyncset.done $0x0  }
0x2d: {  	s0 =	rddreg [dreg:$0x4];
	[sflag:s19] =	ssyncadd.s32 $0xFFFFC000  }
0x2e: {  	[spmem:s0] =	stream.linear.scatter [tilespmem:s18], [sflag:$0x3], $0x4000, $0x38;
	[tilespmem:$0x1E800] =	vst v63  }
0x2f: {  	_ =	swait.ge [sflag:s19], $0x4000  }
0x30: {  	[sflag:s19] =	ssyncset.done $0x0  }
0x31: {  	[sflag:s19] =	ssyncadd.s32 $0xFFFFC000  }
0x32: {  	[spmem:s12] =	stream.linear.scatter [tilespmem:s18], [sflag:$0x3], $0x4000, $0x38;
	[tilespmem:$0x1E800] =	vst v63  }
0x33: {  	_ =	swait.ge [sflag:s19], $0x4000  }
0x34: {  	[sflag:s19] =	ssyncset.done $0x0  }
0x35: {  	[sflag:s19] =	ssyncadd.s32 $0xFFFFC000  }
0x36: {  	[spmem:s13] =	stream.linear.scatter [tilespmem:s18], [sflag:$0x3], $0x4000, $0x38;
	[tilespmem:$0x1E800] =	vst v63  }
0x37: {  	_ =	swait.ge [sflag:s19], $0x4000  }
0x38: {  	[sflag:s19] =	ssyncset.done $0x0  }
0x39: {  	[sflag:s19] =	ssyncadd.s32 $0xFFFFC000  }
0x3a: {  	[spmem:s14] =	stream.linear.scatter [tilespmem:s18], [sflag:$0x3], $0x4000, $0x38;
	[tilespmem:$0x1E800] =	vst v63  }
.Ltmp3:
0x3b: {  	_ =	swait.ge [sflag:s19], $0x4000;
	(pc) =	sbr.rel .LBB2_4-.Ltmp3, $4  }
0x3c: {  	[sflag:s19] =	ssyncset.done $0x0  }
0x3d: {  	[sflag:s19] =	ssyncadd.s32 $0xFFFFC000  }
0x3e: {  	[bflag:$0x0] =	sbarrier.arrive $0xFFFF  }
0x3f: {  	s24 =	simm.s32 $0x0  }
.LBB2_7:
0x40: {  	[sflag:s19] =	ssyncset.done $0x0  }
0x41: {  	[sflag:s19] =	ssyncadd.s32 $0xFFFFC000  }
.LBB2_8:
0x42: {  	s24 =	sadd.s32 $0x1, s24  }
0x43: {  	p0 =	sne.s32 s24, s15  }
.Ltmp4:
0x44: {  	_ = 	snop;
	(pc) =	sbr.rel @!p0 .LBB2_9-.Ltmp4, $1  }
0x45: {  	_ =	sdelay $0x3  }
.LBB2_4:
0x46: {  	s26 =	smul.u32 $0x28, s24;
	_ =	sdelay $0x1  }
0x47: {  	s25 =	sadd.s32 s26, s10  }
0x48: {  	s25 =	sshll.u32 s25, $0x4  }
0x49: {  	s26 =	ssub.s32 s8, s26;
	s28 =	sadd.s32 s2, s25  }
0x4a: {  	[tilespmem:s4], [sflag:$0x3] =	stream.linear.gather [hbm4b:s28+s4], $0x1400, $0x38;
	[tilespmem:$0x1E800] =	vst v63  }
0x4b: {  	p0 =	slt.s32 s26, $0x28;
	_ =	swait.ge [sflag:s19], $0x1400  }
0x4c: {  	s26 =	simm.s32 @!p0 $0x28;
	[sflag:s19] =	ssyncset.done $0x0  }
0x4d: {  	s28 =	sadd.s32 s6, s25;
	s25 =	simm.s32 $0x1400;
	[sflag:s19] =	ssyncadd.s32 $0xFFFFEC00  }
0x4e: {  	[tilespmem:s25], [sflag:$0x3] =	stream.linear.gather [hbm4b:s28+s4], $0x1400, $0x38;
	[tilespmem:$0x1E800] =	vst v63  }
0x4f: {  	s28 =	sshra.s32 s26, $0x1  }
0x50: {  	p0 =	slt.s32 s28, $0x1  }
.Ltmp5:
0x51: {  	_ = 	snop;
	(pc) =	sbr.rel @p0 .LBB2_8-.Ltmp5, $4  }
0x52: {  	_ =	swait.ge [sflag:s19], $0x1400  }
0x53: {  	[sflag:s19] =	ssyncset.done $0x0  }
0x54: {  	s29 =	simm.s32 $0x80;
	s30 =	simm.s32 $0x2;
	[sflag:s19] =	ssyncadd.s32 $0xFFFFEC00  }
0x55: {  	[tilespmem:s18], [sflag:$0x1] =	stream.indirect.gather [hbm4b:s5+s29], $0x80, s4, s29, $0xb8;
	[tilespmem:$0x1E800] =	vst v63  }
0x56: {  	_ =	swait.ge [sflag:s20], $0x4000  }
0x57: {  	[sflag:s20] =	ssyncset.done $0x0  }
0x58: {  	[sflag:s20] =	ssyncadd.s32 $0xFFFFC000  }
0x59: {  	[tilespmem:s21], [sflag:$0x2] =	stream.indirect.gather [hbm4b:s5+s7], $0x80, s29, s7, $0xb8;
	[tilespmem:$0x1E800] =	vst v63  }
0x5a: {  	_ = 	snop  }
0x5b: {  	[spmem:s3] =	stream.indirect.scatter.add.f32 [tilespmem:s18], [sflag:$0x3], $0x80, s25, s7, $0xb8;
	[tilespmem:$0x1E800] =	vst v63  }
0x5c: {  	_ =	swait.ge [sflag:s19], $0x4000  }
0x5d: {  	[sflag:s19] =	ssyncset.done $0x0  }
0x5e: {  	[sflag:s19] =	ssyncadd.s32 $0xFFFFC000  }
0x5f: {  	p0 =	sge.s32 s30, s26;
	_ =	swait.ge [sflag:s22], $0x4000  }
0x60: {  	s28 =	sadd.s32 $0xFFFFFFFF, s28;
	s31 =	sadd.s32 @!p0 $0x80, s29;
	[sflag:s22] =	ssyncset.done $0x0  }
0x61: {  	s0 =	simm.s32 @!p0 $0x80;
	s1 =	simm.s32 @!p0 $0x2800;
	[sflag:s22] =	ssyncadd.s32 $0xFFFFC000  }
0x62: {  	[tilespmem:s1], [sflag:$0x1] =	stream.indirect.gather @!p0 [hbm4b:s5+s0], $0x80, s31, s0, $0xb8;
	[tilespmem:$0x1E800] =	vst v63  }
0x63: {  	p0 =	sne.s32 s28, $0x0  }
.Ltmp6:
0x64: {  	_ = 	snop;
	(pc) =	sbr.rel @!p0 .LBB2_7-.Ltmp6, $4  }
0x65: {  	_ = 	snop  }
0x66: {  	s31 =	sadd.s32 $0x80, s25  }
0x67: {  	[spmem:s3] =	stream.indirect.scatter.add.f32 [tilespmem:s21], [sflag:$0x3], $0x80, s31, s7, $0xb8;
	[tilespmem:$0x1E800] =	vst v63  }
0x68: {  	s30 =	sadd.s32 $0x2, s30;
	s29 =	sadd.s32 $0x100, s29;
	_ =	swait.ge [sflag:s19], $0x4000  }
.LBB2_6:
0x69: {  	s28 =	sadd.s32 $0xFFFFFFFF, s28;
	[sflag:s19] =	ssyncset.done $0x0;
	s25 =	sadd.s32 $0x100, s25  }
0x6a: {  	p0 =	sne.s32 s28, $0x0;
	[sflag:s19] =	ssyncadd.s32 $0xFFFFC000  }
0x6b: {  	_ =	swait.ge [sflag:s20], $0x4000  }
0x6c: {  	[sflag:s20] =	ssyncset.done $0x0  }
0x6d: {  	[sflag:s20] =	ssyncadd.s32 $0xFFFFC000  }
0x6e: {  	[tilespmem:s21], [sflag:$0x2] =	stream.indirect.gather [hbm4b:s5+s7], $0x80, s29, s7, $0xb8;
	[tilespmem:$0x1E800] =	vst v63  }
0x6f: {  	_ = 	snop  }
0x70: {  	[spmem:s3] =	stream.indirect.scatter.add.f32 [tilespmem:s18], [sflag:$0x3], $0x80, s25, s7, $0xb8;
	[tilespmem:$0x1E800] =	vst v63  }
0x71: {  	_ =	swait.ge [sflag:s19], $0x4000  }
0x72: {  	[sflag:s19] =	ssyncset.done $0x0  }
0x73: {  	[sflag:s19] =	ssyncadd.s32 $0xFFFFC000  }
0x74: {  	_ =	swait.ge [sflag:s22], $0x4000  }
0x75: {  	p1 =	sge.s32 s30, s26;
	[sflag:s22] =	ssyncset.done $0x0  }
0x76: {  	s0 =	sadd.s32 @!p1 $0x80, s29;
	s1 =	simm.s32 @!p1 $0x80;
	[sflag:s22] =	ssyncadd.s32 $0xFFFFC000  }
.Ltmp7:
0x77: {  	s31 =	simm.s32 @!p1 $0x2800;
	s11 =	sadd.s32 $0x80, s25;
	(pc) =	sbr.rel @p0 .LBB2_6-.Ltmp7, $4  }
0x78: {  	[tilespmem:s31], [sflag:$0x1] =	stream.indirect.gather @!p1 [hbm4b:s5+s1], $0x80, s0, s1, $0xb8;
	[tilespmem:$0x1E800] =	vst v63  }
0x79: {  	_ = 	snop  }
0x7a: {  	[spmem:s3] =	stream.indirect.scatter.add.f32 [tilespmem:s21], [sflag:$0x3], $0x80, s11, s7, $0xb8;
	[tilespmem:$0x1E800] =	vst v63  }
0x7b: {  	s30 =	sadd.s32 $0x2, s30;
	s29 =	sadd.s32 $0x100, s29;
	_ =	swait.ge [sflag:s19], $0x4000  }
.Ltmp8:
0x7c: {  	_ = 	snop;
	(pc) =	sbr.rel .LBB2_7-.Ltmp8, $1  }
0x7d: {  	_ =	sdelay $0x3  }
.LBB2_10:
0x7e: {  	_ =	sfence.sel $0x180000  }
0x7f: {  	[bflag:$0x0] =	sbarrier.arrive $0xFFFF  }
0x80: {  	_ =	strace $0x9000004A  }
0x81: {  	s0 =	stileid.u32;
	[bflag:$0x2] =	sbarrier.arrive $0xFFFF  }
0x82: {  	p0 =	sne.s32 s0, $0x0;
	s0 =	rddreg [dreg:$0x3]  }
0x83: {  	s0 =	sadd.s32 @!p0 $0x100000, s0  }
0x84: {  	[sflag:s0] =	ssyncadd.tile.s32 @!p0 $0x1;
	_ =	shalt  }
.Lfunc_end2:
_tile_overlayer_lowered:
.L_overlay_start_2:
0x85: {  	(tag) =	ssettag $0x2  }
0x86: {  	s0 =	rddreg [dreg:$0x0];
	s2 =	stileid.u32  }
0x87: {  	s1 =	rddreg [dreg:$0x1];
	p0 =	sne.s32 s2, $0x0  }
0x88: {  	s3 =	rddreg [dreg:$0x2];
	[bflag:$0x3] =	sbarrier.arrive $0xFFFF;
	s2 =	simm.s32 @!p0 $0x1C03  }
0x89: {  	[timem:s3], [sflag:s2] =	dma.local @!p0 [hbm:s0], s1  }
0x8a: {  	s0 =	simm.s32 @!p0 $0x3  }
0x8b: {  	_ =	swait.ge @!p0 [sflag:s0], s1  }
0x8c: {  	s1 =	ssub.s32 @!p0 $0x0, s1;
	[sflag:s0] =	ssyncset.done @!p0 $0x0  }
0x8d: {  	[sflag:s0] =	ssyncadd.s32 @!p0 s1  }
0x8e: {  	[bflag:$0x3] =	sbarrier.arrive $0xFFFF  }
0x8f: {  	_ =	shalt  }

// kernel: kernel.17.cloned.1.call-start
scs
__scs_entry_jumppad:
0x0: {  	(pc) =	sbr.rel $0x88, $3  }
0x1: {  	(tag) =	ssettag $0x0;
	lr =	simm.s32 $0x1  }
0x2: {  	[smem:$0x3F9A] =	sst lr;
	_ =	strace $0xD0000000  }
0x3: {  	_ = 	snop  }
0x4: {  	_ = 	snop  }
0x5: {  	_ = 	snop  }
0x6: {  	_ = 	snop  }
0x7: {  	_ = 	snop  }
__scs_overlays_trampoline_lowered:
0x8: {  	[smem:$0x3FA9] =	sst s0  }
0x9: {  	[smem:$0x3FAA] =	sst s1  }
0xa: {  	[smem:$0x3FAB] =	sst s2  }
0xb: {  	[smem:$0x3FAC] =	sst s3  }
0xc: {  	[smem:$0x3FAD] =	sst s4  }
0xd: {  	[smem:$0x3FAE] =	sst s5  }
0xe: {  	[smem:$0x3FAF] =	sst s6  }
0xf: {  	[smem:$0x3FB0] =	sst s7  }
0x10: {  	[smem:$0x3FB1] =	sst s8  }
0x11: {  	[smem:$0x3FB2] =	sst s9;
	s0 =	simm.s32 @!p0 $0x0  }
0x12: {  	s1 =	sld [smem:$0x3F98];
	s0 =	simm.s32 @p0 $0x1  }
0x13: {  	[smem:$0x3FB3] =	sst s0;
	s0 =	simm.s32 @!p1 $0x0  }
0x14: {  	s2 =	sld [smem:$0x3F97];
	s0 =	simm.s32 @p1 $0x1  }
0x15: {  	[smem:$0x3FB4] =	sst s0;
	s0 =	simm.s32 @!p2 $0x0  }
0x16: {  	s3 =	sld [smem:$0x3FDB];
	s0 =	simm.s32 @p2 $0x1  }
0x17: {  	s4 =	simm.s32 $0x1BF5;
	[smem:$0x3FB6] =	sst s0  }
0x18: {  	s0 =	sld [smem:$0x3F99];
	_ =	swait.ge [sflag:s4], $0x0  }
0x19: {  	s7 =	sld [smem:$0x3F9A]  }
0x1a: {  	s8 =	sadd.s32 $0xFFFFE003, lr  }
0x1b: {  	s9 =	sadd.s32 $0xFFFFFEF7, lr;
	s5 =	simm.s32 $0xFFFFFFFF;
	p2 =	slt.u32 s8, $0xFFFFF086  }
0x1c: {  	p1 =	slt.u32 s9, $0xF7A;
	s5 =	simm.s32 @!p2 $0x0  }
0x1d: {  	s5 =	simm.s32 @p1 $0x1;
	p0 =	seq.s32 s7, s2  }
0x1e: {  	s7 =	smul.u32 @!p0 $0xF7A, s2;
	p2 =	seq.s32 @!p0 s5, $0x0  }
0x1f: {  	s9 =	smul.u32 $0xF7A, s1;
	s8 =	simm.s32 @!p0 $0x1BF5;
	p2 =	por !p2, p0  }
0x20: {  	[sflag:s8] =	ssyncset.s32 @!p0 $0xFFFFF086;
	s6 =	sadd.s32 @!p0 s3, s7;
	s7 =	simm.s32 @!p0 $0x108  }
0x21: {  	s3 =	sadd.s32 s3, s9;
	s6 =	sadd.s32 @!p0 $0x88, s6;
	s7 =	simm.s32 @p2 $0x1082  }
0x22: {  	[simem:s7], [sflag:s8] =	dma.local @!p0 [hbm:s6], $0xF7A  }
0x23: {  	s9 =	sor.u32 $0xD0000000, s2;
	s6 =	simm.s32 $0x108;
	_ =	swait.ge @!p0 [sflag:s8], $0x0  }
0x24: {  	s3 =	sadd.s32 $0x88, s3;
	s6 =	simm.s32 @!p1 $0x1082;
	[sflag:s4] =	ssyncset.s32 $0xFFFFF086  }
0x25: {  	[simem:s6], [sflag:s4] =	dma.local [hbm:s3], $0xF7A  }
0x26: {  	[smem:$0x3F9A] =	sst s1;
	(tag) =	ssettag s2;
	_ =	strace s9  }
0x27: {  	s1 =	sld [smem:$0x3FAA]  }
0x28: {  	s2 =	sld [smem:$0x3FAB]  }
0x29: {  	s4 =	sld [smem:$0x3FAD]  }
0x2a: {  	p0 =	seq.s32 s5, $0x0;
	s5 =	sld [smem:$0x3FAE]  }
0x2b: {  	s6 =	sld [smem:$0x3FAF]  }
0x2c: {  	s7 =	sld [smem:$0x3FB0]  }
0x2d: {  	s3 =	simm.s32 $0x108;
	s8 =	sld [smem:$0x3FB1]  }
0x2e: {  	s3 =	simm.s32 @!p0 $0x1082;
	s9 =	sld [smem:$0x3FB2]  }
0x2f: {  	lr =	sadd.s32 s0, s3;
	s0 =	sld [smem:$0x3FA9]  }
0x30: {  	s3 =	sld [smem:$0x3FAC]  }
0x31: {  	[smem:$0x3FB5] =	sst s10  }
0x32: {  	s10 =	sld [smem:$0x3FB3];
	_ =	sdelay $0x3  }
0x33: {  	p0 =	seq.s32 s10, $0x1;
	s10 =	sld [smem:$0x3FB5];
	_ =	sdelay $0x3  }
0x34: {  	[smem:$0x3FB5] =	sst s10  }
0x35: {  	s10 =	sld [smem:$0x3FB4];
	_ =	sdelay $0x3  }
0x36: {  	p1 =	seq.s32 s10, $0x1;
	s10 =	sld [smem:$0x3FB5];
	_ =	sdelay $0x3  }
0x37: {  	[smem:$0x3FB5] =	sst s10  }
0x38: {  	s10 =	sld [smem:$0x3FB6]  }
0x39: {  	_ = 	snop;
	(pc) =	sbr.ind lr, $3  }
0x3a: {  	_ = 	snop  }
0x3b: {  	_ = 	snop  }
0x3c: {  	p2 =	seq.s32 s10, $0x1;
	s10 =	sld [smem:$0x3FB5]  }
0x3d: {  	_ =	shalt  }
0x3e: {  	_ =	shalt  }
0x3f: {  	_ =	shalt  }
0x40: {  	_ =	shalt  }
0x41: {  	_ =	shalt  }
0x42: {  	_ =	shalt  }
0x43: {  	_ =	shalt  }
0x44: {  	_ =	shalt  }
0x45: {  	_ =	shalt  }
0x46: {  	_ =	shalt  }
0x47: {  	_ =	shalt  }
0x48: {  	_ =	shalt  }
0x49: {  	_ =	shalt  }
0x4a: {  	_ =	shalt  }
0x4b: {  	_ =	shalt  }
0x4c: {  	_ =	shalt  }
0x4d: {  	_ =	shalt  }
0x4e: {  	_ =	shalt  }
0x4f: {  	_ =	shalt  }
0x50: {  	_ =	shalt  }
0x51: {  	_ =	shalt  }
0x52: {  	_ =	shalt  }
0x53: {  	_ =	shalt  }
0x54: {  	_ =	shalt  }
0x55: {  	_ =	shalt  }
0x56: {  	_ =	shalt  }
0x57: {  	_ =	shalt  }
0x58: {  	_ =	shalt  }
0x59: {  	_ =	shalt  }
0x5a: {  	_ =	shalt  }
0x5b: {  	_ =	shalt  }
0x5c: {  	_ =	shalt  }
0x5d: {  	_ =	shalt  }
0x5e: {  	_ =	shalt  }
0x5f: {  	_ =	shalt  }
0x60: {  	_ =	shalt  }
0x61: {  	_ =	shalt  }
0x62: {  	_ =	shalt  }
0x63: {  	_ =	shalt  }
0x64: {  	_ =	shalt  }
0x65: {  	_ =	shalt  }
0x66: {  	_ =	shalt  }
0x67: {  	_ =	shalt  }
0x68: {  	_ =	shalt  }
0x69: {  	_ =	shalt  }
0x6a: {  	_ =	shalt  }
0x6b: {  	_ =	shalt  }
0x6c: {  	_ =	shalt  }
0x6d: {  	_ =	shalt  }
0x6e: {  	_ =	shalt  }
0x6f: {  	_ =	shalt  }
0x70: {  	_ =	shalt  }
0x71: {  	_ =	shalt  }
0x72: {  	_ =	shalt  }
0x73: {  	_ =	shalt  }
0x74: {  	_ =	shalt  }
0x75: {  	_ =	shalt  }
0x76: {  	_ =	shalt  }
0x77: {  	_ =	shalt  }
0x78: {  	_ =	shalt  }
0x79: {  	_ =	shalt  }
0x7a: {  	_ =	shalt  }
0x7b: {  	_ =	shalt  }
0x7c: {  	_ =	shalt  }
0x7d: {  	_ =	shalt  }
0x7e: {  	_ =	shalt  }
0x7f: {  	_ =	shalt  }
0x80: {  	_ =	shalt  }
0x81: {  	_ =	shalt  }
0x82: {  	_ =	shalt  }
0x83: {  	_ =	shalt  }
0x84: {  	_ =	shalt  }
0x85: {  	_ =	shalt  }
0x86: {  	_ =	shalt  }
0x87: {  	_ =	shalt  }
.Lfunc_end0:
.L_simem_size_0:
called_computation.2_lowered:
.L_overlay_start_0:
0x88: {  	s2 =	sld [smem:$0x3FD9]  }
0x89: {  	s3 =	sld [smem:$0x3FFE];
	_ =	sdelay $0x1  }
0x8a: {  	s1 =	srdreg.scid  }
0x8b: {  	s0 =	sand.u32 $0x1, s1  }
0x8c: {  	s14 =	sshll.u32 s0, $0xA;
	s2 =	sadd.s32 s3, s2  }
0x8d: {  	s2 =	sadd.s32 s2, s14  }
0x8e: {  	[smem:$0x3FC1] =	sst s2  }
0x8f: {  	_ = 	snop  }
0x90: {  	s2 =	sld [smem:$0x3FD0];
	_ =	sdelay $0x2  }
0x91: {  	s15 =	simm.s32 $0xA;
	s4 =	simm.s32 $0x10  }
0x92: {  	[smem:s4], [sflag:s15] =	dma.local [hbm:s2], $0x1  }
0x93: {  	_ =	swait.eq [sflag:s15], $0x1  }
0x94: {  	[sflag:s15] =	ssyncset.done $0x0  }
0x95: {  	[sflag:s15] =	ssyncadd.s32 $0xFFFFFFFF  }
0x96: {  	s16 =	sld [smem:$0x11];
	(tm) =	ssettm $0x1  }
0x97: {  	s17 =	sld [smem:$0x3FFB];
	_ =	sdelay $0x3  }
0x98: {  	_ =	strace s17  }
0x99: {  	s3 =	sld [smem:$0x3FFC];
	_ =	sdelay $0x3  }
0x9a: {  	_ =	strace s3  }
0x9b: {  	s3 =	sld [smem:$0x3FFD];
	_ =	sdelay $0x3  }
0x9c: {  	_ =	strace s3  }
0x9d: {  	_ =	strace $0x8FFFFFFF  }
0x9e: {  	s18 =	sld [smem:$0x3FDB];
	_ =	sdelay $0x1  }
0x9f: {  	s19 =	simm.s32 $_scs_section_size  }
0xa0: {  	s5 =	simm.s32 $_size__tile_overlayer_lowered;
	s6 =	simm.s32 $_tile_overlayer_lowered  }
0xa1: {  	s22 =	simm.s32 $0x1BFF;
	s21 =	sshll.u32 s6, $0x1;
	s3 =	sadd.s32 s19, s18  }
0xa2: {  	s7 =	simm.s32 $0x0;
	s20 =	sshll.u32 s5, $0x1;
	s5 =	sadd.s32 s21, s3  }
0xa3: {  	[timem:s7], [sflag:s22] =	dma.local [hbm:s5], s20  }
0xa4: {  	_ =	swait.ge [sflag:s22], s20  }
0xa5: {  	s4 =	ssub.s32 $0x0, s20;
	[sflag:s22] =	ssyncset.done $0x0  }
0xa6: {  	[sflag:s22] =	ssyncadd.s32 s4;
	_ =	sdelay $0x1  }
0xa7: {  	s23 =	simm.s32 $0x1B8B  }
0xa8: {  	_ =	swait.ge [sflag:s23], $0x1  }
0xa9: {  	[sflag:s23] =	ssyncset.done $0x0  }
0xaa: {  	s25 =	simm.s32 $0x1B8E;
	s24 =	sld [smem:$0x3FFE];
	[sflag:s23] =	ssyncadd.s32 $0xFFFFFFFF  }
0xab: {  	s26 =	simm.s32 $execute0_lowered;
	[smem:$0x3FD2] =	sst s25  }
0xac: {  	s5 =	sshll.u32 s26, $0x1;
	_ =	strace $0x8000004C;
	[dreg:$0x1] =	wrdreg $0xFFFFFFFF  }
0xad: {  	s28 =	simm.s32 $_size_execute0_lowered;
	s3 =	sadd.s32 s3, s5;
	[dreg:$0x0] =	wrdreg $0x0  }
0xae: {  	s5 =	sshll.u32 s28, $0x1;
	[dreg:$0x2] =	wrdreg s3  }
0xaf: {  	[dreg:$0x3] =	wrdreg s5  }
0xb0: {  	[dreg:$0x4] =	wrdreg $0xC0  }
0xb1: {  	_ =	task [dreg:s7], $0x5FFFF  }
0xb2: {  	[dreg:$0x1] =	wrdreg $0xFFFFFFFF  }
0xb3: {  	[dreg:$0x0] =	wrdreg $0x60  }
0xb4: {  	[dreg:$0x2] =	wrdreg s24  }
0xb5: {  	[dreg:$0x3] =	wrdreg s16  }
0xb6: {  	[dreg:$0x4] =	wrdreg $0xA8000  }
0xb7: {  	[dreg:$0x5] =	wrdreg $0x9  }
0xb8: {  	_ =	task.clear_ibuf [dreg:s7], $0x6FFFF;
	_ =	strace $0x9000004C  }
0xb9: {  	s29 =	simm.s32 $0x9;
	_ =	strace $0x8000004E  }
0xba: {  	_ =	swait.ge [sflag:s29], $0x1  }
0xbb: {  	[sflag:s29] =	ssyncadd.s32 $0xFFFFFFFF  }
0xbc: {  	_ =	strace $0x9000004E  }
0xbd: {  	_ =	sfence  }
0xbe: {  	s30 =	sld [smem:$0x0];
	_ =	sdelay $0x2  }
0xbf: {  	s31 =	sshll.u32 s1, $0xD;
	s1 =	sshrl.u32 s1, $0x2  }
0xc0: {  	s3 =	sand.u32 $0x4000, s31;
	s1 =	sadd.s32 s1, s30  }
0xc1: {  	s0 =	sor.u32 s3, s0;
	s1 =	sshll.u32 s1, $0x11  }
0xc2: {  	s0 =	sor.u32 s1, s0  }
0xc3: {  	s0 =	sadd.s32 $0x8F2B, s0  }
0xc4: {  	[sflag:s0] =	ssyncadd.remote.s32 $0x1  }
0xc5: {  	_ =	sfence.sel $0xFFFF  }
0xc6: {  	[dreg:$0x0] =	wrdreg $0xFFFFFFFF;
	(pc) =	sbr.abs _section_cstart, $3  }
0xc7: {  	[dreg:$0x1] =	wrdreg $0xFFFFFFFF  }
0xc8: {  	_ =	task.clear_ibuf [dreg:s7], $0x2FFFF;
	_ =	strace $0x9FFFFFFF  }
0xc9: {  	(tm) =	ssettm $0x7FFFFFFF  }
tec
execute0_lowered:
.L_overlay_start_1:
0x0: {  	(tag) =	ssettag $0x1  }
0x1: {  	s7 =	rddreg [dreg:$0x0]  }
0x2: {  	s2 =	rddreg [dreg:$0x1];
	s0 =	srdreg.scid  }
0x3: {  	s3 =	rddreg [dreg:$0x2];
	s29 =	stileid.u32;
	s4 =	simm.s32 $0x0  }
0x4: {  	s18 =	simm.s32 $0x2800;
	s19 =	simm.s32 $0x3;
	s20 =	simm.s32 $0x1  }
0x5: {  	s21 =	simm.s32 $0x6800;
	s22 =	simm.s32 $0x2;
	s6 =	smul.u32 $0x14000, s29  }
0x6: {  	s9 =	sand.u32 $0x1, s0;
	[smem:$0x7FF] =	sst s4;
	s30 =	smul.u32 $0x50000, s29  }
0x7: {  	s23 =	simm.s32 $0x0;
	s5 =	smul.u32 $0x140000, s9;
	_ =	strace $0x8000004D  }
0x8: {  	s8 =	ssub.s32 $0x2, s9;
	p0 =	seq.s32 s9, $0x0;
	s12 =	sshll.u32 s9, $0xB  }
0x9: {  	s11 =	sshrl.u32 s8, $0x1;
	s6 =	sadd.s32 s6, s5;
	s5 =	sadd.s32 $0xD200, s7  }
0xa: {  	s17 =	ssub.s32 s8, s11;
	s8 =	simm.s32 $0x80;
	s11 =	sshrl.u32 s30, $0x2  }
0xb: {  	s10 =	sshrl.u32 s6, $0x3;
	s6 =	sadd.s32 $0x2E00, s7;
	s8 =	simm.s32 @!p0 $0x20  }
0xc: {  	s9 =	sadd.s32 s11, s3;
	s17 =	smax.u32 s17, $0x1;
	s16 =	sadd.s32 s10, s7  }
.Ltmp0:
0xd: {  	s10 =	simm.s32 $0x7;
	s7 =	simm.s32 $0x80;
	(pc) =	sbr.rel .LBB2_1-.Ltmp0, $4  }
0xe: {  	s15 =	smul.u32 $0xCD, s8;
	s31 =	sadd.s32 $0x4000, s9;
	s13 =	sadd.s32 $0xC000, s9  }
0xf: {  	s14 =	sadd.s32 $0x10000, s9;
	s10 =	simm.s32 @!p0 $0x5;
	[dreg:$0x4] =	wrdreg s31  }
0x10: {  	s16 =	sadd.s32 $0x35200, s16;
	s10 =	sshll.u32 s29, s10;
	s15 =	sadd.s32 $0x19A0, s15  }
0x11: {  	v0 =	vimm.f32 $0.0e+00;
	s10 =	sor.u32 s12, s10;
	s12 =	sadd.s32 $0x8000, s9;
	s15 =	sshrl.u32 s15, $0xD  }
.LBB2_9:
0x12: {  	s0 =	stileid.u32;
	s23 =	sadd.s32 $0x1, s23  }
0x13: {  	[bflag:$0x0] =	sbarrier.arrive $0xFFFF;
	s0 =	sshll.u32 s0, $0x6;
	p0 =	sne.s32 s23, s17  }
.Ltmp1:
0x14: {  	s1 =	sshrl.u32 s9, $0x3;
	s0 =	sor.u32 $0x1C03, s0;
	(pc) =	sbr.rel @!p0 .LBB2_10-.Ltmp1, $4  }
0x15: {  	[hbm:s16], [sflag:s0] =	dma.local [spmem:s1], $0x2800  }
0x16: {  	_ =	swait.ge [sflag:s19], $0x2800  }
0x17: {  	[sflag:s19] =	ssyncset.done $0x0  }
0x18: {  	[sflag:s19] =	ssyncadd.s32 $0xFFFFD800  }
.LBB2_1:
0x19: {  	s24 =	simm.s32 $0x0;
	s25 =	simm.s32 $0x200  }
.LBB2_2:
0x1a: {  	p0 =	sne.s32 s25, $0xFE00;
	[tilespmem:s24+$0x2870] =	vst v0  }
0x1b: {  	[tilespmem:s24+$0x2800] =	vst v0  }
0x1c: {  	[tilespmem:s24+$0x2810] =	vst v0  }
.Ltmp2:
0x1d: {  	[tilespmem:s24+$0x2820] =	vst v0;
	(pc) =	sbr.rel @p0 .LBB2_2-.Ltmp2, $4  }
0x1e: {  	[tilespmem:s24+$0x2830] =	vst v0  }
0x1f: {  	[tilespmem:s24+$0x2840] =	vst v0  }
0x20: {  	[tilespmem:s24+$0x2850] =	vst v0  }
0x21: {  	[tilespmem:s24+$0x2860] =	vst v0;
	s24 =	sshra.s32 s25, $0x2;
	s25 =	sadd.s32 $0x200, s25  }
0x22: {  	[tilespmem:s24+$0x2870] =	vst v0  }
0x23: {  	[tilespmem:s24+$0x2800] =	vst v0  }
0x24: {  	[tilespmem:s24+$0x2810] =	vst v0  }
0x25: {  	[tilespmem:s24+$0x2820] =	vst v0  }
0x26: {  	[tilespmem:s24+$0x2830] =	vst v0  }
0x27: {  	[tilespmem:s24+$0x2840] =	vst v0  }
0x28: {  	[tilespmem:s24+$0x2850] =	vst v0  }
0x29: {  	[tilespmem:s24+$0x2860] =	vst v0  }
0x2a: {  	[spmem:s9] =	stream.linear.scatter [tilespmem:s18], [sflag:$0x3], $0x4000, $0x38;
	[tilespmem:$0x1E800] =	vst v63  }
0x2b: {  	_ =	swait.ge [sflag:s19], $0x4000  }
0x2c: {  	[sflag:s19] =	ssyncset.done $0x0  }
0x2d: {  	s0 =	rddreg [dreg:$0x4];
	[sflag:s19] =	ssyncadd.s32 $0xFFFFC000  }
0x2e: {  	[spmem:s0] =	stream.linear.scatter [tilespmem:s18], [sflag:$0x3], $0x4000, $0x38;
	[tilespmem:$0x1E800] =	vst v63  }
0x2f: {  	_ =	swait.ge [sflag:s19], $0x4000  }
0x30: {  	[sflag:s19] =	ssyncset.done $0x0  }
0x31: {  	[sflag:s19] =	ssyncadd.s32 $0xFFFFC000  }
0x32: {  	[spmem:s12] =	stream.linear.scatter [tilespmem:s18], [sflag:$0x3], $0x4000, $0x38;
	[tilespmem:$0x1E800] =	vst v63  }
0x33: {  	_ =	swait.ge [sflag:s19], $0x4000  }
0x34: {  	[sflag:s19] =	ssyncset.done $0x0  }
0x35: {  	[sflag:s19] =	ssyncadd.s32 $0xFFFFC000  }
0x36: {  	[spmem:s13] =	stream.linear.scatter [tilespmem:s18], [sflag:$0x3], $0x4000, $0x38;
	[tilespmem:$0x1E800] =	vst v63  }
0x37: {  	_ =	swait.ge [sflag:s19], $0x4000  }
0x38: {  	[sflag:s19] =	ssyncset.done $0x0  }
0x39: {  	[sflag:s19] =	ssyncadd.s32 $0xFFFFC000  }
0x3a: {  	[spmem:s14] =	stream.linear.scatter [tilespmem:s18], [sflag:$0x3], $0x4000, $0x38;
	[tilespmem:$0x1E800] =	vst v63  }
.Ltmp3:
0x3b: {  	_ =	swait.ge [sflag:s19], $0x4000;
	(pc) =	sbr.rel .LBB2_4-.Ltmp3, $4  }
0x3c: {  	[sflag:s19] =	ssyncset.done $0x0  }
0x3d: {  	[sflag:s19] =	ssyncadd.s32 $0xFFFFC000  }
0x3e: {  	[bflag:$0x0] =	sbarrier.arrive $0xFFFF  }
0x3f: {  	s24 =	simm.s32 $0x0  }
.LBB2_7:
0x40: {  	[sflag:s19] =	ssyncset.done $0x0  }
0x41: {  	[sflag:s19] =	ssyncadd.s32 $0xFFFFC000  }
.LBB2_8:
0x42: {  	s24 =	sadd.s32 $0x1, s24  }
0x43: {  	p0 =	sne.s32 s24, s15  }
.Ltmp4:
0x44: {  	_ = 	snop;
	(pc) =	sbr.rel @!p0 .LBB2_9-.Ltmp4, $1  }
0x45: {  	_ =	sdelay $0x3  }
.LBB2_4:
0x46: {  	s26 =	smul.u32 $0x28, s24;
	_ =	sdelay $0x1  }
0x47: {  	s25 =	sadd.s32 s26, s10  }
0x48: {  	s25 =	sshll.u32 s25, $0x4  }
0x49: {  	s26 =	ssub.s32 s8, s26;
	s28 =	sadd.s32 s2, s25  }
0x4a: {  	[tilespmem:s4], [sflag:$0x3] =	stream.linear.gather [hbm4b:s28+s4], $0x1400, $0x38;
	[tilespmem:$0x1E800] =	vst v63  }
0x4b: {  	p0 =	slt.s32 s26, $0x28;
	_ =	swait.ge [sflag:s19], $0x1400  }
0x4c: {  	s26 =	simm.s32 @!p0 $0x28;
	[sflag:s19] =	ssyncset.done $0x0  }
0x4d: {  	s28 =	sadd.s32 s6, s25;
	s25 =	simm.s32 $0x1400;
	[sflag:s19] =	ssyncadd.s32 $0xFFFFEC00  }
0x4e: {  	[tilespmem:s25], [sflag:$0x3] =	stream.linear.gather [hbm4b:s28+s4], $0x1400, $0x38;
	[tilespmem:$0x1E800] =	vst v63  }
0x4f: {  	s28 =	sshra.s32 s26, $0x1  }
0x50: {  	p0 =	slt.s32 s28, $0x1  }
.Ltmp5:
0x51: {  	_ = 	snop;
	(pc) =	sbr.rel @p0 .LBB2_8-.Ltmp5, $4  }
0x52: {  	_ =	swait.ge [sflag:s19], $0x1400  }
0x53: {  	[sflag:s19] =	ssyncset.done $0x0  }
0x54: {  	s29 =	simm.s32 $0x80;
	s30 =	simm.s32 $0x2;
	[sflag:s19] =	ssyncadd.s32 $0xFFFFEC00  }
0x55: {  	[tilespmem:s18], [sflag:$0x1] =	stream.indirect.gather [hbm4b:s5+s29], $0x80, s4, s29, $0xb8;
	[tilespmem:$0x1E800] =	vst v63  }
0x56: {  	_ =	swait.ge [sflag:s20], $0x4000  }
0x57: {  	[sflag:s20] =	ssyncset.done $0x0  }
0x58: {  	[sflag:s20] =	ssyncadd.s32 $0xFFFFC000  }
0x59: {  	[tilespmem:s21], [sflag:$0x2] =	stream.indirect.gather [hbm4b:s5+s7], $0x80, s29, s7, $0xb8;
	[tilespmem:$0x1E800] =	vst v63  }
0x5a: {  	_ = 	snop  }
0x5b: {  	[spmem:s3] =	stream.indirect.scatter.add.f32 [tilespmem:s18], [sflag:$0x3], $0x80, s25, s7, $0xb8;
	[tilespmem:$0x1E800] =	vst v63  }
0x5c: {  	_ =	swait.ge [sflag:s19], $0x4000  }
0x5d: {  	[sflag:s19] =	ssyncset.done $0x0  }
0x5e: {  	[sflag:s19] =	ssyncadd.s32 $0xFFFFC000  }
0x5f: {  	p0 =	sge.s32 s30, s26;
	_ =	swait.ge [sflag:s22], $0x4000  }
0x60: {  	s28 =	sadd.s32 $0xFFFFFFFF, s28;
	s31 =	sadd.s32 @!p0 $0x80, s29;
	[sflag:s22] =	ssyncset.done $0x0  }
0x61: {  	s0 =	simm.s32 @!p0 $0x80;
	s1 =	simm.s32 @!p0 $0x2800;
	[sflag:s22] =	ssyncadd.s32 $0xFFFFC000  }
0x62: {  	[tilespmem:s1], [sflag:$0x1] =	stream.indirect.gather @!p0 [hbm4b:s5+s0], $0x80, s31, s0, $0xb8;
	[tilespmem:$0x1E800] =	vst v63  }
0x63: {  	p0 =	sne.s32 s28, $0x0  }
.Ltmp6:
0x64: {  	_ = 	snop;
	(pc) =	sbr.rel @!p0 .LBB2_7-.Ltmp6, $4  }
0x65: {  	_ = 	snop  }
0x66: {  	s31 =	sadd.s32 $0x80, s25  }
0x67: {  	[spmem:s3] =	stream.indirect.scatter.add.f32 [tilespmem:s21], [sflag:$0x3], $0x80, s31, s7, $0xb8;
	[tilespmem:$0x1E800] =	vst v63  }
0x68: {  	s30 =	sadd.s32 $0x2, s30;
	s29 =	sadd.s32 $0x100, s29;
	_ =	swait.ge [sflag:s19], $0x4000  }
.LBB2_6:
0x69: {  	s28 =	sadd.s32 $0xFFFFFFFF, s28;
	[sflag:s19] =	ssyncset.done $0x0;
	s25 =	sadd.s32 $0x100, s25  }
0x6a: {  	p0 =	sne.s32 s28, $0x0;
	[sflag:s19] =	ssyncadd.s32 $0xFFFFC000  }
0x6b: {  	_ =	swait.ge [sflag:s20], $0x4000  }
0x6c: {  	[sflag:s20] =	ssyncset.done $0x0  }
0x6d: {  	[sflag:s20] =	ssyncadd.s32 $0xFFFFC000  }
0x6e: {  	[tilespmem:s21], [sflag:$0x2] =	stream.indirect.gather [hbm4b:s5+s7], $0x80, s29, s7, $0xb8;
	[tilespmem:$0x1E800] =	vst v63  }
0x6f: {  	_ = 	snop  }
0x70: {  	[spmem:s3] =	stream.indirect.scatter.add.f32 [tilespmem:s18], [sflag:$0x3], $0x80, s25, s7, $0xb8;
	[tilespmem:$0x1E800] =	vst v63  }
0x71: {  	_ =	swait.ge [sflag:s19], $0x4000  }
0x72: {  	[sflag:s19] =	ssyncset.done $0x0  }
0x73: {  	[sflag:s19] =	ssyncadd.s32 $0xFFFFC000  }
0x74: {  	_ =	swait.ge [sflag:s22], $0x4000  }
0x75: {  	p1 =	sge.s32 s30, s26;
	[sflag:s22] =	ssyncset.done $0x0  }
0x76: {  	s0 =	sadd.s32 @!p1 $0x80, s29;
	s1 =	simm.s32 @!p1 $0x80;
	[sflag:s22] =	ssyncadd.s32 $0xFFFFC000  }
.Ltmp7:
0x77: {  	s31 =	simm.s32 @!p1 $0x2800;
	s11 =	sadd.s32 $0x80, s25;
	(pc) =	sbr.rel @p0 .LBB2_6-.Ltmp7, $4  }
0x78: {  	[tilespmem:s31], [sflag:$0x1] =	stream.indirect.gather @!p1 [hbm4b:s5+s1], $0x80, s0, s1, $0xb8;
	[tilespmem:$0x1E800] =	vst v63  }
0x79: {  	_ = 	snop  }
0x7a: {  	[spmem:s3] =	stream.indirect.scatter.add.f32 [tilespmem:s21], [sflag:$0x3], $0x80, s11, s7, $0xb8;
	[tilespmem:$0x1E800] =	vst v63  }
0x7b: {  	s30 =	sadd.s32 $0x2, s30;
	s29 =	sadd.s32 $0x100, s29;
	_ =	swait.ge [sflag:s19], $0x4000  }
.Ltmp8:
0x7c: {  	_ = 	snop;
	(pc) =	sbr.rel .LBB2_7-.Ltmp8, $1  }
0x7d: {  	_ =	sdelay $0x3  }
.LBB2_10:
0x7e: {  	_ =	sfence.sel $0x180000  }
0x7f: {  	[bflag:$0x0] =	sbarrier.arrive $0xFFFF  }
0x80: {  	_ =	strace $0x9000004D  }
0x81: {  	s0 =	stileid.u32;
	[bflag:$0x2] =	sbarrier.arrive $0xFFFF  }
0x82: {  	p0 =	sne.s32 s0, $0x0;
	s0 =	rddreg [dreg:$0x3]  }
0x83: {  	s0 =	sadd.s32 @!p0 $0x100000, s0  }
0x84: {  	[sflag:s0] =	ssyncadd.tile.s32 @!p0 $0x1;
	_ =	shalt  }
.Lfunc_end2:
_tile_overlayer_lowered:
.L_overlay_start_2:
0x85: {  	(tag) =	ssettag $0x2  }
0x86: {  	s0 =	rddreg [dreg:$0x0];
	s2 =	stileid.u32  }
0x87: {  	s1 =	rddreg [dreg:$0x1];
	p0 =	sne.s32 s2, $0x0  }
0x88: {  	s3 =	rddreg [dreg:$0x2];
	[bflag:$0x3] =	sbarrier.arrive $0xFFFF;
	s2 =	simm.s32 @!p0 $0x1C03  }
0x89: {  	[timem:s3], [sflag:s2] =	dma.local @!p0 [hbm:s0], s1  }
0x8a: {  	s0 =	simm.s32 @!p0 $0x3  }
0x8b: {  	_ =	swait.ge @!p0 [sflag:s0], s1  }
0x8c: {  	s1 =	ssub.s32 @!p0 $0x0, s1;
	[sflag:s0] =	ssyncset.done @!p0 $0x0  }
0x8d: {  	[sflag:s0] =	ssyncadd.s32 @!p0 s1  }
0x8e: {  	[bflag:$0x3] =	sbarrier.arrive $0xFFFF  }
0x8f: {  	_ =	shalt  }

// kernel: kernel.20.cloned.1.call-start
scs
__scs_entry_jumppad:
0x0: {  	(pc) =	sbr.rel $0x88, $3  }
0x1: {  	(tag) =	ssettag $0x0;
	lr =	simm.s32 $0x1  }
0x2: {  	[smem:$0x3F9A] =	sst lr;
	_ =	strace $0xD0000000  }
0x3: {  	_ = 	snop  }
0x4: {  	_ = 	snop  }
0x5: {  	_ = 	snop  }
0x6: {  	_ = 	snop  }
0x7: {  	_ = 	snop  }
__scs_overlays_trampoline_lowered:
0x8: {  	[smem:$0x3FA9] =	sst s0  }
0x9: {  	[smem:$0x3FAA] =	sst s1  }
0xa: {  	[smem:$0x3FAB] =	sst s2  }
0xb: {  	[smem:$0x3FAC] =	sst s3  }
0xc: {  	[smem:$0x3FAD] =	sst s4  }
0xd: {  	[smem:$0x3FAE] =	sst s5  }
0xe: {  	[smem:$0x3FAF] =	sst s6  }
0xf: {  	[smem:$0x3FB0] =	sst s7  }
0x10: {  	[smem:$0x3FB1] =	sst s8  }
0x11: {  	[smem:$0x3FB2] =	sst s9;
	s0 =	simm.s32 @!p0 $0x0  }
0x12: {  	s1 =	sld [smem:$0x3F98];
	s0 =	simm.s32 @p0 $0x1  }
0x13: {  	[smem:$0x3FB3] =	sst s0;
	s0 =	simm.s32 @!p1 $0x0  }
0x14: {  	s2 =	sld [smem:$0x3F97];
	s0 =	simm.s32 @p1 $0x1  }
0x15: {  	[smem:$0x3FB4] =	sst s0;
	s0 =	simm.s32 @!p2 $0x0  }
0x16: {  	s3 =	sld [smem:$0x3FDB];
	s0 =	simm.s32 @p2 $0x1  }
0x17: {  	s4 =	simm.s32 $0x1BF5;
	[smem:$0x3FB6] =	sst s0  }
0x18: {  	s0 =	sld [smem:$0x3F99];
	_ =	swait.ge [sflag:s4], $0x0  }
0x19: {  	s7 =	sld [smem:$0x3F9A]  }
0x1a: {  	s8 =	sadd.s32 $0xFFFFE003, lr  }
0x1b: {  	s9 =	sadd.s32 $0xFFFFFEF7, lr;
	s5 =	simm.s32 $0xFFFFFFFF;
	p2 =	slt.u32 s8, $0xFFFFF086  }
0x1c: {  	p1 =	slt.u32 s9, $0xF7A;
	s5 =	simm.s32 @!p2 $0x0  }
0x1d: {  	s5 =	simm.s32 @p1 $0x1;
	p0 =	seq.s32 s7, s2  }
0x1e: {  	s7 =	smul.u32 @!p0 $0xF7A, s2;
	p2 =	seq.s32 @!p0 s5, $0x0  }
0x1f: {  	s9 =	smul.u32 $0xF7A, s1;
	s8 =	simm.s32 @!p0 $0x1BF5;
	p2 =	por !p2, p0  }
0x20: {  	[sflag:s8] =	ssyncset.s32 @!p0 $0xFFFFF086;
	s6 =	sadd.s32 @!p0 s3, s7;
	s7 =	simm.s32 @!p0 $0x108  }
0x21: {  	s3 =	sadd.s32 s3, s9;
	s6 =	sadd.s32 @!p0 $0x88, s6;
	s7 =	simm.s32 @p2 $0x1082  }
0x22: {  	[simem:s7], [sflag:s8] =	dma.local @!p0 [hbm:s6], $0xF7A  }
0x23: {  	s9 =	sor.u32 $0xD0000000, s2;
	s6 =	simm.s32 $0x108;
	_ =	swait.ge @!p0 [sflag:s8], $0x0  }
0x24: {  	s3 =	sadd.s32 $0x88, s3;
	s6 =	simm.s32 @!p1 $0x1082;
	[sflag:s4] =	ssyncset.s32 $0xFFFFF086  }
0x25: {  	[simem:s6], [sflag:s4] =	dma.local [hbm:s3], $0xF7A  }
0x26: {  	[smem:$0x3F9A] =	sst s1;
	(tag) =	ssettag s2;
	_ =	strace s9  }
0x27: {  	s1 =	sld [smem:$0x3FAA]  }
0x28: {  	s2 =	sld [smem:$0x3FAB]  }
0x29: {  	s4 =	sld [smem:$0x3FAD]  }
0x2a: {  	p0 =	seq.s32 s5, $0x0;
	s5 =	sld [smem:$0x3FAE]  }
0x2b: {  	s6 =	sld [smem:$0x3FAF]  }
0x2c: {  	s7 =	sld [smem:$0x3FB0]  }
0x2d: {  	s3 =	simm.s32 $0x108;
	s8 =	sld [smem:$0x3FB1]  }
0x2e: {  	s3 =	simm.s32 @!p0 $0x1082;
	s9 =	sld [smem:$0x3FB2]  }
0x2f: {  	lr =	sadd.s32 s0, s3;
	s0 =	sld [smem:$0x3FA9]  }
0x30: {  	s3 =	sld [smem:$0x3FAC]  }
0x31: {  	[smem:$0x3FB5] =	sst s10  }
0x32: {  	s10 =	sld [smem:$0x3FB3];
	_ =	sdelay $0x3  }
0x33: {  	p0 =	seq.s32 s10, $0x1;
	s10 =	sld [smem:$0x3FB5];
	_ =	sdelay $0x3  }
0x34: {  	[smem:$0x3FB5] =	sst s10  }
0x35: {  	s10 =	sld [smem:$0x3FB4];
	_ =	sdelay $0x3  }
0x36: {  	p1 =	seq.s32 s10, $0x1;
	s10 =	sld [smem:$0x3FB5];
	_ =	sdelay $0x3  }
0x37: {  	[smem:$0x3FB5] =	sst s10  }
0x38: {  	s10 =	sld [smem:$0x3FB6]  }
0x39: {  	_ = 	snop;
	(pc) =	sbr.ind lr, $3  }
0x3a: {  	_ = 	snop  }
0x3b: {  	_ = 	snop  }
0x3c: {  	p2 =	seq.s32 s10, $0x1;
	s10 =	sld [smem:$0x3FB5]  }
0x3d: {  	_ =	shalt  }
0x3e: {  	_ =	shalt  }
0x3f: {  	_ =	shalt  }
0x40: {  	_ =	shalt  }
0x41: {  	_ =	shalt  }
0x42: {  	_ =	shalt  }
0x43: {  	_ =	shalt  }
0x44: {  	_ =	shalt  }
0x45: {  	_ =	shalt  }
0x46: {  	_ =	shalt  }
0x47: {  	_ =	shalt  }
0x48: {  	_ =	shalt  }
0x49: {  	_ =	shalt  }
0x4a: {  	_ =	shalt  }
0x4b: {  	_ =	shalt  }
0x4c: {  	_ =	shalt  }
0x4d: {  	_ =	shalt  }
0x4e: {  	_ =	shalt  }
0x4f: {  	_ =	shalt  }
0x50: {  	_ =	shalt  }
0x51: {  	_ =	shalt  }
0x52: {  	_ =	shalt  }
0x53: {  	_ =	shalt  }
0x54: {  	_ =	shalt  }
0x55: {  	_ =	shalt  }
0x56: {  	_ =	shalt  }
0x57: {  	_ =	shalt  }
0x58: {  	_ =	shalt  }
0x59: {  	_ =	shalt  }
0x5a: {  	_ =	shalt  }
0x5b: {  	_ =	shalt  }
0x5c: {  	_ =	shalt  }
0x5d: {  	_ =	shalt  }
0x5e: {  	_ =	shalt  }
0x5f: {  	_ =	shalt  }
0x60: {  	_ =	shalt  }
0x61: {  	_ =	shalt  }
0x62: {  	_ =	shalt  }
0x63: {  	_ =	shalt  }
0x64: {  	_ =	shalt  }
0x65: {  	_ =	shalt  }
0x66: {  	_ =	shalt  }
0x67: {  	_ =	shalt  }
0x68: {  	_ =	shalt  }
0x69: {  	_ =	shalt  }
0x6a: {  	_ =	shalt  }
0x6b: {  	_ =	shalt  }
0x6c: {  	_ =	shalt  }
0x6d: {  	_ =	shalt  }
0x6e: {  	_ =	shalt  }
0x6f: {  	_ =	shalt  }
0x70: {  	_ =	shalt  }
0x71: {  	_ =	shalt  }
0x72: {  	_ =	shalt  }
0x73: {  	_ =	shalt  }
0x74: {  	_ =	shalt  }
0x75: {  	_ =	shalt  }
0x76: {  	_ =	shalt  }
0x77: {  	_ =	shalt  }
0x78: {  	_ =	shalt  }
0x79: {  	_ =	shalt  }
0x7a: {  	_ =	shalt  }
0x7b: {  	_ =	shalt  }
0x7c: {  	_ =	shalt  }
0x7d: {  	_ =	shalt  }
0x7e: {  	_ =	shalt  }
0x7f: {  	_ =	shalt  }
0x80: {  	_ =	shalt  }
0x81: {  	_ =	shalt  }
0x82: {  	_ =	shalt  }
0x83: {  	_ =	shalt  }
0x84: {  	_ =	shalt  }
0x85: {  	_ =	shalt  }
0x86: {  	_ =	shalt  }
0x87: {  	_ =	shalt  }
.Lfunc_end0:
.L_simem_size_0:
called_computation.3_lowered:
.L_overlay_start_0:
0x88: {  	s2 =	sld [smem:$0x3FD9]  }
0x89: {  	s3 =	sld [smem:$0x3FFE];
	_ =	sdelay $0x1  }
0x8a: {  	s1 =	srdreg.scid  }
0x8b: {  	s0 =	sand.u32 $0x1, s1  }
0x8c: {  	s14 =	sshll.u32 s0, $0xA;
	s2 =	sadd.s32 s3, s2  }
0x8d: {  	s2 =	sadd.s32 s2, s14  }
0x8e: {  	[smem:$0x3FC1] =	sst s2  }
0x8f: {  	_ = 	snop  }
0x90: {  	s2 =	sld [smem:$0x3FD0];
	_ =	sdelay $0x2  }
0x91: {  	s15 =	simm.s32 $0xA;
	s4 =	simm.s32 $0x10  }
0x92: {  	[smem:s4], [sflag:s15] =	dma.local [hbm:s2], $0x1  }
0x93: {  	_ =	swait.eq [sflag:s15], $0x1  }
0x94: {  	[sflag:s15] =	ssyncset.done $0x0  }
0x95: {  	[sflag:s15] =	ssyncadd.s32 $0xFFFFFFFF  }
0x96: {  	s16 =	sld [smem:$0x11];
	(tm) =	ssettm $0x1  }
0x97: {  	s17 =	sld [smem:$0x3FFB];
	_ =	sdelay $0x3  }
0x98: {  	_ =	strace s17  }
0x99: {  	s3 =	sld [smem:$0x3FFC];
	_ =	sdelay $0x3  }
0x9a: {  	_ =	strace s3  }
0x9b: {  	s3 =	sld [smem:$0x3FFD];
	_ =	sdelay $0x3  }
0x9c: {  	_ =	strace s3  }
0x9d: {  	_ =	strace $0x8FFFFFFF  }
0x9e: {  	s18 =	sld [smem:$0x3FDB];
	_ =	sdelay $0x1  }
0x9f: {  	s19 =	simm.s32 $_scs_section_size  }
0xa0: {  	s5 =	simm.s32 $_size__tile_overlayer_lowered;
	s6 =	simm.s32 $_tile_overlayer_lowered  }
0xa1: {  	s22 =	simm.s32 $0x1BFF;
	s21 =	sshll.u32 s6, $0x1;
	s3 =	sadd.s32 s19, s18  }
0xa2: {  	s7 =	simm.s32 $0x0;
	s20 =	sshll.u32 s5, $0x1;
	s5 =	sadd.s32 s21, s3  }
0xa3: {  	[timem:s7], [sflag:s22] =	dma.local [hbm:s5], s20  }
0xa4: {  	_ =	swait.ge [sflag:s22], s20  }
0xa5: {  	s4 =	ssub.s32 $0x0, s20;
	[sflag:s22] =	ssyncset.done $0x0  }
0xa6: {  	[sflag:s22] =	ssyncadd.s32 s4;
	_ =	sdelay $0x1  }
0xa7: {  	s23 =	simm.s32 $0x1B8B  }
0xa8: {  	_ =	swait.ge [sflag:s23], $0x1  }
0xa9: {  	[sflag:s23] =	ssyncset.done $0x0  }
0xaa: {  	s25 =	simm.s32 $0x1B8E;
	s24 =	sld [smem:$0x3FFE];
	[sflag:s23] =	ssyncadd.s32 $0xFFFFFFFF  }
0xab: {  	s26 =	simm.s32 $execute0_lowered;
	[smem:$0x3FD2] =	sst s25  }
0xac: {  	s5 =	sshll.u32 s26, $0x1;
	_ =	strace $0x8000004F;
	[dreg:$0x1] =	wrdreg $0xFFFFFFFF  }
0xad: {  	s28 =	simm.s32 $_size_execute0_lowered;
	s3 =	sadd.s32 s3, s5;
	[dreg:$0x0] =	wrdreg $0x0  }
0xae: {  	s5 =	sshll.u32 s28, $0x1;
	[dreg:$0x2] =	wrdreg s3  }
0xaf: {  	[dreg:$0x3] =	wrdreg s5  }
0xb0: {  	[dreg:$0x4] =	wrdreg $0xC0  }
0xb1: {  	_ =	task [dreg:s7], $0x5FFFF  }
0xb2: {  	[dreg:$0x1] =	wrdreg $0xFFFFFFFF  }
0xb3: {  	[dreg:$0x0] =	wrdreg $0x60  }
0xb4: {  	[dreg:$0x2] =	wrdreg s24  }
0xb5: {  	[dreg:$0x3] =	wrdreg s16  }
0xb6: {  	[dreg:$0x4] =	wrdreg $0xA8000  }
0xb7: {  	[dreg:$0x5] =	wrdreg $0x9  }
0xb8: {  	_ =	task.clear_ibuf [dreg:s7], $0x6FFFF;
	_ =	strace $0x9000004F  }
0xb9: {  	s29 =	simm.s32 $0x9;
	_ =	strace $0x80000051  }
0xba: {  	_ =	swait.ge [sflag:s29], $0x1  }
0xbb: {  	[sflag:s29] =	ssyncadd.s32 $0xFFFFFFFF  }
0xbc: {  	_ =	strace $0x90000051  }
0xbd: {  	_ =	sfence  }
0xbe: {  	s30 =	sld [smem:$0x0];
	_ =	sdelay $0x2  }
0xbf: {  	s31 =	sshll.u32 s1, $0xD;
	s1 =	sshrl.u32 s1, $0x2  }
0xc0: {  	s3 =	sand.u32 $0x4000, s31;
	s1 =	sadd.s32 s1, s30  }
0xc1: {  	s0 =	sor.u32 s3, s0;
	s1 =	sshll.u32 s1, $0x11  }
0xc2: {  	s0 =	sor.u32 s1, s0  }
0xc3: {  	s0 =	sadd.s32 $0x8F2B, s0  }
0xc4: {  	[sflag:s0] =	ssyncadd.remote.s32 $0x1  }
0xc5: {  	_ =	sfence.sel $0xFFFF  }
0xc6: {  	[dreg:$0x0] =	wrdreg $0xFFFFFFFF;
	(pc) =	sbr.abs _section_cstart, $3  }
0xc7: {  	[dreg:$0x1] =	wrdreg $0xFFFFFFFF  }
0xc8: {  	_ =	task.clear_ibuf [dreg:s7], $0x2FFFF;
	_ =	strace $0x9FFFFFFF  }
0xc9: {  	(tm) =	ssettm $0x7FFFFFFF  }
tec
execute0_lowered:
.L_overlay_start_1:
0x0: {  	(tag) =	ssettag $0x1  }
0x1: {  	s7 =	rddreg [dreg:$0x0]  }
0x2: {  	s2 =	rddreg [dreg:$0x1];
	s0 =	srdreg.scid  }
0x3: {  	s3 =	rddreg [dreg:$0x2];
	s29 =	stileid.u32;
	s4 =	simm.s32 $0x0  }
0x4: {  	s18 =	simm.s32 $0x2800;
	s19 =	simm.s32 $0x3;
	s20 =	simm.s32 $0x1  }
0x5: {  	s21 =	simm.s32 $0x6800;
	s22 =	simm.s32 $0x2;
	s6 =	smul.u32 $0x14000, s29  }
0x6: {  	s9 =	sand.u32 $0x1, s0;
	[smem:$0x7FF] =	sst s4;
	s30 =	smul.u32 $0x50000, s29  }
0x7: {  	s23 =	simm.s32 $0x0;
	s5 =	smul.u32 $0x140000, s9;
	_ =	strace $0x80000050  }
0x8: {  	s8 =	ssub.s32 $0x2, s9;
	p0 =	seq.s32 s9, $0x0;
	s12 =	sshll.u32 s9, $0xB  }
0x9: {  	s11 =	sshrl.u32 s8, $0x1;
	s6 =	sadd.s32 s6, s5;
	s5 =	sadd.s32 $0xD200, s7  }
0xa: {  	s17 =	ssub.s32 s8, s11;
	s8 =	simm.s32 $0x80;
	s11 =	sshrl.u32 s30, $0x2  }
0xb: {  	s10 =	sshrl.u32 s6, $0x3;
	s6 =	sadd.s32 $0x2E00, s7;
	s8 =	simm.s32 @!p0 $0x20  }
0xc: {  	s9 =	sadd.s32 s11, s3;
	s17 =	smax.u32 s17, $0x1;
	s16 =	sadd.s32 s10, s7  }
.Ltmp0:
0xd: {  	s10 =	simm.s32 $0x7;
	s7 =	simm.s32 $0x80;
	(pc) =	sbr.rel .LBB2_1-.Ltmp0, $4  }
0xe: {  	s15 =	smul.u32 $0xCD, s8;
	s31 =	sadd.s32 $0x4000, s9;
	s13 =	sadd.s32 $0xC000, s9  }
0xf: {  	s14 =	sadd.s32 $0x10000, s9;
	s10 =	simm.s32 @!p0 $0x5;
	[dreg:$0x4] =	wrdreg s31  }
0x10: {  	s16 =	sadd.s32 $0x35200, s16;
	s10 =	sshll.u32 s29, s10;
	s15 =	sadd.s32 $0x19A0, s15  }
0x11: {  	v0 =	vimm.f32 $0.0e+00;
	s10 =	sor.u32 s12, s10;
	s12 =	sadd.s32 $0x8000, s9;
	s15 =	sshrl.u32 s15, $0xD  }
.LBB2_9:
0x12: {  	s0 =	stileid.u32;
	s23 =	sadd.s32 $0x1, s23  }
0x13: {  	[bflag:$0x0] =	sbarrier.arrive $0xFFFF;
	s0 =	sshll.u32 s0, $0x6;
	p0 =	sne.s32 s23, s17  }
.Ltmp1:
0x14: {  	s1 =	sshrl.u32 s9, $0x3;
	s0 =	sor.u32 $0x1C03, s0;
	(pc) =	sbr.rel @!p0 .LBB2_10-.Ltmp1, $4  }
0x15: {  	[hbm:s16], [sflag:s0] =	dma.local [spmem:s1], $0x2800  }
0x16: {  	_ =	swait.ge [sflag:s19], $0x2800  }
0x17: {  	[sflag:s19] =	ssyncset.done $0x0  }
0x18: {  	[sflag:s19] =	ssyncadd.s32 $0xFFFFD800  }
.LBB2_1:
0x19: {  	s24 =	simm.s32 $0x0;
	s25 =	simm.s32 $0x200  }
.LBB2_2:
0x1a: {  	p0 =	sne.s32 s25, $0xFE00;
	[tilespmem:s24+$0x2870] =	vst v0  }
0x1b: {  	[tilespmem:s24+$0x2800] =	vst v0  }
0x1c: {  	[tilespmem:s24+$0x2810] =	vst v0  }
.Ltmp2:
0x1d: {  	[tilespmem:s24+$0x2820] =	vst v0;
	(pc) =	sbr.rel @p0 .LBB2_2-.Ltmp2, $4  }
0x1e: {  	[tilespmem:s24+$0x2830] =	vst v0  }
0x1f: {  	[tilespmem:s24+$0x2840] =	vst v0  }
0x20: {  	[tilespmem:s24+$0x2850] =	vst v0  }
0x21: {  	[tilespmem:s24+$0x2860] =	vst v0;
	s24 =	sshra.s32 s25, $0x2;
	s25 =	sadd.s32 $0x200, s25  }
0x22: {  	[tilespmem:s24+$0x2870] =	vst v0  }
0x23: {  	[tilespmem:s24+$0x2800] =	vst v0  }
0x24: {  	[tilespmem:s24+$0x2810] =	vst v0  }
0x25: {  	[tilespmem:s24+$0x2820] =	vst v0  }
0x26: {  	[tilespmem:s24+$0x2830] =	vst v0  }
0x27: {  	[tilespmem:s24+$0x2840] =	vst v0  }
0x28: {  	[tilespmem:s24+$0x2850] =	vst v0  }
0x29: {  	[tilespmem:s24+$0x2860] =	vst v0  }
0x2a: {  	[spmem:s9] =	stream.linear.scatter [tilespmem:s18], [sflag:$0x3], $0x4000, $0x38;
	[tilespmem:$0x1E800] =	vst v63  }
0x2b: {  	_ =	swait.ge [sflag:s19], $0x4000  }
0x2c: {  	[sflag:s19] =	ssyncset.done $0x0  }
0x2d: {  	s0 =	rddreg [dreg:$0x4];
	[sflag:s19] =	ssyncadd.s32 $0xFFFFC000  }
0x2e: {  	[spmem:s0] =	stream.linear.scatter [tilespmem:s18], [sflag:$0x3], $0x4000, $0x38;
	[tilespmem:$0x1E800] =	vst v63  }
0x2f: {  	_ =	swait.ge [sflag:s19], $0x4000  }
0x30: {  	[sflag:s19] =	ssyncset.done $0x0  }
0x31: {  	[sflag:s19] =	ssyncadd.s32 $0xFFFFC000  }
0x32: {  	[spmem:s12] =	stream.linear.scatter [tilespmem:s18], [sflag:$0x3], $0x4000, $0x38;
	[tilespmem:$0x1E800] =	vst v63  }
0x33: {  	_ =	swait.ge [sflag:s19], $0x4000  }
0x34: {  	[sflag:s19] =	ssyncset.done $0x0  }
0x35: {  	[sflag:s19] =	ssyncadd.s32 $0xFFFFC000  }
0x36: {  	[spmem:s13] =	stream.linear.scatter [tilespmem:s18], [sflag:$0x3], $0x4000, $0x38;
	[tilespmem:$0x1E800] =	vst v63  }
0x37: {  	_ =	swait.ge [sflag:s19], $0x4000  }
0x38: {  	[sflag:s19] =	ssyncset.done $0x0  }
0x39: {  	[sflag:s19] =	ssyncadd.s32 $0xFFFFC000  }
0x3a: {  	[spmem:s14] =	stream.linear.scatter [tilespmem:s18], [sflag:$0x3], $0x4000, $0x38;
	[tilespmem:$0x1E800] =	vst v63  }
.Ltmp3:
0x3b: {  	_ =	swait.ge [sflag:s19], $0x4000;
	(pc) =	sbr.rel .LBB2_4-.Ltmp3, $4  }
0x3c: {  	[sflag:s19] =	ssyncset.done $0x0  }
0x3d: {  	[sflag:s19] =	ssyncadd.s32 $0xFFFFC000  }
0x3e: {  	[bflag:$0x0] =	sbarrier.arrive $0xFFFF  }
0x3f: {  	s24 =	simm.s32 $0x0  }
.LBB2_7:
0x40: {  	[sflag:s19] =	ssyncset.done $0x0  }
0x41: {  	[sflag:s19] =	ssyncadd.s32 $0xFFFFC000  }
.LBB2_8:
0x42: {  	s24 =	sadd.s32 $0x1, s24  }
0x43: {  	p0 =	sne.s32 s24, s15  }
.Ltmp4:
0x44: {  	_ = 	snop;
	(pc) =	sbr.rel @!p0 .LBB2_9-.Ltmp4, $1  }
0x45: {  	_ =	sdelay $0x3  }
.LBB2_4:
0x46: {  	s26 =	smul.u32 $0x28, s24;
	_ =	sdelay $0x1  }
0x47: {  	s25 =	sadd.s32 s26, s10  }
0x48: {  	s25 =	sshll.u32 s25, $0x4  }
0x49: {  	s26 =	ssub.s32 s8, s26;
	s28 =	sadd.s32 s2, s25  }
0x4a: {  	[tilespmem:s4], [sflag:$0x3] =	stream.linear.gather [hbm4b:s28+s4], $0x1400, $0x38;
	[tilespmem:$0x1E800] =	vst v63  }
0x4b: {  	p0 =	slt.s32 s26, $0x28;
	_ =	swait.ge [sflag:s19], $0x1400  }
0x4c: {  	s26 =	simm.s32 @!p0 $0x28;
	[sflag:s19] =	ssyncset.done $0x0  }
0x4d: {  	s28 =	sadd.s32 s6, s25;
	s25 =	simm.s32 $0x1400;
	[sflag:s19] =	ssyncadd.s32 $0xFFFFEC00  }
0x4e: {  	[tilespmem:s25], [sflag:$0x3] =	stream.linear.gather [hbm4b:s28+s4], $0x1400, $0x38;
	[tilespmem:$0x1E800] =	vst v63  }
0x4f: {  	s28 =	sshra.s32 s26, $0x1  }
0x50: {  	p0 =	slt.s32 s28, $0x1  }
.Ltmp5:
0x51: {  	_ = 	snop;
	(pc) =	sbr.rel @p0 .LBB2_8-.Ltmp5, $4  }
0x52: {  	_ =	swait.ge [sflag:s19], $0x1400  }
0x53: {  	[sflag:s19] =	ssyncset.done $0x0  }
0x54: {  	s29 =	simm.s32 $0x80;
	s30 =	simm.s32 $0x2;
	[sflag:s19] =	ssyncadd.s32 $0xFFFFEC00  }
0x55: {  	[tilespmem:s18], [sflag:$0x1] =	stream.indirect.gather [hbm4b:s5+s29], $0x80, s4, s29, $0xb8;
	[tilespmem:$0x1E800] =	vst v63  }
0x56: {  	_ =	swait.ge [sflag:s20], $0x4000  }
0x57: {  	[sflag:s20] =	ssyncset.done $0x0  }
0x58: {  	[sflag:s20] =	ssyncadd.s32 $0xFFFFC000  }
0x59: {  	[tilespmem:s21], [sflag:$0x2] =	stream.indirect.gather [hbm4b:s5+s7], $0x80, s29, s7, $0xb8;
	[tilespmem:$0x1E800] =	vst v63  }
0x5a: {  	_ = 	snop  }
0x5b: {  	[spmem:s3] =	stream.indirect.scatter.add.f32 [tilespmem:s18], [sflag:$0x3], $0x80, s25, s7, $0xb8;
	[tilespmem:$0x1E800] =	vst v63  }
0x5c: {  	_ =	swait.ge [sflag:s19], $0x4000  }
0x5d: {  	[sflag:s19] =	ssyncset.done $0x0  }
0x5e: {  	[sflag:s19] =	ssyncadd.s32 $0xFFFFC000  }
0x5f: {  	p0 =	sge.s32 s30, s26;
	_ =	swait.ge [sflag:s22], $0x4000  }
0x60: {  	s28 =	sadd.s32 $0xFFFFFFFF, s28;
	s31 =	sadd.s32 @!p0 $0x80, s29;
	[sflag:s22] =	ssyncset.done $0x0  }
0x61: {  	s0 =	simm.s32 @!p0 $0x80;
	s1 =	simm.s32 @!p0 $0x2800;
	[sflag:s22] =	ssyncadd.s32 $0xFFFFC000  }
0x62: {  	[tilespmem:s1], [sflag:$0x1] =	stream.indirect.gather @!p0 [hbm4b:s5+s0], $0x80, s31, s0, $0xb8;
	[tilespmem:$0x1E800] =	vst v63  }
0x63: {  	p0 =	sne.s32 s28, $0x0  }
.Ltmp6:
0x64: {  	_ = 	snop;
	(pc) =	sbr.rel @!p0 .LBB2_7-.Ltmp6, $4  }
0x65: {  	_ = 	snop  }
0x66: {  	s31 =	sadd.s32 $0x80, s25  }
0x67: {  	[spmem:s3] =	stream.indirect.scatter.add.f32 [tilespmem:s21], [sflag:$0x3], $0x80, s31, s7, $0xb8;
	[tilespmem:$0x1E800] =	vst v63  }
0x68: {  	s30 =	sadd.s32 $0x2, s30;
	s29 =	sadd.s32 $0x100, s29;
	_ =	swait.ge [sflag:s19], $0x4000  }
.LBB2_6:
0x69: {  	s28 =	sadd.s32 $0xFFFFFFFF, s28;
	[sflag:s19] =	ssyncset.done $0x0;
	s25 =	sadd.s32 $0x100, s25  }
0x6a: {  	p0 =	sne.s32 s28, $0x0;
	[sflag:s19] =	ssyncadd.s32 $0xFFFFC000  }
0x6b: {  	_ =	swait.ge [sflag:s20], $0x4000  }
0x6c: {  	[sflag:s20] =	ssyncset.done $0x0  }
0x6d: {  	[sflag:s20] =	ssyncadd.s32 $0xFFFFC000  }
0x6e: {  	[tilespmem:s21], [sflag:$0x2] =	stream.indirect.gather [hbm4b:s5+s7], $0x80, s29, s7, $0xb8;
	[tilespmem:$0x1E800] =	vst v63  }
0x6f: {  	_ = 	snop  }
0x70: {  	[spmem:s3] =	stream.indirect.scatter.add.f32 [tilespmem:s18], [sflag:$0x3], $0x80, s25, s7, $0xb8;
	[tilespmem:$0x1E800] =	vst v63  }
0x71: {  	_ =	swait.ge [sflag:s19], $0x4000  }
0x72: {  	[sflag:s19] =	ssyncset.done $0x0  }
0x73: {  	[sflag:s19] =	ssyncadd.s32 $0xFFFFC000  }
0x74: {  	_ =	swait.ge [sflag:s22], $0x4000  }
0x75: {  	p1 =	sge.s32 s30, s26;
	[sflag:s22] =	ssyncset.done $0x0  }
0x76: {  	s0 =	sadd.s32 @!p1 $0x80, s29;
	s1 =	simm.s32 @!p1 $0x80;
	[sflag:s22] =	ssyncadd.s32 $0xFFFFC000  }
.Ltmp7:
0x77: {  	s31 =	simm.s32 @!p1 $0x2800;
	s11 =	sadd.s32 $0x80, s25;
	(pc) =	sbr.rel @p0 .LBB2_6-.Ltmp7, $4  }
0x78: {  	[tilespmem:s31], [sflag:$0x1] =	stream.indirect.gather @!p1 [hbm4b:s5+s1], $0x80, s0, s1, $0xb8;
	[tilespmem:$0x1E800] =	vst v63  }
0x79: {  	_ = 	snop  }
0x7a: {  	[spmem:s3] =	stream.indirect.scatter.add.f32 [tilespmem:s21], [sflag:$0x3], $0x80, s11, s7, $0xb8;
	[tilespmem:$0x1E800] =	vst v63  }
0x7b: {  	s30 =	sadd.s32 $0x2, s30;
	s29 =	sadd.s32 $0x100, s29;
	_ =	swait.ge [sflag:s19], $0x4000  }
.Ltmp8:
0x7c: {  	_ = 	snop;
	(pc) =	sbr.rel .LBB2_7-.Ltmp8, $1  }
0x7d: {  	_ =	sdelay $0x3  }
.LBB2_10:
0x7e: {  	_ =	sfence.sel $0x180000  }
0x7f: {  	[bflag:$0x0] =	sbarrier.arrive $0xFFFF  }
0x80: {  	_ =	strace $0x90000050  }
0x81: {  	s0 =	stileid.u32;
	[bflag:$0x2] =	sbarrier.arrive $0xFFFF  }
0x82: {  	p0 =	sne.s32 s0, $0x0;
	s0 =	rddreg [dreg:$0x3]  }
0x83: {  	s0 =	sadd.s32 @!p0 $0x100000, s0  }
0x84: {  	[sflag:s0] =	ssyncadd.tile.s32 @!p0 $0x1;
	_ =	shalt  }
.Lfunc_end2:
_tile_overlayer_lowered:
.L_overlay_start_2:
0x85: {  	(tag) =	ssettag $0x2  }
0x86: {  	s0 =	rddreg [dreg:$0x0];
	s2 =	stileid.u32  }
0x87: {  	s1 =	rddreg [dreg:$0x1];
	p0 =	sne.s32 s2, $0x0  }
0x88: {  	s3 =	rddreg [dreg:$0x2];
	[bflag:$0x3] =	sbarrier.arrive $0xFFFF;
	s2 =	simm.s32 @!p0 $0x1C03  }
0x89: {  	[timem:s3], [sflag:s2] =	dma.local @!p0 [hbm:s0], s1  }
0x8a: {  	s0 =	simm.s32 @!p0 $0x3  }
0x8b: {  	_ =	swait.ge @!p0 [sflag:s0], s1  }
0x8c: {  	s1 =	ssub.s32 @!p0 $0x0, s1;
	[sflag:s0] =	ssyncset.done @!p0 $0x0  }
0x8d: {  	[sflag:s0] =	ssyncadd.s32 @!p0 s1  }
0x8e: {  	[bflag:$0x3] =	sbarrier.arrive $0xFFFF  }
0x8f: {  	_ =	shalt  }

</sc_bundles>
